<compile_context>
chip_gen: v7x
topology: tpu7x:2x2x1
jax: 0.10.2.dev20260603
libtpu: 0.0.44.dev20260713+nightly
codegen_flags: <defaults>
</compile_context>

<pallas_src>
import functools

import jax
import jax.numpy as jnp
from jax import lax
from jax.experimental import pallas as pl
from jax.experimental.pallas import tpu as pltpu
from jax.experimental.pallas import tpu_sc as plsc

_N = 10000
_E = 320000
_NC = 2
_NS = 16
_CH = 128
_EPAD = 327680
_SUP = 20
_AGG_ROWS = _N + 128
_BN_EPS = 1e-5


def _staged_rows(s, rows0, copy_chunk):

  @pl.when(s < _NS - 1)
  def _():
    def body(k, carry):
      copy_chunk(s * 640 + k * _CH, _CH, rows0)
      return carry

    lax.fori_loop(0, 5, body, 0)

  @pl.when(s == _NS - 1)
  def _():
    def body(k, carry):
      copy_chunk(9600 + k * _CH, _CH, rows0)
      return carry

    lax.fori_loop(0, 3, body, 0)
    copy_chunk(9984, 16, rows0)


def _edge_loop(tbl_hbm, agg, idx_hbm, c, s, idx0, idx1, rows0, rows1,
               sem0, sem1, semi0, semi1, nchunk):
  nsuper = nchunk // _SUP
  blk = 2 * _SUP

  def idx_start(sb, buf, sem):
    pltpu.async_copy(idx_hbm.at[c, s, pl.ds(sb * blk, blk)], buf, sem)

  def idx_wait(buf, sem):
    pltpu.make_async_copy(idx_hbm.at[c, s, pl.ds(0, blk)], buf, sem).wait()

  def run_super(idxb):
    pltpu.async_copy(tbl_hbm.at[idxb.at[0]], rows0, sem0)

    def pair(k, carry):
      j = 2 * k
      pltpu.async_copy(tbl_hbm.at[idxb.at[2 * j + 2]], rows1, sem1)
      pltpu.make_async_copy(tbl_hbm.at[idxb.at[0]], rows0, sem0).wait()
      pltpu.sync_copy(rows0, agg.at[idxb.at[2 * j + 1]], add=True)

      @pl.when(j + 2 < _SUP)
      def _():
        pltpu.async_copy(tbl_hbm.at[idxb.at[2 * j + 4]], rows0, sem0)

      pltpu.make_async_copy(tbl_hbm.at[idxb.at[0]], rows1, sem1).wait()
      pltpu.sync_copy(rows1, agg.at[idxb.at[2 * j + 3]], add=True)
      return carry

    lax.fori_loop(0, _SUP // 2, pair, 0)

  idx_start(0, idx0, semi0)

  def super_pair(i, carry):
    sb = 2 * i
    idx_wait(idx0, semi0)
    idx_start(sb + 1, idx1, semi1)
    run_super(idx0)
    idx_wait(idx1, semi1)

    @pl.when(sb + 2 < nsuper)
    def _():
      idx_start(sb + 2, idx0, semi0)

    run_super(idx1)
    return carry

  lax.fori_loop(0, nsuper // 2, super_pair, 0)


def _sc_scratch(nblk):
  return dict(
      agg=pltpu.VMEM_SHARED((_AGG_ROWS, 128), jnp.float32),
      idx0=pltpu.VMEM((nblk, _CH), jnp.int32),
      idx1=pltpu.VMEM((nblk, _CH), jnp.int32),
      rows0=pltpu.VMEM((_CH, 128), jnp.float32),
      rows1=pltpu.VMEM((_CH, 128), jnp.float32),
      sem0=pltpu.SemaphoreType.DMA,
      sem1=pltpu.SemaphoreType.DMA,
      semi0=pltpu.SemaphoreType.DMA,
      semi1=pltpu.SemaphoreType.DMA,
  )


def _sc_aggregate_colsplit(tbl2d, idx):
  nchunk = _EPAD // (_NS * _CH)
  mesh = plsc.VectorSubcoreMesh(core_axis_name="c", subcore_axis_name="s")

  @functools.partial(
      pl.kernel,
      out_type=jax.ShapeDtypeStruct((_NC, _N, 128), jnp.float32),
      mesh=mesh,
      scratch_types=_sc_scratch(2 * _SUP),
  )
  def body(tbl2d_hbm, idx_hbm, out_hbm,
           agg, idx0, idx1, rows0, rows1, sem0, sem1, semi0, semi1):
    c = lax.axis_index("c")
    s = lax.axis_index("s")

    def init_chunk(off, sz, buf):
      base = pl.multiple_of(c * _N + off, 8)
      pltpu.sync_copy(tbl2d_hbm.at[pl.ds(base, sz)], buf.at[pl.ds(0, sz)])
      pltpu.sync_copy(buf.at[pl.ds(0, sz)], agg.at[pl.ds(off, sz)])

    _staged_rows(s, rows0, init_chunk)
    plsc.subcore_barrier()
    _edge_loop(tbl2d_hbm, agg, idx_hbm, c, s, idx0, idx1, rows0, rows1,
               sem0, sem1, semi0, semi1, nchunk)
    plsc.subcore_barrier()

    def out_chunk(off, sz, buf):
      pltpu.sync_copy(agg.at[pl.ds(off, sz)], buf.at[pl.ds(0, sz)])
      pltpu.sync_copy(buf.at[pl.ds(0, sz)], out_hbm.at[c, pl.ds(off, sz)])

    _staged_rows(s, rows0, out_chunk)

  return body(tbl2d, idx)


def _sc_aggregate_edgesplit(tbl, zer, idx):
  nchunk = _EPAD // (_NC * _NS * _CH)
  mesh = plsc.VectorSubcoreMesh(core_axis_name="c", subcore_axis_name="s")

  @functools.partial(
      pl.kernel,
      out_type=jax.ShapeDtypeStruct((_NC, _N, 128), jnp.float32),
      mesh=mesh,
      scratch_types=_sc_scratch(2 * _SUP),
  )
  def body(tbl_hbm, zer_hbm, idx_hbm, out_hbm,
           agg, idx0, idx1, rows0, rows1, sem0, sem1, semi0, semi1):
    c = lax.axis_index("c")
    s = lax.axis_index("s")

    @pl.when(c == 0)
    def _():
      def init_chunk(off, sz, buf):
        pltpu.sync_copy(tbl_hbm.at[pl.ds(off, sz)], buf.at[pl.ds(0, sz)])
        pltpu.sync_copy(buf.at[pl.ds(0, sz)], agg.at[pl.ds(off, sz)])

      _staged_rows(s, rows0, init_chunk)

    @pl.when(c == 1)
    def _():
      def init_chunk(off, sz, buf):
        pltpu.sync_copy(zer_hbm.at[pl.ds(off, sz)], buf.at[pl.ds(0, sz)])
        pltpu.sync_copy(buf.at[pl.ds(0, sz)], agg.at[pl.ds(off, sz)])

      _staged_rows(s, rows0, init_chunk)

    plsc.subcore_barrier()
    _edge_loop(tbl_hbm, agg, idx_hbm, c, s, idx0, idx1, rows0, rows1,
               sem0, sem1, semi0, semi1, nchunk)
    plsc.subcore_barrier()

    def out_chunk(off, sz, buf):
      pltpu.sync_copy(agg.at[pl.ds(off, sz)], buf.at[pl.ds(0, sz)])
      pltpu.sync_copy(buf.at[pl.ds(0, sz)], out_hbm.at[c, pl.ds(off, sz)])

    _staged_rows(s, rows0, out_chunk)

  return body(tbl, zer, idx)


def _mlp_finish(y, sc_ref, be_ref, out_ref, rs_ref):
  y = jnp.maximum(y, 0.0)
  y = y * sc_ref[...] + be_ref[...]
  out_ref[0] = y[:, :128]
  out_ref[1] = y[:, 128:]
  rs_ref[...] = jnp.sum(y, axis=1, keepdims=True)


def _mlp_sum_body(hpa_ref, w1_ref, b1_ref, w2_ref, b2_ref, sc_ref, be_ref,
                  out_ref, rs_ref):
  h = hpa_ref[0] + hpa_ref[1]
  y = jnp.dot(h, w1_ref[...], preferred_element_type=jnp.float32) + b1_ref[...]
  y = jnp.maximum(y, 0.0)
  y = jnp.dot(y, w2_ref[...], preferred_element_type=jnp.float32) + b2_ref[...]
  _mlp_finish(y, sc_ref, be_ref, out_ref, rs_ref)


def _mlp_halves_body(hpa_ref, w1_ref, b1_ref, w2_ref, b2_ref, sc_ref, be_ref,
                     out_ref, rs_ref):
  w1 = w1_ref[...]
  y = (jnp.dot(hpa_ref[0], w1[:128], preferred_element_type=jnp.float32)
       + jnp.dot(hpa_ref[1], w1[128:], preferred_element_type=jnp.float32)
       + b1_ref[...])
  y = jnp.maximum(y, 0.0)
  y = jnp.dot(y, w2_ref[...], preferred_element_type=jnp.float32) + b2_ref[...]
  _mlp_finish(y, sc_ref, be_ref, out_ref, rs_ref)


def _tc_mlp(hpa, w1, b1, w2, b2, scale, be, sum_planes):
  blk = 400
  grid = _N // blk
  d = w1.shape[0]
  hid = w2.shape[1]
  full = lambda i: (0, 0)
  body = _mlp_sum_body if sum_planes else _mlp_halves_body
  out, rs = pl.pallas_call(
      body,
      grid=(grid,),
      in_specs=[
          pl.BlockSpec((_NC, blk, 128), lambda i: (0, i, 0)),
          pl.BlockSpec((d, hid), full),
          pl.BlockSpec((1, hid), full),
          pl.BlockSpec((hid, hid), full),
          pl.BlockSpec((1, hid), full),
          pl.BlockSpec((1, hid), full),
          pl.BlockSpec((1, hid), full),
      ],
      out_specs=[
          pl.BlockSpec((_NC, blk, 128), lambda i: (0, i, 0)),
          pl.BlockSpec((blk, 1), lambda i: (i, 0)),
      ],
      out_shape=[
          jax.ShapeDtypeStruct((_NC, _N, 128), jnp.float32),
          jax.ShapeDtypeStruct((_N, 1), jnp.float32),
      ],
  )(hpa, w1, b1.reshape(1, hid), w2, b2.reshape(1, hid),
    scale.reshape(1, hid), be.reshape(1, hid))
  return out, rs[:, 0]


def kernel(x, edge_index, graph_len, W1_0, b1_0, W2_0, b2_0, g_0, be_0,
           W1_1, b1_1, W2_1, b2_1, g_1, be_1, W1_2, b1_2, W2_2, b2_2,
           g_2, be_2):
  del graph_len
  src = edge_index[0]
  dst = edge_index[1]
  npad = _EPAD - _E
  pad_iota = jnp.arange(npad, dtype=jnp.int32)
  src_p = jnp.concatenate([src, (pad_iota * 521) % _N])
  dst_p = jnp.concatenate([dst, _N + pad_iota % 128])
  nch_cs = _EPAD // (_NS * _CH)
  s_cs = src_p.reshape(_NS, nch_cs, _CH)
  d_cs = dst_p.reshape(_NS, nch_cs, _CH)
  idx_cs = jnp.stack([
      jnp.stack([s_cs, d_cs], axis=2).reshape(_NS, 2 * nch_cs, _CH),
      jnp.stack([s_cs + _N, d_cs], axis=2).reshape(_NS, 2 * nch_cs, _CH),
  ])
  nch_es = _EPAD // (_NC * _NS * _CH)
  s_es = src_p.reshape(_NC, _NS, nch_es, _CH)
  d_es = dst_p.reshape(_NC, _NS, nch_es, _CH)
  idx_es = jnp.stack([s_es, d_es], axis=3).reshape(_NC, _NS, 2 * nch_es, _CH)

  inv = 1.0 / jnp.sqrt(jnp.float32(1.0 + _BN_EPS))
  params = [
      (W1_0, b1_0, W2_0, b2_0, g_0 * inv, be_0),
      (W1_1, b1_1, W2_1, b2_1, g_1 * inv, be_1),
      (W1_2, b1_2, W2_2, b2_2, g_2 * inv, be_2),
  ]

  zer = jnp.zeros((_N, 128), jnp.float32)
  hs, pools = [], []
  h = None
  for li, (w1, b1, w2, b2, scale, be) in enumerate(params):
    if li == 0:
      hpa = _sc_aggregate_edgesplit(x, zer, idx_es)
      h, rs = _tc_mlp(hpa, w1, b1, w2, b2, scale, be, sum_planes=True)
    else:
      hpa = _sc_aggregate_colsplit(h.reshape(2 * _N, 128), idx_cs)
      h, rs = _tc_mlp(hpa, w1, b1, w2, b2, scale, be, sum_planes=False)
    hs.append(h)
    pools.append(rs)
  xcat = jnp.concatenate([hl[c] for hl in hs for c in range(_NC)], axis=-1)
  return jnp.concatenate(pools, axis=-1), xcat

# --- scband reference (transcript-rebuilt; emitter-appended) ---
"""Pipeline reference for scband-supervised-teacher-gin-20452634263974 (READ-ONLY COPY).

The authoritative reference and input builder live on the scoring server;
editing this copy changes nothing except your own understanding.
"""

import jax, jax.numpy as jnp
import numpy as np

N = 10000
E = 320000
D_IN = 128
HID = 256
L = 3
BN_EPS = 1e-5


def _linear_init(key, fan_in, fan_out):
    b = 1.0 / np.sqrt(fan_in)
    return jax.random.uniform(key, (fan_in, fan_out), minval=-b, maxval=b, dtype=jnp.float32)


def setup_inputs(seed: int = 0) -> dict:
    key = jax.random.key(seed)
    ks = jax.random.split(key, 2 + 4 * L)
    inp = {}
    inp["x"] = jax.random.normal(ks[0], (N, D_IN), dtype=jnp.float32)
    inp["edge_index"] = jax.random.randint(ks[1], (2, E), 0, N, dtype=jnp.int32)
    inp["graph_len"] = jnp.ones((1,), dtype=jnp.int32)
    for i in range(L):
        fin = D_IN if i == 0 else HID
        inp[f"W1_{i}"] = _linear_init(ks[2 + 4 * i], fin, HID)
        inp[f"b1_{i}"] = jnp.zeros((HID,), dtype=jnp.float32)
        inp[f"W2_{i}"] = _linear_init(ks[3 + 4 * i], HID, HID)
        inp[f"b2_{i}"] = jnp.zeros((HID,), dtype=jnp.float32)
        inp[f"g_{i}"] = jnp.ones((HID,), dtype=jnp.float32)
        inp[f"be_{i}"] = jnp.zeros((HID,), dtype=jnp.float32)
    return inp


def _forward(x, edge_index, params):
    src = edge_index[0]
    dst = edge_index[1]
    h = x
    xs = []
    for (W1, b1, W2, b2, g, be) in params:
        # DGL GINConv(aggregator_type='sum', init_eps=0, learn_eps=False):
        # h_out = apply_func((1+eps)*h + sum_{u in N(v)} h_u), eps=0
        agg = jnp.zeros((h.shape[0], h.shape[1]), dtype=h.dtype).at[dst].add(h[src])
        h2 = h + agg
        h2 = jnp.maximum(h2 @ W1 + b1, 0.0) @ W2 + b2  # apply_func: Linear-ReLU-Linear
        h2 = jnp.maximum(h2, 0.0)  # F.relu(conv(...))
        # BatchNorm1d in eval mode: running_mean=0, running_var=1
        h2 = g * (h2 / jnp.sqrt(1.0 + BN_EPS)) + be
        # dropout p=0 (eval): identity
        xs.append(h2)
        h = h2
    # graphtask=False: graph_embedding = x of shape [N, HID]; sum over dim=1 -> [N]
    xpool = [jnp.sum(t, axis=1) for t in xs]
    return jnp.concatenate(xpool, axis=-1), jnp.concatenate(xs, axis=-1)


def reference(x, edge_index, graph_len, W1_0, b1_0, W2_0, b2_0, g_0, be_0, W1_1, b1_1, W2_1, b2_1, g_1, be_1, W1_2, b1_2, W2_2, b2_2, g_2, be_2):
    params = [
        (W1_0, b1_0, W2_0, b2_0, g_0, be_0),
        (W1_1, b1_1, W2_1, b2_1, g_1, be_1),
        (W1_2, b1_2, W2_2, b2_2, g_2, be_2),
    ]
    return _forward(x, edge_index, params)

if __name__ == "__main__":
    import jax
    _d = setup_inputs()
    print(jax.jit(kernel)(*tuple(_d.values())))

</pallas_src>

<mosaic_0001>
#map = affine_map<(d0, d1) -> (0, 0)>
#map1 = affine_map<(d0, d1) -> (0, 0, 0, 0)>
#map2 = affine_map<(d0, d1) -> (0, 0, 0)>
module attributes {stable_mosaic.version = 14 : i64} {
  func.func @body(%arg0: i32, %arg1: i32, %arg2: memref<20000x128xf32, #tpu.memory_space<hbm>>, %arg3: memref<2x16x320x128xi32, #tpu.memory_space<hbm>>, %arg4: memref<2x10000x128xf32, #tpu.memory_space<hbm>>, %arg5: memref<10128x128xf32, #tpu.memory_space<vmem_shared>>, %arg6: memref<40x128xi32, #tpu.memory_space<vmem>>, %arg7: memref<40x128xi32, #tpu.memory_space<vmem>>, %arg8: memref<128x128xf32, #tpu.memory_space<vmem>>, %arg9: memref<128x128xf32, #tpu.memory_space<vmem>>, %arg10: memref<!tpu.dma_semaphore, #tpu.memory_space<semaphore_mem>>, %arg11: memref<!tpu.dma_semaphore, #tpu.memory_space<semaphore_mem>>, %arg12: memref<!tpu.dma_semaphore, #tpu.memory_space<semaphore_mem>>, %arg13: memref<!tpu.dma_semaphore, #tpu.memory_space<semaphore_mem>>) attributes {dimension_semantics = [#tpu.dimension_semantics<core_parallel>, #tpu.dimension_semantics<subcore_parallel>], iteration_bounds = array<i64: 2, 16>, scalar_prefetch = 0 : i64, scratch_operands = 9 : i64, tpu.core_type = #tpu.core_type<sc_vector_subcore>, window_params = [{transform_indices = #map}, {transform_indices = #map1}, {transform_indices = #map2}]} {
    %lt3A = arith.constant 15 : i32
    %lt3A_0 = arith.cmpi slt, %arg1, %lt3A : i32
    %convert_element_type3A = arith.extui %lt3A_0 : i1 to i32
    %cond3A = arith.constant 0 : i32
    %cond3A_1 = arith.cmpi ne, %convert_element_type3A, %cond3A : i32
    scf.if %cond3A_1 {
      %scan3A_29 = arith.constant 0 : i32
      %scan3A_30 = arith.constant 0 : i32
      %scan3A_31 = arith.constant 5 : i32
      %scan3A_32 = arith.addi %scan3A_30, %scan3A_31 : i32
      %scan3A_33 = arith.constant 1 : i32
      scf.for %scan3A_35 = %scan3A_30 to %scan3A_32 step %scan3A_33  : i32 {
        %mul3A = arith.constant 640 : i32
        %mul3A_36 = arith.muli %arg1, %mul3A : i32
        %mul3A_37 = arith.constant 128 : i32
        %mul3A_38 = arith.muli %scan3A_35, %mul3A_37 : i32
        %add3A = arith.addi %mul3A_36, %mul3A_38 : i32
        %mul3A_39 = arith.constant 10000 : i32
        %mul3A_40 = arith.muli %arg0, %mul3A_39 : i32
        %add3A_41 = arith.addi %mul3A_40, %add3A : i32
        %multiple_of3A = tpu.assume_multiple %add3A_41, 8 : i32
        "tpu.region"() ({
          %run_scoped3A = tpu.sem_alloc : memref<!tpu.dma_semaphore, #tpu.memory_space<semaphore_mem>>
          %dma_start3A_42 = arith.constant 0 : i32
          %dma_start3A_43 = arith.constant 0 : i32
          %dma_start3A_44 = tpu.memref_slice %arg8[%dma_start3A_42, %dma_start3A_43] : memref<128x128xf32, #tpu.memory_space<vmem>> -> memref<128x128xf32, #tpu.memory_space<vmem>>
          %dma_start3A_45 = arith.constant 0 : i32
          %dma_start3A_46 = tpu.memref_slice %arg2[%multiple_of3A, %dma_start3A_45] : memref<20000x128xf32, #tpu.memory_space<hbm>> -> memref<128x128xf32, #tpu.memory_space<hbm>>
          %dma_start3A_47 = arith.constant 0 : i32
          %dma_start3A_48 = arith.constant 0 : i32
          %dma_start3A_49 = tpu.memref_slice %arg8[%dma_start3A_47, %dma_start3A_48] : memref<128x128xf32, #tpu.memory_space<vmem>> -> memref<128x128xf32, #tpu.memory_space<vmem>>
          %dma_start3A_50 = arith.constant 0 : i32
          %dma_start3A_51 = tpu.memref_slice %arg2[%multiple_of3A, %dma_start3A_50] : memref<20000x128xf32, #tpu.memory_space<hbm>> -> memref<128x128xf32, #tpu.memory_space<hbm>>
          tpu.enqueue_dma source(%dma_start3A_51 : memref<128x128xf32, #tpu.memory_space<hbm>>) target(%dma_start3A_49 : memref<128x128xf32, #tpu.memory_space<vmem>>) target_semaphore(%run_scoped3A : memref<!tpu.dma_semaphore, #tpu.memory_space<semaphore_mem>>)
          %dma_wait3A = arith.constant 0 : i32
          %dma_wait3A_52 = arith.constant 0 : i32
          %dma_wait3A_53 = tpu.memref_slice %arg8[%dma_wait3A, %dma_wait3A_52] : memref<128x128xf32, #tpu.memory_space<vmem>> -> memref<128x128xf32, #tpu.memory_space<vmem>>
          %dma_wait3A_54 = arith.constant 0 : i32
          %dma_wait3A_55 = tpu.memref_slice %arg2[%multiple_of3A, %dma_wait3A_54] : memref<20000x128xf32, #tpu.memory_space<hbm>> -> memref<128x128xf32, #tpu.memory_space<hbm>>
          %dma_wait3A_56 = arith.constant 0 : i32
          %dma_wait3A_57 = arith.constant 0 : i32
          %dma_wait3A_58 = tpu.memref_slice %arg8[%dma_wait3A_56, %dma_wait3A_57] : memref<128x128xf32, #tpu.memory_space<vmem>> -> memref<128x128xf32, #tpu.memory_space<vmem>>
          %dma_wait3A_59 = arith.constant 0 : i32
          %dma_wait3A_60 = tpu.memref_slice %arg2[%multiple_of3A, %dma_wait3A_59] : memref<20000x128xf32, #tpu.memory_space<hbm>> -> memref<128x128xf32, #tpu.memory_space<hbm>>
          tpu.wait_dma2 semaphore(%run_scoped3A : memref<!tpu.dma_semaphore, #tpu.memory_space<semaphore_mem>>) src(%dma_wait3A_60 : memref<128x128xf32, #tpu.memory_space<hbm>>) dst(%dma_wait3A_58 : memref<128x128xf32, #tpu.memory_space<vmem>>)
          tpu.yield
        }) : () -> ()
        "tpu.region"() ({
          %run_scoped3A = tpu.sem_alloc : memref<!tpu.dma_semaphore, #tpu.memory_space<semaphore_mem>>
          %dma_start3A_42 = arith.constant 0 : i32
          %dma_start3A_43 = arith.constant 0 : i32
          %dma_start3A_44 = tpu.memref_slice %arg8[%dma_start3A_42, %dma_start3A_43] : memref<128x128xf32, #tpu.memory_space<vmem>> -> memref<128x128xf32, #tpu.memory_space<vmem>>
          %dma_start3A_45 = arith.constant 0 : i32
          %dma_start3A_46 = tpu.memref_slice %arg5[%add3A, %dma_start3A_45] : memref<10128x128xf32, #tpu.memory_space<vmem_shared>> -> memref<128x128xf32, #tpu.memory_space<vmem_shared>>
          %dma_start3A_47 = arith.constant 0 : i32
          %dma_start3A_48 = tpu.memref_slice %arg5[%add3A, %dma_start3A_47] : memref<10128x128xf32, #tpu.memory_space<vmem_shared>> -> memref<128x128xf32, #tpu.memory_space<vmem_shared>>
          %dma_start3A_49 = arith.constant 0 : i32
          %dma_start3A_50 = arith.constant 0 : i32
          %dma_start3A_51 = tpu.memref_slice %arg8[%dma_start3A_49, %dma_start3A_50] : memref<128x128xf32, #tpu.memory_space<vmem>> -> memref<128x128xf32, #tpu.memory_space<vmem>>
          tpu.enqueue_dma source(%dma_start3A_51 : memref<128x128xf32, #tpu.memory_space<vmem>>) target(%dma_start3A_48 : memref<128x128xf32, #tpu.memory_space<vmem_shared>>) target_semaphore(%run_scoped3A : memref<!tpu.dma_semaphore, #tpu.memory_space<semaphore_mem>>)
          %dma_wait3A = arith.constant 0 : i32
          %dma_wait3A_52 = arith.constant 0 : i32
          %dma_wait3A_53 = tpu.memref_slice %arg8[%dma_wait3A, %dma_wait3A_52] : memref<128x128xf32, #tpu.memory_space<vmem>> -> memref<128x128xf32, #tpu.memory_space<vmem>>
          %dma_wait3A_54 = arith.constant 0 : i32
          %dma_wait3A_55 = tpu.memref_slice %arg5[%add3A, %dma_wait3A_54] : memref<10128x128xf32, #tpu.memory_space<vmem_shared>> -> memref<128x128xf32, #tpu.memory_space<vmem_shared>>
          %dma_wait3A_56 = arith.constant 0 : i32
          %dma_wait3A_57 = tpu.memref_slice %arg5[%add3A, %dma_wait3A_56] : memref<10128x128xf32, #tpu.memory_space<vmem_shared>> -> memref<128x128xf32, #tpu.memory_space<vmem_shared>>
          %dma_wait3A_58 = arith.constant 0 : i32
          %dma_wait3A_59 = arith.constant 0 : i32
          %dma_wait3A_60 = tpu.memref_slice %arg8[%dma_wait3A_58, %dma_wait3A_59] : memref<128x128xf32, #tpu.memory_space<vmem>> -> memref<128x128xf32, #tpu.memory_space<vmem>>
          tpu.wait_dma2 semaphore(%run_scoped3A : memref<!tpu.dma_semaphore, #tpu.memory_space<semaphore_mem>>) src(%dma_wait3A_60 : memref<128x128xf32, #tpu.memory_space<vmem>>) dst(%dma_wait3A_57 : memref<128x128xf32, #tpu.memory_space<vmem_shared>>)
          tpu.yield
        }) : () -> ()
      }
      %scan3A_34 = arith.constant 5 : i32
    } else {
    }
    %eq3A = arith.constant 15 : i32
    %eq3A_2 = arith.cmpi eq, %arg1, %eq3A : i32
    %convert_element_type3A_3 = arith.extui %eq3A_2 : i1 to i32
    %cond3A_4 = arith.constant 0 : i32
    %cond3A_5 = arith.cmpi ne, %convert_element_type3A_3, %cond3A_4 : i32
    scf.if %cond3A_5 {
      %scan3A_29 = arith.constant 0 : i32
      %scan3A_30 = arith.constant 0 : i32
      %scan3A_31 = arith.constant 3 : i32
      %scan3A_32 = arith.addi %scan3A_30, %scan3A_31 : i32
      %scan3A_33 = arith.constant 1 : i32
      scf.for %scan3A_37 = %scan3A_30 to %scan3A_32 step %scan3A_33  : i32 {
        %mul3A_38 = arith.constant 128 : i32
        %mul3A_39 = arith.muli %scan3A_37, %mul3A_38 : i32
        %add3A_40 = arith.constant 9600 : i32
        %add3A_41 = arith.addi %add3A_40, %mul3A_39 : i32
        %mul3A_42 = arith.constant 10000 : i32
        %mul3A_43 = arith.muli %arg0, %mul3A_42 : i32
        %add3A_44 = arith.addi %mul3A_43, %add3A_41 : i32
        %multiple_of3A_45 = tpu.assume_multiple %add3A_44, 8 : i32
        "tpu.region"() ({
          %run_scoped3A = tpu.sem_alloc : memref<!tpu.dma_semaphore, #tpu.memory_space<semaphore_mem>>
          %dma_start3A_46 = arith.constant 0 : i32
          %dma_start3A_47 = arith.constant 0 : i32
          %dma_start3A_48 = tpu.memref_slice %arg8[%dma_start3A_46, %dma_start3A_47] : memref<128x128xf32, #tpu.memory_space<vmem>> -> memref<128x128xf32, #tpu.memory_space<vmem>>
          %dma_start3A_49 = arith.constant 0 : i32
          %dma_start3A_50 = tpu.memref_slice %arg2[%multiple_of3A_45, %dma_start3A_49] : memref<20000x128xf32, #tpu.memory_space<hbm>> -> memref<128x128xf32, #tpu.memory_space<hbm>>
          %dma_start3A_51 = arith.constant 0 : i32
          %dma_start3A_52 = arith.constant 0 : i32
          %dma_start3A_53 = tpu.memref_slice %arg8[%dma_start3A_51, %dma_start3A_52] : memref<128x128xf32, #tpu.memory_space<vmem>> -> memref<128x128xf32, #tpu.memory_space<vmem>>
          %dma_start3A_54 = arith.constant 0 : i32
          %dma_start3A_55 = tpu.memref_slice %arg2[%multiple_of3A_45, %dma_start3A_54] : memref<20000x128xf32, #tpu.memory_space<hbm>> -> memref<128x128xf32, #tpu.memory_space<hbm>>
          tpu.enqueue_dma source(%dma_start3A_55 : memref<128x128xf32, #tpu.memory_space<hbm>>) target(%dma_start3A_53 : memref<128x128xf32, #tpu.memory_space<vmem>>) target_semaphore(%run_scoped3A : memref<!tpu.dma_semaphore, #tpu.memory_space<semaphore_mem>>)
          %dma_wait3A = arith.constant 0 : i32
          %dma_wait3A_56 = arith.constant 0 : i32
          %dma_wait3A_57 = tpu.memref_slice %arg8[%dma_wait3A, %dma_wait3A_56] : memref<128x128xf32, #tpu.memory_space<vmem>> -> memref<128x128xf32, #tpu.memory_space<vmem>>
          %dma_wait3A_58 = arith.constant 0 : i32
          %dma_wait3A_59 = tpu.memref_slice %arg2[%multiple_of3A_45, %dma_wait3A_58] : memref<20000x128xf32, #tpu.memory_space<hbm>> -> memref<128x128xf32, #tpu.memory_space<hbm>>
          %dma_wait3A_60 = arith.constant 0 : i32
          %dma_wait3A_61 = arith.constant 0 : i32
          %dma_wait3A_62 = tpu.memref_slice %arg8[%dma_wait3A_60, %dma_wait3A_61] : memref<128x128xf32, #tpu.memory_space<vmem>> -> memref<128x128xf32, #tpu.memory_space<vmem>>
          %dma_wait3A_63 = arith.constant 0 : i32
          %dma_wait3A_64 = tpu.memref_slice %arg2[%multiple_of3A_45, %dma_wait3A_63] : memref<20000x128xf32, #tpu.memory_space<hbm>> -> memref<128x128xf32, #tpu.memory_space<hbm>>
          tpu.wait_dma2 semaphore(%run_scoped3A : memref<!tpu.dma_semaphore, #tpu.memory_space<semaphore_mem>>) src(%dma_wait3A_64 : memref<128x128xf32, #tpu.memory_space<hbm>>) dst(%dma_wait3A_62 : memref<128x128xf32, #tpu.memory_space<vmem>>)
          tpu.yield
        }) : () -> ()
        "tpu.region"() ({
          %run_scoped3A = tpu.sem_alloc : memref<!tpu.dma_semaphore, #tpu.memory_space<semaphore_mem>>
          %dma_start3A_46 = arith.constant 0 : i32
          %dma_start3A_47 = arith.constant 0 : i32
          %dma_start3A_48 = tpu.memref_slice %arg8[%dma_start3A_46, %dma_start3A_47] : memref<128x128xf32, #tpu.memory_space<vmem>> -> memref<128x128xf32, #tpu.memory_space<vmem>>
          %dma_start3A_49 = arith.constant 0 : i32
          %dma_start3A_50 = tpu.memref_slice %arg5[%add3A_41, %dma_start3A_49] : memref<10128x128xf32, #tpu.memory_space<vmem_shared>> -> memref<128x128xf32, #tpu.memory_space<vmem_shared>>
          %dma_start3A_51 = arith.constant 0 : i32
          %dma_start3A_52 = tpu.memref_slice %arg5[%add3A_41, %dma_start3A_51] : memref<10128x128xf32, #tpu.memory_space<vmem_shared>> -> memref<128x128xf32, #tpu.memory_space<vmem_shared>>
          %dma_start3A_53 = arith.constant 0 : i32
          %dma_start3A_54 = arith.constant 0 : i32
          %dma_start3A_55 = tpu.memref_slice %arg8[%dma_start3A_53, %dma_start3A_54] : memref<128x128xf32, #tpu.memory_space<vmem>> -> memref<128x128xf32, #tpu.memory_space<vmem>>
          tpu.enqueue_dma source(%dma_start3A_55 : memref<128x128xf32, #tpu.memory_space<vmem>>) target(%dma_start3A_52 : memref<128x128xf32, #tpu.memory_space<vmem_shared>>) target_semaphore(%run_scoped3A : memref<!tpu.dma_semaphore, #tpu.memory_space<semaphore_mem>>)
          %dma_wait3A = arith.constant 0 : i32
          %dma_wait3A_56 = arith.constant 0 : i32
          %dma_wait3A_57 = tpu.memref_slice %arg8[%dma_wait3A, %dma_wait3A_56] : memref<128x128xf32, #tpu.memory_space<vmem>> -> memref<128x128xf32, #tpu.memory_space<vmem>>
          %dma_wait3A_58 = arith.constant 0 : i32
          %dma_wait3A_59 = tpu.memref_slice %arg5[%add3A_41, %dma_wait3A_58] : memref<10128x128xf32, #tpu.memory_space<vmem_shared>> -> memref<128x128xf32, #tpu.memory_space<vmem_shared>>
          %dma_wait3A_60 = arith.constant 0 : i32
          %dma_wait3A_61 = tpu.memref_slice %arg5[%add3A_41, %dma_wait3A_60] : memref<10128x128xf32, #tpu.memory_space<vmem_shared>> -> memref<128x128xf32, #tpu.memory_space<vmem_shared>>
          %dma_wait3A_62 = arith.constant 0 : i32
          %dma_wait3A_63 = arith.constant 0 : i32
          %dma_wait3A_64 = tpu.memref_slice %arg8[%dma_wait3A_62, %dma_wait3A_63] : memref<128x128xf32, #tpu.memory_space<vmem>> -> memref<128x128xf32, #tpu.memory_space<vmem>>
          tpu.wait_dma2 semaphore(%run_scoped3A : memref<!tpu.dma_semaphore, #tpu.memory_space<semaphore_mem>>) src(%dma_wait3A_64 : memref<128x128xf32, #tpu.memory_space<vmem>>) dst(%dma_wait3A_61 : memref<128x128xf32, #tpu.memory_space<vmem_shared>>)
          tpu.yield
        }) : () -> ()
      }
      %scan3A_34 = arith.constant 3 : i32
      %mul3A = arith.constant 10000 : i32
      %mul3A_35 = arith.muli %arg0, %mul3A : i32
      %add3A = arith.constant 9984 : i32
      %add3A_36 = arith.addi %mul3A_35, %add3A : i32
      %multiple_of3A = tpu.assume_multiple %add3A_36, 8 : i32
      "tpu.region"() ({
        %run_scoped3A = tpu.sem_alloc : memref<!tpu.dma_semaphore, #tpu.memory_space<semaphore_mem>>
        %dma_start3A_37 = arith.constant 0 : i32
        %dma_start3A_38 = arith.constant 0 : i32
        %dma_start3A_39 = tpu.memref_slice %arg8[%dma_start3A_37, %dma_start3A_38] : memref<128x128xf32, #tpu.memory_space<vmem>> -> memref<16x128xf32, #tpu.memory_space<vmem>>
        %dma_start3A_40 = arith.constant 0 : i32
        %dma_start3A_41 = tpu.memref_slice %arg2[%multiple_of3A, %dma_start3A_40] : memref<20000x128xf32, #tpu.memory_space<hbm>> -> memref<16x128xf32, #tpu.memory_space<hbm>>
        %dma_start3A_42 = arith.constant 0 : i32
        %dma_start3A_43 = arith.constant 0 : i32
        %dma_start3A_44 = tpu.memref_slice %arg8[%dma_start3A_42, %dma_start3A_43] : memref<128x128xf32, #tpu.memory_space<vmem>> -> memref<16x128xf32, #tpu.memory_space<vmem>>
        %dma_start3A_45 = arith.constant 0 : i32
        %dma_start3A_46 = tpu.memref_slice %arg2[%multiple_of3A, %dma_start3A_45] : memref<20000x128xf32, #tpu.memory_space<hbm>> -> memref<16x128xf32, #tpu.memory_space<hbm>>
        tpu.enqueue_dma source(%dma_start3A_46 : memref<16x128xf32, #tpu.memory_space<hbm>>) target(%dma_start3A_44 : memref<16x128xf32, #tpu.memory_space<vmem>>) target_semaphore(%run_scoped3A : memref<!tpu.dma_semaphore, #tpu.memory_space<semaphore_mem>>)
        %dma_wait3A = arith.constant 0 : i32
        %dma_wait3A_47 = arith.constant 0 : i32
        %dma_wait3A_48 = tpu.memref_slice %arg8[%dma_wait3A, %dma_wait3A_47] : memref<128x128xf32, #tpu.memory_space<vmem>> -> memref<16x128xf32, #tpu.memory_space<vmem>>
        %dma_wait3A_49 = arith.constant 0 : i32
        %dma_wait3A_50 = tpu.memref_slice %arg2[%multiple_of3A, %dma_wait3A_49] : memref<20000x128xf32, #tpu.memory_space<hbm>> -> memref<16x128xf32, #tpu.memory_space<hbm>>
        %dma_wait3A_51 = arith.constant 0 : i32
        %dma_wait3A_52 = arith.constant 0 : i32
        %dma_wait3A_53 = tpu.memref_slice %arg8[%dma_wait3A_51, %dma_wait3A_52] : memref<128x128xf32, #tpu.memory_space<vmem>> -> memref<16x128xf32, #tpu.memory_space<vmem>>
        %dma_wait3A_54 = arith.constant 0 : i32
        %dma_wait3A_55 = tpu.memref_slice %arg2[%multiple_of3A, %dma_wait3A_54] : memref<20000x128xf32, #tpu.memory_space<hbm>> -> memref<16x128xf32, #tpu.memory_space<hbm>>
        tpu.wait_dma2 semaphore(%run_scoped3A : memref<!tpu.dma_semaphore, #tpu.memory_space<semaphore_mem>>) src(%dma_wait3A_55 : memref<16x128xf32, #tpu.memory_space<hbm>>) dst(%dma_wait3A_53 : memref<16x128xf32, #tpu.memory_space<vmem>>)
        tpu.yield
      }) : () -> ()
      "tpu.region"() ({
        %run_scoped3A = tpu.sem_alloc : memref<!tpu.dma_semaphore, #tpu.memory_space<semaphore_mem>>
        %dma_start3A_37 = arith.constant 0 : i32
        %dma_start3A_38 = arith.constant 0 : i32
        %dma_start3A_39 = tpu.memref_slice %arg8[%dma_start3A_37, %dma_start3A_38] : memref<128x128xf32, #tpu.memory_space<vmem>> -> memref<16x128xf32, #tpu.memory_space<vmem>>
        %dma_start3A_40 = arith.constant 9984 : i32
        %dma_start3A_41 = arith.constant 0 : i32
        %dma_start3A_42 = tpu.memref_slice %arg5[%dma_start3A_40, %dma_start3A_41] : memref<10128x128xf32, #tpu.memory_space<vmem_shared>> -> memref<16x128xf32, #tpu.memory_space<vmem_shared>>
        %dma_start3A_43 = arith.constant 9984 : i32
        %dma_start3A_44 = arith.constant 0 : i32
        %dma_start3A_45 = tpu.memref_slice %arg5[%dma_start3A_43, %dma_start3A_44] : memref<10128x128xf32, #tpu.memory_space<vmem_shared>> -> memref<16x128xf32, #tpu.memory_space<vmem_shared>>
        %dma_start3A_46 = arith.constant 0 : i32
        %dma_start3A_47 = arith.constant 0 : i32
        %dma_start3A_48 = tpu.memref_slice %arg8[%dma_start3A_46, %dma_start3A_47] : memref<128x128xf32, #tpu.memory_space<vmem>> -> memref<16x128xf32, #tpu.memory_space<vmem>>
        tpu.enqueue_dma source(%dma_start3A_48 : memref<16x128xf32, #tpu.memory_space<vmem>>) target(%dma_start3A_45 : memref<16x128xf32, #tpu.memory_space<vmem_shared>>) target_semaphore(%run_scoped3A : memref<!tpu.dma_semaphore, #tpu.memory_space<semaphore_mem>>)
        %dma_wait3A = arith.constant 0 : i32
        %dma_wait3A_49 = arith.constant 0 : i32
        %dma_wait3A_50 = tpu.memref_slice %arg8[%dma_wait3A, %dma_wait3A_49] : memref<128x128xf32, #tpu.memory_space<vmem>> -> memref<16x128xf32, #tpu.memory_space<vmem>>
        %dma_wait3A_51 = arith.constant 9984 : i32
        %dma_wait3A_52 = arith.constant 0 : i32
        %dma_wait3A_53 = tpu.memref_slice %arg5[%dma_wait3A_51, %dma_wait3A_52] : memref<10128x128xf32, #tpu.memory_space<vmem_shared>> -> memref<16x128xf32, #tpu.memory_space<vmem_shared>>
        %dma_wait3A_54 = arith.constant 9984 : i32
        %dma_wait3A_55 = arith.constant 0 : i32
        %dma_wait3A_56 = tpu.memref_slice %arg5[%dma_wait3A_54, %dma_wait3A_55] : memref<10128x128xf32, #tpu.memory_space<vmem_shared>> -> memref<16x128xf32, #tpu.memory_space<vmem_shared>>
        %dma_wait3A_57 = arith.constant 0 : i32
        %dma_wait3A_58 = arith.constant 0 : i32
        %dma_wait3A_59 = tpu.memref_slice %arg8[%dma_wait3A_57, %dma_wait3A_58] : memref<128x128xf32, #tpu.memory_space<vmem>> -> memref<16x128xf32, #tpu.memory_space<vmem>>
        tpu.wait_dma2 semaphore(%run_scoped3A : memref<!tpu.dma_semaphore, #tpu.memory_space<semaphore_mem>>) src(%dma_wait3A_59 : memref<16x128xf32, #tpu.memory_space<vmem>>) dst(%dma_wait3A_56 : memref<16x128xf32, #tpu.memory_space<vmem_shared>>)
        tpu.yield
      }) : () -> ()
    } else {
    }
    %barrier3A = arith.constant 0 : index
    tpu.barrier barrier_id(%barrier3A)
    %dma_start3A = arith.constant 0 : i32
    %dma_start3A_6 = arith.constant 0 : i32
    %dma_start3A_7 = tpu.memref_slice %arg3[%arg0, %arg1, %dma_start3A, %dma_start3A_6] : memref<2x16x320x128xi32, #tpu.memory_space<hbm>> -> memref<1x1x40x128xi32, #tpu.memory_space<hbm>>
    %dma_start3A_8 = tpu.memref_squeeze %dma_start3A_7 : memref<1x1x40x128xi32, #tpu.memory_space<hbm>> -> memref<40x128xi32, #tpu.memory_space<hbm>>
    %dma_start3A_9 = arith.constant 0 : i32
    %dma_start3A_10 = arith.constant 0 : i32
    %dma_start3A_11 = tpu.memref_slice %arg3[%arg0, %arg1, %dma_start3A_9, %dma_start3A_10] : memref<2x16x320x128xi32, #tpu.memory_space<hbm>> -> memref<1x1x40x128xi32, #tpu.memory_space<hbm>>
    %dma_start3A_12 = tpu.memref_squeeze %dma_start3A_11 : memref<1x1x40x128xi32, #tpu.memory_space<hbm>> -> memref<40x128xi32, #tpu.memory_space<hbm>>
    tpu.enqueue_dma source(%dma_start3A_12 : memref<40x128xi32, #tpu.memory_space<hbm>>) target(%arg6 : memref<40x128xi32, #tpu.memory_space<vmem>>) target_semaphore(%arg12 : memref<!tpu.dma_semaphore, #tpu.memory_space<semaphore_mem>>)
    %scan3A = arith.constant 0 : i32
    %scan3A_13 = arith.constant 0 : i32
    %scan3A_14 = arith.constant 4 : i32
    %scan3A_15 = arith.addi %scan3A_13, %scan3A_14 : i32
    %scan3A_16 = arith.constant 1 : i32
    scf.for %scan3A_29 = %scan3A_13 to %scan3A_15 step %scan3A_16  : i32 {
      %mul3A = arith.constant 2 : i32
      %mul3A_30 = arith.muli %mul3A, %scan3A_29 : i32
      %dma_wait3A = arith.constant 0 : i32
      %dma_wait3A_31 = arith.constant 0 : i32
      %dma_wait3A_32 = tpu.memref_slice %arg3[%arg0, %arg1, %dma_wait3A, %dma_wait3A_31] : memref<2x16x320x128xi32, #tpu.memory_space<hbm>> -> memref<1x1x40x128xi32, #tpu.memory_space<hbm>>
      %dma_wait3A_33 = tpu.memref_squeeze %dma_wait3A_32 : memref<1x1x40x128xi32, #tpu.memory_space<hbm>> -> memref<40x128xi32, #tpu.memory_space<hbm>>
      %dma_wait3A_34 = arith.constant 0 : i32
      %dma_wait3A_35 = arith.constant 0 : i32
      %dma_wait3A_36 = tpu.memref_slice %arg3[%arg0, %arg1, %dma_wait3A_34, %dma_wait3A_35] : memref<2x16x320x128xi32, #tpu.memory_space<hbm>> -> memref<1x1x40x128xi32, #tpu.memory_space<hbm>>
      %dma_wait3A_37 = tpu.memref_squeeze %dma_wait3A_36 : memref<1x1x40x128xi32, #tpu.memory_space<hbm>> -> memref<40x128xi32, #tpu.memory_space<hbm>>
      tpu.wait_dma2 semaphore(%arg12 : memref<!tpu.dma_semaphore, #tpu.memory_space<semaphore_mem>>) src(%dma_wait3A_37 : memref<40x128xi32, #tpu.memory_space<hbm>>) dst(%arg6 : memref<40x128xi32, #tpu.memory_space<vmem>>)
      %add3A = arith.constant 1 : i32
      %add3A_38 = arith.addi %mul3A_30, %add3A : i32
      %mul3A_39 = arith.constant 40 : i32
      %mul3A_40 = arith.muli %add3A_38, %mul3A_39 : i32
      %dma_start3A_41 = arith.constant 0 : i32
      %dma_start3A_42 = tpu.memref_slice %arg3[%arg0, %arg1, %mul3A_40, %dma_start3A_41] : memref<2x16x320x128xi32, #tpu.memory_space<hbm>> -> memref<1x1x40x128xi32, #tpu.memory_space<hbm>>
      %dma_start3A_43 = tpu.memref_squeeze %dma_start3A_42 : memref<1x1x40x128xi32, #tpu.memory_space<hbm>> -> memref<40x128xi32, #tpu.memory_space<hbm>>
      %dma_start3A_44 = arith.constant 0 : i32
      %dma_start3A_45 = tpu.memref_slice %arg3[%arg0, %arg1, %mul3A_40, %dma_start3A_44] : memref<2x16x320x128xi32, #tpu.memory_space<hbm>> -> memref<1x1x40x128xi32, #tpu.memory_space<hbm>>
      %dma_start3A_46 = tpu.memref_squeeze %dma_start3A_45 : memref<1x1x40x128xi32, #tpu.memory_space<hbm>> -> memref<40x128xi32, #tpu.memory_space<hbm>>
      tpu.enqueue_dma source(%dma_start3A_46 : memref<40x128xi32, #tpu.memory_space<hbm>>) target(%arg7 : memref<40x128xi32, #tpu.memory_space<vmem>>) target_semaphore(%arg13 : memref<!tpu.dma_semaphore, #tpu.memory_space<semaphore_mem>>)
      %dma_start3A_47 = arith.constant 0 : i32
      %dma_start3A_48 = arith.constant 0 : i32
      %dma_start3A_49 = tpu.memref_slice %arg6[%dma_start3A_47, %dma_start3A_48] : memref<40x128xi32, #tpu.memory_space<vmem>> -> memref<1x128xi32, #tpu.memory_space<vmem>>
      %dma_start3A_50 = tpu.memref_squeeze %dma_start3A_49 : memref<1x128xi32, #tpu.memory_space<vmem>> -> memref<128xi32, #tpu.memory_space<vmem>>
      %dma_start3A_51 = arith.constant 0 : i32
      %dma_start3A_52 = arith.constant 0 : i32
      %dma_start3A_53 = tpu.memref_slice %arg2[%dma_start3A_51, %dma_start3A_52] : memref<20000x128xf32, #tpu.memory_space<hbm>> -> memref<20000x128xf32, #tpu.memory_space<hbm>>
      tpu.enqueue_indirect_dma source(%dma_start3A_53 : memref<20000x128xf32, #tpu.memory_space<hbm>>) target(%arg8 : memref<128x128xf32, #tpu.memory_space<vmem>>) offsets(%dma_start3A_50 : memref<128xi32, #tpu.memory_space<vmem>>) semaphore(%arg10 : memref<!tpu.dma_semaphore, #tpu.memory_space<semaphore_mem>>)
      %scan3A_54 = arith.constant 0 : i32
      %scan3A_55 = arith.constant 0 : i32
      %scan3A_56 = arith.constant 10 : i32
      %scan3A_57 = arith.addi %scan3A_55, %scan3A_56 : i32
      %scan3A_58 = arith.constant 1 : i32
      scf.for %scan3A_88 = %scan3A_55 to %scan3A_57 step %scan3A_58  : i32 {
        %mul3A_89 = arith.constant 2 : i32
        %mul3A_90 = arith.muli %mul3A_89, %scan3A_88 : i32
        %mul3A_91 = arith.constant 2 : i32
        %mul3A_92 = arith.muli %mul3A_91, %mul3A_90 : i32
        %add3A_93 = arith.constant 2 : i32
        %add3A_94 = arith.addi %mul3A_92, %add3A_93 : i32
        %dma_start3A_95 = arith.constant 0 : i32
        %dma_start3A_96 = tpu.memref_slice %arg6[%add3A_94, %dma_start3A_95] : memref<40x128xi32, #tpu.memory_space<vmem>> -> memref<1x128xi32, #tpu.memory_space<vmem>>
        %dma_start3A_97 = tpu.memref_squeeze %dma_start3A_96 : memref<1x128xi32, #tpu.memory_space<vmem>> -> memref<128xi32, #tpu.memory_space<vmem>>
        %dma_start3A_98 = arith.constant 0 : i32
        %dma_start3A_99 = arith.constant 0 : i32
        %dma_start3A_100 = tpu.memref_slice %arg2[%dma_start3A_98, %dma_start3A_99] : memref<20000x128xf32, #tpu.memory_space<hbm>> -> memref<20000x128xf32, #tpu.memory_space<hbm>>
        tpu.enqueue_indirect_dma source(%dma_start3A_100 : memref<20000x128xf32, #tpu.memory_space<hbm>>) target(%arg9 : memref<128x128xf32, #tpu.memory_space<vmem>>) offsets(%dma_start3A_97 : memref<128xi32, #tpu.memory_space<vmem>>) semaphore(%arg11 : memref<!tpu.dma_semaphore, #tpu.memory_space<semaphore_mem>>)
        %dma_wait3A_101 = arith.constant 0 : i32
        %dma_wait3A_102 = arith.constant 0 : i32
        %dma_wait3A_103 = tpu.memref_slice %arg6[%dma_wait3A_101, %dma_wait3A_102] : memref<40x128xi32, #tpu.memory_space<vmem>> -> memref<1x128xi32, #tpu.memory_space<vmem>>
        %dma_wait3A_104 = tpu.memref_squeeze %dma_wait3A_103 : memref<1x128xi32, #tpu.memory_space<vmem>> -> memref<128xi32, #tpu.memory_space<vmem>>
        %dma_wait3A_105 = arith.constant 0 : i32
        %dma_wait3A_106 = arith.constant 0 : i32
        %dma_wait3A_107 = tpu.memref_slice %arg2[%dma_wait3A_105, %dma_wait3A_106] : memref<20000x128xf32, #tpu.memory_space<hbm>> -> memref<20000x128xf32, #tpu.memory_space<hbm>>
        tpu.wait_indirect_dma semaphore(%arg10 : memref<!tpu.dma_semaphore, #tpu.memory_space<semaphore_mem>>) src(%dma_wait3A_107 : memref<20000x128xf32, #tpu.memory_space<hbm>>) dst(%arg8 : memref<128x128xf32, #tpu.memory_space<vmem>>)
        %mul3A_108 = arith.constant 2 : i32
        %mul3A_109 = arith.muli %mul3A_108, %mul3A_90 : i32
        %add3A_110 = arith.constant 1 : i32
        %add3A_111 = arith.addi %mul3A_109, %add3A_110 : i32
        "tpu.region"() ({
          %run_scoped3A = tpu.sem_alloc : memref<!tpu.dma_semaphore, #tpu.memory_space<semaphore_mem>>
          %dma_start3A_130 = arith.constant 0 : i32
          %dma_start3A_131 = tpu.memref_slice %arg6[%add3A_111, %dma_start3A_130] : memref<40x128xi32, #tpu.memory_space<vmem>> -> memref<1x128xi32, #tpu.memory_space<vmem>>
          %dma_start3A_132 = tpu.memref_squeeze %dma_start3A_131 : memref<1x128xi32, #tpu.memory_space<vmem>> -> memref<128xi32, #tpu.memory_space<vmem>>
          %dma_start3A_133 = arith.constant 0 : i32
          %dma_start3A_134 = arith.constant 0 : i32
          %dma_start3A_135 = tpu.memref_slice %arg5[%dma_start3A_133, %dma_start3A_134] : memref<10128x128xf32, #tpu.memory_space<vmem_shared>> -> memref<10128x128xf32, #tpu.memory_space<vmem_shared>>
          tpu.enqueue_indirect_dma source(%arg8 : memref<128x128xf32, #tpu.memory_space<vmem>>) target(%dma_start3A_135 : memref<10128x128xf32, #tpu.memory_space<vmem_shared>>) offsets(%dma_start3A_132 : memref<128xi32, #tpu.memory_space<vmem>>) semaphore(%run_scoped3A : memref<!tpu.dma_semaphore, #tpu.memory_space<semaphore_mem>>) {add = true}
          %dma_wait3A_136 = arith.constant 0 : i32
          %dma_wait3A_137 = tpu.memref_slice %arg6[%add3A_111, %dma_wait3A_136] : memref<40x128xi32, #tpu.memory_space<vmem>> -> memref<1x128xi32, #tpu.memory_space<vmem>>
          %dma_wait3A_138 = tpu.memref_squeeze %dma_wait3A_137 : memref<1x128xi32, #tpu.memory_space<vmem>> -> memref<128xi32, #tpu.memory_space<vmem>>
          %dma_wait3A_139 = arith.constant 0 : i32
          %dma_wait3A_140 = arith.constant 0 : i32
          %dma_wait3A_141 = tpu.memref_slice %arg5[%dma_wait3A_139, %dma_wait3A_140] : memref<10128x128xf32, #tpu.memory_space<vmem_shared>> -> memref<10128x128xf32, #tpu.memory_space<vmem_shared>>
          tpu.wait_indirect_dma semaphore(%run_scoped3A : memref<!tpu.dma_semaphore, #tpu.memory_space<semaphore_mem>>) src(%arg8 : memref<128x128xf32, #tpu.memory_space<vmem>>) dst(%dma_wait3A_141 : memref<10128x128xf32, #tpu.memory_space<vmem_shared>>)
          tpu.yield
        }) : () -> ()
        %add3A_112 = arith.constant 2 : i32
        %add3A_113 = arith.addi %mul3A_90, %add3A_112 : i32
        %lt3A_114 = arith.constant 20 : i32
        %lt3A_115 = arith.cmpi slt, %add3A_113, %lt3A_114 : i32
        %convert_element_type3A_116 = arith.extui %lt3A_115 : i1 to i32
        %cond3A_117 = arith.constant 0 : i32
        %cond3A_118 = arith.cmpi ne, %convert_element_type3A_116, %cond3A_117 : i32
        scf.if %cond3A_118 {
          %mul3A_130 = arith.constant 2 : i32
          %mul3A_131 = arith.muli %mul3A_130, %mul3A_90 : i32
          %add3A_132 = arith.constant 4 : i32
          %add3A_133 = arith.addi %mul3A_131, %add3A_132 : i32
          %dma_start3A_134 = arith.constant 0 : i32
          %dma_start3A_135 = tpu.memref_slice %arg6[%add3A_133, %dma_start3A_134] : memref<40x128xi32, #tpu.memory_space<vmem>> -> memref<1x128xi32, #tpu.memory_space<vmem>>
          %dma_start3A_136 = tpu.memref_squeeze %dma_start3A_135 : memref<1x128xi32, #tpu.memory_space<vmem>> -> memref<128xi32, #tpu.memory_space<vmem>>
          %dma_start3A_137 = arith.constant 0 : i32
          %dma_start3A_138 = arith.constant 0 : i32
          %dma_start3A_139 = tpu.memref_slice %arg2[%dma_start3A_137, %dma_start3A_138] : memref<20000x128xf32, #tpu.memory_space<hbm>> -> memref<20000x128xf32, #tpu.memory_space<hbm>>
          tpu.enqueue_indirect_dma source(%dma_start3A_139 : memref<20000x128xf32, #tpu.memory_space<hbm>>) target(%arg8 : memref<128x128xf32, #tpu.memory_space<vmem>>) offsets(%dma_start3A_136 : memref<128xi32, #tpu.memory_space<vmem>>) semaphore(%arg10 : memref<!tpu.dma_semaphore, #tpu.memory_space<semaphore_mem>>)
        } else {
        }
        %dma_wait3A_119 = arith.constant 0 : i32
        %dma_wait3A_120 = arith.constant 0 : i32
        %dma_wait3A_121 = tpu.memref_slice %arg6[%dma_wait3A_119, %dma_wait3A_120] : memref<40x128xi32, #tpu.memory_space<vmem>> -> memref<1x128xi32, #tpu.memory_space<vmem>>
        %dma_wait3A_122 = tpu.memref_squeeze %dma_wait3A_121 : memref<1x128xi32, #tpu.memory_space<vmem>> -> memref<128xi32, #tpu.memory_space<vmem>>
        %dma_wait3A_123 = arith.constant 0 : i32
        %dma_wait3A_124 = arith.constant 0 : i32
        %dma_wait3A_125 = tpu.memref_slice %arg2[%dma_wait3A_123, %dma_wait3A_124] : memref<20000x128xf32, #tpu.memory_space<hbm>> -> memref<20000x128xf32, #tpu.memory_space<hbm>>
        tpu.wait_indirect_dma semaphore(%arg11 : memref<!tpu.dma_semaphore, #tpu.memory_space<semaphore_mem>>) src(%dma_wait3A_125 : memref<20000x128xf32, #tpu.memory_space<hbm>>) dst(%arg9 : memref<128x128xf32, #tpu.memory_space<vmem>>)
        %mul3A_126 = arith.constant 2 : i32
        %mul3A_127 = arith.muli %mul3A_126, %mul3A_90 : i32
        %add3A_128 = arith.constant 3 : i32
        %add3A_129 = arith.addi %mul3A_127, %add3A_128 : i32
        "tpu.region"() ({
          %run_scoped3A = tpu.sem_alloc : memref<!tpu.dma_semaphore, #tpu.memory_space<semaphore_mem>>
          %dma_start3A_130 = arith.constant 0 : i32
          %dma_start3A_131 = tpu.memref_slice %arg6[%add3A_129, %dma_start3A_130] : memref<40x128xi32, #tpu.memory_space<vmem>> -> memref<1x128xi32, #tpu.memory_space<vmem>>
          %dma_start3A_132 = tpu.memref_squeeze %dma_start3A_131 : memref<1x128xi32, #tpu.memory_space<vmem>> -> memref<128xi32, #tpu.memory_space<vmem>>
          %dma_start3A_133 = arith.constant 0 : i32
          %dma_start3A_134 = arith.constant 0 : i32
          %dma_start3A_135 = tpu.memref_slice %arg5[%dma_start3A_133, %dma_start3A_134] : memref<10128x128xf32, #tpu.memory_space<vmem_shared>> -> memref<10128x128xf32, #tpu.memory_space<vmem_shared>>
          tpu.enqueue_indirect_dma source(%arg9 : memref<128x128xf32, #tpu.memory_space<vmem>>) target(%dma_start3A_135 : memref<10128x128xf32, #tpu.memory_space<vmem_shared>>) offsets(%dma_start3A_132 : memref<128xi32, #tpu.memory_space<vmem>>) semaphore(%run_scoped3A : memref<!tpu.dma_semaphore, #tpu.memory_space<semaphore_mem>>) {add = true}
          %dma_wait3A_136 = arith.constant 0 : i32
          %dma_wait3A_137 = tpu.memref_slice %arg6[%add3A_129, %dma_wait3A_136] : memref<40x128xi32, #tpu.memory_space<vmem>> -> memref<1x128xi32, #tpu.memory_space<vmem>>
          %dma_wait3A_138 = tpu.memref_squeeze %dma_wait3A_137 : memref<1x128xi32, #tpu.memory_space<vmem>> -> memref<128xi32, #tpu.memory_space<vmem>>
          %dma_wait3A_139 = arith.constant 0 : i32
          %dma_wait3A_140 = arith.constant 0 : i32
          %dma_wait3A_141 = tpu.memref_slice %arg5[%dma_wait3A_139, %dma_wait3A_140] : memref<10128x128xf32, #tpu.memory_space<vmem_shared>> -> memref<10128x128xf32, #tpu.memory_space<vmem_shared>>
          tpu.wait_indirect_dma semaphore(%run_scoped3A : memref<!tpu.dma_semaphore, #tpu.memory_space<semaphore_mem>>) src(%arg9 : memref<128x128xf32, #tpu.memory_space<vmem>>) dst(%dma_wait3A_141 : memref<10128x128xf32, #tpu.memory_space<vmem_shared>>)
          tpu.yield
        }) : () -> ()
      }
      %scan3A_59 = arith.constant 10 : i32
      %dma_wait3A_60 = arith.constant 0 : i32
      %dma_wait3A_61 = arith.constant 0 : i32
      %dma_wait3A_62 = tpu.memref_slice %arg3[%arg0, %arg1, %dma_wait3A_60, %dma_wait3A_61] : memref<2x16x320x128xi32, #tpu.memory_space<hbm>> -> memref<1x1x40x128xi32, #tpu.memory_space<hbm>>
      %dma_wait3A_63 = tpu.memref_squeeze %dma_wait3A_62 : memref<1x1x40x128xi32, #tpu.memory_space<hbm>> -> memref<40x128xi32, #tpu.memory_space<hbm>>
      %dma_wait3A_64 = arith.constant 0 : i32
      %dma_wait3A_65 = arith.constant 0 : i32
      %dma_wait3A_66 = tpu.memref_slice %arg3[%arg0, %arg1, %dma_wait3A_64, %dma_wait3A_65] : memref<2x16x320x128xi32, #tpu.memory_space<hbm>> -> memref<1x1x40x128xi32, #tpu.memory_space<hbm>>
      %dma_wait3A_67 = tpu.memref_squeeze %dma_wait3A_66 : memref<1x1x40x128xi32, #tpu.memory_space<hbm>> -> memref<40x128xi32, #tpu.memory_space<hbm>>
      tpu.wait_dma2 semaphore(%arg13 : memref<!tpu.dma_semaphore, #tpu.memory_space<semaphore_mem>>) src(%dma_wait3A_67 : memref<40x128xi32, #tpu.memory_space<hbm>>) dst(%arg7 : memref<40x128xi32, #tpu.memory_space<vmem>>)
      %add3A_68 = arith.constant 2 : i32
      %add3A_69 = arith.addi %mul3A_30, %add3A_68 : i32
      %lt3A_70 = arith.constant 8 : i32
      %lt3A_71 = arith.cmpi slt, %add3A_69, %lt3A_70 : i32
      %convert_element_type3A_72 = arith.extui %lt3A_71 : i1 to i32
      %cond3A_73 = arith.constant 0 : i32
      %cond3A_74 = arith.cmpi ne, %convert_element_type3A_72, %cond3A_73 : i32
      scf.if %cond3A_74 {
        %add3A_88 = arith.constant 2 : i32
        %add3A_89 = arith.addi %mul3A_30, %add3A_88 : i32
        %mul3A_90 = arith.constant 40 : i32
        %mul3A_91 = arith.muli %add3A_89, %mul3A_90 : i32
        %dma_start3A_92 = arith.constant 0 : i32
        %dma_start3A_93 = tpu.memref_slice %arg3[%arg0, %arg1, %mul3A_91, %dma_start3A_92] : memref<2x16x320x128xi32, #tpu.memory_space<hbm>> -> memref<1x1x40x128xi32, #tpu.memory_space<hbm>>
        %dma_start3A_94 = tpu.memref_squeeze %dma_start3A_93 : memref<1x1x40x128xi32, #tpu.memory_space<hbm>> -> memref<40x128xi32, #tpu.memory_space<hbm>>
        %dma_start3A_95 = arith.constant 0 : i32
        %dma_start3A_96 = tpu.memref_slice %arg3[%arg0, %arg1, %mul3A_91, %dma_start3A_95] : memref<2x16x320x128xi32, #tpu.memory_space<hbm>> -> memref<1x1x40x128xi32, #tpu.memory_space<hbm>>
        %dma_start3A_97 = tpu.memref_squeeze %dma_start3A_96 : memref<1x1x40x128xi32, #tpu.memory_space<hbm>> -> memref<40x128xi32, #tpu.memory_space<hbm>>
        tpu.enqueue_dma source(%dma_start3A_97 : memref<40x128xi32, #tpu.memory_space<hbm>>) target(%arg6 : memref<40x128xi32, #tpu.memory_space<vmem>>) target_semaphore(%arg12 : memref<!tpu.dma_semaphore, #tpu.memory_space<semaphore_mem>>)
      } else {
      }
      %dma_start3A_75 = arith.constant 0 : i32
      %dma_start3A_76 = arith.constant 0 : i32
      %dma_start3A_77 = tpu.memref_slice %arg7[%dma_start3A_75, %dma_start3A_76] : memref<40x128xi32, #tpu.memory_space<vmem>> -> memref<1x128xi32, #tpu.memory_space<vmem>>
      %dma_start3A_78 = tpu.memref_squeeze %dma_start3A_77 : memref<1x128xi32, #tpu.memory_space<vmem>> -> memref<128xi32, #tpu.memory_space<vmem>>
      %dma_start3A_79 = arith.constant 0 : i32
      %dma_start3A_80 = arith.constant 0 : i32
      %dma_start3A_81 = tpu.memref_slice %arg2[%dma_start3A_79, %dma_start3A_80] : memref<20000x128xf32, #tpu.memory_space<hbm>> -> memref<20000x128xf32, #tpu.memory_space<hbm>>
      tpu.enqueue_indirect_dma source(%dma_start3A_81 : memref<20000x128xf32, #tpu.memory_space<hbm>>) target(%arg8 : memref<128x128xf32, #tpu.memory_space<vmem>>) offsets(%dma_start3A_78 : memref<128xi32, #tpu.memory_space<vmem>>) semaphore(%arg10 : memref<!tpu.dma_semaphore, #tpu.memory_space<semaphore_mem>>)
      %scan3A_82 = arith.constant 0 : i32
      %scan3A_83 = arith.constant 0 : i32
      %scan3A_84 = arith.constant 10 : i32
      %scan3A_85 = arith.addi %scan3A_83, %scan3A_84 : i32
      %scan3A_86 = arith.constant 1 : i32
      scf.for %scan3A_88 = %scan3A_83 to %scan3A_85 step %scan3A_86  : i32 {
        %mul3A_89 = arith.constant 2 : i32
        %mul3A_90 = arith.muli %mul3A_89, %scan3A_88 : i32
        %mul3A_91 = arith.constant 2 : i32
        %mul3A_92 = arith.muli %mul3A_91, %mul3A_90 : i32
        %add3A_93 = arith.constant 2 : i32
        %add3A_94 = arith.addi %mul3A_92, %add3A_93 : i32
        %dma_start3A_95 = arith.constant 0 : i32
        %dma_start3A_96 = tpu.memref_slice %arg7[%add3A_94, %dma_start3A_95] : memref<40x128xi32, #tpu.memory_space<vmem>> -> memref<1x128xi32, #tpu.memory_space<vmem>>
        %dma_start3A_97 = tpu.memref_squeeze %dma_start3A_96 : memref<1x128xi32, #tpu.memory_space<vmem>> -> memref<128xi32, #tpu.memory_space<vmem>>
        %dma_start3A_98 = arith.constant 0 : i32
        %dma_start3A_99 = arith.constant 0 : i32
        %dma_start3A_100 = tpu.memref_slice %arg2[%dma_start3A_98, %dma_start3A_99] : memref<20000x128xf32, #tpu.memory_space<hbm>> -> memref<20000x128xf32, #tpu.memory_space<hbm>>
        tpu.enqueue_indirect_dma source(%dma_start3A_100 : memref<20000x128xf32, #tpu.memory_space<hbm>>) target(%arg9 : memref<128x128xf32, #tpu.memory_space<vmem>>) offsets(%dma_start3A_97 : memref<128xi32, #tpu.memory_space<vmem>>) semaphore(%arg11 : memref<!tpu.dma_semaphore, #tpu.memory_space<semaphore_mem>>)
        %dma_wait3A_101 = arith.constant 0 : i32
        %dma_wait3A_102 = arith.constant 0 : i32
        %dma_wait3A_103 = tpu.memref_slice %arg7[%dma_wait3A_101, %dma_wait3A_102] : memref<40x128xi32, #tpu.memory_space<vmem>> -> memref<1x128xi32, #tpu.memory_space<vmem>>
        %dma_wait3A_104 = tpu.memref_squeeze %dma_wait3A_103 : memref<1x128xi32, #tpu.memory_space<vmem>> -> memref<128xi32, #tpu.memory_space<vmem>>
        %dma_wait3A_105 = arith.constant 0 : i32
        %dma_wait3A_106 = arith.constant 0 : i32
        %dma_wait3A_107 = tpu.memref_slice %arg2[%dma_wait3A_105, %dma_wait3A_106] : memref<20000x128xf32, #tpu.memory_space<hbm>> -> memref<20000x128xf32, #tpu.memory_space<hbm>>
        tpu.wait_indirect_dma semaphore(%arg10 : memref<!tpu.dma_semaphore, #tpu.memory_space<semaphore_mem>>) src(%dma_wait3A_107 : memref<20000x128xf32, #tpu.memory_space<hbm>>) dst(%arg8 : memref<128x128xf32, #tpu.memory_space<vmem>>)
        %mul3A_108 = arith.constant 2 : i32
        %mul3A_109 = arith.muli %mul3A_108, %mul3A_90 : i32
        %add3A_110 = arith.constant 1 : i32
        %add3A_111 = arith.addi %mul3A_109, %add3A_110 : i32
        "tpu.region"() ({
          %run_scoped3A = tpu.sem_alloc : memref<!tpu.dma_semaphore, #tpu.memory_space<semaphore_mem>>
          %dma_start3A_130 = arith.constant 0 : i32
          %dma_start3A_131 = tpu.memref_slice %arg7[%add3A_111, %dma_start3A_130] : memref<40x128xi32, #tpu.memory_space<vmem>> -> memref<1x128xi32, #tpu.memory_space<vmem>>
          %dma_start3A_132 = tpu.memref_squeeze %dma_start3A_131 : memref<1x128xi32, #tpu.memory_space<vmem>> -> memref<128xi32, #tpu.memory_space<vmem>>
          %dma_start3A_133 = arith.constant 0 : i32
          %dma_start3A_134 = arith.constant 0 : i32
          %dma_start3A_135 = tpu.memref_slice %arg5[%dma_start3A_133, %dma_start3A_134] : memref<10128x128xf32, #tpu.memory_space<vmem_shared>> -> memref<10128x128xf32, #tpu.memory_space<vmem_shared>>
          tpu.enqueue_indirect_dma source(%arg8 : memref<128x128xf32, #tpu.memory_space<vmem>>) target(%dma_start3A_135 : memref<10128x128xf32, #tpu.memory_space<vmem_shared>>) offsets(%dma_start3A_132 : memref<128xi32, #tpu.memory_space<vmem>>) semaphore(%run_scoped3A : memref<!tpu.dma_semaphore, #tpu.memory_space<semaphore_mem>>) {add = true}
          %dma_wait3A_136 = arith.constant 0 : i32
          %dma_wait3A_137 = tpu.memref_slice %arg7[%add3A_111, %dma_wait3A_136] : memref<40x128xi32, #tpu.memory_space<vmem>> -> memref<1x128xi32, #tpu.memory_space<vmem>>
          %dma_wait3A_138 = tpu.memref_squeeze %dma_wait3A_137 : memref<1x128xi32, #tpu.memory_space<vmem>> -> memref<128xi32, #tpu.memory_space<vmem>>
          %dma_wait3A_139 = arith.constant 0 : i32
          %dma_wait3A_140 = arith.constant 0 : i32
          %dma_wait3A_141 = tpu.memref_slice %arg5[%dma_wait3A_139, %dma_wait3A_140] : memref<10128x128xf32, #tpu.memory_space<vmem_shared>> -> memref<10128x128xf32, #tpu.memory_space<vmem_shared>>
          tpu.wait_indirect_dma semaphore(%run_scoped3A : memref<!tpu.dma_semaphore, #tpu.memory_space<semaphore_mem>>) src(%arg8 : memref<128x128xf32, #tpu.memory_space<vmem>>) dst(%dma_wait3A_141 : memref<10128x128xf32, #tpu.memory_space<vmem_shared>>)
          tpu.yield
        }) : () -> ()
        %add3A_112 = arith.constant 2 : i32
        %add3A_113 = arith.addi %mul3A_90, %add3A_112 : i32
        %lt3A_114 = arith.constant 20 : i32
        %lt3A_115 = arith.cmpi slt, %add3A_113, %lt3A_114 : i32
        %convert_element_type3A_116 = arith.extui %lt3A_115 : i1 to i32
        %cond3A_117 = arith.constant 0 : i32
        %cond3A_118 = arith.cmpi ne, %convert_element_type3A_116, %cond3A_117 : i32
        scf.if %cond3A_118 {
          %mul3A_130 = arith.constant 2 : i32
          %mul3A_131 = arith.muli %mul3A_130, %mul3A_90 : i32
          %add3A_132 = arith.constant 4 : i32
          %add3A_133 = arith.addi %mul3A_131, %add3A_132 : i32
          %dma_start3A_134 = arith.constant 0 : i32
          %dma_start3A_135 = tpu.memref_slice %arg7[%add3A_133, %dma_start3A_134] : memref<40x128xi32, #tpu.memory_space<vmem>> -> memref<1x128xi32, #tpu.memory_space<vmem>>
          %dma_start3A_136 = tpu.memref_squeeze %dma_start3A_135 : memref<1x128xi32, #tpu.memory_space<vmem>> -> memref<128xi32, #tpu.memory_space<vmem>>
          %dma_start3A_137 = arith.constant 0 : i32
          %dma_start3A_138 = arith.constant 0 : i32
          %dma_start3A_139 = tpu.memref_slice %arg2[%dma_start3A_137, %dma_start3A_138] : memref<20000x128xf32, #tpu.memory_space<hbm>> -> memref<20000x128xf32, #tpu.memory_space<hbm>>
          tpu.enqueue_indirect_dma source(%dma_start3A_139 : memref<20000x128xf32, #tpu.memory_space<hbm>>) target(%arg8 : memref<128x128xf32, #tpu.memory_space<vmem>>) offsets(%dma_start3A_136 : memref<128xi32, #tpu.memory_space<vmem>>) semaphore(%arg10 : memref<!tpu.dma_semaphore, #tpu.memory_space<semaphore_mem>>)
        } else {
        }
        %dma_wait3A_119 = arith.constant 0 : i32
        %dma_wait3A_120 = arith.constant 0 : i32
        %dma_wait3A_121 = tpu.memref_slice %arg7[%dma_wait3A_119, %dma_wait3A_120] : memref<40x128xi32, #tpu.memory_space<vmem>> -> memref<1x128xi32, #tpu.memory_space<vmem>>
        %dma_wait3A_122 = tpu.memref_squeeze %dma_wait3A_121 : memref<1x128xi32, #tpu.memory_space<vmem>> -> memref<128xi32, #tpu.memory_space<vmem>>
        %dma_wait3A_123 = arith.constant 0 : i32
        %dma_wait3A_124 = arith.constant 0 : i32
        %dma_wait3A_125 = tpu.memref_slice %arg2[%dma_wait3A_123, %dma_wait3A_124] : memref<20000x128xf32, #tpu.memory_space<hbm>> -> memref<20000x128xf32, #tpu.memory_space<hbm>>
        tpu.wait_indirect_dma semaphore(%arg11 : memref<!tpu.dma_semaphore, #tpu.memory_space<semaphore_mem>>) src(%dma_wait3A_125 : memref<20000x128xf32, #tpu.memory_space<hbm>>) dst(%arg9 : memref<128x128xf32, #tpu.memory_space<vmem>>)
        %mul3A_126 = arith.constant 2 : i32
        %mul3A_127 = arith.muli %mul3A_126, %mul3A_90 : i32
        %add3A_128 = arith.constant 3 : i32
        %add3A_129 = arith.addi %mul3A_127, %add3A_128 : i32
        "tpu.region"() ({
          %run_scoped3A = tpu.sem_alloc : memref<!tpu.dma_semaphore, #tpu.memory_space<semaphore_mem>>
          %dma_start3A_130 = arith.constant 0 : i32
          %dma_start3A_131 = tpu.memref_slice %arg7[%add3A_129, %dma_start3A_130] : memref<40x128xi32, #tpu.memory_space<vmem>> -> memref<1x128xi32, #tpu.memory_space<vmem>>
          %dma_start3A_132 = tpu.memref_squeeze %dma_start3A_131 : memref<1x128xi32, #tpu.memory_space<vmem>> -> memref<128xi32, #tpu.memory_space<vmem>>
          %dma_start3A_133 = arith.constant 0 : i32
          %dma_start3A_134 = arith.constant 0 : i32
          %dma_start3A_135 = tpu.memref_slice %arg5[%dma_start3A_133, %dma_start3A_134] : memref<10128x128xf32, #tpu.memory_space<vmem_shared>> -> memref<10128x128xf32, #tpu.memory_space<vmem_shared>>
          tpu.enqueue_indirect_dma source(%arg9 : memref<128x128xf32, #tpu.memory_space<vmem>>) target(%dma_start3A_135 : memref<10128x128xf32, #tpu.memory_space<vmem_shared>>) offsets(%dma_start3A_132 : memref<128xi32, #tpu.memory_space<vmem>>) semaphore(%run_scoped3A : memref<!tpu.dma_semaphore, #tpu.memory_space<semaphore_mem>>) {add = true}
          %dma_wait3A_136 = arith.constant 0 : i32
          %dma_wait3A_137 = tpu.memref_slice %arg7[%add3A_129, %dma_wait3A_136] : memref<40x128xi32, #tpu.memory_space<vmem>> -> memref<1x128xi32, #tpu.memory_space<vmem>>
          %dma_wait3A_138 = tpu.memref_squeeze %dma_wait3A_137 : memref<1x128xi32, #tpu.memory_space<vmem>> -> memref<128xi32, #tpu.memory_space<vmem>>
          %dma_wait3A_139 = arith.constant 0 : i32
          %dma_wait3A_140 = arith.constant 0 : i32
          %dma_wait3A_141 = tpu.memref_slice %arg5[%dma_wait3A_139, %dma_wait3A_140] : memref<10128x128xf32, #tpu.memory_space<vmem_shared>> -> memref<10128x128xf32, #tpu.memory_space<vmem_shared>>
          tpu.wait_indirect_dma semaphore(%run_scoped3A : memref<!tpu.dma_semaphore, #tpu.memory_space<semaphore_mem>>) src(%arg9 : memref<128x128xf32, #tpu.memory_space<vmem>>) dst(%dma_wait3A_141 : memref<10128x128xf32, #tpu.memory_space<vmem_shared>>)
          tpu.yield
        }) : () -> ()
      }
      %scan3A_87 = arith.constant 10 : i32
    }
    %scan3A_17 = arith.constant 4 : i32
    %barrier3A_18 = arith.constant 0 : index
    tpu.barrier barrier_id(%barrier3A_18)
    %lt3A_19 = arith.constant 15 : i32
    %lt3A_20 = arith.cmpi slt, %arg1, %lt3A_19 : i32
    %convert_element_type3A_21 = arith.extui %lt3A_20 : i1 to i32
    %cond3A_22 = arith.constant 0 : i32
    %cond3A_23 = arith.cmpi ne, %convert_element_type3A_21, %cond3A_22 : i32
    scf.if %cond3A_23 {
      %scan3A_29 = arith.constant 0 : i32
      %scan3A_30 = arith.constant 0 : i32
      %scan3A_31 = arith.constant 5 : i32
      %scan3A_32 = arith.addi %scan3A_30, %scan3A_31 : i32
      %scan3A_33 = arith.constant 1 : i32
      scf.for %scan3A_35 = %scan3A_30 to %scan3A_32 step %scan3A_33  : i32 {
        %mul3A = arith.constant 640 : i32
        %mul3A_36 = arith.muli %arg1, %mul3A : i32
        %mul3A_37 = arith.constant 128 : i32
        %mul3A_38 = arith.muli %scan3A_35, %mul3A_37 : i32
        %add3A = arith.addi %mul3A_36, %mul3A_38 : i32
        "tpu.region"() ({
          %run_scoped3A = tpu.sem_alloc : memref<!tpu.dma_semaphore, #tpu.memory_space<semaphore_mem>>
          %dma_start3A_39 = arith.constant 0 : i32
          %dma_start3A_40 = arith.constant 0 : i32
          %dma_start3A_41 = tpu.memref_slice %arg8[%dma_start3A_39, %dma_start3A_40] : memref<128x128xf32, #tpu.memory_space<vmem>> -> memref<128x128xf32, #tpu.memory_space<vmem>>
          %dma_start3A_42 = arith.constant 0 : i32
          %dma_start3A_43 = tpu.memref_slice %arg5[%add3A, %dma_start3A_42] : memref<10128x128xf32, #tpu.memory_space<vmem_shared>> -> memref<128x128xf32, #tpu.memory_space<vmem_shared>>
          %dma_start3A_44 = arith.constant 0 : i32
          %dma_start3A_45 = arith.constant 0 : i32
          %dma_start3A_46 = tpu.memref_slice %arg8[%dma_start3A_44, %dma_start3A_45] : memref<128x128xf32, #tpu.memory_space<vmem>> -> memref<128x128xf32, #tpu.memory_space<vmem>>
          %dma_start3A_47 = arith.constant 0 : i32
          %dma_start3A_48 = tpu.memref_slice %arg5[%add3A, %dma_start3A_47] : memref<10128x128xf32, #tpu.memory_space<vmem_shared>> -> memref<128x128xf32, #tpu.memory_space<vmem_shared>>
          tpu.enqueue_dma source(%dma_start3A_48 : memref<128x128xf32, #tpu.memory_space<vmem_shared>>) target(%dma_start3A_46 : memref<128x128xf32, #tpu.memory_space<vmem>>) target_semaphore(%run_scoped3A : memref<!tpu.dma_semaphore, #tpu.memory_space<semaphore_mem>>)
          %dma_wait3A = arith.constant 0 : i32
          %dma_wait3A_49 = arith.constant 0 : i32
          %dma_wait3A_50 = tpu.memref_slice %arg8[%dma_wait3A, %dma_wait3A_49] : memref<128x128xf32, #tpu.memory_space<vmem>> -> memref<128x128xf32, #tpu.memory_space<vmem>>
          %dma_wait3A_51 = arith.constant 0 : i32
          %dma_wait3A_52 = tpu.memref_slice %arg5[%add3A, %dma_wait3A_51] : memref<10128x128xf32, #tpu.memory_space<vmem_shared>> -> memref<128x128xf32, #tpu.memory_space<vmem_shared>>
          %dma_wait3A_53 = arith.constant 0 : i32
          %dma_wait3A_54 = arith.constant 0 : i32
          %dma_wait3A_55 = tpu.memref_slice %arg8[%dma_wait3A_53, %dma_wait3A_54] : memref<128x128xf32, #tpu.memory_space<vmem>> -> memref<128x128xf32, #tpu.memory_space<vmem>>
          %dma_wait3A_56 = arith.constant 0 : i32
          %dma_wait3A_57 = tpu.memref_slice %arg5[%add3A, %dma_wait3A_56] : memref<10128x128xf32, #tpu.memory_space<vmem_shared>> -> memref<128x128xf32, #tpu.memory_space<vmem_shared>>
          tpu.wait_dma2 semaphore(%run_scoped3A : memref<!tpu.dma_semaphore, #tpu.memory_space<semaphore_mem>>) src(%dma_wait3A_57 : memref<128x128xf32, #tpu.memory_space<vmem_shared>>) dst(%dma_wait3A_55 : memref<128x128xf32, #tpu.memory_space<vmem>>)
          tpu.yield
        }) : () -> ()
        "tpu.region"() ({
          %run_scoped3A = tpu.sem_alloc : memref<!tpu.dma_semaphore, #tpu.memory_space<semaphore_mem>>
          %dma_start3A_39 = arith.constant 0 : i32
          %dma_start3A_40 = arith.constant 0 : i32
          %dma_start3A_41 = tpu.memref_slice %arg8[%dma_start3A_39, %dma_start3A_40] : memref<128x128xf32, #tpu.memory_space<vmem>> -> memref<128x128xf32, #tpu.memory_space<vmem>>
          %dma_start3A_42 = arith.constant 0 : i32
          %dma_start3A_43 = tpu.memref_slice %arg4[%arg0, %add3A, %dma_start3A_42] : memref<2x10000x128xf32, #tpu.memory_space<hbm>> -> memref<1x128x128xf32, #tpu.memory_space<hbm>>
          %dma_start3A_44 = tpu.memref_squeeze %dma_start3A_43 : memref<1x128x128xf32, #tpu.memory_space<hbm>> -> memref<128x128xf32, #tpu.memory_space<hbm>>
          %dma_start3A_45 = arith.constant 0 : i32
          %dma_start3A_46 = tpu.memref_slice %arg4[%arg0, %add3A, %dma_start3A_45] : memref<2x10000x128xf32, #tpu.memory_space<hbm>> -> memref<1x128x128xf32, #tpu.memory_space<hbm>>
          %dma_start3A_47 = tpu.memref_squeeze %dma_start3A_46 : memref<1x128x128xf32, #tpu.memory_space<hbm>> -> memref<128x128xf32, #tpu.memory_space<hbm>>
          %dma_start3A_48 = arith.constant 0 : i32
          %dma_start3A_49 = arith.constant 0 : i32
          %dma_start3A_50 = tpu.memref_slice %arg8[%dma_start3A_48, %dma_start3A_49] : memref<128x128xf32, #tpu.memory_space<vmem>> -> memref<128x128xf32, #tpu.memory_space<vmem>>
          tpu.enqueue_dma source(%dma_start3A_50 : memref<128x128xf32, #tpu.memory_space<vmem>>) target(%dma_start3A_47 : memref<128x128xf32, #tpu.memory_space<hbm>>) target_semaphore(%run_scoped3A : memref<!tpu.dma_semaphore, #tpu.memory_space<semaphore_mem>>)
          %dma_wait3A = arith.constant 0 : i32
          %dma_wait3A_51 = arith.constant 0 : i32
          %dma_wait3A_52 = tpu.memref_slice %arg8[%dma_wait3A, %dma_wait3A_51] : memref<128x128xf32, #tpu.memory_space<vmem>> -> memref<128x128xf32, #tpu.memory_space<vmem>>
          %dma_wait3A_53 = arith.constant 0 : i32
          %dma_wait3A_54 = tpu.memref_slice %arg4[%arg0, %add3A, %dma_wait3A_53] : memref<2x10000x128xf32, #tpu.memory_space<hbm>> -> memref<1x128x128xf32, #tpu.memory_space<hbm>>
          %dma_wait3A_55 = tpu.memref_squeeze %dma_wait3A_54 : memref<1x128x128xf32, #tpu.memory_space<hbm>> -> memref<128x128xf32, #tpu.memory_space<hbm>>
          %dma_wait3A_56 = arith.constant 0 : i32
          %dma_wait3A_57 = tpu.memref_slice %arg4[%arg0, %add3A, %dma_wait3A_56] : memref<2x10000x128xf32, #tpu.memory_space<hbm>> -> memref<1x128x128xf32, #tpu.memory_space<hbm>>
          %dma_wait3A_58 = tpu.memref_squeeze %dma_wait3A_57 : memref<1x128x128xf32, #tpu.memory_space<hbm>> -> memref<128x128xf32, #tpu.memory_space<hbm>>
          %dma_wait3A_59 = arith.constant 0 : i32
          %dma_wait3A_60 = arith.constant 0 : i32
          %dma_wait3A_61 = tpu.memref_slice %arg8[%dma_wait3A_59, %dma_wait3A_60] : memref<128x128xf32, #tpu.memory_space<vmem>> -> memref<128x128xf32, #tpu.memory_space<vmem>>
          tpu.wait_dma2 semaphore(%run_scoped3A : memref<!tpu.dma_semaphore, #tpu.memory_space<semaphore_mem>>) src(%dma_wait3A_61 : memref<128x128xf32, #tpu.memory_space<vmem>>) dst(%dma_wait3A_58 : memref<128x128xf32, #tpu.memory_space<hbm>>)
          tpu.yield
        }) : () -> ()
      }
      %scan3A_34 = arith.constant 5 : i32
    } else {
    }
    %eq3A_24 = arith.constant 15 : i32
    %eq3A_25 = arith.cmpi eq, %arg1, %eq3A_24 : i32
    %convert_element_type3A_26 = arith.extui %eq3A_25 : i1 to i32
    %cond3A_27 = arith.constant 0 : i32
    %cond3A_28 = arith.cmpi ne, %convert_element_type3A_26, %cond3A_27 : i32
    scf.if %cond3A_28 {
      %scan3A_29 = arith.constant 0 : i32
      %scan3A_30 = arith.constant 0 : i32
      %scan3A_31 = arith.constant 3 : i32
      %scan3A_32 = arith.addi %scan3A_30, %scan3A_31 : i32
      %scan3A_33 = arith.constant 1 : i32
      scf.for %scan3A_35 = %scan3A_30 to %scan3A_32 step %scan3A_33  : i32 {
        %mul3A = arith.constant 128 : i32
        %mul3A_36 = arith.muli %scan3A_35, %mul3A : i32
        %add3A = arith.constant 9600 : i32
        %add3A_37 = arith.addi %add3A, %mul3A_36 : i32
        "tpu.region"() ({
          %run_scoped3A = tpu.sem_alloc : memref<!tpu.dma_semaphore, #tpu.memory_space<semaphore_mem>>
          %dma_start3A_38 = arith.constant 0 : i32
          %dma_start3A_39 = arith.constant 0 : i32
          %dma_start3A_40 = tpu.memref_slice %arg8[%dma_start3A_38, %dma_start3A_39] : memref<128x128xf32, #tpu.memory_space<vmem>> -> memref<128x128xf32, #tpu.memory_space<vmem>>
          %dma_start3A_41 = arith.constant 0 : i32
          %dma_start3A_42 = tpu.memref_slice %arg5[%add3A_37, %dma_start3A_41] : memref<10128x128xf32, #tpu.memory_space<vmem_shared>> -> memref<128x128xf32, #tpu.memory_space<vmem_shared>>
          %dma_start3A_43 = arith.constant 0 : i32
          %dma_start3A_44 = arith.constant 0 : i32
          %dma_start3A_45 = tpu.memref_slice %arg8[%dma_start3A_43, %dma_start3A_44] : memref<128x128xf32, #tpu.memory_space<vmem>> -> memref<128x128xf32, #tpu.memory_space<vmem>>
          %dma_start3A_46 = arith.constant 0 : i32
          %dma_start3A_47 = tpu.memref_slice %arg5[%add3A_37, %dma_start3A_46] : memref<10128x128xf32, #tpu.memory_space<vmem_shared>> -> memref<128x128xf32, #tpu.memory_space<vmem_shared>>
          tpu.enqueue_dma source(%dma_start3A_47 : memref<128x128xf32, #tpu.memory_space<vmem_shared>>) target(%dma_start3A_45 : memref<128x128xf32, #tpu.memory_space<vmem>>) target_semaphore(%run_scoped3A : memref<!tpu.dma_semaphore, #tpu.memory_space<semaphore_mem>>)
          %dma_wait3A = arith.constant 0 : i32
          %dma_wait3A_48 = arith.constant 0 : i32
          %dma_wait3A_49 = tpu.memref_slice %arg8[%dma_wait3A, %dma_wait3A_48] : memref<128x128xf32, #tpu.memory_space<vmem>> -> memref<128x128xf32, #tpu.memory_space<vmem>>
          %dma_wait3A_50 = arith.constant 0 : i32
          %dma_wait3A_51 = tpu.memref_slice %arg5[%add3A_37, %dma_wait3A_50] : memref<10128x128xf32, #tpu.memory_space<vmem_shared>> -> memref<128x128xf32, #tpu.memory_space<vmem_shared>>
          %dma_wait3A_52 = arith.constant 0 : i32
          %dma_wait3A_53 = arith.constant 0 : i32
          %dma_wait3A_54 = tpu.memref_slice %arg8[%dma_wait3A_52, %dma_wait3A_53] : memref<128x128xf32, #tpu.memory_space<vmem>> -> memref<128x128xf32, #tpu.memory_space<vmem>>
          %dma_wait3A_55 = arith.constant 0 : i32
          %dma_wait3A_56 = tpu.memref_slice %arg5[%add3A_37, %dma_wait3A_55] : memref<10128x128xf32, #tpu.memory_space<vmem_shared>> -> memref<128x128xf32, #tpu.memory_space<vmem_shared>>
          tpu.wait_dma2 semaphore(%run_scoped3A : memref<!tpu.dma_semaphore, #tpu.memory_space<semaphore_mem>>) src(%dma_wait3A_56 : memref<128x128xf32, #tpu.memory_space<vmem_shared>>) dst(%dma_wait3A_54 : memref<128x128xf32, #tpu.memory_space<vmem>>)
          tpu.yield
        }) : () -> ()
        "tpu.region"() ({
          %run_scoped3A = tpu.sem_alloc : memref<!tpu.dma_semaphore, #tpu.memory_space<semaphore_mem>>
          %dma_start3A_38 = arith.constant 0 : i32
          %dma_start3A_39 = arith.constant 0 : i32
          %dma_start3A_40 = tpu.memref_slice %arg8[%dma_start3A_38, %dma_start3A_39] : memref<128x128xf32, #tpu.memory_space<vmem>> -> memref<128x128xf32, #tpu.memory_space<vmem>>
          %dma_start3A_41 = arith.constant 0 : i32
          %dma_start3A_42 = tpu.memref_slice %arg4[%arg0, %add3A_37, %dma_start3A_41] : memref<2x10000x128xf32, #tpu.memory_space<hbm>> -> memref<1x128x128xf32, #tpu.memory_space<hbm>>
          %dma_start3A_43 = tpu.memref_squeeze %dma_start3A_42 : memref<1x128x128xf32, #tpu.memory_space<hbm>> -> memref<128x128xf32, #tpu.memory_space<hbm>>
          %dma_start3A_44 = arith.constant 0 : i32
          %dma_start3A_45 = tpu.memref_slice %arg4[%arg0, %add3A_37, %dma_start3A_44] : memref<2x10000x128xf32, #tpu.memory_space<hbm>> -> memref<1x128x128xf32, #tpu.memory_space<hbm>>
          %dma_start3A_46 = tpu.memref_squeeze %dma_start3A_45 : memref<1x128x128xf32, #tpu.memory_space<hbm>> -> memref<128x128xf32, #tpu.memory_space<hbm>>
          %dma_start3A_47 = arith.constant 0 : i32
          %dma_start3A_48 = arith.constant 0 : i32
          %dma_start3A_49 = tpu.memref_slice %arg8[%dma_start3A_47, %dma_start3A_48] : memref<128x128xf32, #tpu.memory_space<vmem>> -> memref<128x128xf32, #tpu.memory_space<vmem>>
          tpu.enqueue_dma source(%dma_start3A_49 : memref<128x128xf32, #tpu.memory_space<vmem>>) target(%dma_start3A_46 : memref<128x128xf32, #tpu.memory_space<hbm>>) target_semaphore(%run_scoped3A : memref<!tpu.dma_semaphore, #tpu.memory_space<semaphore_mem>>)
          %dma_wait3A = arith.constant 0 : i32
          %dma_wait3A_50 = arith.constant 0 : i32
          %dma_wait3A_51 = tpu.memref_slice %arg8[%dma_wait3A, %dma_wait3A_50] : memref<128x128xf32, #tpu.memory_space<vmem>> -> memref<128x128xf32, #tpu.memory_space<vmem>>
          %dma_wait3A_52 = arith.constant 0 : i32
          %dma_wait3A_53 = tpu.memref_slice %arg4[%arg0, %add3A_37, %dma_wait3A_52] : memref<2x10000x128xf32, #tpu.memory_space<hbm>> -> memref<1x128x128xf32, #tpu.memory_space<hbm>>
          %dma_wait3A_54 = tpu.memref_squeeze %dma_wait3A_53 : memref<1x128x128xf32, #tpu.memory_space<hbm>> -> memref<128x128xf32, #tpu.memory_space<hbm>>
          %dma_wait3A_55 = arith.constant 0 : i32
          %dma_wait3A_56 = tpu.memref_slice %arg4[%arg0, %add3A_37, %dma_wait3A_55] : memref<2x10000x128xf32, #tpu.memory_space<hbm>> -> memref<1x128x128xf32, #tpu.memory_space<hbm>>
          %dma_wait3A_57 = tpu.memref_squeeze %dma_wait3A_56 : memref<1x128x128xf32, #tpu.memory_space<hbm>> -> memref<128x128xf32, #tpu.memory_space<hbm>>
          %dma_wait3A_58 = arith.constant 0 : i32
          %dma_wait3A_59 = arith.constant 0 : i32
          %dma_wait3A_60 = tpu.memref_slice %arg8[%dma_wait3A_58, %dma_wait3A_59] : memref<128x128xf32, #tpu.memory_space<vmem>> -> memref<128x128xf32, #tpu.memory_space<vmem>>
          tpu.wait_dma2 semaphore(%run_scoped3A : memref<!tpu.dma_semaphore, #tpu.memory_space<semaphore_mem>>) src(%dma_wait3A_60 : memref<128x128xf32, #tpu.memory_space<vmem>>) dst(%dma_wait3A_57 : memref<128x128xf32, #tpu.memory_space<hbm>>)
          tpu.yield
        }) : () -> ()
      }
      %scan3A_34 = arith.constant 3 : i32
      "tpu.region"() ({
        %run_scoped3A = tpu.sem_alloc : memref<!tpu.dma_semaphore, #tpu.memory_space<semaphore_mem>>
        %dma_start3A_35 = arith.constant 0 : i32
        %dma_start3A_36 = arith.constant 0 : i32
        %dma_start3A_37 = tpu.memref_slice %arg8[%dma_start3A_35, %dma_start3A_36] : memref<128x128xf32, #tpu.memory_space<vmem>> -> memref<16x128xf32, #tpu.memory_space<vmem>>
        %dma_start3A_38 = arith.constant 9984 : i32
        %dma_start3A_39 = arith.constant 0 : i32
        %dma_start3A_40 = tpu.memref_slice %arg5[%dma_start3A_38, %dma_start3A_39] : memref<10128x128xf32, #tpu.memory_space<vmem_shared>> -> memref<16x128xf32, #tpu.memory_space<vmem_shared>>
        %dma_start3A_41 = arith.constant 0 : i32
        %dma_start3A_42 = arith.constant 0 : i32
        %dma_start3A_43 = tpu.memref_slice %arg8[%dma_start3A_41, %dma_start3A_42] : memref<128x128xf32, #tpu.memory_space<vmem>> -> memref<16x128xf32, #tpu.memory_space<vmem>>
        %dma_start3A_44 = arith.constant 9984 : i32
        %dma_start3A_45 = arith.constant 0 : i32
        %dma_start3A_46 = tpu.memref_slice %arg5[%dma_start3A_44, %dma_start3A_45] : memref<10128x128xf32, #tpu.memory_space<vmem_shared>> -> memref<16x128xf32, #tpu.memory_space<vmem_shared>>
        tpu.enqueue_dma source(%dma_start3A_46 : memref<16x128xf32, #tpu.memory_space<vmem_shared>>) target(%dma_start3A_43 : memref<16x128xf32, #tpu.memory_space<vmem>>) target_semaphore(%run_scoped3A : memref<!tpu.dma_semaphore, #tpu.memory_space<semaphore_mem>>)
        %dma_wait3A = arith.constant 0 : i32
        %dma_wait3A_47 = arith.constant 0 : i32
        %dma_wait3A_48 = tpu.memref_slice %arg8[%dma_wait3A, %dma_wait3A_47] : memref<128x128xf32, #tpu.memory_space<vmem>> -> memref<16x128xf32, #tpu.memory_space<vmem>>
        %dma_wait3A_49 = arith.constant 9984 : i32
        %dma_wait3A_50 = arith.constant 0 : i32
        %dma_wait3A_51 = tpu.memref_slice %arg5[%dma_wait3A_49, %dma_wait3A_50] : memref<10128x128xf32, #tpu.memory_space<vmem_shared>> -> memref<16x128xf32, #tpu.memory_space<vmem_shared>>
        %dma_wait3A_52 = arith.constant 0 : i32
        %dma_wait3A_53 = arith.constant 0 : i32
        %dma_wait3A_54 = tpu.memref_slice %arg8[%dma_wait3A_52, %dma_wait3A_53] : memref<128x128xf32, #tpu.memory_space<vmem>> -> memref<16x128xf32, #tpu.memory_space<vmem>>
        %dma_wait3A_55 = arith.constant 9984 : i32
        %dma_wait3A_56 = arith.constant 0 : i32
        %dma_wait3A_57 = tpu.memref_slice %arg5[%dma_wait3A_55, %dma_wait3A_56] : memref<10128x128xf32, #tpu.memory_space<vmem_shared>> -> memref<16x128xf32, #tpu.memory_space<vmem_shared>>
        tpu.wait_dma2 semaphore(%run_scoped3A : memref<!tpu.dma_semaphore, #tpu.memory_space<semaphore_mem>>) src(%dma_wait3A_57 : memref<16x128xf32, #tpu.memory_space<vmem_shared>>) dst(%dma_wait3A_54 : memref<16x128xf32, #tpu.memory_space<vmem>>)
        tpu.yield
      }) : () -> ()
      "tpu.region"() ({
        %run_scoped3A = tpu.sem_alloc : memref<!tpu.dma_semaphore, #tpu.memory_space<semaphore_mem>>
        %dma_start3A_35 = arith.constant 0 : i32
        %dma_start3A_36 = arith.constant 0 : i32
        %dma_start3A_37 = tpu.memref_slice %arg8[%dma_start3A_35, %dma_start3A_36] : memref<128x128xf32, #tpu.memory_space<vmem>> -> memref<16x128xf32, #tpu.memory_space<vmem>>
        %dma_start3A_38 = arith.constant 9984 : i32
        %dma_start3A_39 = arith.constant 0 : i32
        %dma_start3A_40 = tpu.memref_slice %arg4[%arg0, %dma_start3A_38, %dma_start3A_39] : memref<2x10000x128xf32, #tpu.memory_space<hbm>> -> memref<1x16x128xf32, #tpu.memory_space<hbm>>
        %dma_start3A_41 = tpu.memref_squeeze %dma_start3A_40 : memref<1x16x128xf32, #tpu.memory_space<hbm>> -> memref<16x128xf32, #tpu.memory_space<hbm>>
        %dma_start3A_42 = arith.constant 9984 : i32
        %dma_start3A_43 = arith.constant 0 : i32
        %dma_start3A_44 = tpu.memref_slice %arg4[%arg0, %dma_start3A_42, %dma_start3A_43] : memref<2x10000x128xf32, #tpu.memory_space<hbm>> -> memref<1x16x128xf32, #tpu.memory_space<hbm>>
        %dma_start3A_45 = tpu.memref_squeeze %dma_start3A_44 : memref<1x16x128xf32, #tpu.memory_space<hbm>> -> memref<16x128xf32, #tpu.memory_space<hbm>>
        %dma_start3A_46 = arith.constant 0 : i32
        %dma_start3A_47 = arith.constant 0 : i32
        %dma_start3A_48 = tpu.memref_slice %arg8[%dma_start3A_46, %dma_start3A_47] : memref<128x128xf32, #tpu.memory_space<vmem>> -> memref<16x128xf32, #tpu.memory_space<vmem>>
        tpu.enqueue_dma source(%dma_start3A_48 : memref<16x128xf32, #tpu.memory_space<vmem>>) target(%dma_start3A_45 : memref<16x128xf32, #tpu.memory_space<hbm>>) target_semaphore(%run_scoped3A : memref<!tpu.dma_semaphore, #tpu.memory_space<semaphore_mem>>)
        %dma_wait3A = arith.constant 0 : i32
        %dma_wait3A_49 = arith.constant 0 : i32
        %dma_wait3A_50 = tpu.memref_slice %arg8[%dma_wait3A, %dma_wait3A_49] : memref<128x128xf32, #tpu.memory_space<vmem>> -> memref<16x128xf32, #tpu.memory_space<vmem>>
        %dma_wait3A_51 = arith.constant 9984 : i32
        %dma_wait3A_52 = arith.constant 0 : i32
        %dma_wait3A_53 = tpu.memref_slice %arg4[%arg0, %dma_wait3A_51, %dma_wait3A_52] : memref<2x10000x128xf32, #tpu.memory_space<hbm>> -> memref<1x16x128xf32, #tpu.memory_space<hbm>>
        %dma_wait3A_54 = tpu.memref_squeeze %dma_wait3A_53 : memref<1x16x128xf32, #tpu.memory_space<hbm>> -> memref<16x128xf32, #tpu.memory_space<hbm>>
        %dma_wait3A_55 = arith.constant 9984 : i32
        %dma_wait3A_56 = arith.constant 0 : i32
        %dma_wait3A_57 = tpu.memref_slice %arg4[%arg0, %dma_wait3A_55, %dma_wait3A_56] : memref<2x10000x128xf32, #tpu.memory_space<hbm>> -> memref<1x16x128xf32, #tpu.memory_space<hbm>>
        %dma_wait3A_58 = tpu.memref_squeeze %dma_wait3A_57 : memref<1x16x128xf32, #tpu.memory_space<hbm>> -> memref<16x128xf32, #tpu.memory_space<hbm>>
        %dma_wait3A_59 = arith.constant 0 : i32
        %dma_wait3A_60 = arith.constant 0 : i32
        %dma_wait3A_61 = tpu.memref_slice %arg8[%dma_wait3A_59, %dma_wait3A_60] : memref<128x128xf32, #tpu.memory_space<vmem>> -> memref<16x128xf32, #tpu.memory_space<vmem>>
        tpu.wait_dma2 semaphore(%run_scoped3A : memref<!tpu.dma_semaphore, #tpu.memory_space<semaphore_mem>>) src(%dma_wait3A_61 : memref<16x128xf32, #tpu.memory_space<vmem>>) dst(%dma_wait3A_58 : memref<16x128xf32, #tpu.memory_space<hbm>>)
        tpu.yield
      }) : () -> ()
    } else {
    }
    return
  }
}

#map = affine_map<(d0, d1) -> (0, 0)>
#map1 = affine_map<(d0, d1) -> (0, 0, 0, 0)>
#map2 = affine_map<(d0, d1) -> (0, 0, 0)>
module attributes {stable_mosaic.version = 14 : i64} {
  func.func @body(%arg0: i32, %arg1: i32, %arg2: memref<10000x128xf32, #tpu.memory_space<hbm>>, %arg3: memref<10000x128xf32, #tpu.memory_space<hbm>>, %arg4: memref<2x16x160x128xi32, #tpu.memory_space<hbm>>, %arg5: memref<2x10000x128xf32, #tpu.memory_space<hbm>>, %arg6: memref<10128x128xf32, #tpu.memory_space<vmem_shared>>, %arg7: memref<40x128xi32, #tpu.memory_space<vmem>>, %arg8: memref<40x128xi32, #tpu.memory_space<vmem>>, %arg9: memref<128x128xf32, #tpu.memory_space<vmem>>, %arg10: memref<128x128xf32, #tpu.memory_space<vmem>>, %arg11: memref<!tpu.dma_semaphore, #tpu.memory_space<semaphore_mem>>, %arg12: memref<!tpu.dma_semaphore, #tpu.memory_space<semaphore_mem>>, %arg13: memref<!tpu.dma_semaphore, #tpu.memory_space<semaphore_mem>>, %arg14: memref<!tpu.dma_semaphore, #tpu.memory_space<semaphore_mem>>) attributes {dimension_semantics = [#tpu.dimension_semantics<core_parallel>, #tpu.dimension_semantics<subcore_parallel>], iteration_bounds = array<i64: 2, 16>, scalar_prefetch = 0 : i64, scratch_operands = 9 : i64, tpu.core_type = #tpu.core_type<sc_vector_subcore>, window_params = [{transform_indices = #map}, {transform_indices = #map}, {transform_indices = #map1}, {transform_indices = #map2}]} {
    %eq3A = arith.constant 0 : i32
    %eq3A_0 = arith.cmpi eq, %arg0, %eq3A : i32
    %convert_element_type3A = arith.extui %eq3A_0 : i1 to i32
    %cond3A = arith.constant 0 : i32
    %cond3A_1 = arith.cmpi ne, %convert_element_type3A, %cond3A : i32
    scf.if %cond3A_1 {
      %lt3A_29 = arith.constant 15 : i32
      %lt3A_30 = arith.cmpi slt, %arg1, %lt3A_29 : i32
      %convert_element_type3A_31 = arith.extui %lt3A_30 : i1 to i32
      %cond3A_32 = arith.constant 0 : i32
      %cond3A_33 = arith.cmpi ne, %convert_element_type3A_31, %cond3A_32 : i32
      scf.if %cond3A_33 {
        %scan3A_39 = arith.constant 0 : i32
        %scan3A_40 = arith.constant 0 : i32
        %scan3A_41 = arith.constant 5 : i32
        %scan3A_42 = arith.addi %scan3A_40, %scan3A_41 : i32
        %scan3A_43 = arith.constant 1 : i32
        scf.for %scan3A_45 = %scan3A_40 to %scan3A_42 step %scan3A_43  : i32 {
          %mul3A = arith.constant 640 : i32
          %mul3A_46 = arith.muli %arg1, %mul3A : i32
          %mul3A_47 = arith.constant 128 : i32
          %mul3A_48 = arith.muli %scan3A_45, %mul3A_47 : i32
          %add3A = arith.addi %mul3A_46, %mul3A_48 : i32
          "tpu.region"() ({
            %run_scoped3A = tpu.sem_alloc : memref<!tpu.dma_semaphore, #tpu.memory_space<semaphore_mem>>
            %dma_start3A_49 = arith.constant 0 : i32
            %dma_start3A_50 = arith.constant 0 : i32
            %dma_start3A_51 = tpu.memref_slice %arg9[%dma_start3A_49, %dma_start3A_50] : memref<128x128xf32, #tpu.memory_space<vmem>> -> memref<128x128xf32, #tpu.memory_space<vmem>>
            %dma_start3A_52 = arith.constant 0 : i32
            %dma_start3A_53 = tpu.memref_slice %arg2[%add3A, %dma_start3A_52] : memref<10000x128xf32, #tpu.memory_space<hbm>> -> memref<128x128xf32, #tpu.memory_space<hbm>>
            %dma_start3A_54 = arith.constant 0 : i32
            %dma_start3A_55 = arith.constant 0 : i32
            %dma_start3A_56 = tpu.memref_slice %arg9[%dma_start3A_54, %dma_start3A_55] : memref<128x128xf32, #tpu.memory_space<vmem>> -> memref<128x128xf32, #tpu.memory_space<vmem>>
            %dma_start3A_57 = arith.constant 0 : i32
            %dma_start3A_58 = tpu.memref_slice %arg2[%add3A, %dma_start3A_57] : memref<10000x128xf32, #tpu.memory_space<hbm>> -> memref<128x128xf32, #tpu.memory_space<hbm>>
            tpu.enqueue_dma source(%dma_start3A_58 : memref<128x128xf32, #tpu.memory_space<hbm>>) target(%dma_start3A_56 : memref<128x128xf32, #tpu.memory_space<vmem>>) target_semaphore(%run_scoped3A : memref<!tpu.dma_semaphore, #tpu.memory_space<semaphore_mem>>)
            %dma_wait3A = arith.constant 0 : i32
            %dma_wait3A_59 = arith.constant 0 : i32
            %dma_wait3A_60 = tpu.memref_slice %arg9[%dma_wait3A, %dma_wait3A_59] : memref<128x128xf32, #tpu.memory_space<vmem>> -> memref<128x128xf32, #tpu.memory_space<vmem>>
            %dma_wait3A_61 = arith.constant 0 : i32
            %dma_wait3A_62 = tpu.memref_slice %arg2[%add3A, %dma_wait3A_61] : memref<10000x128xf32, #tpu.memory_space<hbm>> -> memref<128x128xf32, #tpu.memory_space<hbm>>
            %dma_wait3A_63 = arith.constant 0 : i32
            %dma_wait3A_64 = arith.constant 0 : i32
            %dma_wait3A_65 = tpu.memref_slice %arg9[%dma_wait3A_63, %dma_wait3A_64] : memref<128x128xf32, #tpu.memory_space<vmem>> -> memref<128x128xf32, #tpu.memory_space<vmem>>
            %dma_wait3A_66 = arith.constant 0 : i32
            %dma_wait3A_67 = tpu.memref_slice %arg2[%add3A, %dma_wait3A_66] : memref<10000x128xf32, #tpu.memory_space<hbm>> -> memref<128x128xf32, #tpu.memory_space<hbm>>
            tpu.wait_dma2 semaphore(%run_scoped3A : memref<!tpu.dma_semaphore, #tpu.memory_space<semaphore_mem>>) src(%dma_wait3A_67 : memref<128x128xf32, #tpu.memory_space<hbm>>) dst(%dma_wait3A_65 : memref<128x128xf32, #tpu.memory_space<vmem>>)
            tpu.yield
          }) : () -> ()
          "tpu.region"() ({
            %run_scoped3A = tpu.sem_alloc : memref<!tpu.dma_semaphore, #tpu.memory_space<semaphore_mem>>
            %dma_start3A_49 = arith.constant 0 : i32
            %dma_start3A_50 = arith.constant 0 : i32
            %dma_start3A_51 = tpu.memref_slice %arg9[%dma_start3A_49, %dma_start3A_50] : memref<128x128xf32, #tpu.memory_space<vmem>> -> memref<128x128xf32, #tpu.memory_space<vmem>>
            %dma_start3A_52 = arith.constant 0 : i32
            %dma_start3A_53 = tpu.memref_slice %arg6[%add3A, %dma_start3A_52] : memref<10128x128xf32, #tpu.memory_space<vmem_shared>> -> memref<128x128xf32, #tpu.memory_space<vmem_shared>>
            %dma_start3A_54 = arith.constant 0 : i32
            %dma_start3A_55 = tpu.memref_slice %arg6[%add3A, %dma_start3A_54] : memref<10128x128xf32, #tpu.memory_space<vmem_shared>> -> memref<128x128xf32, #tpu.memory_space<vmem_shared>>
            %dma_start3A_56 = arith.constant 0 : i32
            %dma_start3A_57 = arith.constant 0 : i32
            %dma_start3A_58 = tpu.memref_slice %arg9[%dma_start3A_56, %dma_start3A_57] : memref<128x128xf32, #tpu.memory_space<vmem>> -> memref<128x128xf32, #tpu.memory_space<vmem>>
            tpu.enqueue_dma source(%dma_start3A_58 : memref<128x128xf32, #tpu.memory_space<vmem>>) target(%dma_start3A_55 : memref<128x128xf32, #tpu.memory_space<vmem_shared>>) target_semaphore(%run_scoped3A : memref<!tpu.dma_semaphore, #tpu.memory_space<semaphore_mem>>)
            %dma_wait3A = arith.constant 0 : i32
            %dma_wait3A_59 = arith.constant 0 : i32
            %dma_wait3A_60 = tpu.memref_slice %arg9[%dma_wait3A, %dma_wait3A_59] : memref<128x128xf32, #tpu.memory_space<vmem>> -> memref<128x128xf32, #tpu.memory_space<vmem>>
            %dma_wait3A_61 = arith.constant 0 : i32
            %dma_wait3A_62 = tpu.memref_slice %arg6[%add3A, %dma_wait3A_61] : memref<10128x128xf32, #tpu.memory_space<vmem_shared>> -> memref<128x128xf32, #tpu.memory_space<vmem_shared>>
            %dma_wait3A_63 = arith.constant 0 : i32
            %dma_wait3A_64 = tpu.memref_slice %arg6[%add3A, %dma_wait3A_63] : memref<10128x128xf32, #tpu.memory_space<vmem_shared>> -> memref<128x128xf32, #tpu.memory_space<vmem_shared>>
            %dma_wait3A_65 = arith.constant 0 : i32
            %dma_wait3A_66 = arith.constant 0 : i32
            %dma_wait3A_67 = tpu.memref_slice %arg9[%dma_wait3A_65, %dma_wait3A_66] : memref<128x128xf32, #tpu.memory_space<vmem>> -> memref<128x128xf32, #tpu.memory_space<vmem>>
            tpu.wait_dma2 semaphore(%run_scoped3A : memref<!tpu.dma_semaphore, #tpu.memory_space<semaphore_mem>>) src(%dma_wait3A_67 : memref<128x128xf32, #tpu.memory_space<vmem>>) dst(%dma_wait3A_64 : memref<128x128xf32, #tpu.memory_space<vmem_shared>>)
            tpu.yield
          }) : () -> ()
        }
        %scan3A_44 = arith.constant 5 : i32
      } else {
      }
      %eq3A_34 = arith.constant 15 : i32
      %eq3A_35 = arith.cmpi eq, %arg1, %eq3A_34 : i32
      %convert_element_type3A_36 = arith.extui %eq3A_35 : i1 to i32
      %cond3A_37 = arith.constant 0 : i32
      %cond3A_38 = arith.cmpi ne, %convert_element_type3A_36, %cond3A_37 : i32
      scf.if %cond3A_38 {
        %scan3A_39 = arith.constant 0 : i32
        %scan3A_40 = arith.constant 0 : i32
        %scan3A_41 = arith.constant 3 : i32
        %scan3A_42 = arith.addi %scan3A_40, %scan3A_41 : i32
        %scan3A_43 = arith.constant 1 : i32
        scf.for %scan3A_45 = %scan3A_40 to %scan3A_42 step %scan3A_43  : i32 {
          %mul3A = arith.constant 128 : i32
          %mul3A_46 = arith.muli %scan3A_45, %mul3A : i32
          %add3A = arith.constant 9600 : i32
          %add3A_47 = arith.addi %add3A, %mul3A_46 : i32
          "tpu.region"() ({
            %run_scoped3A = tpu.sem_alloc : memref<!tpu.dma_semaphore, #tpu.memory_space<semaphore_mem>>
            %dma_start3A_48 = arith.constant 0 : i32
            %dma_start3A_49 = arith.constant 0 : i32
            %dma_start3A_50 = tpu.memref_slice %arg9[%dma_start3A_48, %dma_start3A_49] : memref<128x128xf32, #tpu.memory_space<vmem>> -> memref<128x128xf32, #tpu.memory_space<vmem>>
            %dma_start3A_51 = arith.constant 0 : i32
            %dma_start3A_52 = tpu.memref_slice %arg2[%add3A_47, %dma_start3A_51] : memref<10000x128xf32, #tpu.memory_space<hbm>> -> memref<128x128xf32, #tpu.memory_space<hbm>>
            %dma_start3A_53 = arith.constant 0 : i32
            %dma_start3A_54 = arith.constant 0 : i32
            %dma_start3A_55 = tpu.memref_slice %arg9[%dma_start3A_53, %dma_start3A_54] : memref<128x128xf32, #tpu.memory_space<vmem>> -> memref<128x128xf32, #tpu.memory_space<vmem>>
            %dma_start3A_56 = arith.constant 0 : i32
            %dma_start3A_57 = tpu.memref_slice %arg2[%add3A_47, %dma_start3A_56] : memref<10000x128xf32, #tpu.memory_space<hbm>> -> memref<128x128xf32, #tpu.memory_space<hbm>>
            tpu.enqueue_dma source(%dma_start3A_57 : memref<128x128xf32, #tpu.memory_space<hbm>>) target(%dma_start3A_55 : memref<128x128xf32, #tpu.memory_space<vmem>>) target_semaphore(%run_scoped3A : memref<!tpu.dma_semaphore, #tpu.memory_space<semaphore_mem>>)
            %dma_wait3A = arith.constant 0 : i32
            %dma_wait3A_58 = arith.constant 0 : i32
            %dma_wait3A_59 = tpu.memref_slice %arg9[%dma_wait3A, %dma_wait3A_58] : memref<128x128xf32, #tpu.memory_space<vmem>> -> memref<128x128xf32, #tpu.memory_space<vmem>>
            %dma_wait3A_60 = arith.constant 0 : i32
            %dma_wait3A_61 = tpu.memref_slice %arg2[%add3A_47, %dma_wait3A_60] : memref<10000x128xf32, #tpu.memory_space<hbm>> -> memref<128x128xf32, #tpu.memory_space<hbm>>
            %dma_wait3A_62 = arith.constant 0 : i32
            %dma_wait3A_63 = arith.constant 0 : i32
            %dma_wait3A_64 = tpu.memref_slice %arg9[%dma_wait3A_62, %dma_wait3A_63] : memref<128x128xf32, #tpu.memory_space<vmem>> -> memref<128x128xf32, #tpu.memory_space<vmem>>
            %dma_wait3A_65 = arith.constant 0 : i32
            %dma_wait3A_66 = tpu.memref_slice %arg2[%add3A_47, %dma_wait3A_65] : memref<10000x128xf32, #tpu.memory_space<hbm>> -> memref<128x128xf32, #tpu.memory_space<hbm>>
            tpu.wait_dma2 semaphore(%run_scoped3A : memref<!tpu.dma_semaphore, #tpu.memory_space<semaphore_mem>>) src(%dma_wait3A_66 : memref<128x128xf32, #tpu.memory_space<hbm>>) dst(%dma_wait3A_64 : memref<128x128xf32, #tpu.memory_space<vmem>>)
            tpu.yield
          }) : () -> ()
          "tpu.region"() ({
            %run_scoped3A = tpu.sem_alloc : memref<!tpu.dma_semaphore, #tpu.memory_space<semaphore_mem>>
            %dma_start3A_48 = arith.constant 0 : i32
            %dma_start3A_49 = arith.constant 0 : i32
            %dma_start3A_50 = tpu.memref_slice %arg9[%dma_start3A_48, %dma_start3A_49] : memref<128x128xf32, #tpu.memory_space<vmem>> -> memref<128x128xf32, #tpu.memory_space<vmem>>
            %dma_start3A_51 = arith.constant 0 : i32
            %dma_start3A_52 = tpu.memref_slice %arg6[%add3A_47, %dma_start3A_51] : memref<10128x128xf32, #tpu.memory_space<vmem_shared>> -> memref<128x128xf32, #tpu.memory_space<vmem_shared>>
            %dma_start3A_53 = arith.constant 0 : i32
            %dma_start3A_54 = tpu.memref_slice %arg6[%add3A_47, %dma_start3A_53] : memref<10128x128xf32, #tpu.memory_space<vmem_shared>> -> memref<128x128xf32, #tpu.memory_space<vmem_shared>>
            %dma_start3A_55 = arith.constant 0 : i32
            %dma_start3A_56 = arith.constant 0 : i32
            %dma_start3A_57 = tpu.memref_slice %arg9[%dma_start3A_55, %dma_start3A_56] : memref<128x128xf32, #tpu.memory_space<vmem>> -> memref<128x128xf32, #tpu.memory_space<vmem>>
            tpu.enqueue_dma source(%dma_start3A_57 : memref<128x128xf32, #tpu.memory_space<vmem>>) target(%dma_start3A_54 : memref<128x128xf32, #tpu.memory_space<vmem_shared>>) target_semaphore(%run_scoped3A : memref<!tpu.dma_semaphore, #tpu.memory_space<semaphore_mem>>)
            %dma_wait3A = arith.constant 0 : i32
            %dma_wait3A_58 = arith.constant 0 : i32
            %dma_wait3A_59 = tpu.memref_slice %arg9[%dma_wait3A, %dma_wait3A_58] : memref<128x128xf32, #tpu.memory_space<vmem>> -> memref<128x128xf32, #tpu.memory_space<vmem>>
            %dma_wait3A_60 = arith.constant 0 : i32
            %dma_wait3A_61 = tpu.memref_slice %arg6[%add3A_47, %dma_wait3A_60] : memref<10128x128xf32, #tpu.memory_space<vmem_shared>> -> memref<128x128xf32, #tpu.memory_space<vmem_shared>>
            %dma_wait3A_62 = arith.constant 0 : i32
            %dma_wait3A_63 = tpu.memref_slice %arg6[%add3A_47, %dma_wait3A_62] : memref<10128x128xf32, #tpu.memory_space<vmem_shared>> -> memref<128x128xf32, #tpu.memory_space<vmem_shared>>
            %dma_wait3A_64 = arith.constant 0 : i32
            %dma_wait3A_65 = arith.constant 0 : i32
            %dma_wait3A_66 = tpu.memref_slice %arg9[%dma_wait3A_64, %dma_wait3A_65] : memref<128x128xf32, #tpu.memory_space<vmem>> -> memref<128x128xf32, #tpu.memory_space<vmem>>
            tpu.wait_dma2 semaphore(%run_scoped3A : memref<!tpu.dma_semaphore, #tpu.memory_space<semaphore_mem>>) src(%dma_wait3A_66 : memref<128x128xf32, #tpu.memory_space<vmem>>) dst(%dma_wait3A_63 : memref<128x128xf32, #tpu.memory_space<vmem_shared>>)
            tpu.yield
          }) : () -> ()
        }
        %scan3A_44 = arith.constant 3 : i32
        "tpu.region"() ({
          %run_scoped3A = tpu.sem_alloc : memref<!tpu.dma_semaphore, #tpu.memory_space<semaphore_mem>>
          %dma_start3A_45 = arith.constant 0 : i32
          %dma_start3A_46 = arith.constant 0 : i32
          %dma_start3A_47 = tpu.memref_slice %arg9[%dma_start3A_45, %dma_start3A_46] : memref<128x128xf32, #tpu.memory_space<vmem>> -> memref<16x128xf32, #tpu.memory_space<vmem>>
          %dma_start3A_48 = arith.constant 9984 : i32
          %dma_start3A_49 = arith.constant 0 : i32
          %dma_start3A_50 = tpu.memref_slice %arg2[%dma_start3A_48, %dma_start3A_49] : memref<10000x128xf32, #tpu.memory_space<hbm>> -> memref<16x128xf32, #tpu.memory_space<hbm>>
          %dma_start3A_51 = arith.constant 0 : i32
          %dma_start3A_52 = arith.constant 0 : i32
          %dma_start3A_53 = tpu.memref_slice %arg9[%dma_start3A_51, %dma_start3A_52] : memref<128x128xf32, #tpu.memory_space<vmem>> -> memref<16x128xf32, #tpu.memory_space<vmem>>
          %dma_start3A_54 = arith.constant 9984 : i32
          %dma_start3A_55 = arith.constant 0 : i32
          %dma_start3A_56 = tpu.memref_slice %arg2[%dma_start3A_54, %dma_start3A_55] : memref<10000x128xf32, #tpu.memory_space<hbm>> -> memref<16x128xf32, #tpu.memory_space<hbm>>
          tpu.enqueue_dma source(%dma_start3A_56 : memref<16x128xf32, #tpu.memory_space<hbm>>) target(%dma_start3A_53 : memref<16x128xf32, #tpu.memory_space<vmem>>) target_semaphore(%run_scoped3A : memref<!tpu.dma_semaphore, #tpu.memory_space<semaphore_mem>>)
          %dma_wait3A = arith.constant 0 : i32
          %dma_wait3A_57 = arith.constant 0 : i32
          %dma_wait3A_58 = tpu.memref_slice %arg9[%dma_wait3A, %dma_wait3A_57] : memref<128x128xf32, #tpu.memory_space<vmem>> -> memref<16x128xf32, #tpu.memory_space<vmem>>
          %dma_wait3A_59 = arith.constant 9984 : i32
          %dma_wait3A_60 = arith.constant 0 : i32
          %dma_wait3A_61 = tpu.memref_slice %arg2[%dma_wait3A_59, %dma_wait3A_60] : memref<10000x128xf32, #tpu.memory_space<hbm>> -> memref<16x128xf32, #tpu.memory_space<hbm>>
          %dma_wait3A_62 = arith.constant 0 : i32
          %dma_wait3A_63 = arith.constant 0 : i32
          %dma_wait3A_64 = tpu.memref_slice %arg9[%dma_wait3A_62, %dma_wait3A_63] : memref<128x128xf32, #tpu.memory_space<vmem>> -> memref<16x128xf32, #tpu.memory_space<vmem>>
          %dma_wait3A_65 = arith.constant 9984 : i32
          %dma_wait3A_66 = arith.constant 0 : i32
          %dma_wait3A_67 = tpu.memref_slice %arg2[%dma_wait3A_65, %dma_wait3A_66] : memref<10000x128xf32, #tpu.memory_space<hbm>> -> memref<16x128xf32, #tpu.memory_space<hbm>>
          tpu.wait_dma2 semaphore(%run_scoped3A : memref<!tpu.dma_semaphore, #tpu.memory_space<semaphore_mem>>) src(%dma_wait3A_67 : memref<16x128xf32, #tpu.memory_space<hbm>>) dst(%dma_wait3A_64 : memref<16x128xf32, #tpu.memory_space<vmem>>)
          tpu.yield
        }) : () -> ()
        "tpu.region"() ({
          %run_scoped3A = tpu.sem_alloc : memref<!tpu.dma_semaphore, #tpu.memory_space<semaphore_mem>>
          %dma_start3A_45 = arith.constant 0 : i32
          %dma_start3A_46 = arith.constant 0 : i32
          %dma_start3A_47 = tpu.memref_slice %arg9[%dma_start3A_45, %dma_start3A_46] : memref<128x128xf32, #tpu.memory_space<vmem>> -> memref<16x128xf32, #tpu.memory_space<vmem>>
          %dma_start3A_48 = arith.constant 9984 : i32
          %dma_start3A_49 = arith.constant 0 : i32
          %dma_start3A_50 = tpu.memref_slice %arg6[%dma_start3A_48, %dma_start3A_49] : memref<10128x128xf32, #tpu.memory_space<vmem_shared>> -> memref<16x128xf32, #tpu.memory_space<vmem_shared>>
          %dma_start3A_51 = arith.constant 9984 : i32
          %dma_start3A_52 = arith.constant 0 : i32
          %dma_start3A_53 = tpu.memref_slice %arg6[%dma_start3A_51, %dma_start3A_52] : memref<10128x128xf32, #tpu.memory_space<vmem_shared>> -> memref<16x128xf32, #tpu.memory_space<vmem_shared>>
          %dma_start3A_54 = arith.constant 0 : i32
          %dma_start3A_55 = arith.constant 0 : i32
          %dma_start3A_56 = tpu.memref_slice %arg9[%dma_start3A_54, %dma_start3A_55] : memref<128x128xf32, #tpu.memory_space<vmem>> -> memref<16x128xf32, #tpu.memory_space<vmem>>
          tpu.enqueue_dma source(%dma_start3A_56 : memref<16x128xf32, #tpu.memory_space<vmem>>) target(%dma_start3A_53 : memref<16x128xf32, #tpu.memory_space<vmem_shared>>) target_semaphore(%run_scoped3A : memref<!tpu.dma_semaphore, #tpu.memory_space<semaphore_mem>>)
          %dma_wait3A = arith.constant 0 : i32
          %dma_wait3A_57 = arith.constant 0 : i32
          %dma_wait3A_58 = tpu.memref_slice %arg9[%dma_wait3A, %dma_wait3A_57] : memref<128x128xf32, #tpu.memory_space<vmem>> -> memref<16x128xf32, #tpu.memory_space<vmem>>
          %dma_wait3A_59 = arith.constant 9984 : i32
          %dma_wait3A_60 = arith.constant 0 : i32
          %dma_wait3A_61 = tpu.memref_slice %arg6[%dma_wait3A_59, %dma_wait3A_60] : memref<10128x128xf32, #tpu.memory_space<vmem_shared>> -> memref<16x128xf32, #tpu.memory_space<vmem_shared>>
          %dma_wait3A_62 = arith.constant 9984 : i32
          %dma_wait3A_63 = arith.constant 0 : i32
          %dma_wait3A_64 = tpu.memref_slice %arg6[%dma_wait3A_62, %dma_wait3A_63] : memref<10128x128xf32, #tpu.memory_space<vmem_shared>> -> memref<16x128xf32, #tpu.memory_space<vmem_shared>>
          %dma_wait3A_65 = arith.constant 0 : i32
          %dma_wait3A_66 = arith.constant 0 : i32
          %dma_wait3A_67 = tpu.memref_slice %arg9[%dma_wait3A_65, %dma_wait3A_66] : memref<128x128xf32, #tpu.memory_space<vmem>> -> memref<16x128xf32, #tpu.memory_space<vmem>>
          tpu.wait_dma2 semaphore(%run_scoped3A : memref<!tpu.dma_semaphore, #tpu.memory_space<semaphore_mem>>) src(%dma_wait3A_67 : memref<16x128xf32, #tpu.memory_space<vmem>>) dst(%dma_wait3A_64 : memref<16x128xf32, #tpu.memory_space<vmem_shared>>)
          tpu.yield
        }) : () -> ()
      } else {
      }
    } else {
    }
    %eq3A_2 = arith.constant 1 : i32
    %eq3A_3 = arith.cmpi eq, %arg0, %eq3A_2 : i32
    %convert_element_type3A_4 = arith.extui %eq3A_3 : i1 to i32
    %cond3A_5 = arith.constant 0 : i32
    %cond3A_6 = arith.cmpi ne, %convert_element_type3A_4, %cond3A_5 : i32
    scf.if %cond3A_6 {
      %lt3A_29 = arith.constant 15 : i32
      %lt3A_30 = arith.cmpi slt, %arg1, %lt3A_29 : i32
      %convert_element_type3A_31 = arith.extui %lt3A_30 : i1 to i32
      %cond3A_32 = arith.constant 0 : i32
      %cond3A_33 = arith.cmpi ne, %convert_element_type3A_31, %cond3A_32 : i32
      scf.if %cond3A_33 {
        %scan3A_39 = arith.constant 0 : i32
        %scan3A_40 = arith.constant 0 : i32
        %scan3A_41 = arith.constant 5 : i32
        %scan3A_42 = arith.addi %scan3A_40, %scan3A_41 : i32
        %scan3A_43 = arith.constant 1 : i32
        scf.for %scan3A_45 = %scan3A_40 to %scan3A_42 step %scan3A_43  : i32 {
          %mul3A = arith.constant 640 : i32
          %mul3A_46 = arith.muli %arg1, %mul3A : i32
          %mul3A_47 = arith.constant 128 : i32
          %mul3A_48 = arith.muli %scan3A_45, %mul3A_47 : i32
          %add3A = arith.addi %mul3A_46, %mul3A_48 : i32
          "tpu.region"() ({
            %run_scoped3A = tpu.sem_alloc : memref<!tpu.dma_semaphore, #tpu.memory_space<semaphore_mem>>
            %dma_start3A_49 = arith.constant 0 : i32
            %dma_start3A_50 = arith.constant 0 : i32
            %dma_start3A_51 = tpu.memref_slice %arg9[%dma_start3A_49, %dma_start3A_50] : memref<128x128xf32, #tpu.memory_space<vmem>> -> memref<128x128xf32, #tpu.memory_space<vmem>>
            %dma_start3A_52 = arith.constant 0 : i32
            %dma_start3A_53 = tpu.memref_slice %arg3[%add3A, %dma_start3A_52] : memref<10000x128xf32, #tpu.memory_space<hbm>> -> memref<128x128xf32, #tpu.memory_space<hbm>>
            %dma_start3A_54 = arith.constant 0 : i32
            %dma_start3A_55 = arith.constant 0 : i32
            %dma_start3A_56 = tpu.memref_slice %arg9[%dma_start3A_54, %dma_start3A_55] : memref<128x128xf32, #tpu.memory_space<vmem>> -> memref<128x128xf32, #tpu.memory_space<vmem>>
            %dma_start3A_57 = arith.constant 0 : i32
            %dma_start3A_58 = tpu.memref_slice %arg3[%add3A, %dma_start3A_57] : memref<10000x128xf32, #tpu.memory_space<hbm>> -> memref<128x128xf32, #tpu.memory_space<hbm>>
            tpu.enqueue_dma source(%dma_start3A_58 : memref<128x128xf32, #tpu.memory_space<hbm>>) target(%dma_start3A_56 : memref<128x128xf32, #tpu.memory_space<vmem>>) target_semaphore(%run_scoped3A : memref<!tpu.dma_semaphore, #tpu.memory_space<semaphore_mem>>)
            %dma_wait3A = arith.constant 0 : i32
            %dma_wait3A_59 = arith.constant 0 : i32
            %dma_wait3A_60 = tpu.memref_slice %arg9[%dma_wait3A, %dma_wait3A_59] : memref<128x128xf32, #tpu.memory_space<vmem>> -> memref<128x128xf32, #tpu.memory_space<vmem>>
            %dma_wait3A_61 = arith.constant 0 : i32
            %dma_wait3A_62 = tpu.memref_slice %arg3[%add3A, %dma_wait3A_61] : memref<10000x128xf32, #tpu.memory_space<hbm>> -> memref<128x128xf32, #tpu.memory_space<hbm>>
            %dma_wait3A_63 = arith.constant 0 : i32
            %dma_wait3A_64 = arith.constant 0 : i32
            %dma_wait3A_65 = tpu.memref_slice %arg9[%dma_wait3A_63, %dma_wait3A_64] : memref<128x128xf32, #tpu.memory_space<vmem>> -> memref<128x128xf32, #tpu.memory_space<vmem>>
            %dma_wait3A_66 = arith.constant 0 : i32
            %dma_wait3A_67 = tpu.memref_slice %arg3[%add3A, %dma_wait3A_66] : memref<10000x128xf32, #tpu.memory_space<hbm>> -> memref<128x128xf32, #tpu.memory_space<hbm>>
            tpu.wait_dma2 semaphore(%run_scoped3A : memref<!tpu.dma_semaphore, #tpu.memory_space<semaphore_mem>>) src(%dma_wait3A_67 : memref<128x128xf32, #tpu.memory_space<hbm>>) dst(%dma_wait3A_65 : memref<128x128xf32, #tpu.memory_space<vmem>>)
            tpu.yield
          }) : () -> ()
          "tpu.region"() ({
            %run_scoped3A = tpu.sem_alloc : memref<!tpu.dma_semaphore, #tpu.memory_space<semaphore_mem>>
            %dma_start3A_49 = arith.constant 0 : i32
            %dma_start3A_50 = arith.constant 0 : i32
            %dma_start3A_51 = tpu.memref_slice %arg9[%dma_start3A_49, %dma_start3A_50] : memref<128x128xf32, #tpu.memory_space<vmem>> -> memref<128x128xf32, #tpu.memory_space<vmem>>
            %dma_start3A_52 = arith.constant 0 : i32
            %dma_start3A_53 = tpu.memref_slice %arg6[%add3A, %dma_start3A_52] : memref<10128x128xf32, #tpu.memory_space<vmem_shared>> -> memref<128x128xf32, #tpu.memory_space<vmem_shared>>
            %dma_start3A_54 = arith.constant 0 : i32
            %dma_start3A_55 = tpu.memref_slice %arg6[%add3A, %dma_start3A_54] : memref<10128x128xf32, #tpu.memory_space<vmem_shared>> -> memref<128x128xf32, #tpu.memory_space<vmem_shared>>
            %dma_start3A_56 = arith.constant 0 : i32
            %dma_start3A_57 = arith.constant 0 : i32
            %dma_start3A_58 = tpu.memref_slice %arg9[%dma_start3A_56, %dma_start3A_57] : memref<128x128xf32, #tpu.memory_space<vmem>> -> memref<128x128xf32, #tpu.memory_space<vmem>>
            tpu.enqueue_dma source(%dma_start3A_58 : memref<128x128xf32, #tpu.memory_space<vmem>>) target(%dma_start3A_55 : memref<128x128xf32, #tpu.memory_space<vmem_shared>>) target_semaphore(%run_scoped3A : memref<!tpu.dma_semaphore, #tpu.memory_space<semaphore_mem>>)
            %dma_wait3A = arith.constant 0 : i32
            %dma_wait3A_59 = arith.constant 0 : i32
            %dma_wait3A_60 = tpu.memref_slice %arg9[%dma_wait3A, %dma_wait3A_59] : memref<128x128xf32, #tpu.memory_space<vmem>> -> memref<128x128xf32, #tpu.memory_space<vmem>>
            %dma_wait3A_61 = arith.constant 0 : i32
            %dma_wait3A_62 = tpu.memref_slice %arg6[%add3A, %dma_wait3A_61] : memref<10128x128xf32, #tpu.memory_space<vmem_shared>> -> memref<128x128xf32, #tpu.memory_space<vmem_shared>>
            %dma_wait3A_63 = arith.constant 0 : i32
            %dma_wait3A_64 = tpu.memref_slice %arg6[%add3A, %dma_wait3A_63] : memref<10128x128xf32, #tpu.memory_space<vmem_shared>> -> memref<128x128xf32, #tpu.memory_space<vmem_shared>>
            %dma_wait3A_65 = arith.constant 0 : i32
            %dma_wait3A_66 = arith.constant 0 : i32
            %dma_wait3A_67 = tpu.memref_slice %arg9[%dma_wait3A_65, %dma_wait3A_66] : memref<128x128xf32, #tpu.memory_space<vmem>> -> memref<128x128xf32, #tpu.memory_space<vmem>>
            tpu.wait_dma2 semaphore(%run_scoped3A : memref<!tpu.dma_semaphore, #tpu.memory_space<semaphore_mem>>) src(%dma_wait3A_67 : memref<128x128xf32, #tpu.memory_space<vmem>>) dst(%dma_wait3A_64 : memref<128x128xf32, #tpu.memory_space<vmem_shared>>)
            tpu.yield
          }) : () -> ()
        }
        %scan3A_44 = arith.constant 5 : i32
      } else {
      }
      %eq3A_34 = arith.constant 15 : i32
      %eq3A_35 = arith.cmpi eq, %arg1, %eq3A_34 : i32
      %convert_element_type3A_36 = arith.extui %eq3A_35 : i1 to i32
      %cond3A_37 = arith.constant 0 : i32
      %cond3A_38 = arith.cmpi ne, %convert_element_type3A_36, %cond3A_37 : i32
      scf.if %cond3A_38 {
        %scan3A_39 = arith.constant 0 : i32
        %scan3A_40 = arith.constant 0 : i32
        %scan3A_41 = arith.constant 3 : i32
        %scan3A_42 = arith.addi %scan3A_40, %scan3A_41 : i32
        %scan3A_43 = arith.constant 1 : i32
        scf.for %scan3A_45 = %scan3A_40 to %scan3A_42 step %scan3A_43  : i32 {
          %mul3A = arith.constant 128 : i32
          %mul3A_46 = arith.muli %scan3A_45, %mul3A : i32
          %add3A = arith.constant 9600 : i32
          %add3A_47 = arith.addi %add3A, %mul3A_46 : i32
          "tpu.region"() ({
            %run_scoped3A = tpu.sem_alloc : memref<!tpu.dma_semaphore, #tpu.memory_space<semaphore_mem>>
            %dma_start3A_48 = arith.constant 0 : i32
            %dma_start3A_49 = arith.constant 0 : i32
            %dma_start3A_50 = tpu.memref_slice %arg9[%dma_start3A_48, %dma_start3A_49] : memref<128x128xf32, #tpu.memory_space<vmem>> -> memref<128x128xf32, #tpu.memory_space<vmem>>
            %dma_start3A_51 = arith.constant 0 : i32
            %dma_start3A_52 = tpu.memref_slice %arg3[%add3A_47, %dma_start3A_51] : memref<10000x128xf32, #tpu.memory_space<hbm>> -> memref<128x128xf32, #tpu.memory_space<hbm>>
            %dma_start3A_53 = arith.constant 0 : i32
            %dma_start3A_54 = arith.constant 0 : i32
            %dma_start3A_55 = tpu.memref_slice %arg9[%dma_start3A_53, %dma_start3A_54] : memref<128x128xf32, #tpu.memory_space<vmem>> -> memref<128x128xf32, #tpu.memory_space<vmem>>
            %dma_start3A_56 = arith.constant 0 : i32
            %dma_start3A_57 = tpu.memref_slice %arg3[%add3A_47, %dma_start3A_56] : memref<10000x128xf32, #tpu.memory_space<hbm>> -> memref<128x128xf32, #tpu.memory_space<hbm>>
            tpu.enqueue_dma source(%dma_start3A_57 : memref<128x128xf32, #tpu.memory_space<hbm>>) target(%dma_start3A_55 : memref<128x128xf32, #tpu.memory_space<vmem>>) target_semaphore(%run_scoped3A : memref<!tpu.dma_semaphore, #tpu.memory_space<semaphore_mem>>)
            %dma_wait3A = arith.constant 0 : i32
            %dma_wait3A_58 = arith.constant 0 : i32
            %dma_wait3A_59 = tpu.memref_slice %arg9[%dma_wait3A, %dma_wait3A_58] : memref<128x128xf32, #tpu.memory_space<vmem>> -> memref<128x128xf32, #tpu.memory_space<vmem>>
            %dma_wait3A_60 = arith.constant 0 : i32
            %dma_wait3A_61 = tpu.memref_slice %arg3[%add3A_47, %dma_wait3A_60] : memref<10000x128xf32, #tpu.memory_space<hbm>> -> memref<128x128xf32, #tpu.memory_space<hbm>>
            %dma_wait3A_62 = arith.constant 0 : i32
            %dma_wait3A_63 = arith.constant 0 : i32
            %dma_wait3A_64 = tpu.memref_slice %arg9[%dma_wait3A_62, %dma_wait3A_63] : memref<128x128xf32, #tpu.memory_space<vmem>> -> memref<128x128xf32, #tpu.memory_space<vmem>>
            %dma_wait3A_65 = arith.constant 0 : i32
            %dma_wait3A_66 = tpu.memref_slice %arg3[%add3A_47, %dma_wait3A_65] : memref<10000x128xf32, #tpu.memory_space<hbm>> -> memref<128x128xf32, #tpu.memory_space<hbm>>
            tpu.wait_dma2 semaphore(%run_scoped3A : memref<!tpu.dma_semaphore, #tpu.memory_space<semaphore_mem>>) src(%dma_wait3A_66 : memref<128x128xf32, #tpu.memory_space<hbm>>) dst(%dma_wait3A_64 : memref<128x128xf32, #tpu.memory_space<vmem>>)
            tpu.yield
          }) : () -> ()
          "tpu.region"() ({
            %run_scoped3A = tpu.sem_alloc : memref<!tpu.dma_semaphore, #tpu.memory_space<semaphore_mem>>
            %dma_start3A_48 = arith.constant 0 : i32
            %dma_start3A_49 = arith.constant 0 : i32
            %dma_start3A_50 = tpu.memref_slice %arg9[%dma_start3A_48, %dma_start3A_49] : memref<128x128xf32, #tpu.memory_space<vmem>> -> memref<128x128xf32, #tpu.memory_space<vmem>>
            %dma_start3A_51 = arith.constant 0 : i32
            %dma_start3A_52 = tpu.memref_slice %arg6[%add3A_47, %dma_start3A_51] : memref<10128x128xf32, #tpu.memory_space<vmem_shared>> -> memref<128x128xf32, #tpu.memory_space<vmem_shared>>
            %dma_start3A_53 = arith.constant 0 : i32
            %dma_start3A_54 = tpu.memref_slice %arg6[%add3A_47, %dma_start3A_53] : memref<10128x128xf32, #tpu.memory_space<vmem_shared>> -> memref<128x128xf32, #tpu.memory_space<vmem_shared>>
            %dma_start3A_55 = arith.constant 0 : i32
            %dma_start3A_56 = arith.constant 0 : i32
            %dma_start3A_57 = tpu.memref_slice %arg9[%dma_start3A_55, %dma_start3A_56] : memref<128x128xf32, #tpu.memory_space<vmem>> -> memref<128x128xf32, #tpu.memory_space<vmem>>
            tpu.enqueue_dma source(%dma_start3A_57 : memref<128x128xf32, #tpu.memory_space<vmem>>) target(%dma_start3A_54 : memref<128x128xf32, #tpu.memory_space<vmem_shared>>) target_semaphore(%run_scoped3A : memref<!tpu.dma_semaphore, #tpu.memory_space<semaphore_mem>>)
            %dma_wait3A = arith.constant 0 : i32
            %dma_wait3A_58 = arith.constant 0 : i32
            %dma_wait3A_59 = tpu.memref_slice %arg9[%dma_wait3A, %dma_wait3A_58] : memref<128x128xf32, #tpu.memory_space<vmem>> -> memref<128x128xf32, #tpu.memory_space<vmem>>
            %dma_wait3A_60 = arith.constant 0 : i32
            %dma_wait3A_61 = tpu.memref_slice %arg6[%add3A_47, %dma_wait3A_60] : memref<10128x128xf32, #tpu.memory_space<vmem_shared>> -> memref<128x128xf32, #tpu.memory_space<vmem_shared>>
            %dma_wait3A_62 = arith.constant 0 : i32
            %dma_wait3A_63 = tpu.memref_slice %arg6[%add3A_47, %dma_wait3A_62] : memref<10128x128xf32, #tpu.memory_space<vmem_shared>> -> memref<128x128xf32, #tpu.memory_space<vmem_shared>>
            %dma_wait3A_64 = arith.constant 0 : i32
            %dma_wait3A_65 = arith.constant 0 : i32
            %dma_wait3A_66 = tpu.memref_slice %arg9[%dma_wait3A_64, %dma_wait3A_65] : memref<128x128xf32, #tpu.memory_space<vmem>> -> memref<128x128xf32, #tpu.memory_space<vmem>>
            tpu.wait_dma2 semaphore(%run_scoped3A : memref<!tpu.dma_semaphore, #tpu.memory_space<semaphore_mem>>) src(%dma_wait3A_66 : memref<128x128xf32, #tpu.memory_space<vmem>>) dst(%dma_wait3A_63 : memref<128x128xf32, #tpu.memory_space<vmem_shared>>)
            tpu.yield
          }) : () -> ()
        }
        %scan3A_44 = arith.constant 3 : i32
        "tpu.region"() ({
          %run_scoped3A = tpu.sem_alloc : memref<!tpu.dma_semaphore, #tpu.memory_space<semaphore_mem>>
          %dma_start3A_45 = arith.constant 0 : i32
          %dma_start3A_46 = arith.constant 0 : i32
          %dma_start3A_47 = tpu.memref_slice %arg9[%dma_start3A_45, %dma_start3A_46] : memref<128x128xf32, #tpu.memory_space<vmem>> -> memref<16x128xf32, #tpu.memory_space<vmem>>
          %dma_start3A_48 = arith.constant 9984 : i32
          %dma_start3A_49 = arith.constant 0 : i32
          %dma_start3A_50 = tpu.memref_slice %arg3[%dma_start3A_48, %dma_start3A_49] : memref<10000x128xf32, #tpu.memory_space<hbm>> -> memref<16x128xf32, #tpu.memory_space<hbm>>
          %dma_start3A_51 = arith.constant 0 : i32
          %dma_start3A_52 = arith.constant 0 : i32
          %dma_start3A_53 = tpu.memref_slice %arg9[%dma_start3A_51, %dma_start3A_52] : memref<128x128xf32, #tpu.memory_space<vmem>> -> memref<16x128xf32, #tpu.memory_space<vmem>>
          %dma_start3A_54 = arith.constant 9984 : i32
          %dma_start3A_55 = arith.constant 0 : i32
          %dma_start3A_56 = tpu.memref_slice %arg3[%dma_start3A_54, %dma_start3A_55] : memref<10000x128xf32, #tpu.memory_space<hbm>> -> memref<16x128xf32, #tpu.memory_space<hbm>>
          tpu.enqueue_dma source(%dma_start3A_56 : memref<16x128xf32, #tpu.memory_space<hbm>>) target(%dma_start3A_53 : memref<16x128xf32, #tpu.memory_space<vmem>>) target_semaphore(%run_scoped3A : memref<!tpu.dma_semaphore, #tpu.memory_space<semaphore_mem>>)
          %dma_wait3A = arith.constant 0 : i32
          %dma_wait3A_57 = arith.constant 0 : i32
          %dma_wait3A_58 = tpu.memref_slice %arg9[%dma_wait3A, %dma_wait3A_57] : memref<128x128xf32, #tpu.memory_space<vmem>> -> memref<16x128xf32, #tpu.memory_space<vmem>>
          %dma_wait3A_59 = arith.constant 9984 : i32
          %dma_wait3A_60 = arith.constant 0 : i32
          %dma_wait3A_61 = tpu.memref_slice %arg3[%dma_wait3A_59, %dma_wait3A_60] : memref<10000x128xf32, #tpu.memory_space<hbm>> -> memref<16x128xf32, #tpu.memory_space<hbm>>
          %dma_wait3A_62 = arith.constant 0 : i32
          %dma_wait3A_63 = arith.constant 0 : i32
          %dma_wait3A_64 = tpu.memref_slice %arg9[%dma_wait3A_62, %dma_wait3A_63] : memref<128x128xf32, #tpu.memory_space<vmem>> -> memref<16x128xf32, #tpu.memory_space<vmem>>
          %dma_wait3A_65 = arith.constant 9984 : i32
          %dma_wait3A_66 = arith.constant 0 : i32
          %dma_wait3A_67 = tpu.memref_slice %arg3[%dma_wait3A_65, %dma_wait3A_66] : memref<10000x128xf32, #tpu.memory_space<hbm>> -> memref<16x128xf32, #tpu.memory_space<hbm>>
          tpu.wait_dma2 semaphore(%run_scoped3A : memref<!tpu.dma_semaphore, #tpu.memory_space<semaphore_mem>>) src(%dma_wait3A_67 : memref<16x128xf32, #tpu.memory_space<hbm>>) dst(%dma_wait3A_64 : memref<16x128xf32, #tpu.memory_space<vmem>>)
          tpu.yield
        }) : () -> ()
        "tpu.region"() ({
          %run_scoped3A = tpu.sem_alloc : memref<!tpu.dma_semaphore, #tpu.memory_space<semaphore_mem>>
          %dma_start3A_45 = arith.constant 0 : i32
          %dma_start3A_46 = arith.constant 0 : i32
          %dma_start3A_47 = tpu.memref_slice %arg9[%dma_start3A_45, %dma_start3A_46] : memref<128x128xf32, #tpu.memory_space<vmem>> -> memref<16x128xf32, #tpu.memory_space<vmem>>
          %dma_start3A_48 = arith.constant 9984 : i32
          %dma_start3A_49 = arith.constant 0 : i32
          %dma_start3A_50 = tpu.memref_slice %arg6[%dma_start3A_48, %dma_start3A_49] : memref<10128x128xf32, #tpu.memory_space<vmem_shared>> -> memref<16x128xf32, #tpu.memory_space<vmem_shared>>
          %dma_start3A_51 = arith.constant 9984 : i32
          %dma_start3A_52 = arith.constant 0 : i32
          %dma_start3A_53 = tpu.memref_slice %arg6[%dma_start3A_51, %dma_start3A_52] : memref<10128x128xf32, #tpu.memory_space<vmem_shared>> -> memref<16x128xf32, #tpu.memory_space<vmem_shared>>
          %dma_start3A_54 = arith.constant 0 : i32
          %dma_start3A_55 = arith.constant 0 : i32
          %dma_start3A_56 = tpu.memref_slice %arg9[%dma_start3A_54, %dma_start3A_55] : memref<128x128xf32, #tpu.memory_space<vmem>> -> memref<16x128xf32, #tpu.memory_space<vmem>>
          tpu.enqueue_dma source(%dma_start3A_56 : memref<16x128xf32, #tpu.memory_space<vmem>>) target(%dma_start3A_53 : memref<16x128xf32, #tpu.memory_space<vmem_shared>>) target_semaphore(%run_scoped3A : memref<!tpu.dma_semaphore, #tpu.memory_space<semaphore_mem>>)
          %dma_wait3A = arith.constant 0 : i32
          %dma_wait3A_57 = arith.constant 0 : i32
          %dma_wait3A_58 = tpu.memref_slice %arg9[%dma_wait3A, %dma_wait3A_57] : memref<128x128xf32, #tpu.memory_space<vmem>> -> memref<16x128xf32, #tpu.memory_space<vmem>>
          %dma_wait3A_59 = arith.constant 9984 : i32
          %dma_wait3A_60 = arith.constant 0 : i32
          %dma_wait3A_61 = tpu.memref_slice %arg6[%dma_wait3A_59, %dma_wait3A_60] : memref<10128x128xf32, #tpu.memory_space<vmem_shared>> -> memref<16x128xf32, #tpu.memory_space<vmem_shared>>
          %dma_wait3A_62 = arith.constant 9984 : i32
          %dma_wait3A_63 = arith.constant 0 : i32
          %dma_wait3A_64 = tpu.memref_slice %arg6[%dma_wait3A_62, %dma_wait3A_63] : memref<10128x128xf32, #tpu.memory_space<vmem_shared>> -> memref<16x128xf32, #tpu.memory_space<vmem_shared>>
          %dma_wait3A_65 = arith.constant 0 : i32
          %dma_wait3A_66 = arith.constant 0 : i32
          %dma_wait3A_67 = tpu.memref_slice %arg9[%dma_wait3A_65, %dma_wait3A_66] : memref<128x128xf32, #tpu.memory_space<vmem>> -> memref<16x128xf32, #tpu.memory_space<vmem>>
          tpu.wait_dma2 semaphore(%run_scoped3A : memref<!tpu.dma_semaphore, #tpu.memory_space<semaphore_mem>>) src(%dma_wait3A_67 : memref<16x128xf32, #tpu.memory_space<vmem>>) dst(%dma_wait3A_64 : memref<16x128xf32, #tpu.memory_space<vmem_shared>>)
          tpu.yield
        }) : () -> ()
      } else {
      }
    } else {
    }
    %barrier3A = arith.constant 0 : index
    tpu.barrier barrier_id(%barrier3A)
    %dma_start3A = arith.constant 0 : i32
    %dma_start3A_7 = arith.constant 0 : i32
    %dma_start3A_8 = tpu.memref_slice %arg4[%arg0, %arg1, %dma_start3A, %dma_start3A_7] : memref<2x16x160x128xi32, #tpu.memory_space<hbm>> -> memref<1x1x40x128xi32, #tpu.memory_space<hbm>>
    %dma_start3A_9 = tpu.memref_squeeze %dma_start3A_8 : memref<1x1x40x128xi32, #tpu.memory_space<hbm>> -> memref<40x128xi32, #tpu.memory_space<hbm>>
    %dma_start3A_10 = arith.constant 0 : i32
    %dma_start3A_11 = arith.constant 0 : i32
    %dma_start3A_12 = tpu.memref_slice %arg4[%arg0, %arg1, %dma_start3A_10, %dma_start3A_11] : memref<2x16x160x128xi32, #tpu.memory_space<hbm>> -> memref<1x1x40x128xi32, #tpu.memory_space<hbm>>
    %dma_start3A_13 = tpu.memref_squeeze %dma_start3A_12 : memref<1x1x40x128xi32, #tpu.memory_space<hbm>> -> memref<40x128xi32, #tpu.memory_space<hbm>>
    tpu.enqueue_dma source(%dma_start3A_13 : memref<40x128xi32, #tpu.memory_space<hbm>>) target(%arg7 : memref<40x128xi32, #tpu.memory_space<vmem>>) target_semaphore(%arg13 : memref<!tpu.dma_semaphore, #tpu.memory_space<semaphore_mem>>)
    %scan3A = arith.constant 0 : i32
    %scan3A_14 = arith.constant 0 : i32
    %scan3A_15 = arith.constant 2 : i32
    %scan3A_16 = arith.addi %scan3A_14, %scan3A_15 : i32
    %scan3A_17 = arith.constant 1 : i32
    scf.for %scan3A_29 = %scan3A_14 to %scan3A_16 step %scan3A_17  : i32 {
      %mul3A = arith.constant 2 : i32
      %mul3A_30 = arith.muli %mul3A, %scan3A_29 : i32
      %dma_wait3A = arith.constant 0 : i32
      %dma_wait3A_31 = arith.constant 0 : i32
      %dma_wait3A_32 = tpu.memref_slice %arg4[%arg0, %arg1, %dma_wait3A, %dma_wait3A_31] : memref<2x16x160x128xi32, #tpu.memory_space<hbm>> -> memref<1x1x40x128xi32, #tpu.memory_space<hbm>>
      %dma_wait3A_33 = tpu.memref_squeeze %dma_wait3A_32 : memref<1x1x40x128xi32, #tpu.memory_space<hbm>> -> memref<40x128xi32, #tpu.memory_space<hbm>>
      %dma_wait3A_34 = arith.constant 0 : i32
      %dma_wait3A_35 = arith.constant 0 : i32
      %dma_wait3A_36 = tpu.memref_slice %arg4[%arg0, %arg1, %dma_wait3A_34, %dma_wait3A_35] : memref<2x16x160x128xi32, #tpu.memory_space<hbm>> -> memref<1x1x40x128xi32, #tpu.memory_space<hbm>>
      %dma_wait3A_37 = tpu.memref_squeeze %dma_wait3A_36 : memref<1x1x40x128xi32, #tpu.memory_space<hbm>> -> memref<40x128xi32, #tpu.memory_space<hbm>>
      tpu.wait_dma2 semaphore(%arg13 : memref<!tpu.dma_semaphore, #tpu.memory_space<semaphore_mem>>) src(%dma_wait3A_37 : memref<40x128xi32, #tpu.memory_space<hbm>>) dst(%arg7 : memref<40x128xi32, #tpu.memory_space<vmem>>)
      %add3A = arith.constant 1 : i32
      %add3A_38 = arith.addi %mul3A_30, %add3A : i32
      %mul3A_39 = arith.constant 40 : i32
      %mul3A_40 = arith.muli %add3A_38, %mul3A_39 : i32
      %dma_start3A_41 = arith.constant 0 : i32
      %dma_start3A_42 = tpu.memref_slice %arg4[%arg0, %arg1, %mul3A_40, %dma_start3A_41] : memref<2x16x160x128xi32, #tpu.memory_space<hbm>> -> memref<1x1x40x128xi32, #tpu.memory_space<hbm>>
      %dma_start3A_43 = tpu.memref_squeeze %dma_start3A_42 : memref<1x1x40x128xi32, #tpu.memory_space<hbm>> -> memref<40x128xi32, #tpu.memory_space<hbm>>
      %dma_start3A_44 = arith.constant 0 : i32
      %dma_start3A_45 = tpu.memref_slice %arg4[%arg0, %arg1, %mul3A_40, %dma_start3A_44] : memref<2x16x160x128xi32, #tpu.memory_space<hbm>> -> memref<1x1x40x128xi32, #tpu.memory_space<hbm>>
      %dma_start3A_46 = tpu.memref_squeeze %dma_start3A_45 : memref<1x1x40x128xi32, #tpu.memory_space<hbm>> -> memref<40x128xi32, #tpu.memory_space<hbm>>
      tpu.enqueue_dma source(%dma_start3A_46 : memref<40x128xi32, #tpu.memory_space<hbm>>) target(%arg8 : memref<40x128xi32, #tpu.memory_space<vmem>>) target_semaphore(%arg14 : memref<!tpu.dma_semaphore, #tpu.memory_space<semaphore_mem>>)
      %dma_start3A_47 = arith.constant 0 : i32
      %dma_start3A_48 = arith.constant 0 : i32
      %dma_start3A_49 = tpu.memref_slice %arg7[%dma_start3A_47, %dma_start3A_48] : memref<40x128xi32, #tpu.memory_space<vmem>> -> memref<1x128xi32, #tpu.memory_space<vmem>>
      %dma_start3A_50 = tpu.memref_squeeze %dma_start3A_49 : memref<1x128xi32, #tpu.memory_space<vmem>> -> memref<128xi32, #tpu.memory_space<vmem>>
      %dma_start3A_51 = arith.constant 0 : i32
      %dma_start3A_52 = arith.constant 0 : i32
      %dma_start3A_53 = tpu.memref_slice %arg2[%dma_start3A_51, %dma_start3A_52] : memref<10000x128xf32, #tpu.memory_space<hbm>> -> memref<10000x128xf32, #tpu.memory_space<hbm>>
      tpu.enqueue_indirect_dma source(%dma_start3A_53 : memref<10000x128xf32, #tpu.memory_space<hbm>>) target(%arg9 : memref<128x128xf32, #tpu.memory_space<vmem>>) offsets(%dma_start3A_50 : memref<128xi32, #tpu.memory_space<vmem>>) semaphore(%arg11 : memref<!tpu.dma_semaphore, #tpu.memory_space<semaphore_mem>>)
      %scan3A_54 = arith.constant 0 : i32
      %scan3A_55 = arith.constant 0 : i32
      %scan3A_56 = arith.constant 10 : i32
      %scan3A_57 = arith.addi %scan3A_55, %scan3A_56 : i32
      %scan3A_58 = arith.constant 1 : i32
      scf.for %scan3A_88 = %scan3A_55 to %scan3A_57 step %scan3A_58  : i32 {
        %mul3A_89 = arith.constant 2 : i32
        %mul3A_90 = arith.muli %mul3A_89, %scan3A_88 : i32
        %mul3A_91 = arith.constant 2 : i32
        %mul3A_92 = arith.muli %mul3A_91, %mul3A_90 : i32
        %add3A_93 = arith.constant 2 : i32
        %add3A_94 = arith.addi %mul3A_92, %add3A_93 : i32
        %dma_start3A_95 = arith.constant 0 : i32
        %dma_start3A_96 = tpu.memref_slice %arg7[%add3A_94, %dma_start3A_95] : memref<40x128xi32, #tpu.memory_space<vmem>> -> memref<1x128xi32, #tpu.memory_space<vmem>>
        %dma_start3A_97 = tpu.memref_squeeze %dma_start3A_96 : memref<1x128xi32, #tpu.memory_space<vmem>> -> memref<128xi32, #tpu.memory_space<vmem>>
        %dma_start3A_98 = arith.constant 0 : i32
        %dma_start3A_99 = arith.constant 0 : i32
        %dma_start3A_100 = tpu.memref_slice %arg2[%dma_start3A_98, %dma_start3A_99] : memref<10000x128xf32, #tpu.memory_space<hbm>> -> memref<10000x128xf32, #tpu.memory_space<hbm>>
        tpu.enqueue_indirect_dma source(%dma_start3A_100 : memref<10000x128xf32, #tpu.memory_space<hbm>>) target(%arg10 : memref<128x128xf32, #tpu.memory_space<vmem>>) offsets(%dma_start3A_97 : memref<128xi32, #tpu.memory_space<vmem>>) semaphore(%arg12 : memref<!tpu.dma_semaphore, #tpu.memory_space<semaphore_mem>>)
        %dma_wait3A_101 = arith.constant 0 : i32
        %dma_wait3A_102 = arith.constant 0 : i32
        %dma_wait3A_103 = tpu.memref_slice %arg7[%dma_wait3A_101, %dma_wait3A_102] : memref<40x128xi32, #tpu.memory_space<vmem>> -> memref<1x128xi32, #tpu.memory_space<vmem>>
        %dma_wait3A_104 = tpu.memref_squeeze %dma_wait3A_103 : memref<1x128xi32, #tpu.memory_space<vmem>> -> memref<128xi32, #tpu.memory_space<vmem>>
        %dma_wait3A_105 = arith.constant 0 : i32
        %dma_wait3A_106 = arith.constant 0 : i32
        %dma_wait3A_107 = tpu.memref_slice %arg2[%dma_wait3A_105, %dma_wait3A_106] : memref<10000x128xf32, #tpu.memory_space<hbm>> -> memref<10000x128xf32, #tpu.memory_space<hbm>>
        tpu.wait_indirect_dma semaphore(%arg11 : memref<!tpu.dma_semaphore, #tpu.memory_space<semaphore_mem>>) src(%dma_wait3A_107 : memref<10000x128xf32, #tpu.memory_space<hbm>>) dst(%arg9 : memref<128x128xf32, #tpu.memory_space<vmem>>)
        %mul3A_108 = arith.constant 2 : i32
        %mul3A_109 = arith.muli %mul3A_108, %mul3A_90 : i32
        %add3A_110 = arith.constant 1 : i32
        %add3A_111 = arith.addi %mul3A_109, %add3A_110 : i32
        "tpu.region"() ({
          %run_scoped3A = tpu.sem_alloc : memref<!tpu.dma_semaphore, #tpu.memory_space<semaphore_mem>>
          %dma_start3A_130 = arith.constant 0 : i32
          %dma_start3A_131 = tpu.memref_slice %arg7[%add3A_111, %dma_start3A_130] : memref<40x128xi32, #tpu.memory_space<vmem>> -> memref<1x128xi32, #tpu.memory_space<vmem>>
          %dma_start3A_132 = tpu.memref_squeeze %dma_start3A_131 : memref<1x128xi32, #tpu.memory_space<vmem>> -> memref<128xi32, #tpu.memory_space<vmem>>
          %dma_start3A_133 = arith.constant 0 : i32
          %dma_start3A_134 = arith.constant 0 : i32
          %dma_start3A_135 = tpu.memref_slice %arg6[%dma_start3A_133, %dma_start3A_134] : memref<10128x128xf32, #tpu.memory_space<vmem_shared>> -> memref<10128x128xf32, #tpu.memory_space<vmem_shared>>
          tpu.enqueue_indirect_dma source(%arg9 : memref<128x128xf32, #tpu.memory_space<vmem>>) target(%dma_start3A_135 : memref<10128x128xf32, #tpu.memory_space<vmem_shared>>) offsets(%dma_start3A_132 : memref<128xi32, #tpu.memory_space<vmem>>) semaphore(%run_scoped3A : memref<!tpu.dma_semaphore, #tpu.memory_space<semaphore_mem>>) {add = true}
          %dma_wait3A_136 = arith.constant 0 : i32
          %dma_wait3A_137 = tpu.memref_slice %arg7[%add3A_111, %dma_wait3A_136] : memref<40x128xi32, #tpu.memory_space<vmem>> -> memref<1x128xi32, #tpu.memory_space<vmem>>
          %dma_wait3A_138 = tpu.memref_squeeze %dma_wait3A_137 : memref<1x128xi32, #tpu.memory_space<vmem>> -> memref<128xi32, #tpu.memory_space<vmem>>
          %dma_wait3A_139 = arith.constant 0 : i32
          %dma_wait3A_140 = arith.constant 0 : i32
          %dma_wait3A_141 = tpu.memref_slice %arg6[%dma_wait3A_139, %dma_wait3A_140] : memref<10128x128xf32, #tpu.memory_space<vmem_shared>> -> memref<10128x128xf32, #tpu.memory_space<vmem_shared>>
          tpu.wait_indirect_dma semaphore(%run_scoped3A : memref<!tpu.dma_semaphore, #tpu.memory_space<semaphore_mem>>) src(%arg9 : memref<128x128xf32, #tpu.memory_space<vmem>>) dst(%dma_wait3A_141 : memref<10128x128xf32, #tpu.memory_space<vmem_shared>>)
          tpu.yield
        }) : () -> ()
        %add3A_112 = arith.constant 2 : i32
        %add3A_113 = arith.addi %mul3A_90, %add3A_112 : i32
        %lt3A_114 = arith.constant 20 : i32
        %lt3A_115 = arith.cmpi slt, %add3A_113, %lt3A_114 : i32
        %convert_element_type3A_116 = arith.extui %lt3A_115 : i1 to i32
        %cond3A_117 = arith.constant 0 : i32
        %cond3A_118 = arith.cmpi ne, %convert_element_type3A_116, %cond3A_117 : i32
        scf.if %cond3A_118 {
          %mul3A_130 = arith.constant 2 : i32
          %mul3A_131 = arith.muli %mul3A_130, %mul3A_90 : i32
          %add3A_132 = arith.constant 4 : i32
          %add3A_133 = arith.addi %mul3A_131, %add3A_132 : i32
          %dma_start3A_134 = arith.constant 0 : i32
          %dma_start3A_135 = tpu.memref_slice %arg7[%add3A_133, %dma_start3A_134] : memref<40x128xi32, #tpu.memory_space<vmem>> -> memref<1x128xi32, #tpu.memory_space<vmem>>
          %dma_start3A_136 = tpu.memref_squeeze %dma_start3A_135 : memref<1x128xi32, #tpu.memory_space<vmem>> -> memref<128xi32, #tpu.memory_space<vmem>>
          %dma_start3A_137 = arith.constant 0 : i32
          %dma_start3A_138 = arith.constant 0 : i32
          %dma_start3A_139 = tpu.memref_slice %arg2[%dma_start3A_137, %dma_start3A_138] : memref<10000x128xf32, #tpu.memory_space<hbm>> -> memref<10000x128xf32, #tpu.memory_space<hbm>>
          tpu.enqueue_indirect_dma source(%dma_start3A_139 : memref<10000x128xf32, #tpu.memory_space<hbm>>) target(%arg9 : memref<128x128xf32, #tpu.memory_space<vmem>>) offsets(%dma_start3A_136 : memref<128xi32, #tpu.memory_space<vmem>>) semaphore(%arg11 : memref<!tpu.dma_semaphore, #tpu.memory_space<semaphore_mem>>)
        } else {
        }
        %dma_wait3A_119 = arith.constant 0 : i32
        %dma_wait3A_120 = arith.constant 0 : i32
        %dma_wait3A_121 = tpu.memref_slice %arg7[%dma_wait3A_119, %dma_wait3A_120] : memref<40x128xi32, #tpu.memory_space<vmem>> -> memref<1x128xi32, #tpu.memory_space<vmem>>
        %dma_wait3A_122 = tpu.memref_squeeze %dma_wait3A_121 : memref<1x128xi32, #tpu.memory_space<vmem>> -> memref<128xi32, #tpu.memory_space<vmem>>
        %dma_wait3A_123 = arith.constant 0 : i32
        %dma_wait3A_124 = arith.constant 0 : i32
        %dma_wait3A_125 = tpu.memref_slice %arg2[%dma_wait3A_123, %dma_wait3A_124] : memref<10000x128xf32, #tpu.memory_space<hbm>> -> memref<10000x128xf32, #tpu.memory_space<hbm>>
        tpu.wait_indirect_dma semaphore(%arg12 : memref<!tpu.dma_semaphore, #tpu.memory_space<semaphore_mem>>) src(%dma_wait3A_125 : memref<10000x128xf32, #tpu.memory_space<hbm>>) dst(%arg10 : memref<128x128xf32, #tpu.memory_space<vmem>>)
        %mul3A_126 = arith.constant 2 : i32
        %mul3A_127 = arith.muli %mul3A_126, %mul3A_90 : i32
        %add3A_128 = arith.constant 3 : i32
        %add3A_129 = arith.addi %mul3A_127, %add3A_128 : i32
        "tpu.region"() ({
          %run_scoped3A = tpu.sem_alloc : memref<!tpu.dma_semaphore, #tpu.memory_space<semaphore_mem>>
          %dma_start3A_130 = arith.constant 0 : i32
          %dma_start3A_131 = tpu.memref_slice %arg7[%add3A_129, %dma_start3A_130] : memref<40x128xi32, #tpu.memory_space<vmem>> -> memref<1x128xi32, #tpu.memory_space<vmem>>
          %dma_start3A_132 = tpu.memref_squeeze %dma_start3A_131 : memref<1x128xi32, #tpu.memory_space<vmem>> -> memref<128xi32, #tpu.memory_space<vmem>>
          %dma_start3A_133 = arith.constant 0 : i32
          %dma_start3A_134 = arith.constant 0 : i32
          %dma_start3A_135 = tpu.memref_slice %arg6[%dma_start3A_133, %dma_start3A_134] : memref<10128x128xf32, #tpu.memory_space<vmem_shared>> -> memref<10128x128xf32, #tpu.memory_space<vmem_shared>>
          tpu.enqueue_indirect_dma source(%arg10 : memref<128x128xf32, #tpu.memory_space<vmem>>) target(%dma_start3A_135 : memref<10128x128xf32, #tpu.memory_space<vmem_shared>>) offsets(%dma_start3A_132 : memref<128xi32, #tpu.memory_space<vmem>>) semaphore(%run_scoped3A : memref<!tpu.dma_semaphore, #tpu.memory_space<semaphore_mem>>) {add = true}
          %dma_wait3A_136 = arith.constant 0 : i32
          %dma_wait3A_137 = tpu.memref_slice %arg7[%add3A_129, %dma_wait3A_136] : memref<40x128xi32, #tpu.memory_space<vmem>> -> memref<1x128xi32, #tpu.memory_space<vmem>>
          %dma_wait3A_138 = tpu.memref_squeeze %dma_wait3A_137 : memref<1x128xi32, #tpu.memory_space<vmem>> -> memref<128xi32, #tpu.memory_space<vmem>>
          %dma_wait3A_139 = arith.constant 0 : i32
          %dma_wait3A_140 = arith.constant 0 : i32
          %dma_wait3A_141 = tpu.memref_slice %arg6[%dma_wait3A_139, %dma_wait3A_140] : memref<10128x128xf32, #tpu.memory_space<vmem_shared>> -> memref<10128x128xf32, #tpu.memory_space<vmem_shared>>
          tpu.wait_indirect_dma semaphore(%run_scoped3A : memref<!tpu.dma_semaphore, #tpu.memory_space<semaphore_mem>>) src(%arg10 : memref<128x128xf32, #tpu.memory_space<vmem>>) dst(%dma_wait3A_141 : memref<10128x128xf32, #tpu.memory_space<vmem_shared>>)
          tpu.yield
        }) : () -> ()
      }
      %scan3A_59 = arith.constant 10 : i32
      %dma_wait3A_60 = arith.constant 0 : i32
      %dma_wait3A_61 = arith.constant 0 : i32
      %dma_wait3A_62 = tpu.memref_slice %arg4[%arg0, %arg1, %dma_wait3A_60, %dma_wait3A_61] : memref<2x16x160x128xi32, #tpu.memory_space<hbm>> -> memref<1x1x40x128xi32, #tpu.memory_space<hbm>>
      %dma_wait3A_63 = tpu.memref_squeeze %dma_wait3A_62 : memref<1x1x40x128xi32, #tpu.memory_space<hbm>> -> memref<40x128xi32, #tpu.memory_space<hbm>>
      %dma_wait3A_64 = arith.constant 0 : i32
      %dma_wait3A_65 = arith.constant 0 : i32
      %dma_wait3A_66 = tpu.memref_slice %arg4[%arg0, %arg1, %dma_wait3A_64, %dma_wait3A_65] : memref<2x16x160x128xi32, #tpu.memory_space<hbm>> -> memref<1x1x40x128xi32, #tpu.memory_space<hbm>>
      %dma_wait3A_67 = tpu.memref_squeeze %dma_wait3A_66 : memref<1x1x40x128xi32, #tpu.memory_space<hbm>> -> memref<40x128xi32, #tpu.memory_space<hbm>>
      tpu.wait_dma2 semaphore(%arg14 : memref<!tpu.dma_semaphore, #tpu.memory_space<semaphore_mem>>) src(%dma_wait3A_67 : memref<40x128xi32, #tpu.memory_space<hbm>>) dst(%arg8 : memref<40x128xi32, #tpu.memory_space<vmem>>)
      %add3A_68 = arith.constant 2 : i32
      %add3A_69 = arith.addi %mul3A_30, %add3A_68 : i32
      %lt3A_70 = arith.constant 4 : i32
      %lt3A_71 = arith.cmpi slt, %add3A_69, %lt3A_70 : i32
      %convert_element_type3A_72 = arith.extui %lt3A_71 : i1 to i32
      %cond3A_73 = arith.constant 0 : i32
      %cond3A_74 = arith.cmpi ne, %convert_element_type3A_72, %cond3A_73 : i32
      scf.if %cond3A_74 {
        %add3A_88 = arith.constant 2 : i32
        %add3A_89 = arith.addi %mul3A_30, %add3A_88 : i32
        %mul3A_90 = arith.constant 40 : i32
        %mul3A_91 = arith.muli %add3A_89, %mul3A_90 : i32
        %dma_start3A_92 = arith.constant 0 : i32
        %dma_start3A_93 = tpu.memref_slice %arg4[%arg0, %arg1, %mul3A_91, %dma_start3A_92] : memref<2x16x160x128xi32, #tpu.memory_space<hbm>> -> memref<1x1x40x128xi32, #tpu.memory_space<hbm>>
        %dma_start3A_94 = tpu.memref_squeeze %dma_start3A_93 : memref<1x1x40x128xi32, #tpu.memory_space<hbm>> -> memref<40x128xi32, #tpu.memory_space<hbm>>
        %dma_start3A_95 = arith.constant 0 : i32
        %dma_start3A_96 = tpu.memref_slice %arg4[%arg0, %arg1, %mul3A_91, %dma_start3A_95] : memref<2x16x160x128xi32, #tpu.memory_space<hbm>> -> memref<1x1x40x128xi32, #tpu.memory_space<hbm>>
        %dma_start3A_97 = tpu.memref_squeeze %dma_start3A_96 : memref<1x1x40x128xi32, #tpu.memory_space<hbm>> -> memref<40x128xi32, #tpu.memory_space<hbm>>
        tpu.enqueue_dma source(%dma_start3A_97 : memref<40x128xi32, #tpu.memory_space<hbm>>) target(%arg7 : memref<40x128xi32, #tpu.memory_space<vmem>>) target_semaphore(%arg13 : memref<!tpu.dma_semaphore, #tpu.memory_space<semaphore_mem>>)
      } else {
      }
      %dma_start3A_75 = arith.constant 0 : i32
      %dma_start3A_76 = arith.constant 0 : i32
      %dma_start3A_77 = tpu.memref_slice %arg8[%dma_start3A_75, %dma_start3A_76] : memref<40x128xi32, #tpu.memory_space<vmem>> -> memref<1x128xi32, #tpu.memory_space<vmem>>
      %dma_start3A_78 = tpu.memref_squeeze %dma_start3A_77 : memref<1x128xi32, #tpu.memory_space<vmem>> -> memref<128xi32, #tpu.memory_space<vmem>>
      %dma_start3A_79 = arith.constant 0 : i32
      %dma_start3A_80 = arith.constant 0 : i32
      %dma_start3A_81 = tpu.memref_slice %arg2[%dma_start3A_79, %dma_start3A_80] : memref<10000x128xf32, #tpu.memory_space<hbm>> -> memref<10000x128xf32, #tpu.memory_space<hbm>>
      tpu.enqueue_indirect_dma source(%dma_start3A_81 : memref<10000x128xf32, #tpu.memory_space<hbm>>) target(%arg9 : memref<128x128xf32, #tpu.memory_space<vmem>>) offsets(%dma_start3A_78 : memref<128xi32, #tpu.memory_space<vmem>>) semaphore(%arg11 : memref<!tpu.dma_semaphore, #tpu.memory_space<semaphore_mem>>)
      %scan3A_82 = arith.constant 0 : i32
      %scan3A_83 = arith.constant 0 : i32
      %scan3A_84 = arith.constant 10 : i32
      %scan3A_85 = arith.addi %scan3A_83, %scan3A_84 : i32
      %scan3A_86 = arith.constant 1 : i32
      scf.for %scan3A_88 = %scan3A_83 to %scan3A_85 step %scan3A_86  : i32 {
        %mul3A_89 = arith.constant 2 : i32
        %mul3A_90 = arith.muli %mul3A_89, %scan3A_88 : i32
        %mul3A_91 = arith.constant 2 : i32
        %mul3A_92 = arith.muli %mul3A_91, %mul3A_90 : i32
        %add3A_93 = arith.constant 2 : i32
        %add3A_94 = arith.addi %mul3A_92, %add3A_93 : i32
        %dma_start3A_95 = arith.constant 0 : i32
        %dma_start3A_96 = tpu.memref_slice %arg8[%add3A_94, %dma_start3A_95] : memref<40x128xi32, #tpu.memory_space<vmem>> -> memref<1x128xi32, #tpu.memory_space<vmem>>
        %dma_start3A_97 = tpu.memref_squeeze %dma_start3A_96 : memref<1x128xi32, #tpu.memory_space<vmem>> -> memref<128xi32, #tpu.memory_space<vmem>>
        %dma_start3A_98 = arith.constant 0 : i32
        %dma_start3A_99 = arith.constant 0 : i32
        %dma_start3A_100 = tpu.memref_slice %arg2[%dma_start3A_98, %dma_start3A_99] : memref<10000x128xf32, #tpu.memory_space<hbm>> -> memref<10000x128xf32, #tpu.memory_space<hbm>>
        tpu.enqueue_indirect_dma source(%dma_start3A_100 : memref<10000x128xf32, #tpu.memory_space<hbm>>) target(%arg10 : memref<128x128xf32, #tpu.memory_space<vmem>>) offsets(%dma_start3A_97 : memref<128xi32, #tpu.memory_space<vmem>>) semaphore(%arg12 : memref<!tpu.dma_semaphore, #tpu.memory_space<semaphore_mem>>)
        %dma_wait3A_101 = arith.constant 0 : i32
        %dma_wait3A_102 = arith.constant 0 : i32
        %dma_wait3A_103 = tpu.memref_slice %arg8[%dma_wait3A_101, %dma_wait3A_102] : memref<40x128xi32, #tpu.memory_space<vmem>> -> memref<1x128xi32, #tpu.memory_space<vmem>>
        %dma_wait3A_104 = tpu.memref_squeeze %dma_wait3A_103 : memref<1x128xi32, #tpu.memory_space<vmem>> -> memref<128xi32, #tpu.memory_space<vmem>>
        %dma_wait3A_105 = arith.constant 0 : i32
        %dma_wait3A_106 = arith.constant 0 : i32
        %dma_wait3A_107 = tpu.memref_slice %arg2[%dma_wait3A_105, %dma_wait3A_106] : memref<10000x128xf32, #tpu.memory_space<hbm>> -> memref<10000x128xf32, #tpu.memory_space<hbm>>
        tpu.wait_indirect_dma semaphore(%arg11 : memref<!tpu.dma_semaphore, #tpu.memory_space<semaphore_mem>>) src(%dma_wait3A_107 : memref<10000x128xf32, #tpu.memory_space<hbm>>) dst(%arg9 : memref<128x128xf32, #tpu.memory_space<vmem>>)
        %mul3A_108 = arith.constant 2 : i32
        %mul3A_109 = arith.muli %mul3A_108, %mul3A_90 : i32
        %add3A_110 = arith.constant 1 : i32
        %add3A_111 = arith.addi %mul3A_109, %add3A_110 : i32
        "tpu.region"() ({
          %run_scoped3A = tpu.sem_alloc : memref<!tpu.dma_semaphore, #tpu.memory_space<semaphore_mem>>
          %dma_start3A_130 = arith.constant 0 : i32
          %dma_start3A_131 = tpu.memref_slice %arg8[%add3A_111, %dma_start3A_130] : memref<40x128xi32, #tpu.memory_space<vmem>> -> memref<1x128xi32, #tpu.memory_space<vmem>>
          %dma_start3A_132 = tpu.memref_squeeze %dma_start3A_131 : memref<1x128xi32, #tpu.memory_space<vmem>> -> memref<128xi32, #tpu.memory_space<vmem>>
          %dma_start3A_133 = arith.constant 0 : i32
          %dma_start3A_134 = arith.constant 0 : i32
          %dma_start3A_135 = tpu.memref_slice %arg6[%dma_start3A_133, %dma_start3A_134] : memref<10128x128xf32, #tpu.memory_space<vmem_shared>> -> memref<10128x128xf32, #tpu.memory_space<vmem_shared>>
          tpu.enqueue_indirect_dma source(%arg9 : memref<128x128xf32, #tpu.memory_space<vmem>>) target(%dma_start3A_135 : memref<10128x128xf32, #tpu.memory_space<vmem_shared>>) offsets(%dma_start3A_132 : memref<128xi32, #tpu.memory_space<vmem>>) semaphore(%run_scoped3A : memref<!tpu.dma_semaphore, #tpu.memory_space<semaphore_mem>>) {add = true}
          %dma_wait3A_136 = arith.constant 0 : i32
          %dma_wait3A_137 = tpu.memref_slice %arg8[%add3A_111, %dma_wait3A_136] : memref<40x128xi32, #tpu.memory_space<vmem>> -> memref<1x128xi32, #tpu.memory_space<vmem>>
          %dma_wait3A_138 = tpu.memref_squeeze %dma_wait3A_137 : memref<1x128xi32, #tpu.memory_space<vmem>> -> memref<128xi32, #tpu.memory_space<vmem>>
          %dma_wait3A_139 = arith.constant 0 : i32
          %dma_wait3A_140 = arith.constant 0 : i32
          %dma_wait3A_141 = tpu.memref_slice %arg6[%dma_wait3A_139, %dma_wait3A_140] : memref<10128x128xf32, #tpu.memory_space<vmem_shared>> -> memref<10128x128xf32, #tpu.memory_space<vmem_shared>>
          tpu.wait_indirect_dma semaphore(%run_scoped3A : memref<!tpu.dma_semaphore, #tpu.memory_space<semaphore_mem>>) src(%arg9 : memref<128x128xf32, #tpu.memory_space<vmem>>) dst(%dma_wait3A_141 : memref<10128x128xf32, #tpu.memory_space<vmem_shared>>)
          tpu.yield
        }) : () -> ()
        %add3A_112 = arith.constant 2 : i32
        %add3A_113 = arith.addi %mul3A_90, %add3A_112 : i32
        %lt3A_114 = arith.constant 20 : i32
        %lt3A_115 = arith.cmpi slt, %add3A_113, %lt3A_114 : i32
        %convert_element_type3A_116 = arith.extui %lt3A_115 : i1 to i32
        %cond3A_117 = arith.constant 0 : i32
        %cond3A_118 = arith.cmpi ne, %convert_element_type3A_116, %cond3A_117 : i32
        scf.if %cond3A_118 {
          %mul3A_130 = arith.constant 2 : i32
          %mul3A_131 = arith.muli %mul3A_130, %mul3A_90 : i32
          %add3A_132 = arith.constant 4 : i32
          %add3A_133 = arith.addi %mul3A_131, %add3A_132 : i32
          %dma_start3A_134 = arith.constant 0 : i32
          %dma_start3A_135 = tpu.memref_slice %arg8[%add3A_133, %dma_start3A_134] : memref<40x128xi32, #tpu.memory_space<vmem>> -> memref<1x128xi32, #tpu.memory_space<vmem>>
          %dma_start3A_136 = tpu.memref_squeeze %dma_start3A_135 : memref<1x128xi32, #tpu.memory_space<vmem>> -> memref<128xi32, #tpu.memory_space<vmem>>
          %dma_start3A_137 = arith.constant 0 : i32
          %dma_start3A_138 = arith.constant 0 : i32
          %dma_start3A_139 = tpu.memref_slice %arg2[%dma_start3A_137, %dma_start3A_138] : memref<10000x128xf32, #tpu.memory_space<hbm>> -> memref<10000x128xf32, #tpu.memory_space<hbm>>
          tpu.enqueue_indirect_dma source(%dma_start3A_139 : memref<10000x128xf32, #tpu.memory_space<hbm>>) target(%arg9 : memref<128x128xf32, #tpu.memory_space<vmem>>) offsets(%dma_start3A_136 : memref<128xi32, #tpu.memory_space<vmem>>) semaphore(%arg11 : memref<!tpu.dma_semaphore, #tpu.memory_space<semaphore_mem>>)
        } else {
        }
        %dma_wait3A_119 = arith.constant 0 : i32
        %dma_wait3A_120 = arith.constant 0 : i32
        %dma_wait3A_121 = tpu.memref_slice %arg8[%dma_wait3A_119, %dma_wait3A_120] : memref<40x128xi32, #tpu.memory_space<vmem>> -> memref<1x128xi32, #tpu.memory_space<vmem>>
        %dma_wait3A_122 = tpu.memref_squeeze %dma_wait3A_121 : memref<1x128xi32, #tpu.memory_space<vmem>> -> memref<128xi32, #tpu.memory_space<vmem>>
        %dma_wait3A_123 = arith.constant 0 : i32
        %dma_wait3A_124 = arith.constant 0 : i32
        %dma_wait3A_125 = tpu.memref_slice %arg2[%dma_wait3A_123, %dma_wait3A_124] : memref<10000x128xf32, #tpu.memory_space<hbm>> -> memref<10000x128xf32, #tpu.memory_space<hbm>>
        tpu.wait_indirect_dma semaphore(%arg12 : memref<!tpu.dma_semaphore, #tpu.memory_space<semaphore_mem>>) src(%dma_wait3A_125 : memref<10000x128xf32, #tpu.memory_space<hbm>>) dst(%arg10 : memref<128x128xf32, #tpu.memory_space<vmem>>)
        %mul3A_126 = arith.constant 2 : i32
        %mul3A_127 = arith.muli %mul3A_126, %mul3A_90 : i32
        %add3A_128 = arith.constant 3 : i32
        %add3A_129 = arith.addi %mul3A_127, %add3A_128 : i32
        "tpu.region"() ({
          %run_scoped3A = tpu.sem_alloc : memref<!tpu.dma_semaphore, #tpu.memory_space<semaphore_mem>>
          %dma_start3A_130 = arith.constant 0 : i32
          %dma_start3A_131 = tpu.memref_slice %arg8[%add3A_129, %dma_start3A_130] : memref<40x128xi32, #tpu.memory_space<vmem>> -> memref<1x128xi32, #tpu.memory_space<vmem>>
          %dma_start3A_132 = tpu.memref_squeeze %dma_start3A_131 : memref<1x128xi32, #tpu.memory_space<vmem>> -> memref<128xi32, #tpu.memory_space<vmem>>
          %dma_start3A_133 = arith.constant 0 : i32
          %dma_start3A_134 = arith.constant 0 : i32
          %dma_start3A_135 = tpu.memref_slice %arg6[%dma_start3A_133, %dma_start3A_134] : memref<10128x128xf32, #tpu.memory_space<vmem_shared>> -> memref<10128x128xf32, #tpu.memory_space<vmem_shared>>
          tpu.enqueue_indirect_dma source(%arg10 : memref<128x128xf32, #tpu.memory_space<vmem>>) target(%dma_start3A_135 : memref<10128x128xf32, #tpu.memory_space<vmem_shared>>) offsets(%dma_start3A_132 : memref<128xi32, #tpu.memory_space<vmem>>) semaphore(%run_scoped3A : memref<!tpu.dma_semaphore, #tpu.memory_space<semaphore_mem>>) {add = true}
          %dma_wait3A_136 = arith.constant 0 : i32
          %dma_wait3A_137 = tpu.memref_slice %arg8[%add3A_129, %dma_wait3A_136] : memref<40x128xi32, #tpu.memory_space<vmem>> -> memref<1x128xi32, #tpu.memory_space<vmem>>
          %dma_wait3A_138 = tpu.memref_squeeze %dma_wait3A_137 : memref<1x128xi32, #tpu.memory_space<vmem>> -> memref<128xi32, #tpu.memory_space<vmem>>
          %dma_wait3A_139 = arith.constant 0 : i32
          %dma_wait3A_140 = arith.constant 0 : i32
          %dma_wait3A_141 = tpu.memref_slice %arg6[%dma_wait3A_139, %dma_wait3A_140] : memref<10128x128xf32, #tpu.memory_space<vmem_shared>> -> memref<10128x128xf32, #tpu.memory_space<vmem_shared>>
          tpu.wait_indirect_dma semaphore(%run_scoped3A : memref<!tpu.dma_semaphore, #tpu.memory_space<semaphore_mem>>) src(%arg10 : memref<128x128xf32, #tpu.memory_space<vmem>>) dst(%dma_wait3A_141 : memref<10128x128xf32, #tpu.memory_space<vmem_shared>>)
          tpu.yield
        }) : () -> ()
      }
      %scan3A_87 = arith.constant 10 : i32
    }
    %scan3A_18 = arith.constant 2 : i32
    %barrier3A_19 = arith.constant 0 : index
    tpu.barrier barrier_id(%barrier3A_19)
    %lt3A = arith.constant 15 : i32
    %lt3A_20 = arith.cmpi slt, %arg1, %lt3A : i32
    %convert_element_type3A_21 = arith.extui %lt3A_20 : i1 to i32
    %cond3A_22 = arith.constant 0 : i32
    %cond3A_23 = arith.cmpi ne, %convert_element_type3A_21, %cond3A_22 : i32
    scf.if %cond3A_23 {
      %scan3A_29 = arith.constant 0 : i32
      %scan3A_30 = arith.constant 0 : i32
      %scan3A_31 = arith.constant 5 : i32
      %scan3A_32 = arith.addi %scan3A_30, %scan3A_31 : i32
      %scan3A_33 = arith.constant 1 : i32
      scf.for %scan3A_35 = %scan3A_30 to %scan3A_32 step %scan3A_33  : i32 {
        %mul3A = arith.constant 640 : i32
        %mul3A_36 = arith.muli %arg1, %mul3A : i32
        %mul3A_37 = arith.constant 128 : i32
        %mul3A_38 = arith.muli %scan3A_35, %mul3A_37 : i32
        %add3A = arith.addi %mul3A_36, %mul3A_38 : i32
        "tpu.region"() ({
          %run_scoped3A = tpu.sem_alloc : memref<!tpu.dma_semaphore, #tpu.memory_space<semaphore_mem>>
          %dma_start3A_39 = arith.constant 0 : i32
          %dma_start3A_40 = arith.constant 0 : i32
          %dma_start3A_41 = tpu.memref_slice %arg9[%dma_start3A_39, %dma_start3A_40] : memref<128x128xf32, #tpu.memory_space<vmem>> -> memref<128x128xf32, #tpu.memory_space<vmem>>
          %dma_start3A_42 = arith.constant 0 : i32
          %dma_start3A_43 = tpu.memref_slice %arg6[%add3A, %dma_start3A_42] : memref<10128x128xf32, #tpu.memory_space<vmem_shared>> -> memref<128x128xf32, #tpu.memory_space<vmem_shared>>
          %dma_start3A_44 = arith.constant 0 : i32
          %dma_start3A_45 = arith.constant 0 : i32
          %dma_start3A_46 = tpu.memref_slice %arg9[%dma_start3A_44, %dma_start3A_45] : memref<128x128xf32, #tpu.memory_space<vmem>> -> memref<128x128xf32, #tpu.memory_space<vmem>>
          %dma_start3A_47 = arith.constant 0 : i32
          %dma_start3A_48 = tpu.memref_slice %arg6[%add3A, %dma_start3A_47] : memref<10128x128xf32, #tpu.memory_space<vmem_shared>> -> memref<128x128xf32, #tpu.memory_space<vmem_shared>>
          tpu.enqueue_dma source(%dma_start3A_48 : memref<128x128xf32, #tpu.memory_space<vmem_shared>>) target(%dma_start3A_46 : memref<128x128xf32, #tpu.memory_space<vmem>>) target_semaphore(%run_scoped3A : memref<!tpu.dma_semaphore, #tpu.memory_space<semaphore_mem>>)
          %dma_wait3A = arith.constant 0 : i32
          %dma_wait3A_49 = arith.constant 0 : i32
          %dma_wait3A_50 = tpu.memref_slice %arg9[%dma_wait3A, %dma_wait3A_49] : memref<128x128xf32, #tpu.memory_space<vmem>> -> memref<128x128xf32, #tpu.memory_space<vmem>>
          %dma_wait3A_51 = arith.constant 0 : i32
          %dma_wait3A_52 = tpu.memref_slice %arg6[%add3A, %dma_wait3A_51] : memref<10128x128xf32, #tpu.memory_space<vmem_shared>> -> memref<128x128xf32, #tpu.memory_space<vmem_shared>>
          %dma_wait3A_53 = arith.constant 0 : i32
          %dma_wait3A_54 = arith.constant 0 : i32
          %dma_wait3A_55 = tpu.memref_slice %arg9[%dma_wait3A_53, %dma_wait3A_54] : memref<128x128xf32, #tpu.memory_space<vmem>> -> memref<128x128xf32, #tpu.memory_space<vmem>>
          %dma_wait3A_56 = arith.constant 0 : i32
          %dma_wait3A_57 = tpu.memref_slice %arg6[%add3A, %dma_wait3A_56] : memref<10128x128xf32, #tpu.memory_space<vmem_shared>> -> memref<128x128xf32, #tpu.memory_space<vmem_shared>>
          tpu.wait_dma2 semaphore(%run_scoped3A : memref<!tpu.dma_semaphore, #tpu.memory_space<semaphore_mem>>) src(%dma_wait3A_57 : memref<128x128xf32, #tpu.memory_space<vmem_shared>>) dst(%dma_wait3A_55 : memref<128x128xf32, #tpu.memory_space<vmem>>)
          tpu.yield
        }) : () -> ()
        "tpu.region"() ({
          %run_scoped3A = tpu.sem_alloc : memref<!tpu.dma_semaphore, #tpu.memory_space<semaphore_mem>>
          %dma_start3A_39 = arith.constant 0 : i32
          %dma_start3A_40 = arith.constant 0 : i32
          %dma_start3A_41 = tpu.memref_slice %arg9[%dma_start3A_39, %dma_start3A_40] : memref<128x128xf32, #tpu.memory_space<vmem>> -> memref<128x128xf32, #tpu.memory_space<vmem>>
          %dma_start3A_42 = arith.constant 0 : i32
          %dma_start3A_43 = tpu.memref_slice %arg5[%arg0, %add3A, %dma_start3A_42] : memref<2x10000x128xf32, #tpu.memory_space<hbm>> -> memref<1x128x128xf32, #tpu.memory_space<hbm>>
          %dma_start3A_44 = tpu.memref_squeeze %dma_start3A_43 : memref<1x128x128xf32, #tpu.memory_space<hbm>> -> memref<128x128xf32, #tpu.memory_space<hbm>>
          %dma_start3A_45 = arith.constant 0 : i32
          %dma_start3A_46 = tpu.memref_slice %arg5[%arg0, %add3A, %dma_start3A_45] : memref<2x10000x128xf32, #tpu.memory_space<hbm>> -> memref<1x128x128xf32, #tpu.memory_space<hbm>>
          %dma_start3A_47 = tpu.memref_squeeze %dma_start3A_46 : memref<1x128x128xf32, #tpu.memory_space<hbm>> -> memref<128x128xf32, #tpu.memory_space<hbm>>
          %dma_start3A_48 = arith.constant 0 : i32
          %dma_start3A_49 = arith.constant 0 : i32
          %dma_start3A_50 = tpu.memref_slice %arg9[%dma_start3A_48, %dma_start3A_49] : memref<128x128xf32, #tpu.memory_space<vmem>> -> memref<128x128xf32, #tpu.memory_space<vmem>>
          tpu.enqueue_dma source(%dma_start3A_50 : memref<128x128xf32, #tpu.memory_space<vmem>>) target(%dma_start3A_47 : memref<128x128xf32, #tpu.memory_space<hbm>>) target_semaphore(%run_scoped3A : memref<!tpu.dma_semaphore, #tpu.memory_space<semaphore_mem>>)
          %dma_wait3A = arith.constant 0 : i32
          %dma_wait3A_51 = arith.constant 0 : i32
          %dma_wait3A_52 = tpu.memref_slice %arg9[%dma_wait3A, %dma_wait3A_51] : memref<128x128xf32, #tpu.memory_space<vmem>> -> memref<128x128xf32, #tpu.memory_space<vmem>>
          %dma_wait3A_53 = arith.constant 0 : i32
          %dma_wait3A_54 = tpu.memref_slice %arg5[%arg0, %add3A, %dma_wait3A_53] : memref<2x10000x128xf32, #tpu.memory_space<hbm>> -> memref<1x128x128xf32, #tpu.memory_space<hbm>>
          %dma_wait3A_55 = tpu.memref_squeeze %dma_wait3A_54 : memref<1x128x128xf32, #tpu.memory_space<hbm>> -> memref<128x128xf32, #tpu.memory_space<hbm>>
          %dma_wait3A_56 = arith.constant 0 : i32
          %dma_wait3A_57 = tpu.memref_slice %arg5[%arg0, %add3A, %dma_wait3A_56] : memref<2x10000x128xf32, #tpu.memory_space<hbm>> -> memref<1x128x128xf32, #tpu.memory_space<hbm>>
          %dma_wait3A_58 = tpu.memref_squeeze %dma_wait3A_57 : memref<1x128x128xf32, #tpu.memory_space<hbm>> -> memref<128x128xf32, #tpu.memory_space<hbm>>
          %dma_wait3A_59 = arith.constant 0 : i32
          %dma_wait3A_60 = arith.constant 0 : i32
          %dma_wait3A_61 = tpu.memref_slice %arg9[%dma_wait3A_59, %dma_wait3A_60] : memref<128x128xf32, #tpu.memory_space<vmem>> -> memref<128x128xf32, #tpu.memory_space<vmem>>
          tpu.wait_dma2 semaphore(%run_scoped3A : memref<!tpu.dma_semaphore, #tpu.memory_space<semaphore_mem>>) src(%dma_wait3A_61 : memref<128x128xf32, #tpu.memory_space<vmem>>) dst(%dma_wait3A_58 : memref<128x128xf32, #tpu.memory_space<hbm>>)
          tpu.yield
        }) : () -> ()
      }
      %scan3A_34 = arith.constant 5 : i32
    } else {
    }
    %eq3A_24 = arith.constant 15 : i32
    %eq3A_25 = arith.cmpi eq, %arg1, %eq3A_24 : i32
    %convert_element_type3A_26 = arith.extui %eq3A_25 : i1 to i32
    %cond3A_27 = arith.constant 0 : i32
    %cond3A_28 = arith.cmpi ne, %convert_element_type3A_26, %cond3A_27 : i32
    scf.if %cond3A_28 {
      %scan3A_29 = arith.constant 0 : i32
      %scan3A_30 = arith.constant 0 : i32
      %scan3A_31 = arith.constant 3 : i32
      %scan3A_32 = arith.addi %scan3A_30, %scan3A_31 : i32
      %scan3A_33 = arith.constant 1 : i32
      scf.for %scan3A_35 = %scan3A_30 to %scan3A_32 step %scan3A_33  : i32 {
        %mul3A = arith.constant 128 : i32
        %mul3A_36 = arith.muli %scan3A_35, %mul3A : i32
        %add3A = arith.constant 9600 : i32
        %add3A_37 = arith.addi %add3A, %mul3A_36 : i32
        "tpu.region"() ({
          %run_scoped3A = tpu.sem_alloc : memref<!tpu.dma_semaphore, #tpu.memory_space<semaphore_mem>>
          %dma_start3A_38 = arith.constant 0 : i32
          %dma_start3A_39 = arith.constant 0 : i32
          %dma_start3A_40 = tpu.memref_slice %arg9[%dma_start3A_38, %dma_start3A_39] : memref<128x128xf32, #tpu.memory_space<vmem>> -> memref<128x128xf32, #tpu.memory_space<vmem>>
          %dma_start3A_41 = arith.constant 0 : i32
          %dma_start3A_42 = tpu.memref_slice %arg6[%add3A_37, %dma_start3A_41] : memref<10128x128xf32, #tpu.memory_space<vmem_shared>> -> memref<128x128xf32, #tpu.memory_space<vmem_shared>>
          %dma_start3A_43 = arith.constant 0 : i32
          %dma_start3A_44 = arith.constant 0 : i32
          %dma_start3A_45 = tpu.memref_slice %arg9[%dma_start3A_43, %dma_start3A_44] : memref<128x128xf32, #tpu.memory_space<vmem>> -> memref<128x128xf32, #tpu.memory_space<vmem>>
          %dma_start3A_46 = arith.constant 0 : i32
          %dma_start3A_47 = tpu.memref_slice %arg6[%add3A_37, %dma_start3A_46] : memref<10128x128xf32, #tpu.memory_space<vmem_shared>> -> memref<128x128xf32, #tpu.memory_space<vmem_shared>>
          tpu.enqueue_dma source(%dma_start3A_47 : memref<128x128xf32, #tpu.memory_space<vmem_shared>>) target(%dma_start3A_45 : memref<128x128xf32, #tpu.memory_space<vmem>>) target_semaphore(%run_scoped3A : memref<!tpu.dma_semaphore, #tpu.memory_space<semaphore_mem>>)
          %dma_wait3A = arith.constant 0 : i32
          %dma_wait3A_48 = arith.constant 0 : i32
          %dma_wait3A_49 = tpu.memref_slice %arg9[%dma_wait3A, %dma_wait3A_48] : memref<128x128xf32, #tpu.memory_space<vmem>> -> memref<128x128xf32, #tpu.memory_space<vmem>>
          %dma_wait3A_50 = arith.constant 0 : i32
          %dma_wait3A_51 = tpu.memref_slice %arg6[%add3A_37, %dma_wait3A_50] : memref<10128x128xf32, #tpu.memory_space<vmem_shared>> -> memref<128x128xf32, #tpu.memory_space<vmem_shared>>
          %dma_wait3A_52 = arith.constant 0 : i32
          %dma_wait3A_53 = arith.constant 0 : i32
          %dma_wait3A_54 = tpu.memref_slice %arg9[%dma_wait3A_52, %dma_wait3A_53] : memref<128x128xf32, #tpu.memory_space<vmem>> -> memref<128x128xf32, #tpu.memory_space<vmem>>
          %dma_wait3A_55 = arith.constant 0 : i32
          %dma_wait3A_56 = tpu.memref_slice %arg6[%add3A_37, %dma_wait3A_55] : memref<10128x128xf32, #tpu.memory_space<vmem_shared>> -> memref<128x128xf32, #tpu.memory_space<vmem_shared>>
          tpu.wait_dma2 semaphore(%run_scoped3A : memref<!tpu.dma_semaphore, #tpu.memory_space<semaphore_mem>>) src(%dma_wait3A_56 : memref<128x128xf32, #tpu.memory_space<vmem_shared>>) dst(%dma_wait3A_54 : memref<128x128xf32, #tpu.memory_space<vmem>>)
          tpu.yield
        }) : () -> ()
        "tpu.region"() ({
          %run_scoped3A = tpu.sem_alloc : memref<!tpu.dma_semaphore, #tpu.memory_space<semaphore_mem>>
          %dma_start3A_38 = arith.constant 0 : i32
          %dma_start3A_39 = arith.constant 0 : i32
          %dma_start3A_40 = tpu.memref_slice %arg9[%dma_start3A_38, %dma_start3A_39] : memref<128x128xf32, #tpu.memory_space<vmem>> -> memref<128x128xf32, #tpu.memory_space<vmem>>
          %dma_start3A_41 = arith.constant 0 : i32
          %dma_start3A_42 = tpu.memref_slice %arg5[%arg0, %add3A_37, %dma_start3A_41] : memref<2x10000x128xf32, #tpu.memory_space<hbm>> -> memref<1x128x128xf32, #tpu.memory_space<hbm>>
          %dma_start3A_43 = tpu.memref_squeeze %dma_start3A_42 : memref<1x128x128xf32, #tpu.memory_space<hbm>> -> memref<128x128xf32, #tpu.memory_space<hbm>>
          %dma_start3A_44 = arith.constant 0 : i32
          %dma_start3A_45 = tpu.memref_slice %arg5[%arg0, %add3A_37, %dma_start3A_44] : memref<2x10000x128xf32, #tpu.memory_space<hbm>> -> memref<1x128x128xf32, #tpu.memory_space<hbm>>
          %dma_start3A_46 = tpu.memref_squeeze %dma_start3A_45 : memref<1x128x128xf32, #tpu.memory_space<hbm>> -> memref<128x128xf32, #tpu.memory_space<hbm>>
          %dma_start3A_47 = arith.constant 0 : i32
          %dma_start3A_48 = arith.constant 0 : i32
          %dma_start3A_49 = tpu.memref_slice %arg9[%dma_start3A_47, %dma_start3A_48] : memref<128x128xf32, #tpu.memory_space<vmem>> -> memref<128x128xf32, #tpu.memory_space<vmem>>
          tpu.enqueue_dma source(%dma_start3A_49 : memref<128x128xf32, #tpu.memory_space<vmem>>) target(%dma_start3A_46 : memref<128x128xf32, #tpu.memory_space<hbm>>) target_semaphore(%run_scoped3A : memref<!tpu.dma_semaphore, #tpu.memory_space<semaphore_mem>>)
          %dma_wait3A = arith.constant 0 : i32
          %dma_wait3A_50 = arith.constant 0 : i32
          %dma_wait3A_51 = tpu.memref_slice %arg9[%dma_wait3A, %dma_wait3A_50] : memref<128x128xf32, #tpu.memory_space<vmem>> -> memref<128x128xf32, #tpu.memory_space<vmem>>
          %dma_wait3A_52 = arith.constant 0 : i32
          %dma_wait3A_53 = tpu.memref_slice %arg5[%arg0, %add3A_37, %dma_wait3A_52] : memref<2x10000x128xf32, #tpu.memory_space<hbm>> -> memref<1x128x128xf32, #tpu.memory_space<hbm>>
          %dma_wait3A_54 = tpu.memref_squeeze %dma_wait3A_53 : memref<1x128x128xf32, #tpu.memory_space<hbm>> -> memref<128x128xf32, #tpu.memory_space<hbm>>
          %dma_wait3A_55 = arith.constant 0 : i32
          %dma_wait3A_56 = tpu.memref_slice %arg5[%arg0, %add3A_37, %dma_wait3A_55] : memref<2x10000x128xf32, #tpu.memory_space<hbm>> -> memref<1x128x128xf32, #tpu.memory_space<hbm>>
          %dma_wait3A_57 = tpu.memref_squeeze %dma_wait3A_56 : memref<1x128x128xf32, #tpu.memory_space<hbm>> -> memref<128x128xf32, #tpu.memory_space<hbm>>
          %dma_wait3A_58 = arith.constant 0 : i32
          %dma_wait3A_59 = arith.constant 0 : i32
          %dma_wait3A_60 = tpu.memref_slice %arg9[%dma_wait3A_58, %dma_wait3A_59] : memref<128x128xf32, #tpu.memory_space<vmem>> -> memref<128x128xf32, #tpu.memory_space<vmem>>
          tpu.wait_dma2 semaphore(%run_scoped3A : memref<!tpu.dma_semaphore, #tpu.memory_space<semaphore_mem>>) src(%dma_wait3A_60 : memref<128x128xf32, #tpu.memory_space<vmem>>) dst(%dma_wait3A_57 : memref<128x128xf32, #tpu.memory_space<hbm>>)
          tpu.yield
        }) : () -> ()
      }
      %scan3A_34 = arith.constant 3 : i32
      "tpu.region"() ({
        %run_scoped3A = tpu.sem_alloc : memref<!tpu.dma_semaphore, #tpu.memory_space<semaphore_mem>>
        %dma_start3A_35 = arith.constant 0 : i32
        %dma_start3A_36 = arith.constant 0 : i32
        %dma_start3A_37 = tpu.memref_slice %arg9[%dma_start3A_35, %dma_start3A_36] : memref<128x128xf32, #tpu.memory_space<vmem>> -> memref<16x128xf32, #tpu.memory_space<vmem>>
        %dma_start3A_38 = arith.constant 9984 : i32
        %dma_start3A_39 = arith.constant 0 : i32
        %dma_start3A_40 = tpu.memref_slice %arg6[%dma_start3A_38, %dma_start3A_39] : memref<10128x128xf32, #tpu.memory_space<vmem_shared>> -> memref<16x128xf32, #tpu.memory_space<vmem_shared>>
        %dma_start3A_41 = arith.constant 0 : i32
        %dma_start3A_42 = arith.constant 0 : i32
        %dma_start3A_43 = tpu.memref_slice %arg9[%dma_start3A_41, %dma_start3A_42] : memref<128x128xf32, #tpu.memory_space<vmem>> -> memref<16x128xf32, #tpu.memory_space<vmem>>
        %dma_start3A_44 = arith.constant 9984 : i32
        %dma_start3A_45 = arith.constant 0 : i32
        %dma_start3A_46 = tpu.memref_slice %arg6[%dma_start3A_44, %dma_start3A_45] : memref<10128x128xf32, #tpu.memory_space<vmem_shared>> -> memref<16x128xf32, #tpu.memory_space<vmem_shared>>
        tpu.enqueue_dma source(%dma_start3A_46 : memref<16x128xf32, #tpu.memory_space<vmem_shared>>) target(%dma_start3A_43 : memref<16x128xf32, #tpu.memory_space<vmem>>) target_semaphore(%run_scoped3A : memref<!tpu.dma_semaphore, #tpu.memory_space<semaphore_mem>>)
        %dma_wait3A = arith.constant 0 : i32
        %dma_wait3A_47 = arith.constant 0 : i32
        %dma_wait3A_48 = tpu.memref_slice %arg9[%dma_wait3A, %dma_wait3A_47] : memref<128x128xf32, #tpu.memory_space<vmem>> -> memref<16x128xf32, #tpu.memory_space<vmem>>
        %dma_wait3A_49 = arith.constant 9984 : i32
        %dma_wait3A_50 = arith.constant 0 : i32
        %dma_wait3A_51 = tpu.memref_slice %arg6[%dma_wait3A_49, %dma_wait3A_50] : memref<10128x128xf32, #tpu.memory_space<vmem_shared>> -> memref<16x128xf32, #tpu.memory_space<vmem_shared>>
        %dma_wait3A_52 = arith.constant 0 : i32
        %dma_wait3A_53 = arith.constant 0 : i32
        %dma_wait3A_54 = tpu.memref_slice %arg9[%dma_wait3A_52, %dma_wait3A_53] : memref<128x128xf32, #tpu.memory_space<vmem>> -> memref<16x128xf32, #tpu.memory_space<vmem>>
        %dma_wait3A_55 = arith.constant 9984 : i32
        %dma_wait3A_56 = arith.constant 0 : i32
        %dma_wait3A_57 = tpu.memref_slice %arg6[%dma_wait3A_55, %dma_wait3A_56] : memref<10128x128xf32, #tpu.memory_space<vmem_shared>> -> memref<16x128xf32, #tpu.memory_space<vmem_shared>>
        tpu.wait_dma2 semaphore(%run_scoped3A : memref<!tpu.dma_semaphore, #tpu.memory_space<semaphore_mem>>) src(%dma_wait3A_57 : memref<16x128xf32, #tpu.memory_space<vmem_shared>>) dst(%dma_wait3A_54 : memref<16x128xf32, #tpu.memory_space<vmem>>)
        tpu.yield
      }) : () -> ()
      "tpu.region"() ({
        %run_scoped3A = tpu.sem_alloc : memref<!tpu.dma_semaphore, #tpu.memory_space<semaphore_mem>>
        %dma_start3A_35 = arith.constant 0 : i32
        %dma_start3A_36 = arith.constant 0 : i32
        %dma_start3A_37 = tpu.memref_slice %arg9[%dma_start3A_35, %dma_start3A_36] : memref<128x128xf32, #tpu.memory_space<vmem>> -> memref<16x128xf32, #tpu.memory_space<vmem>>
        %dma_start3A_38 = arith.constant 9984 : i32
        %dma_start3A_39 = arith.constant 0 : i32
        %dma_start3A_40 = tpu.memref_slice %arg5[%arg0, %dma_start3A_38, %dma_start3A_39] : memref<2x10000x128xf32, #tpu.memory_space<hbm>> -> memref<1x16x128xf32, #tpu.memory_space<hbm>>
        %dma_start3A_41 = tpu.memref_squeeze %dma_start3A_40 : memref<1x16x128xf32, #tpu.memory_space<hbm>> -> memref<16x128xf32, #tpu.memory_space<hbm>>
        %dma_start3A_42 = arith.constant 9984 : i32
        %dma_start3A_43 = arith.constant 0 : i32
        %dma_start3A_44 = tpu.memref_slice %arg5[%arg0, %dma_start3A_42, %dma_start3A_43] : memref<2x10000x128xf32, #tpu.memory_space<hbm>> -> memref<1x16x128xf32, #tpu.memory_space<hbm>>
        %dma_start3A_45 = tpu.memref_squeeze %dma_start3A_44 : memref<1x16x128xf32, #tpu.memory_space<hbm>> -> memref<16x128xf32, #tpu.memory_space<hbm>>
        %dma_start3A_46 = arith.constant 0 : i32
        %dma_start3A_47 = arith.constant 0 : i32
        %dma_start3A_48 = tpu.memref_slice %arg9[%dma_start3A_46, %dma_start3A_47] : memref<128x128xf32, #tpu.memory_space<vmem>> -> memref<16x128xf32, #tpu.memory_space<vmem>>
        tpu.enqueue_dma source(%dma_start3A_48 : memref<16x128xf32, #tpu.memory_space<vmem>>) target(%dma_start3A_45 : memref<16x128xf32, #tpu.memory_space<hbm>>) target_semaphore(%run_scoped3A : memref<!tpu.dma_semaphore, #tpu.memory_space<semaphore_mem>>)
        %dma_wait3A = arith.constant 0 : i32
        %dma_wait3A_49 = arith.constant 0 : i32
        %dma_wait3A_50 = tpu.memref_slice %arg9[%dma_wait3A, %dma_wait3A_49] : memref<128x128xf32, #tpu.memory_space<vmem>> -> memref<16x128xf32, #tpu.memory_space<vmem>>
        %dma_wait3A_51 = arith.constant 9984 : i32
        %dma_wait3A_52 = arith.constant 0 : i32
        %dma_wait3A_53 = tpu.memref_slice %arg5[%arg0, %dma_wait3A_51, %dma_wait3A_52] : memref<2x10000x128xf32, #tpu.memory_space<hbm>> -> memref<1x16x128xf32, #tpu.memory_space<hbm>>
        %dma_wait3A_54 = tpu.memref_squeeze %dma_wait3A_53 : memref<1x16x128xf32, #tpu.memory_space<hbm>> -> memref<16x128xf32, #tpu.memory_space<hbm>>
        %dma_wait3A_55 = arith.constant 9984 : i32
        %dma_wait3A_56 = arith.constant 0 : i32
        %dma_wait3A_57 = tpu.memref_slice %arg5[%arg0, %dma_wait3A_55, %dma_wait3A_56] : memref<2x10000x128xf32, #tpu.memory_space<hbm>> -> memref<1x16x128xf32, #tpu.memory_space<hbm>>
        %dma_wait3A_58 = tpu.memref_squeeze %dma_wait3A_57 : memref<1x16x128xf32, #tpu.memory_space<hbm>> -> memref<16x128xf32, #tpu.memory_space<hbm>>
        %dma_wait3A_59 = arith.constant 0 : i32
        %dma_wait3A_60 = arith.constant 0 : i32
        %dma_wait3A_61 = tpu.memref_slice %arg9[%dma_wait3A_59, %dma_wait3A_60] : memref<128x128xf32, #tpu.memory_space<vmem>> -> memref<16x128xf32, #tpu.memory_space<vmem>>
        tpu.wait_dma2 semaphore(%run_scoped3A : memref<!tpu.dma_semaphore, #tpu.memory_space<semaphore_mem>>) src(%dma_wait3A_61 : memref<16x128xf32, #tpu.memory_space<vmem>>) dst(%dma_wait3A_58 : memref<16x128xf32, #tpu.memory_space<hbm>>)
        tpu.yield
      }) : () -> ()
    } else {
    }
    return
  }
}

#map = affine_map<(d0, d1) -> (0, 0)>
#map1 = affine_map<(d0, d1) -> (0, 0, 0, 0)>
#map2 = affine_map<(d0, d1) -> (0, 0, 0)>
module attributes {stable_mosaic.version = 14 : i64} {
  func.func @body(%arg0: i32, %arg1: i32, %arg2: memref<20000x128xf32, #tpu.memory_space<hbm>>, %arg3: memref<2x16x320x128xi32, #tpu.memory_space<hbm>>, %arg4: memref<2x10000x128xf32, #tpu.memory_space<hbm>>, %arg5: memref<10128x128xf32, #tpu.memory_space<vmem_shared>>, %arg6: memref<40x128xi32, #tpu.memory_space<vmem>>, %arg7: memref<40x128xi32, #tpu.memory_space<vmem>>, %arg8: memref<128x128xf32, #tpu.memory_space<vmem>>, %arg9: memref<128x128xf32, #tpu.memory_space<vmem>>, %arg10: memref<!tpu.dma_semaphore, #tpu.memory_space<semaphore_mem>>, %arg11: memref<!tpu.dma_semaphore, #tpu.memory_space<semaphore_mem>>, %arg12: memref<!tpu.dma_semaphore, #tpu.memory_space<semaphore_mem>>, %arg13: memref<!tpu.dma_semaphore, #tpu.memory_space<semaphore_mem>>) attributes {dimension_semantics = [#tpu.dimension_semantics<core_parallel>, #tpu.dimension_semantics<subcore_parallel>], iteration_bounds = array<i64: 2, 16>, scalar_prefetch = 0 : i64, scratch_operands = 9 : i64, tpu.core_type = #tpu.core_type<sc_vector_subcore>, window_params = [{transform_indices = #map}, {transform_indices = #map1}, {transform_indices = #map2}]} {
    %lt3A = arith.constant 15 : i32
    %lt3A_0 = arith.cmpi slt, %arg1, %lt3A : i32
    %convert_element_type3A = arith.extui %lt3A_0 : i1 to i32
    %cond3A = arith.constant 0 : i32
    %cond3A_1 = arith.cmpi ne, %convert_element_type3A, %cond3A : i32
    scf.if %cond3A_1 {
      %scan3A_29 = arith.constant 0 : i32
      %scan3A_30 = arith.constant 0 : i32
      %scan3A_31 = arith.constant 5 : i32
      %scan3A_32 = arith.addi %scan3A_30, %scan3A_31 : i32
      %scan3A_33 = arith.constant 1 : i32
      scf.for %scan3A_35 = %scan3A_30 to %scan3A_32 step %scan3A_33  : i32 {
        %mul3A = arith.constant 640 : i32
        %mul3A_36 = arith.muli %arg1, %mul3A : i32
        %mul3A_37 = arith.constant 128 : i32
        %mul3A_38 = arith.muli %scan3A_35, %mul3A_37 : i32
        %add3A = arith.addi %mul3A_36, %mul3A_38 : i32
        %mul3A_39 = arith.constant 10000 : i32
        %mul3A_40 = arith.muli %arg0, %mul3A_39 : i32
        %add3A_41 = arith.addi %mul3A_40, %add3A : i32
        %multiple_of3A = tpu.assume_multiple %add3A_41, 8 : i32
        "tpu.region"() ({
          %run_scoped3A = tpu.sem_alloc : memref<!tpu.dma_semaphore, #tpu.memory_space<semaphore_mem>>
          %dma_start3A_42 = arith.constant 0 : i32
          %dma_start3A_43 = arith.constant 0 : i32
          %dma_start3A_44 = tpu.memref_slice %arg8[%dma_start3A_42, %dma_start3A_43] : memref<128x128xf32, #tpu.memory_space<vmem>> -> memref<128x128xf32, #tpu.memory_space<vmem>>
          %dma_start3A_45 = arith.constant 0 : i32
          %dma_start3A_46 = tpu.memref_slice %arg2[%multiple_of3A, %dma_start3A_45] : memref<20000x128xf32, #tpu.memory_space<hbm>> -> memref<128x128xf32, #tpu.memory_space<hbm>>
          %dma_start3A_47 = arith.constant 0 : i32
          %dma_start3A_48 = arith.constant 0 : i32
          %dma_start3A_49 = tpu.memref_slice %arg8[%dma_start3A_47, %dma_start3A_48] : memref<128x128xf32, #tpu.memory_space<vmem>> -> memref<128x128xf32, #tpu.memory_space<vmem>>
          %dma_start3A_50 = arith.constant 0 : i32
          %dma_start3A_51 = tpu.memref_slice %arg2[%multiple_of3A, %dma_start3A_50] : memref<20000x128xf32, #tpu.memory_space<hbm>> -> memref<128x128xf32, #tpu.memory_space<hbm>>
          tpu.enqueue_dma source(%dma_start3A_51 : memref<128x128xf32, #tpu.memory_space<hbm>>) target(%dma_start3A_49 : memref<128x128xf32, #tpu.memory_space<vmem>>) target_semaphore(%run_scoped3A : memref<!tpu.dma_semaphore, #tpu.memory_space<semaphore_mem>>)
          %dma_wait3A = arith.constant 0 : i32
          %dma_wait3A_52 = arith.constant 0 : i32
          %dma_wait3A_53 = tpu.memref_slice %arg8[%dma_wait3A, %dma_wait3A_52] : memref<128x128xf32, #tpu.memory_space<vmem>> -> memref<128x128xf32, #tpu.memory_space<vmem>>
          %dma_wait3A_54 = arith.constant 0 : i32
          %dma_wait3A_55 = tpu.memref_slice %arg2[%multiple_of3A, %dma_wait3A_54] : memref<20000x128xf32, #tpu.memory_space<hbm>> -> memref<128x128xf32, #tpu.memory_space<hbm>>
          %dma_wait3A_56 = arith.constant 0 : i32
          %dma_wait3A_57 = arith.constant 0 : i32
          %dma_wait3A_58 = tpu.memref_slice %arg8[%dma_wait3A_56, %dma_wait3A_57] : memref<128x128xf32, #tpu.memory_space<vmem>> -> memref<128x128xf32, #tpu.memory_space<vmem>>
          %dma_wait3A_59 = arith.constant 0 : i32
          %dma_wait3A_60 = tpu.memref_slice %arg2[%multiple_of3A, %dma_wait3A_59] : memref<20000x128xf32, #tpu.memory_space<hbm>> -> memref<128x128xf32, #tpu.memory_space<hbm>>
          tpu.wait_dma2 semaphore(%run_scoped3A : memref<!tpu.dma_semaphore, #tpu.memory_space<semaphore_mem>>) src(%dma_wait3A_60 : memref<128x128xf32, #tpu.memory_space<hbm>>) dst(%dma_wait3A_58 : memref<128x128xf32, #tpu.memory_space<vmem>>)
          tpu.yield
        }) : () -> ()
        "tpu.region"() ({
          %run_scoped3A = tpu.sem_alloc : memref<!tpu.dma_semaphore, #tpu.memory_space<semaphore_mem>>
          %dma_start3A_42 = arith.constant 0 : i32
          %dma_start3A_43 = arith.constant 0 : i32
          %dma_start3A_44 = tpu.memref_slice %arg8[%dma_start3A_42, %dma_start3A_43] : memref<128x128xf32, #tpu.memory_space<vmem>> -> memref<128x128xf32, #tpu.memory_space<vmem>>
          %dma_start3A_45 = arith.constant 0 : i32
          %dma_start3A_46 = tpu.memref_slice %arg5[%add3A, %dma_start3A_45] : memref<10128x128xf32, #tpu.memory_space<vmem_shared>> -> memref<128x128xf32, #tpu.memory_space<vmem_shared>>
          %dma_start3A_47 = arith.constant 0 : i32
          %dma_start3A_48 = tpu.memref_slice %arg5[%add3A, %dma_start3A_47] : memref<10128x128xf32, #tpu.memory_space<vmem_shared>> -> memref<128x128xf32, #tpu.memory_space<vmem_shared>>
          %dma_start3A_49 = arith.constant 0 : i32
          %dma_start3A_50 = arith.constant 0 : i32
          %dma_start3A_51 = tpu.memref_slice %arg8[%dma_start3A_49, %dma_start3A_50] : memref<128x128xf32, #tpu.memory_space<vmem>> -> memref<128x128xf32, #tpu.memory_space<vmem>>
          tpu.enqueue_dma source(%dma_start3A_51 : memref<128x128xf32, #tpu.memory_space<vmem>>) target(%dma_start3A_48 : memref<128x128xf32, #tpu.memory_space<vmem_shared>>) target_semaphore(%run_scoped3A : memref<!tpu.dma_semaphore, #tpu.memory_space<semaphore_mem>>)
          %dma_wait3A = arith.constant 0 : i32
          %dma_wait3A_52 = arith.constant 0 : i32
          %dma_wait3A_53 = tpu.memref_slice %arg8[%dma_wait3A, %dma_wait3A_52] : memref<128x128xf32, #tpu.memory_space<vmem>> -> memref<128x128xf32, #tpu.memory_space<vmem>>
          %dma_wait3A_54 = arith.constant 0 : i32
          %dma_wait3A_55 = tpu.memref_slice %arg5[%add3A, %dma_wait3A_54] : memref<10128x128xf32, #tpu.memory_space<vmem_shared>> -> memref<128x128xf32, #tpu.memory_space<vmem_shared>>
          %dma_wait3A_56 = arith.constant 0 : i32
          %dma_wait3A_57 = tpu.memref_slice %arg5[%add3A, %dma_wait3A_56] : memref<10128x128xf32, #tpu.memory_space<vmem_shared>> -> memref<128x128xf32, #tpu.memory_space<vmem_shared>>
          %dma_wait3A_58 = arith.constant 0 : i32
          %dma_wait3A_59 = arith.constant 0 : i32
          %dma_wait3A_60 = tpu.memref_slice %arg8[%dma_wait3A_58, %dma_wait3A_59] : memref<128x128xf32, #tpu.memory_space<vmem>> -> memref<128x128xf32, #tpu.memory_space<vmem>>
          tpu.wait_dma2 semaphore(%run_scoped3A : memref<!tpu.dma_semaphore, #tpu.memory_space<semaphore_mem>>) src(%dma_wait3A_60 : memref<128x128xf32, #tpu.memory_space<vmem>>) dst(%dma_wait3A_57 : memref<128x128xf32, #tpu.memory_space<vmem_shared>>)
          tpu.yield
        }) : () -> ()
      }
      %scan3A_34 = arith.constant 5 : i32
    } else {
    }
    %eq3A = arith.constant 15 : i32
    %eq3A_2 = arith.cmpi eq, %arg1, %eq3A : i32
    %convert_element_type3A_3 = arith.extui %eq3A_2 : i1 to i32
    %cond3A_4 = arith.constant 0 : i32
    %cond3A_5 = arith.cmpi ne, %convert_element_type3A_3, %cond3A_4 : i32
    scf.if %cond3A_5 {
      %scan3A_29 = arith.constant 0 : i32
      %scan3A_30 = arith.constant 0 : i32
      %scan3A_31 = arith.constant 3 : i32
      %scan3A_32 = arith.addi %scan3A_30, %scan3A_31 : i32
      %scan3A_33 = arith.constant 1 : i32
      scf.for %scan3A_37 = %scan3A_30 to %scan3A_32 step %scan3A_33  : i32 {
        %mul3A_38 = arith.constant 128 : i32
        %mul3A_39 = arith.muli %scan3A_37, %mul3A_38 : i32
        %add3A_40 = arith.constant 9600 : i32
        %add3A_41 = arith.addi %add3A_40, %mul3A_39 : i32
        %mul3A_42 = arith.constant 10000 : i32
        %mul3A_43 = arith.muli %arg0, %mul3A_42 : i32
        %add3A_44 = arith.addi %mul3A_43, %add3A_41 : i32
        %multiple_of3A_45 = tpu.assume_multiple %add3A_44, 8 : i32
        "tpu.region"() ({
          %run_scoped3A = tpu.sem_alloc : memref<!tpu.dma_semaphore, #tpu.memory_space<semaphore_mem>>
          %dma_start3A_46 = arith.constant 0 : i32
          %dma_start3A_47 = arith.constant 0 : i32
          %dma_start3A_48 = tpu.memref_slice %arg8[%dma_start3A_46, %dma_start3A_47] : memref<128x128xf32, #tpu.memory_space<vmem>> -> memref<128x128xf32, #tpu.memory_space<vmem>>
          %dma_start3A_49 = arith.constant 0 : i32
          %dma_start3A_50 = tpu.memref_slice %arg2[%multiple_of3A_45, %dma_start3A_49] : memref<20000x128xf32, #tpu.memory_space<hbm>> -> memref<128x128xf32, #tpu.memory_space<hbm>>
          %dma_start3A_51 = arith.constant 0 : i32
          %dma_start3A_52 = arith.constant 0 : i32
          %dma_start3A_53 = tpu.memref_slice %arg8[%dma_start3A_51, %dma_start3A_52] : memref<128x128xf32, #tpu.memory_space<vmem>> -> memref<128x128xf32, #tpu.memory_space<vmem>>
          %dma_start3A_54 = arith.constant 0 : i32
          %dma_start3A_55 = tpu.memref_slice %arg2[%multiple_of3A_45, %dma_start3A_54] : memref<20000x128xf32, #tpu.memory_space<hbm>> -> memref<128x128xf32, #tpu.memory_space<hbm>>
          tpu.enqueue_dma source(%dma_start3A_55 : memref<128x128xf32, #tpu.memory_space<hbm>>) target(%dma_start3A_53 : memref<128x128xf32, #tpu.memory_space<vmem>>) target_semaphore(%run_scoped3A : memref<!tpu.dma_semaphore, #tpu.memory_space<semaphore_mem>>)
          %dma_wait3A = arith.constant 0 : i32
          %dma_wait3A_56 = arith.constant 0 : i32
          %dma_wait3A_57 = tpu.memref_slice %arg8[%dma_wait3A, %dma_wait3A_56] : memref<128x128xf32, #tpu.memory_space<vmem>> -> memref<128x128xf32, #tpu.memory_space<vmem>>
          %dma_wait3A_58 = arith.constant 0 : i32
          %dma_wait3A_59 = tpu.memref_slice %arg2[%multiple_of3A_45, %dma_wait3A_58] : memref<20000x128xf32, #tpu.memory_space<hbm>> -> memref<128x128xf32, #tpu.memory_space<hbm>>
          %dma_wait3A_60 = arith.constant 0 : i32
          %dma_wait3A_61 = arith.constant 0 : i32
          %dma_wait3A_62 = tpu.memref_slice %arg8[%dma_wait3A_60, %dma_wait3A_61] : memref<128x128xf32, #tpu.memory_space<vmem>> -> memref<128x128xf32, #tpu.memory_space<vmem>>
          %dma_wait3A_63 = arith.constant 0 : i32
          %dma_wait3A_64 = tpu.memref_slice %arg2[%multiple_of3A_45, %dma_wait3A_63] : memref<20000x128xf32, #tpu.memory_space<hbm>> -> memref<128x128xf32, #tpu.memory_space<hbm>>
          tpu.wait_dma2 semaphore(%run_scoped3A : memref<!tpu.dma_semaphore, #tpu.memory_space<semaphore_mem>>) src(%dma_wait3A_64 : memref<128x128xf32, #tpu.memory_space<hbm>>) dst(%dma_wait3A_62 : memref<128x128xf32, #tpu.memory_space<vmem>>)
          tpu.yield
        }) : () -> ()
        "tpu.region"() ({
          %run_scoped3A = tpu.sem_alloc : memref<!tpu.dma_semaphore, #tpu.memory_space<semaphore_mem>>
          %dma_start3A_46 = arith.constant 0 : i32
          %dma_start3A_47 = arith.constant 0 : i32
          %dma_start3A_48 = tpu.memref_slice %arg8[%dma_start3A_46, %dma_start3A_47] : memref<128x128xf32, #tpu.memory_space<vmem>> -> memref<128x128xf32, #tpu.memory_space<vmem>>
          %dma_start3A_49 = arith.constant 0 : i32
          %dma_start3A_50 = tpu.memref_slice %arg5[%add3A_41, %dma_start3A_49] : memref<10128x128xf32, #tpu.memory_space<vmem_shared>> -> memref<128x128xf32, #tpu.memory_space<vmem_shared>>
          %dma_start3A_51 = arith.constant 0 : i32
          %dma_start3A_52 = tpu.memref_slice %arg5[%add3A_41, %dma_start3A_51] : memref<10128x128xf32, #tpu.memory_space<vmem_shared>> -> memref<128x128xf32, #tpu.memory_space<vmem_shared>>
          %dma_start3A_53 = arith.constant 0 : i32
          %dma_start3A_54 = arith.constant 0 : i32
          %dma_start3A_55 = tpu.memref_slice %arg8[%dma_start3A_53, %dma_start3A_54] : memref<128x128xf32, #tpu.memory_space<vmem>> -> memref<128x128xf32, #tpu.memory_space<vmem>>
          tpu.enqueue_dma source(%dma_start3A_55 : memref<128x128xf32, #tpu.memory_space<vmem>>) target(%dma_start3A_52 : memref<128x128xf32, #tpu.memory_space<vmem_shared>>) target_semaphore(%run_scoped3A : memref<!tpu.dma_semaphore, #tpu.memory_space<semaphore_mem>>)
          %dma_wait3A = arith.constant 0 : i32
          %dma_wait3A_56 = arith.constant 0 : i32
          %dma_wait3A_57 = tpu.memref_slice %arg8[%dma_wait3A, %dma_wait3A_56] : memref<128x128xf32, #tpu.memory_space<vmem>> -> memref<128x128xf32, #tpu.memory_space<vmem>>
          %dma_wait3A_58 = arith.constant 0 : i32
          %dma_wait3A_59 = tpu.memref_slice %arg5[%add3A_41, %dma_wait3A_58] : memref<10128x128xf32, #tpu.memory_space<vmem_shared>> -> memref<128x128xf32, #tpu.memory_space<vmem_shared>>
          %dma_wait3A_60 = arith.constant 0 : i32
          %dma_wait3A_61 = tpu.memref_slice %arg5[%add3A_41, %dma_wait3A_60] : memref<10128x128xf32, #tpu.memory_space<vmem_shared>> -> memref<128x128xf32, #tpu.memory_space<vmem_shared>>
          %dma_wait3A_62 = arith.constant 0 : i32
          %dma_wait3A_63 = arith.constant 0 : i32
          %dma_wait3A_64 = tpu.memref_slice %arg8[%dma_wait3A_62, %dma_wait3A_63] : memref<128x128xf32, #tpu.memory_space<vmem>> -> memref<128x128xf32, #tpu.memory_space<vmem>>
          tpu.wait_dma2 semaphore(%run_scoped3A : memref<!tpu.dma_semaphore, #tpu.memory_space<semaphore_mem>>) src(%dma_wait3A_64 : memref<128x128xf32, #tpu.memory_space<vmem>>) dst(%dma_wait3A_61 : memref<128x128xf32, #tpu.memory_space<vmem_shared>>)
          tpu.yield
        }) : () -> ()
      }
      %scan3A_34 = arith.constant 3 : i32
      %mul3A = arith.constant 10000 : i32
      %mul3A_35 = arith.muli %arg0, %mul3A : i32
      %add3A = arith.constant 9984 : i32
      %add3A_36 = arith.addi %mul3A_35, %add3A : i32
      %multiple_of3A = tpu.assume_multiple %add3A_36, 8 : i32
      "tpu.region"() ({
        %run_scoped3A = tpu.sem_alloc : memref<!tpu.dma_semaphore, #tpu.memory_space<semaphore_mem>>
        %dma_start3A_37 = arith.constant 0 : i32
        %dma_start3A_38 = arith.constant 0 : i32
        %dma_start3A_39 = tpu.memref_slice %arg8[%dma_start3A_37, %dma_start3A_38] : memref<128x128xf32, #tpu.memory_space<vmem>> -> memref<16x128xf32, #tpu.memory_space<vmem>>
        %dma_start3A_40 = arith.constant 0 : i32
        %dma_start3A_41 = tpu.memref_slice %arg2[%multiple_of3A, %dma_start3A_40] : memref<20000x128xf32, #tpu.memory_space<hbm>> -> memref<16x128xf32, #tpu.memory_space<hbm>>
        %dma_start3A_42 = arith.constant 0 : i32
        %dma_start3A_43 = arith.constant 0 : i32
        %dma_start3A_44 = tpu.memref_slice %arg8[%dma_start3A_42, %dma_start3A_43] : memref<128x128xf32, #tpu.memory_space<vmem>> -> memref<16x128xf32, #tpu.memory_space<vmem>>
        %dma_start3A_45 = arith.constant 0 : i32
        %dma_start3A_46 = tpu.memref_slice %arg2[%multiple_of3A, %dma_start3A_45] : memref<20000x128xf32, #tpu.memory_space<hbm>> -> memref<16x128xf32, #tpu.memory_space<hbm>>
        tpu.enqueue_dma source(%dma_start3A_46 : memref<16x128xf32, #tpu.memory_space<hbm>>) target(%dma_start3A_44 : memref<16x128xf32, #tpu.memory_space<vmem>>) target_semaphore(%run_scoped3A : memref<!tpu.dma_semaphore, #tpu.memory_space<semaphore_mem>>)
        %dma_wait3A = arith.constant 0 : i32
        %dma_wait3A_47 = arith.constant 0 : i32
        %dma_wait3A_48 = tpu.memref_slice %arg8[%dma_wait3A, %dma_wait3A_47] : memref<128x128xf32, #tpu.memory_space<vmem>> -> memref<16x128xf32, #tpu.memory_space<vmem>>
        %dma_wait3A_49 = arith.constant 0 : i32
        %dma_wait3A_50 = tpu.memref_slice %arg2[%multiple_of3A, %dma_wait3A_49] : memref<20000x128xf32, #tpu.memory_space<hbm>> -> memref<16x128xf32, #tpu.memory_space<hbm>>
        %dma_wait3A_51 = arith.constant 0 : i32
        %dma_wait3A_52 = arith.constant 0 : i32
        %dma_wait3A_53 = tpu.memref_slice %arg8[%dma_wait3A_51, %dma_wait3A_52] : memref<128x128xf32, #tpu.memory_space<vmem>> -> memref<16x128xf32, #tpu.memory_space<vmem>>
        %dma_wait3A_54 = arith.constant 0 : i32
        %dma_wait3A_55 = tpu.memref_slice %arg2[%multiple_of3A, %dma_wait3A_54] : memref<20000x128xf32, #tpu.memory_space<hbm>> -> memref<16x128xf32, #tpu.memory_space<hbm>>
        tpu.wait_dma2 semaphore(%run_scoped3A : memref<!tpu.dma_semaphore, #tpu.memory_space<semaphore_mem>>) src(%dma_wait3A_55 : memref<16x128xf32, #tpu.memory_space<hbm>>) dst(%dma_wait3A_53 : memref<16x128xf32, #tpu.memory_space<vmem>>)
        tpu.yield
      }) : () -> ()
      "tpu.region"() ({
        %run_scoped3A = tpu.sem_alloc : memref<!tpu.dma_semaphore, #tpu.memory_space<semaphore_mem>>
        %dma_start3A_37 = arith.constant 0 : i32
        %dma_start3A_38 = arith.constant 0 : i32
        %dma_start3A_39 = tpu.memref_slice %arg8[%dma_start3A_37, %dma_start3A_38] : memref<128x128xf32, #tpu.memory_space<vmem>> -> memref<16x128xf32, #tpu.memory_space<vmem>>
        %dma_start3A_40 = arith.constant 9984 : i32
        %dma_start3A_41 = arith.constant 0 : i32
        %dma_start3A_42 = tpu.memref_slice %arg5[%dma_start3A_40, %dma_start3A_41] : memref<10128x128xf32, #tpu.memory_space<vmem_shared>> -> memref<16x128xf32, #tpu.memory_space<vmem_shared>>
        %dma_start3A_43 = arith.constant 9984 : i32
        %dma_start3A_44 = arith.constant 0 : i32
        %dma_start3A_45 = tpu.memref_slice %arg5[%dma_start3A_43, %dma_start3A_44] : memref<10128x128xf32, #tpu.memory_space<vmem_shared>> -> memref<16x128xf32, #tpu.memory_space<vmem_shared>>
        %dma_start3A_46 = arith.constant 0 : i32
        %dma_start3A_47 = arith.constant 0 : i32
        %dma_start3A_48 = tpu.memref_slice %arg8[%dma_start3A_46, %dma_start3A_47] : memref<128x128xf32, #tpu.memory_space<vmem>> -> memref<16x128xf32, #tpu.memory_space<vmem>>
        tpu.enqueue_dma source(%dma_start3A_48 : memref<16x128xf32, #tpu.memory_space<vmem>>) target(%dma_start3A_45 : memref<16x128xf32, #tpu.memory_space<vmem_shared>>) target_semaphore(%run_scoped3A : memref<!tpu.dma_semaphore, #tpu.memory_space<semaphore_mem>>)
        %dma_wait3A = arith.constant 0 : i32
        %dma_wait3A_49 = arith.constant 0 : i32
        %dma_wait3A_50 = tpu.memref_slice %arg8[%dma_wait3A, %dma_wait3A_49] : memref<128x128xf32, #tpu.memory_space<vmem>> -> memref<16x128xf32, #tpu.memory_space<vmem>>
        %dma_wait3A_51 = arith.constant 9984 : i32
        %dma_wait3A_52 = arith.constant 0 : i32
        %dma_wait3A_53 = tpu.memref_slice %arg5[%dma_wait3A_51, %dma_wait3A_52] : memref<10128x128xf32, #tpu.memory_space<vmem_shared>> -> memref<16x128xf32, #tpu.memory_space<vmem_shared>>
        %dma_wait3A_54 = arith.constant 9984 : i32
        %dma_wait3A_55 = arith.constant 0 : i32
        %dma_wait3A_56 = tpu.memref_slice %arg5[%dma_wait3A_54, %dma_wait3A_55] : memref<10128x128xf32, #tpu.memory_space<vmem_shared>> -> memref<16x128xf32, #tpu.memory_space<vmem_shared>>
        %dma_wait3A_57 = arith.constant 0 : i32
        %dma_wait3A_58 = arith.constant 0 : i32
        %dma_wait3A_59 = tpu.memref_slice %arg8[%dma_wait3A_57, %dma_wait3A_58] : memref<128x128xf32, #tpu.memory_space<vmem>> -> memref<16x128xf32, #tpu.memory_space<vmem>>
        tpu.wait_dma2 semaphore(%run_scoped3A : memref<!tpu.dma_semaphore, #tpu.memory_space<semaphore_mem>>) src(%dma_wait3A_59 : memref<16x128xf32, #tpu.memory_space<vmem>>) dst(%dma_wait3A_56 : memref<16x128xf32, #tpu.memory_space<vmem_shared>>)
        tpu.yield
      }) : () -> ()
    } else {
    }
    %barrier3A = arith.constant 0 : index
    tpu.barrier barrier_id(%barrier3A)
    %dma_start3A = arith.constant 0 : i32
    %dma_start3A_6 = arith.constant 0 : i32
    %dma_start3A_7 = tpu.memref_slice %arg3[%arg0, %arg1, %dma_start3A, %dma_start3A_6] : memref<2x16x320x128xi32, #tpu.memory_space<hbm>> -> memref<1x1x40x128xi32, #tpu.memory_space<hbm>>
    %dma_start3A_8 = tpu.memref_squeeze %dma_start3A_7 : memref<1x1x40x128xi32, #tpu.memory_space<hbm>> -> memref<40x128xi32, #tpu.memory_space<hbm>>
    %dma_start3A_9 = arith.constant 0 : i32
    %dma_start3A_10 = arith.constant 0 : i32
    %dma_start3A_11 = tpu.memref_slice %arg3[%arg0, %arg1, %dma_start3A_9, %dma_start3A_10] : memref<2x16x320x128xi32, #tpu.memory_space<hbm>> -> memref<1x1x40x128xi32, #tpu.memory_space<hbm>>
    %dma_start3A_12 = tpu.memref_squeeze %dma_start3A_11 : memref<1x1x40x128xi32, #tpu.memory_space<hbm>> -> memref<40x128xi32, #tpu.memory_space<hbm>>
    tpu.enqueue_dma source(%dma_start3A_12 : memref<40x128xi32, #tpu.memory_space<hbm>>) target(%arg6 : memref<40x128xi32, #tpu.memory_space<vmem>>) target_semaphore(%arg12 : memref<!tpu.dma_semaphore, #tpu.memory_space<semaphore_mem>>)
    %scan3A = arith.constant 0 : i32
    %scan3A_13 = arith.constant 0 : i32
    %scan3A_14 = arith.constant 4 : i32
    %scan3A_15 = arith.addi %scan3A_13, %scan3A_14 : i32
    %scan3A_16 = arith.constant 1 : i32
    scf.for %scan3A_29 = %scan3A_13 to %scan3A_15 step %scan3A_16  : i32 {
      %mul3A = arith.constant 2 : i32
      %mul3A_30 = arith.muli %mul3A, %scan3A_29 : i32
      %dma_wait3A = arith.constant 0 : i32
      %dma_wait3A_31 = arith.constant 0 : i32
      %dma_wait3A_32 = tpu.memref_slice %arg3[%arg0, %arg1, %dma_wait3A, %dma_wait3A_31] : memref<2x16x320x128xi32, #tpu.memory_space<hbm>> -> memref<1x1x40x128xi32, #tpu.memory_space<hbm>>
      %dma_wait3A_33 = tpu.memref_squeeze %dma_wait3A_32 : memref<1x1x40x128xi32, #tpu.memory_space<hbm>> -> memref<40x128xi32, #tpu.memory_space<hbm>>
      %dma_wait3A_34 = arith.constant 0 : i32
      %dma_wait3A_35 = arith.constant 0 : i32
      %dma_wait3A_36 = tpu.memref_slice %arg3[%arg0, %arg1, %dma_wait3A_34, %dma_wait3A_35] : memref<2x16x320x128xi32, #tpu.memory_space<hbm>> -> memref<1x1x40x128xi32, #tpu.memory_space<hbm>>
      %dma_wait3A_37 = tpu.memref_squeeze %dma_wait3A_36 : memref<1x1x40x128xi32, #tpu.memory_space<hbm>> -> memref<40x128xi32, #tpu.memory_space<hbm>>
      tpu.wait_dma2 semaphore(%arg12 : memref<!tpu.dma_semaphore, #tpu.memory_space<semaphore_mem>>) src(%dma_wait3A_37 : memref<40x128xi32, #tpu.memory_space<hbm>>) dst(%arg6 : memref<40x128xi32, #tpu.memory_space<vmem>>)
      %add3A = arith.constant 1 : i32
      %add3A_38 = arith.addi %mul3A_30, %add3A : i32
      %mul3A_39 = arith.constant 40 : i32
      %mul3A_40 = arith.muli %add3A_38, %mul3A_39 : i32
      %dma_start3A_41 = arith.constant 0 : i32
      %dma_start3A_42 = tpu.memref_slice %arg3[%arg0, %arg1, %mul3A_40, %dma_start3A_41] : memref<2x16x320x128xi32, #tpu.memory_space<hbm>> -> memref<1x1x40x128xi32, #tpu.memory_space<hbm>>
      %dma_start3A_43 = tpu.memref_squeeze %dma_start3A_42 : memref<1x1x40x128xi32, #tpu.memory_space<hbm>> -> memref<40x128xi32, #tpu.memory_space<hbm>>
      %dma_start3A_44 = arith.constant 0 : i32
      %dma_start3A_45 = tpu.memref_slice %arg3[%arg0, %arg1, %mul3A_40, %dma_start3A_44] : memref<2x16x320x128xi32, #tpu.memory_space<hbm>> -> memref<1x1x40x128xi32, #tpu.memory_space<hbm>>
      %dma_start3A_46 = tpu.memref_squeeze %dma_start3A_45 : memref<1x1x40x128xi32, #tpu.memory_space<hbm>> -> memref<40x128xi32, #tpu.memory_space<hbm>>
      tpu.enqueue_dma source(%dma_start3A_46 : memref<40x128xi32, #tpu.memory_space<hbm>>) target(%arg7 : memref<40x128xi32, #tpu.memory_space<vmem>>) target_semaphore(%arg13 : memref<!tpu.dma_semaphore, #tpu.memory_space<semaphore_mem>>)
      %dma_start3A_47 = arith.constant 0 : i32
      %dma_start3A_48 = arith.constant 0 : i32
      %dma_start3A_49 = tpu.memref_slice %arg6[%dma_start3A_47, %dma_start3A_48] : memref<40x128xi32, #tpu.memory_space<vmem>> -> memref<1x128xi32, #tpu.memory_space<vmem>>
      %dma_start3A_50 = tpu.memref_squeeze %dma_start3A_49 : memref<1x128xi32, #tpu.memory_space<vmem>> -> memref<128xi32, #tpu.memory_space<vmem>>
      %dma_start3A_51 = arith.constant 0 : i32
      %dma_start3A_52 = arith.constant 0 : i32
      %dma_start3A_53 = tpu.memref_slice %arg2[%dma_start3A_51, %dma_start3A_52] : memref<20000x128xf32, #tpu.memory_space<hbm>> -> memref<20000x128xf32, #tpu.memory_space<hbm>>
      tpu.enqueue_indirect_dma source(%dma_start3A_53 : memref<20000x128xf32, #tpu.memory_space<hbm>>) target(%arg8 : memref<128x128xf32, #tpu.memory_space<vmem>>) offsets(%dma_start3A_50 : memref<128xi32, #tpu.memory_space<vmem>>) semaphore(%arg10 : memref<!tpu.dma_semaphore, #tpu.memory_space<semaphore_mem>>)
      %scan3A_54 = arith.constant 0 : i32
      %scan3A_55 = arith.constant 0 : i32
      %scan3A_56 = arith.constant 10 : i32
      %scan3A_57 = arith.addi %scan3A_55, %scan3A_56 : i32
      %scan3A_58 = arith.constant 1 : i32
      scf.for %scan3A_88 = %scan3A_55 to %scan3A_57 step %scan3A_58  : i32 {
        %mul3A_89 = arith.constant 2 : i32
        %mul3A_90 = arith.muli %mul3A_89, %scan3A_88 : i32
        %mul3A_91 = arith.constant 2 : i32
        %mul3A_92 = arith.muli %mul3A_91, %mul3A_90 : i32
        %add3A_93 = arith.constant 2 : i32
        %add3A_94 = arith.addi %mul3A_92, %add3A_93 : i32
        %dma_start3A_95 = arith.constant 0 : i32
        %dma_start3A_96 = tpu.memref_slice %arg6[%add3A_94, %dma_start3A_95] : memref<40x128xi32, #tpu.memory_space<vmem>> -> memref<1x128xi32, #tpu.memory_space<vmem>>
        %dma_start3A_97 = tpu.memref_squeeze %dma_start3A_96 : memref<1x128xi32, #tpu.memory_space<vmem>> -> memref<128xi32, #tpu.memory_space<vmem>>
        %dma_start3A_98 = arith.constant 0 : i32
        %dma_start3A_99 = arith.constant 0 : i32
        %dma_start3A_100 = tpu.memref_slice %arg2[%dma_start3A_98, %dma_start3A_99] : memref<20000x128xf32, #tpu.memory_space<hbm>> -> memref<20000x128xf32, #tpu.memory_space<hbm>>
        tpu.enqueue_indirect_dma source(%dma_start3A_100 : memref<20000x128xf32, #tpu.memory_space<hbm>>) target(%arg9 : memref<128x128xf32, #tpu.memory_space<vmem>>) offsets(%dma_start3A_97 : memref<128xi32, #tpu.memory_space<vmem>>) semaphore(%arg11 : memref<!tpu.dma_semaphore, #tpu.memory_space<semaphore_mem>>)
        %dma_wait3A_101 = arith.constant 0 : i32
        %dma_wait3A_102 = arith.constant 0 : i32
        %dma_wait3A_103 = tpu.memref_slice %arg6[%dma_wait3A_101, %dma_wait3A_102] : memref<40x128xi32, #tpu.memory_space<vmem>> -> memref<1x128xi32, #tpu.memory_space<vmem>>
        %dma_wait3A_104 = tpu.memref_squeeze %dma_wait3A_103 : memref<1x128xi32, #tpu.memory_space<vmem>> -> memref<128xi32, #tpu.memory_space<vmem>>
        %dma_wait3A_105 = arith.constant 0 : i32
        %dma_wait3A_106 = arith.constant 0 : i32
        %dma_wait3A_107 = tpu.memref_slice %arg2[%dma_wait3A_105, %dma_wait3A_106] : memref<20000x128xf32, #tpu.memory_space<hbm>> -> memref<20000x128xf32, #tpu.memory_space<hbm>>
        tpu.wait_indirect_dma semaphore(%arg10 : memref<!tpu.dma_semaphore, #tpu.memory_space<semaphore_mem>>) src(%dma_wait3A_107 : memref<20000x128xf32, #tpu.memory_space<hbm>>) dst(%arg8 : memref<128x128xf32, #tpu.memory_space<vmem>>)
        %mul3A_108 = arith.constant 2 : i32
        %mul3A_109 = arith.muli %mul3A_108, %mul3A_90 : i32
        %add3A_110 = arith.constant 1 : i32
        %add3A_111 = arith.addi %mul3A_109, %add3A_110 : i32
        "tpu.region"() ({
          %run_scoped3A = tpu.sem_alloc : memref<!tpu.dma_semaphore, #tpu.memory_space<semaphore_mem>>
          %dma_start3A_130 = arith.constant 0 : i32
          %dma_start3A_131 = tpu.memref_slice %arg6[%add3A_111, %dma_start3A_130] : memref<40x128xi32, #tpu.memory_space<vmem>> -> memref<1x128xi32, #tpu.memory_space<vmem>>
          %dma_start3A_132 = tpu.memref_squeeze %dma_start3A_131 : memref<1x128xi32, #tpu.memory_space<vmem>> -> memref<128xi32, #tpu.memory_space<vmem>>
          %dma_start3A_133 = arith.constant 0 : i32
          %dma_start3A_134 = arith.constant 0 : i32
          %dma_start3A_135 = tpu.memref_slice %arg5[%dma_start3A_133, %dma_start3A_134] : memref<10128x128xf32, #tpu.memory_space<vmem_shared>> -> memref<10128x128xf32, #tpu.memory_space<vmem_shared>>
          tpu.enqueue_indirect_dma source(%arg8 : memref<128x128xf32, #tpu.memory_space<vmem>>) target(%dma_start3A_135 : memref<10128x128xf32, #tpu.memory_space<vmem_shared>>) offsets(%dma_start3A_132 : memref<128xi32, #tpu.memory_space<vmem>>) semaphore(%run_scoped3A : memref<!tpu.dma_semaphore, #tpu.memory_space<semaphore_mem>>) {add = true}
          %dma_wait3A_136 = arith.constant 0 : i32
          %dma_wait3A_137 = tpu.memref_slice %arg6[%add3A_111, %dma_wait3A_136] : memref<40x128xi32, #tpu.memory_space<vmem>> -> memref<1x128xi32, #tpu.memory_space<vmem>>
          %dma_wait3A_138 = tpu.memref_squeeze %dma_wait3A_137 : memref<1x128xi32, #tpu.memory_space<vmem>> -> memref<128xi32, #tpu.memory_space<vmem>>
          %dma_wait3A_139 = arith.constant 0 : i32
          %dma_wait3A_140 = arith.constant 0 : i32
          %dma_wait3A_141 = tpu.memref_slice %arg5[%dma_wait3A_139, %dma_wait3A_140] : memref<10128x128xf32, #tpu.memory_space<vmem_shared>> -> memref<10128x128xf32, #tpu.memory_space<vmem_shared>>
          tpu.wait_indirect_dma semaphore(%run_scoped3A : memref<!tpu.dma_semaphore, #tpu.memory_space<semaphore_mem>>) src(%arg8 : memref<128x128xf32, #tpu.memory_space<vmem>>) dst(%dma_wait3A_141 : memref<10128x128xf32, #tpu.memory_space<vmem_shared>>)
          tpu.yield
        }) : () -> ()
        %add3A_112 = arith.constant 2 : i32
        %add3A_113 = arith.addi %mul3A_90, %add3A_112 : i32
        %lt3A_114 = arith.constant 20 : i32
        %lt3A_115 = arith.cmpi slt, %add3A_113, %lt3A_114 : i32
        %convert_element_type3A_116 = arith.extui %lt3A_115 : i1 to i32
        %cond3A_117 = arith.constant 0 : i32
        %cond3A_118 = arith.cmpi ne, %convert_element_type3A_116, %cond3A_117 : i32
        scf.if %cond3A_118 {
          %mul3A_130 = arith.constant 2 : i32
          %mul3A_131 = arith.muli %mul3A_130, %mul3A_90 : i32
          %add3A_132 = arith.constant 4 : i32
          %add3A_133 = arith.addi %mul3A_131, %add3A_132 : i32
          %dma_start3A_134 = arith.constant 0 : i32
          %dma_start3A_135 = tpu.memref_slice %arg6[%add3A_133, %dma_start3A_134] : memref<40x128xi32, #tpu.memory_space<vmem>> -> memref<1x128xi32, #tpu.memory_space<vmem>>
          %dma_start3A_136 = tpu.memref_squeeze %dma_start3A_135 : memref<1x128xi32, #tpu.memory_space<vmem>> -> memref<128xi32, #tpu.memory_space<vmem>>
          %dma_start3A_137 = arith.constant 0 : i32
          %dma_start3A_138 = arith.constant 0 : i32
          %dma_start3A_139 = tpu.memref_slice %arg2[%dma_start3A_137, %dma_start3A_138] : memref<20000x128xf32, #tpu.memory_space<hbm>> -> memref<20000x128xf32, #tpu.memory_space<hbm>>
          tpu.enqueue_indirect_dma source(%dma_start3A_139 : memref<20000x128xf32, #tpu.memory_space<hbm>>) target(%arg8 : memref<128x128xf32, #tpu.memory_space<vmem>>) offsets(%dma_start3A_136 : memref<128xi32, #tpu.memory_space<vmem>>) semaphore(%arg10 : memref<!tpu.dma_semaphore, #tpu.memory_space<semaphore_mem>>)
        } else {
        }
        %dma_wait3A_119 = arith.constant 0 : i32
        %dma_wait3A_120 = arith.constant 0 : i32
        %dma_wait3A_121 = tpu.memref_slice %arg6[%dma_wait3A_119, %dma_wait3A_120] : memref<40x128xi32, #tpu.memory_space<vmem>> -> memref<1x128xi32, #tpu.memory_space<vmem>>
        %dma_wait3A_122 = tpu.memref_squeeze %dma_wait3A_121 : memref<1x128xi32, #tpu.memory_space<vmem>> -> memref<128xi32, #tpu.memory_space<vmem>>
        %dma_wait3A_123 = arith.constant 0 : i32
        %dma_wait3A_124 = arith.constant 0 : i32
        %dma_wait3A_125 = tpu.memref_slice %arg2[%dma_wait3A_123, %dma_wait3A_124] : memref<20000x128xf32, #tpu.memory_space<hbm>> -> memref<20000x128xf32, #tpu.memory_space<hbm>>
        tpu.wait_indirect_dma semaphore(%arg11 : memref<!tpu.dma_semaphore, #tpu.memory_space<semaphore_mem>>) src(%dma_wait3A_125 : memref<20000x128xf32, #tpu.memory_space<hbm>>) dst(%arg9 : memref<128x128xf32, #tpu.memory_space<vmem>>)
        %mul3A_126 = arith.constant 2 : i32
        %mul3A_127 = arith.muli %mul3A_126, %mul3A_90 : i32
        %add3A_128 = arith.constant 3 : i32
        %add3A_129 = arith.addi %mul3A_127, %add3A_128 : i32
        "tpu.region"() ({
          %run_scoped3A = tpu.sem_alloc : memref<!tpu.dma_semaphore, #tpu.memory_space<semaphore_mem>>
          %dma_start3A_130 = arith.constant 0 : i32
          %dma_start3A_131 = tpu.memref_slice %arg6[%add3A_129, %dma_start3A_130] : memref<40x128xi32, #tpu.memory_space<vmem>> -> memref<1x128xi32, #tpu.memory_space<vmem>>
          %dma_start3A_132 = tpu.memref_squeeze %dma_start3A_131 : memref<1x128xi32, #tpu.memory_space<vmem>> -> memref<128xi32, #tpu.memory_space<vmem>>
          %dma_start3A_133 = arith.constant 0 : i32
          %dma_start3A_134 = arith.constant 0 : i32
          %dma_start3A_135 = tpu.memref_slice %arg5[%dma_start3A_133, %dma_start3A_134] : memref<10128x128xf32, #tpu.memory_space<vmem_shared>> -> memref<10128x128xf32, #tpu.memory_space<vmem_shared>>
          tpu.enqueue_indirect_dma source(%arg9 : memref<128x128xf32, #tpu.memory_space<vmem>>) target(%dma_start3A_135 : memref<10128x128xf32, #tpu.memory_space<vmem_shared>>) offsets(%dma_start3A_132 : memref<128xi32, #tpu.memory_space<vmem>>) semaphore(%run_scoped3A : memref<!tpu.dma_semaphore, #tpu.memory_space<semaphore_mem>>) {add = true}
          %dma_wait3A_136 = arith.constant 0 : i32
          %dma_wait3A_137 = tpu.memref_slice %arg6[%add3A_129, %dma_wait3A_136] : memref<40x128xi32, #tpu.memory_space<vmem>> -> memref<1x128xi32, #tpu.memory_space<vmem>>
          %dma_wait3A_138 = tpu.memref_squeeze %dma_wait3A_137 : memref<1x128xi32, #tpu.memory_space<vmem>> -> memref<128xi32, #tpu.memory_space<vmem>>
          %dma_wait3A_139 = arith.constant 0 : i32
          %dma_wait3A_140 = arith.constant 0 : i32
          %dma_wait3A_141 = tpu.memref_slice %arg5[%dma_wait3A_139, %dma_wait3A_140] : memref<10128x128xf32, #tpu.memory_space<vmem_shared>> -> memref<10128x128xf32, #tpu.memory_space<vmem_shared>>
          tpu.wait_indirect_dma semaphore(%run_scoped3A : memref<!tpu.dma_semaphore, #tpu.memory_space<semaphore_mem>>) src(%arg9 : memref<128x128xf32, #tpu.memory_space<vmem>>) dst(%dma_wait3A_141 : memref<10128x128xf32, #tpu.memory_space<vmem_shared>>)
          tpu.yield
        }) : () -> ()
      }
      %scan3A_59 = arith.constant 10 : i32
      %dma_wait3A_60 = arith.constant 0 : i32
      %dma_wait3A_61 = arith.constant 0 : i32
      %dma_wait3A_62 = tpu.memref_slice %arg3[%arg0, %arg1, %dma_wait3A_60, %dma_wait3A_61] : memref<2x16x320x128xi32, #tpu.memory_space<hbm>> -> memref<1x1x40x128xi32, #tpu.memory_space<hbm>>
      %dma_wait3A_63 = tpu.memref_squeeze %dma_wait3A_62 : memref<1x1x40x128xi32, #tpu.memory_space<hbm>> -> memref<40x128xi32, #tpu.memory_space<hbm>>
      %dma_wait3A_64 = arith.constant 0 : i32
      %dma_wait3A_65 = arith.constant 0 : i32
      %dma_wait3A_66 = tpu.memref_slice %arg3[%arg0, %arg1, %dma_wait3A_64, %dma_wait3A_65] : memref<2x16x320x128xi32, #tpu.memory_space<hbm>> -> memref<1x1x40x128xi32, #tpu.memory_space<hbm>>
      %dma_wait3A_67 = tpu.memref_squeeze %dma_wait3A_66 : memref<1x1x40x128xi32, #tpu.memory_space<hbm>> -> memref<40x128xi32, #tpu.memory_space<hbm>>
      tpu.wait_dma2 semaphore(%arg13 : memref<!tpu.dma_semaphore, #tpu.memory_space<semaphore_mem>>) src(%dma_wait3A_67 : memref<40x128xi32, #tpu.memory_space<hbm>>) dst(%arg7 : memref<40x128xi32, #tpu.memory_space<vmem>>)
      %add3A_68 = arith.constant 2 : i32
      %add3A_69 = arith.addi %mul3A_30, %add3A_68 : i32
      %lt3A_70 = arith.constant 8 : i32
      %lt3A_71 = arith.cmpi slt, %add3A_69, %lt3A_70 : i32
      %convert_element_type3A_72 = arith.extui %lt3A_71 : i1 to i32
      %cond3A_73 = arith.constant 0 : i32
      %cond3A_74 = arith.cmpi ne, %convert_element_type3A_72, %cond3A_73 : i32
      scf.if %cond3A_74 {
        %add3A_88 = arith.constant 2 : i32
        %add3A_89 = arith.addi %mul3A_30, %add3A_88 : i32
        %mul3A_90 = arith.constant 40 : i32
        %mul3A_91 = arith.muli %add3A_89, %mul3A_90 : i32
        %dma_start3A_92 = arith.constant 0 : i32
        %dma_start3A_93 = tpu.memref_slice %arg3[%arg0, %arg1, %mul3A_91, %dma_start3A_92] : memref<2x16x320x128xi32, #tpu.memory_space<hbm>> -> memref<1x1x40x128xi32, #tpu.memory_space<hbm>>
        %dma_start3A_94 = tpu.memref_squeeze %dma_start3A_93 : memref<1x1x40x128xi32, #tpu.memory_space<hbm>> -> memref<40x128xi32, #tpu.memory_space<hbm>>
        %dma_start3A_95 = arith.constant 0 : i32
        %dma_start3A_96 = tpu.memref_slice %arg3[%arg0, %arg1, %mul3A_91, %dma_start3A_95] : memref<2x16x320x128xi32, #tpu.memory_space<hbm>> -> memref<1x1x40x128xi32, #tpu.memory_space<hbm>>
        %dma_start3A_97 = tpu.memref_squeeze %dma_start3A_96 : memref<1x1x40x128xi32, #tpu.memory_space<hbm>> -> memref<40x128xi32, #tpu.memory_space<hbm>>
        tpu.enqueue_dma source(%dma_start3A_97 : memref<40x128xi32, #tpu.memory_space<hbm>>) target(%arg6 : memref<40x128xi32, #tpu.memory_space<vmem>>) target_semaphore(%arg12 : memref<!tpu.dma_semaphore, #tpu.memory_space<semaphore_mem>>)
      } else {
      }
      %dma_start3A_75 = arith.constant 0 : i32
      %dma_start3A_76 = arith.constant 0 : i32
      %dma_start3A_77 = tpu.memref_slice %arg7[%dma_start3A_75, %dma_start3A_76] : memref<40x128xi32, #tpu.memory_space<vmem>> -> memref<1x128xi32, #tpu.memory_space<vmem>>
      %dma_start3A_78 = tpu.memref_squeeze %dma_start3A_77 : memref<1x128xi32, #tpu.memory_space<vmem>> -> memref<128xi32, #tpu.memory_space<vmem>>
      %dma_start3A_79 = arith.constant 0 : i32
      %dma_start3A_80 = arith.constant 0 : i32
      %dma_start3A_81 = tpu.memref_slice %arg2[%dma_start3A_79, %dma_start3A_80] : memref<20000x128xf32, #tpu.memory_space<hbm>> -> memref<20000x128xf32, #tpu.memory_space<hbm>>
      tpu.enqueue_indirect_dma source(%dma_start3A_81 : memref<20000x128xf32, #tpu.memory_space<hbm>>) target(%arg8 : memref<128x128xf32, #tpu.memory_space<vmem>>) offsets(%dma_start3A_78 : memref<128xi32, #tpu.memory_space<vmem>>) semaphore(%arg10 : memref<!tpu.dma_semaphore, #tpu.memory_space<semaphore_mem>>)
      %scan3A_82 = arith.constant 0 : i32
      %scan3A_83 = arith.constant 0 : i32
      %scan3A_84 = arith.constant 10 : i32
      %scan3A_85 = arith.addi %scan3A_83, %scan3A_84 : i32
      %scan3A_86 = arith.constant 1 : i32
      scf.for %scan3A_88 = %scan3A_83 to %scan3A_85 step %scan3A_86  : i32 {
        %mul3A_89 = arith.constant 2 : i32
        %mul3A_90 = arith.muli %mul3A_89, %scan3A_88 : i32
        %mul3A_91 = arith.constant 2 : i32
        %mul3A_92 = arith.muli %mul3A_91, %mul3A_90 : i32
        %add3A_93 = arith.constant 2 : i32
        %add3A_94 = arith.addi %mul3A_92, %add3A_93 : i32
        %dma_start3A_95 = arith.constant 0 : i32
        %dma_start3A_96 = tpu.memref_slice %arg7[%add3A_94, %dma_start3A_95] : memref<40x128xi32, #tpu.memory_space<vmem>> -> memref<1x128xi32, #tpu.memory_space<vmem>>
        %dma_start3A_97 = tpu.memref_squeeze %dma_start3A_96 : memref<1x128xi32, #tpu.memory_space<vmem>> -> memref<128xi32, #tpu.memory_space<vmem>>
        %dma_start3A_98 = arith.constant 0 : i32
        %dma_start3A_99 = arith.constant 0 : i32
        %dma_start3A_100 = tpu.memref_slice %arg2[%dma_start3A_98, %dma_start3A_99] : memref<20000x128xf32, #tpu.memory_space<hbm>> -> memref<20000x128xf32, #tpu.memory_space<hbm>>
        tpu.enqueue_indirect_dma source(%dma_start3A_100 : memref<20000x128xf32, #tpu.memory_space<hbm>>) target(%arg9 : memref<128x128xf32, #tpu.memory_space<vmem>>) offsets(%dma_start3A_97 : memref<128xi32, #tpu.memory_space<vmem>>) semaphore(%arg11 : memref<!tpu.dma_semaphore, #tpu.memory_space<semaphore_mem>>)
        %dma_wait3A_101 = arith.constant 0 : i32
        %dma_wait3A_102 = arith.constant 0 : i32
        %dma_wait3A_103 = tpu.memref_slice %arg7[%dma_wait3A_101, %dma_wait3A_102] : memref<40x128xi32, #tpu.memory_space<vmem>> -> memref<1x128xi32, #tpu.memory_space<vmem>>
        %dma_wait3A_104 = tpu.memref_squeeze %dma_wait3A_103 : memref<1x128xi32, #tpu.memory_space<vmem>> -> memref<128xi32, #tpu.memory_space<vmem>>
        %dma_wait3A_105 = arith.constant 0 : i32
        %dma_wait3A_106 = arith.constant 0 : i32
        %dma_wait3A_107 = tpu.memref_slice %arg2[%dma_wait3A_105, %dma_wait3A_106] : memref<20000x128xf32, #tpu.memory_space<hbm>> -> memref<20000x128xf32, #tpu.memory_space<hbm>>
        tpu.wait_indirect_dma semaphore(%arg10 : memref<!tpu.dma_semaphore, #tpu.memory_space<semaphore_mem>>) src(%dma_wait3A_107 : memref<20000x128xf32, #tpu.memory_space<hbm>>) dst(%arg8 : memref<128x128xf32, #tpu.memory_space<vmem>>)
        %mul3A_108 = arith.constant 2 : i32
        %mul3A_109 = arith.muli %mul3A_108, %mul3A_90 : i32
        %add3A_110 = arith.constant 1 : i32
        %add3A_111 = arith.addi %mul3A_109, %add3A_110 : i32
        "tpu.region"() ({
          %run_scoped3A = tpu.sem_alloc : memref<!tpu.dma_semaphore, #tpu.memory_space<semaphore_mem>>
          %dma_start3A_130 = arith.constant 0 : i32
          %dma_start3A_131 = tpu.memref_slice %arg7[%add3A_111, %dma_start3A_130] : memref<40x128xi32, #tpu.memory_space<vmem>> -> memref<1x128xi32, #tpu.memory_space<vmem>>
          %dma_start3A_132 = tpu.memref_squeeze %dma_start3A_131 : memref<1x128xi32, #tpu.memory_space<vmem>> -> memref<128xi32, #tpu.memory_space<vmem>>
          %dma_start3A_133 = arith.constant 0 : i32
          %dma_start3A_134 = arith.constant 0 : i32
          %dma_start3A_135 = tpu.memref_slice %arg5[%dma_start3A_133, %dma_start3A_134] : memref<10128x128xf32, #tpu.memory_space<vmem_shared>> -> memref<10128x128xf32, #tpu.memory_space<vmem_shared>>
          tpu.enqueue_indirect_dma source(%arg8 : memref<128x128xf32, #tpu.memory_space<vmem>>) target(%dma_start3A_135 : memref<10128x128xf32, #tpu.memory_space<vmem_shared>>) offsets(%dma_start3A_132 : memref<128xi32, #tpu.memory_space<vmem>>) semaphore(%run_scoped3A : memref<!tpu.dma_semaphore, #tpu.memory_space<semaphore_mem>>) {add = true}
          %dma_wait3A_136 = arith.constant 0 : i32
          %dma_wait3A_137 = tpu.memref_slice %arg7[%add3A_111, %dma_wait3A_136] : memref<40x128xi32, #tpu.memory_space<vmem>> -> memref<1x128xi32, #tpu.memory_space<vmem>>
          %dma_wait3A_138 = tpu.memref_squeeze %dma_wait3A_137 : memref<1x128xi32, #tpu.memory_space<vmem>> -> memref<128xi32, #tpu.memory_space<vmem>>
          %dma_wait3A_139 = arith.constant 0 : i32
          %dma_wait3A_140 = arith.constant 0 : i32
          %dma_wait3A_141 = tpu.memref_slice %arg5[%dma_wait3A_139, %dma_wait3A_140] : memref<10128x128xf32, #tpu.memory_space<vmem_shared>> -> memref<10128x128xf32, #tpu.memory_space<vmem_shared>>
          tpu.wait_indirect_dma semaphore(%run_scoped3A : memref<!tpu.dma_semaphore, #tpu.memory_space<semaphore_mem>>) src(%arg8 : memref<128x128xf32, #tpu.memory_space<vmem>>) dst(%dma_wait3A_141 : memref<10128x128xf32, #tpu.memory_space<vmem_shared>>)
          tpu.yield
        }) : () -> ()
        %add3A_112 = arith.constant 2 : i32
        %add3A_113 = arith.addi %mul3A_90, %add3A_112 : i32
        %lt3A_114 = arith.constant 20 : i32
        %lt3A_115 = arith.cmpi slt, %add3A_113, %lt3A_114 : i32
        %convert_element_type3A_116 = arith.extui %lt3A_115 : i1 to i32
        %cond3A_117 = arith.constant 0 : i32
        %cond3A_118 = arith.cmpi ne, %convert_element_type3A_116, %cond3A_117 : i32
        scf.if %cond3A_118 {
          %mul3A_130 = arith.constant 2 : i32
          %mul3A_131 = arith.muli %mul3A_130, %mul3A_90 : i32
          %add3A_132 = arith.constant 4 : i32
          %add3A_133 = arith.addi %mul3A_131, %add3A_132 : i32
          %dma_start3A_134 = arith.constant 0 : i32
          %dma_start3A_135 = tpu.memref_slice %arg7[%add3A_133, %dma_start3A_134] : memref<40x128xi32, #tpu.memory_space<vmem>> -> memref<1x128xi32, #tpu.memory_space<vmem>>
          %dma_start3A_136 = tpu.memref_squeeze %dma_start3A_135 : memref<1x128xi32, #tpu.memory_space<vmem>> -> memref<128xi32, #tpu.memory_space<vmem>>
          %dma_start3A_137 = arith.constant 0 : i32
          %dma_start3A_138 = arith.constant 0 : i32
          %dma_start3A_139 = tpu.memref_slice %arg2[%dma_start3A_137, %dma_start3A_138] : memref<20000x128xf32, #tpu.memory_space<hbm>> -> memref<20000x128xf32, #tpu.memory_space<hbm>>
          tpu.enqueue_indirect_dma source(%dma_start3A_139 : memref<20000x128xf32, #tpu.memory_space<hbm>>) target(%arg8 : memref<128x128xf32, #tpu.memory_space<vmem>>) offsets(%dma_start3A_136 : memref<128xi32, #tpu.memory_space<vmem>>) semaphore(%arg10 : memref<!tpu.dma_semaphore, #tpu.memory_space<semaphore_mem>>)
        } else {
        }
        %dma_wait3A_119 = arith.constant 0 : i32
        %dma_wait3A_120 = arith.constant 0 : i32
        %dma_wait3A_121 = tpu.memref_slice %arg7[%dma_wait3A_119, %dma_wait3A_120] : memref<40x128xi32, #tpu.memory_space<vmem>> -> memref<1x128xi32, #tpu.memory_space<vmem>>
        %dma_wait3A_122 = tpu.memref_squeeze %dma_wait3A_121 : memref<1x128xi32, #tpu.memory_space<vmem>> -> memref<128xi32, #tpu.memory_space<vmem>>
        %dma_wait3A_123 = arith.constant 0 : i32
        %dma_wait3A_124 = arith.constant 0 : i32
        %dma_wait3A_125 = tpu.memref_slice %arg2[%dma_wait3A_123, %dma_wait3A_124] : memref<20000x128xf32, #tpu.memory_space<hbm>> -> memref<20000x128xf32, #tpu.memory_space<hbm>>
        tpu.wait_indirect_dma semaphore(%arg11 : memref<!tpu.dma_semaphore, #tpu.memory_space<semaphore_mem>>) src(%dma_wait3A_125 : memref<20000x128xf32, #tpu.memory_space<hbm>>) dst(%arg9 : memref<128x128xf32, #tpu.memory_space<vmem>>)
        %mul3A_126 = arith.constant 2 : i32
        %mul3A_127 = arith.muli %mul3A_126, %mul3A_90 : i32
        %add3A_128 = arith.constant 3 : i32
        %add3A_129 = arith.addi %mul3A_127, %add3A_128 : i32
        "tpu.region"() ({
          %run_scoped3A = tpu.sem_alloc : memref<!tpu.dma_semaphore, #tpu.memory_space<semaphore_mem>>
          %dma_start3A_130 = arith.constant 0 : i32
          %dma_start3A_131 = tpu.memref_slice %arg7[%add3A_129, %dma_start3A_130] : memref<40x128xi32, #tpu.memory_space<vmem>> -> memref<1x128xi32, #tpu.memory_space<vmem>>
          %dma_start3A_132 = tpu.memref_squeeze %dma_start3A_131 : memref<1x128xi32, #tpu.memory_space<vmem>> -> memref<128xi32, #tpu.memory_space<vmem>>
          %dma_start3A_133 = arith.constant 0 : i32
          %dma_start3A_134 = arith.constant 0 : i32
          %dma_start3A_135 = tpu.memref_slice %arg5[%dma_start3A_133, %dma_start3A_134] : memref<10128x128xf32, #tpu.memory_space<vmem_shared>> -> memref<10128x128xf32, #tpu.memory_space<vmem_shared>>
          tpu.enqueue_indirect_dma source(%arg9 : memref<128x128xf32, #tpu.memory_space<vmem>>) target(%dma_start3A_135 : memref<10128x128xf32, #tpu.memory_space<vmem_shared>>) offsets(%dma_start3A_132 : memref<128xi32, #tpu.memory_space<vmem>>) semaphore(%run_scoped3A : memref<!tpu.dma_semaphore, #tpu.memory_space<semaphore_mem>>) {add = true}
          %dma_wait3A_136 = arith.constant 0 : i32
          %dma_wait3A_137 = tpu.memref_slice %arg7[%add3A_129, %dma_wait3A_136] : memref<40x128xi32, #tpu.memory_space<vmem>> -> memref<1x128xi32, #tpu.memory_space<vmem>>
          %dma_wait3A_138 = tpu.memref_squeeze %dma_wait3A_137 : memref<1x128xi32, #tpu.memory_space<vmem>> -> memref<128xi32, #tpu.memory_space<vmem>>
          %dma_wait3A_139 = arith.constant 0 : i32
          %dma_wait3A_140 = arith.constant 0 : i32
          %dma_wait3A_141 = tpu.memref_slice %arg5[%dma_wait3A_139, %dma_wait3A_140] : memref<10128x128xf32, #tpu.memory_space<vmem_shared>> -> memref<10128x128xf32, #tpu.memory_space<vmem_shared>>
          tpu.wait_indirect_dma semaphore(%run_scoped3A : memref<!tpu.dma_semaphore, #tpu.memory_space<semaphore_mem>>) src(%arg9 : memref<128x128xf32, #tpu.memory_space<vmem>>) dst(%dma_wait3A_141 : memref<10128x128xf32, #tpu.memory_space<vmem_shared>>)
          tpu.yield
        }) : () -> ()
      }
      %scan3A_87 = arith.constant 10 : i32
    }
    %scan3A_17 = arith.constant 4 : i32
    %barrier3A_18 = arith.constant 0 : index
    tpu.barrier barrier_id(%barrier3A_18)
    %lt3A_19 = arith.constant 15 : i32
    %lt3A_20 = arith.cmpi slt, %arg1, %lt3A_19 : i32
    %convert_element_type3A_21 = arith.extui %lt3A_20 : i1 to i32
    %cond3A_22 = arith.constant 0 : i32
    %cond3A_23 = arith.cmpi ne, %convert_element_type3A_21, %cond3A_22 : i32
    scf.if %cond3A_23 {
      %scan3A_29 = arith.constant 0 : i32
      %scan3A_30 = arith.constant 0 : i32
      %scan3A_31 = arith.constant 5 : i32
      %scan3A_32 = arith.addi %scan3A_30, %scan3A_31 : i32
      %scan3A_33 = arith.constant 1 : i32
      scf.for %scan3A_35 = %scan3A_30 to %scan3A_32 step %scan3A_33  : i32 {
        %mul3A = arith.constant 640 : i32
        %mul3A_36 = arith.muli %arg1, %mul3A : i32
        %mul3A_37 = arith.constant 128 : i32
        %mul3A_38 = arith.muli %scan3A_35, %mul3A_37 : i32
        %add3A = arith.addi %mul3A_36, %mul3A_38 : i32
        "tpu.region"() ({
          %run_scoped3A = tpu.sem_alloc : memref<!tpu.dma_semaphore, #tpu.memory_space<semaphore_mem>>
          %dma_start3A_39 = arith.constant 0 : i32
          %dma_start3A_40 = arith.constant 0 : i32
          %dma_start3A_41 = tpu.memref_slice %arg8[%dma_start3A_39, %dma_start3A_40] : memref<128x128xf32, #tpu.memory_space<vmem>> -> memref<128x128xf32, #tpu.memory_space<vmem>>
          %dma_start3A_42 = arith.constant 0 : i32
          %dma_start3A_43 = tpu.memref_slice %arg5[%add3A, %dma_start3A_42] : memref<10128x128xf32, #tpu.memory_space<vmem_shared>> -> memref<128x128xf32, #tpu.memory_space<vmem_shared>>
          %dma_start3A_44 = arith.constant 0 : i32
          %dma_start3A_45 = arith.constant 0 : i32
          %dma_start3A_46 = tpu.memref_slice %arg8[%dma_start3A_44, %dma_start3A_45] : memref<128x128xf32, #tpu.memory_space<vmem>> -> memref<128x128xf32, #tpu.memory_space<vmem>>
          %dma_start3A_47 = arith.constant 0 : i32
          %dma_start3A_48 = tpu.memref_slice %arg5[%add3A, %dma_start3A_47] : memref<10128x128xf32, #tpu.memory_space<vmem_shared>> -> memref<128x128xf32, #tpu.memory_space<vmem_shared>>
          tpu.enqueue_dma source(%dma_start3A_48 : memref<128x128xf32, #tpu.memory_space<vmem_shared>>) target(%dma_start3A_46 : memref<128x128xf32, #tpu.memory_space<vmem>>) target_semaphore(%run_scoped3A : memref<!tpu.dma_semaphore, #tpu.memory_space<semaphore_mem>>)
          %dma_wait3A = arith.constant 0 : i32
          %dma_wait3A_49 = arith.constant 0 : i32
          %dma_wait3A_50 = tpu.memref_slice %arg8[%dma_wait3A, %dma_wait3A_49] : memref<128x128xf32, #tpu.memory_space<vmem>> -> memref<128x128xf32, #tpu.memory_space<vmem>>
          %dma_wait3A_51 = arith.constant 0 : i32
          %dma_wait3A_52 = tpu.memref_slice %arg5[%add3A, %dma_wait3A_51] : memref<10128x128xf32, #tpu.memory_space<vmem_shared>> -> memref<128x128xf32, #tpu.memory_space<vmem_shared>>
          %dma_wait3A_53 = arith.constant 0 : i32
          %dma_wait3A_54 = arith.constant 0 : i32
          %dma_wait3A_55 = tpu.memref_slice %arg8[%dma_wait3A_53, %dma_wait3A_54] : memref<128x128xf32, #tpu.memory_space<vmem>> -> memref<128x128xf32, #tpu.memory_space<vmem>>
          %dma_wait3A_56 = arith.constant 0 : i32
          %dma_wait3A_57 = tpu.memref_slice %arg5[%add3A, %dma_wait3A_56] : memref<10128x128xf32, #tpu.memory_space<vmem_shared>> -> memref<128x128xf32, #tpu.memory_space<vmem_shared>>
          tpu.wait_dma2 semaphore(%run_scoped3A : memref<!tpu.dma_semaphore, #tpu.memory_space<semaphore_mem>>) src(%dma_wait3A_57 : memref<128x128xf32, #tpu.memory_space<vmem_shared>>) dst(%dma_wait3A_55 : memref<128x128xf32, #tpu.memory_space<vmem>>)
          tpu.yield
        }) : () -> ()
        "tpu.region"() ({
          %run_scoped3A = tpu.sem_alloc : memref<!tpu.dma_semaphore, #tpu.memory_space<semaphore_mem>>
          %dma_start3A_39 = arith.constant 0 : i32
          %dma_start3A_40 = arith.constant 0 : i32
          %dma_start3A_41 = tpu.memref_slice %arg8[%dma_start3A_39, %dma_start3A_40] : memref<128x128xf32, #tpu.memory_space<vmem>> -> memref<128x128xf32, #tpu.memory_space<vmem>>
          %dma_start3A_42 = arith.constant 0 : i32
          %dma_start3A_43 = tpu.memref_slice %arg4[%arg0, %add3A, %dma_start3A_42] : memref<2x10000x128xf32, #tpu.memory_space<hbm>> -> memref<1x128x128xf32, #tpu.memory_space<hbm>>
          %dma_start3A_44 = tpu.memref_squeeze %dma_start3A_43 : memref<1x128x128xf32, #tpu.memory_space<hbm>> -> memref<128x128xf32, #tpu.memory_space<hbm>>
          %dma_start3A_45 = arith.constant 0 : i32
          %dma_start3A_46 = tpu.memref_slice %arg4[%arg0, %add3A, %dma_start3A_45] : memref<2x10000x128xf32, #tpu.memory_space<hbm>> -> memref<1x128x128xf32, #tpu.memory_space<hbm>>
          %dma_start3A_47 = tpu.memref_squeeze %dma_start3A_46 : memref<1x128x128xf32, #tpu.memory_space<hbm>> -> memref<128x128xf32, #tpu.memory_space<hbm>>
          %dma_start3A_48 = arith.constant 0 : i32
          %dma_start3A_49 = arith.constant 0 : i32
          %dma_start3A_50 = tpu.memref_slice %arg8[%dma_start3A_48, %dma_start3A_49] : memref<128x128xf32, #tpu.memory_space<vmem>> -> memref<128x128xf32, #tpu.memory_space<vmem>>
          tpu.enqueue_dma source(%dma_start3A_50 : memref<128x128xf32, #tpu.memory_space<vmem>>) target(%dma_start3A_47 : memref<128x128xf32, #tpu.memory_space<hbm>>) target_semaphore(%run_scoped3A : memref<!tpu.dma_semaphore, #tpu.memory_space<semaphore_mem>>)
          %dma_wait3A = arith.constant 0 : i32
          %dma_wait3A_51 = arith.constant 0 : i32
          %dma_wait3A_52 = tpu.memref_slice %arg8[%dma_wait3A, %dma_wait3A_51] : memref<128x128xf32, #tpu.memory_space<vmem>> -> memref<128x128xf32, #tpu.memory_space<vmem>>
          %dma_wait3A_53 = arith.constant 0 : i32
          %dma_wait3A_54 = tpu.memref_slice %arg4[%arg0, %add3A, %dma_wait3A_53] : memref<2x10000x128xf32, #tpu.memory_space<hbm>> -> memref<1x128x128xf32, #tpu.memory_space<hbm>>
          %dma_wait3A_55 = tpu.memref_squeeze %dma_wait3A_54 : memref<1x128x128xf32, #tpu.memory_space<hbm>> -> memref<128x128xf32, #tpu.memory_space<hbm>>
          %dma_wait3A_56 = arith.constant 0 : i32
          %dma_wait3A_57 = tpu.memref_slice %arg4[%arg0, %add3A, %dma_wait3A_56] : memref<2x10000x128xf32, #tpu.memory_space<hbm>> -> memref<1x128x128xf32, #tpu.memory_space<hbm>>
          %dma_wait3A_58 = tpu.memref_squeeze %dma_wait3A_57 : memref<1x128x128xf32, #tpu.memory_space<hbm>> -> memref<128x128xf32, #tpu.memory_space<hbm>>
          %dma_wait3A_59 = arith.constant 0 : i32
          %dma_wait3A_60 = arith.constant 0 : i32
          %dma_wait3A_61 = tpu.memref_slice %arg8[%dma_wait3A_59, %dma_wait3A_60] : memref<128x128xf32, #tpu.memory_space<vmem>> -> memref<128x128xf32, #tpu.memory_space<vmem>>
          tpu.wait_dma2 semaphore(%run_scoped3A : memref<!tpu.dma_semaphore, #tpu.memory_space<semaphore_mem>>) src(%dma_wait3A_61 : memref<128x128xf32, #tpu.memory_space<vmem>>) dst(%dma_wait3A_58 : memref<128x128xf32, #tpu.memory_space<hbm>>)
          tpu.yield
        }) : () -> ()
      }
      %scan3A_34 = arith.constant 5 : i32
    } else {
    }
    %eq3A_24 = arith.constant 15 : i32
    %eq3A_25 = arith.cmpi eq, %arg1, %eq3A_24 : i32
    %convert_element_type3A_26 = arith.extui %eq3A_25 : i1 to i32
    %cond3A_27 = arith.constant 0 : i32
    %cond3A_28 = arith.cmpi ne, %convert_element_type3A_26, %cond3A_27 : i32
    scf.if %cond3A_28 {
      %scan3A_29 = arith.constant 0 : i32
      %scan3A_30 = arith.constant 0 : i32
      %scan3A_31 = arith.constant 3 : i32
      %scan3A_32 = arith.addi %scan3A_30, %scan3A_31 : i32
      %scan3A_33 = arith.constant 1 : i32
      scf.for %scan3A_35 = %scan3A_30 to %scan3A_32 step %scan3A_33  : i32 {
        %mul3A = arith.constant 128 : i32
        %mul3A_36 = arith.muli %scan3A_35, %mul3A : i32
        %add3A = arith.constant 9600 : i32
        %add3A_37 = arith.addi %add3A, %mul3A_36 : i32
        "tpu.region"() ({
          %run_scoped3A = tpu.sem_alloc : memref<!tpu.dma_semaphore, #tpu.memory_space<semaphore_mem>>
          %dma_start3A_38 = arith.constant 0 : i32
          %dma_start3A_39 = arith.constant 0 : i32
          %dma_start3A_40 = tpu.memref_slice %arg8[%dma_start3A_38, %dma_start3A_39] : memref<128x128xf32, #tpu.memory_space<vmem>> -> memref<128x128xf32, #tpu.memory_space<vmem>>
          %dma_start3A_41 = arith.constant 0 : i32
          %dma_start3A_42 = tpu.memref_slice %arg5[%add3A_37, %dma_start3A_41] : memref<10128x128xf32, #tpu.memory_space<vmem_shared>> -> memref<128x128xf32, #tpu.memory_space<vmem_shared>>
          %dma_start3A_43 = arith.constant 0 : i32
          %dma_start3A_44 = arith.constant 0 : i32
          %dma_start3A_45 = tpu.memref_slice %arg8[%dma_start3A_43, %dma_start3A_44] : memref<128x128xf32, #tpu.memory_space<vmem>> -> memref<128x128xf32, #tpu.memory_space<vmem>>
          %dma_start3A_46 = arith.constant 0 : i32
          %dma_start3A_47 = tpu.memref_slice %arg5[%add3A_37, %dma_start3A_46] : memref<10128x128xf32, #tpu.memory_space<vmem_shared>> -> memref<128x128xf32, #tpu.memory_space<vmem_shared>>
          tpu.enqueue_dma source(%dma_start3A_47 : memref<128x128xf32, #tpu.memory_space<vmem_shared>>) target(%dma_start3A_45 : memref<128x128xf32, #tpu.memory_space<vmem>>) target_semaphore(%run_scoped3A : memref<!tpu.dma_semaphore, #tpu.memory_space<semaphore_mem>>)
          %dma_wait3A = arith.constant 0 : i32
          %dma_wait3A_48 = arith.constant 0 : i32
          %dma_wait3A_49 = tpu.memref_slice %arg8[%dma_wait3A, %dma_wait3A_48] : memref<128x128xf32, #tpu.memory_space<vmem>> -> memref<128x128xf32, #tpu.memory_space<vmem>>
          %dma_wait3A_50 = arith.constant 0 : i32
          %dma_wait3A_51 = tpu.memref_slice %arg5[%add3A_37, %dma_wait3A_50] : memref<10128x128xf32, #tpu.memory_space<vmem_shared>> -> memref<128x128xf32, #tpu.memory_space<vmem_shared>>
          %dma_wait3A_52 = arith.constant 0 : i32
          %dma_wait3A_53 = arith.constant 0 : i32
          %dma_wait3A_54 = tpu.memref_slice %arg8[%dma_wait3A_52, %dma_wait3A_53] : memref<128x128xf32, #tpu.memory_space<vmem>> -> memref<128x128xf32, #tpu.memory_space<vmem>>
          %dma_wait3A_55 = arith.constant 0 : i32
          %dma_wait3A_56 = tpu.memref_slice %arg5[%add3A_37, %dma_wait3A_55] : memref<10128x128xf32, #tpu.memory_space<vmem_shared>> -> memref<128x128xf32, #tpu.memory_space<vmem_shared>>
          tpu.wait_dma2 semaphore(%run_scoped3A : memref<!tpu.dma_semaphore, #tpu.memory_space<semaphore_mem>>) src(%dma_wait3A_56 : memref<128x128xf32, #tpu.memory_space<vmem_shared>>) dst(%dma_wait3A_54 : memref<128x128xf32, #tpu.memory_space<vmem>>)
          tpu.yield
        }) : () -> ()
        "tpu.region"() ({
          %run_scoped3A = tpu.sem_alloc : memref<!tpu.dma_semaphore, #tpu.memory_space<semaphore_mem>>
          %dma_start3A_38 = arith.constant 0 : i32
          %dma_start3A_39 = arith.constant 0 : i32
          %dma_start3A_40 = tpu.memref_slice %arg8[%dma_start3A_38, %dma_start3A_39] : memref<128x128xf32, #tpu.memory_space<vmem>> -> memref<128x128xf32, #tpu.memory_space<vmem>>
          %dma_start3A_41 = arith.constant 0 : i32
          %dma_start3A_42 = tpu.memref_slice %arg4[%arg0, %add3A_37, %dma_start3A_41] : memref<2x10000x128xf32, #tpu.memory_space<hbm>> -> memref<1x128x128xf32, #tpu.memory_space<hbm>>
          %dma_start3A_43 = tpu.memref_squeeze %dma_start3A_42 : memref<1x128x128xf32, #tpu.memory_space<hbm>> -> memref<128x128xf32, #tpu.memory_space<hbm>>
          %dma_start3A_44 = arith.constant 0 : i32
          %dma_start3A_45 = tpu.memref_slice %arg4[%arg0, %add3A_37, %dma_start3A_44] : memref<2x10000x128xf32, #tpu.memory_space<hbm>> -> memref<1x128x128xf32, #tpu.memory_space<hbm>>
          %dma_start3A_46 = tpu.memref_squeeze %dma_start3A_45 : memref<1x128x128xf32, #tpu.memory_space<hbm>> -> memref<128x128xf32, #tpu.memory_space<hbm>>
          %dma_start3A_47 = arith.constant 0 : i32
          %dma_start3A_48 = arith.constant 0 : i32
          %dma_start3A_49 = tpu.memref_slice %arg8[%dma_start3A_47, %dma_start3A_48] : memref<128x128xf32, #tpu.memory_space<vmem>> -> memref<128x128xf32, #tpu.memory_space<vmem>>
          tpu.enqueue_dma source(%dma_start3A_49 : memref<128x128xf32, #tpu.memory_space<vmem>>) target(%dma_start3A_46 : memref<128x128xf32, #tpu.memory_space<hbm>>) target_semaphore(%run_scoped3A : memref<!tpu.dma_semaphore, #tpu.memory_space<semaphore_mem>>)
          %dma_wait3A = arith.constant 0 : i32
          %dma_wait3A_50 = arith.constant 0 : i32
          %dma_wait3A_51 = tpu.memref_slice %arg8[%dma_wait3A, %dma_wait3A_50] : memref<128x128xf32, #tpu.memory_space<vmem>> -> memref<128x128xf32, #tpu.memory_space<vmem>>
          %dma_wait3A_52 = arith.constant 0 : i32
          %dma_wait3A_53 = tpu.memref_slice %arg4[%arg0, %add3A_37, %dma_wait3A_52] : memref<2x10000x128xf32, #tpu.memory_space<hbm>> -> memref<1x128x128xf32, #tpu.memory_space<hbm>>
          %dma_wait3A_54 = tpu.memref_squeeze %dma_wait3A_53 : memref<1x128x128xf32, #tpu.memory_space<hbm>> -> memref<128x128xf32, #tpu.memory_space<hbm>>
          %dma_wait3A_55 = arith.constant 0 : i32
          %dma_wait3A_56 = tpu.memref_slice %arg4[%arg0, %add3A_37, %dma_wait3A_55] : memref<2x10000x128xf32, #tpu.memory_space<hbm>> -> memref<1x128x128xf32, #tpu.memory_space<hbm>>
          %dma_wait3A_57 = tpu.memref_squeeze %dma_wait3A_56 : memref<1x128x128xf32, #tpu.memory_space<hbm>> -> memref<128x128xf32, #tpu.memory_space<hbm>>
          %dma_wait3A_58 = arith.constant 0 : i32
          %dma_wait3A_59 = arith.constant 0 : i32
          %dma_wait3A_60 = tpu.memref_slice %arg8[%dma_wait3A_58, %dma_wait3A_59] : memref<128x128xf32, #tpu.memory_space<vmem>> -> memref<128x128xf32, #tpu.memory_space<vmem>>
          tpu.wait_dma2 semaphore(%run_scoped3A : memref<!tpu.dma_semaphore, #tpu.memory_space<semaphore_mem>>) src(%dma_wait3A_60 : memref<128x128xf32, #tpu.memory_space<vmem>>) dst(%dma_wait3A_57 : memref<128x128xf32, #tpu.memory_space<hbm>>)
          tpu.yield
        }) : () -> ()
      }
      %scan3A_34 = arith.constant 3 : i32
      "tpu.region"() ({
        %run_scoped3A = tpu.sem_alloc : memref<!tpu.dma_semaphore, #tpu.memory_space<semaphore_mem>>
        %dma_start3A_35 = arith.constant 0 : i32
        %dma_start3A_36 = arith.constant 0 : i32
        %dma_start3A_37 = tpu.memref_slice %arg8[%dma_start3A_35, %dma_start3A_36] : memref<128x128xf32, #tpu.memory_space<vmem>> -> memref<16x128xf32, #tpu.memory_space<vmem>>
        %dma_start3A_38 = arith.constant 9984 : i32
        %dma_start3A_39 = arith.constant 0 : i32
        %dma_start3A_40 = tpu.memref_slice %arg5[%dma_start3A_38, %dma_start3A_39] : memref<10128x128xf32, #tpu.memory_space<vmem_shared>> -> memref<16x128xf32, #tpu.memory_space<vmem_shared>>
        %dma_start3A_41 = arith.constant 0 : i32
        %dma_start3A_42 = arith.constant 0 : i32
        %dma_start3A_43 = tpu.memref_slice %arg8[%dma_start3A_41, %dma_start3A_42] : memref<128x128xf32, #tpu.memory_space<vmem>> -> memref<16x128xf32, #tpu.memory_space<vmem>>
        %dma_start3A_44 = arith.constant 9984 : i32
        %dma_start3A_45 = arith.constant 0 : i32
        %dma_start3A_46 = tpu.memref_slice %arg5[%dma_start3A_44, %dma_start3A_45] : memref<10128x128xf32, #tpu.memory_space<vmem_shared>> -> memref<16x128xf32, #tpu.memory_space<vmem_shared>>
        tpu.enqueue_dma source(%dma_start3A_46 : memref<16x128xf32, #tpu.memory_space<vmem_shared>>) target(%dma_start3A_43 : memref<16x128xf32, #tpu.memory_space<vmem>>) target_semaphore(%run_scoped3A : memref<!tpu.dma_semaphore, #tpu.memory_space<semaphore_mem>>)
        %dma_wait3A = arith.constant 0 : i32
        %dma_wait3A_47 = arith.constant 0 : i32
        %dma_wait3A_48 = tpu.memref_slice %arg8[%dma_wait3A, %dma_wait3A_47] : memref<128x128xf32, #tpu.memory_space<vmem>> -> memref<16x128xf32, #tpu.memory_space<vmem>>
        %dma_wait3A_49 = arith.constant 9984 : i32
        %dma_wait3A_50 = arith.constant 0 : i32
        %dma_wait3A_51 = tpu.memref_slice %arg5[%dma_wait3A_49, %dma_wait3A_50] : memref<10128x128xf32, #tpu.memory_space<vmem_shared>> -> memref<16x128xf32, #tpu.memory_space<vmem_shared>>
        %dma_wait3A_52 = arith.constant 0 : i32
        %dma_wait3A_53 = arith.constant 0 : i32
        %dma_wait3A_54 = tpu.memref_slice %arg8[%dma_wait3A_52, %dma_wait3A_53] : memref<128x128xf32, #tpu.memory_space<vmem>> -> memref<16x128xf32, #tpu.memory_space<vmem>>
        %dma_wait3A_55 = arith.constant 9984 : i32
        %dma_wait3A_56 = arith.constant 0 : i32
        %dma_wait3A_57 = tpu.memref_slice %arg5[%dma_wait3A_55, %dma_wait3A_56] : memref<10128x128xf32, #tpu.memory_space<vmem_shared>> -> memref<16x128xf32, #tpu.memory_space<vmem_shared>>
        tpu.wait_dma2 semaphore(%run_scoped3A : memref<!tpu.dma_semaphore, #tpu.memory_space<semaphore_mem>>) src(%dma_wait3A_57 : memref<16x128xf32, #tpu.memory_space<vmem_shared>>) dst(%dma_wait3A_54 : memref<16x128xf32, #tpu.memory_space<vmem>>)
        tpu.yield
      }) : () -> ()
      "tpu.region"() ({
        %run_scoped3A = tpu.sem_alloc : memref<!tpu.dma_semaphore, #tpu.memory_space<semaphore_mem>>
        %dma_start3A_35 = arith.constant 0 : i32
        %dma_start3A_36 = arith.constant 0 : i32
        %dma_start3A_37 = tpu.memref_slice %arg8[%dma_start3A_35, %dma_start3A_36] : memref<128x128xf32, #tpu.memory_space<vmem>> -> memref<16x128xf32, #tpu.memory_space<vmem>>
        %dma_start3A_38 = arith.constant 9984 : i32
        %dma_start3A_39 = arith.constant 0 : i32
        %dma_start3A_40 = tpu.memref_slice %arg4[%arg0, %dma_start3A_38, %dma_start3A_39] : memref<2x10000x128xf32, #tpu.memory_space<hbm>> -> memref<1x16x128xf32, #tpu.memory_space<hbm>>
        %dma_start3A_41 = tpu.memref_squeeze %dma_start3A_40 : memref<1x16x128xf32, #tpu.memory_space<hbm>> -> memref<16x128xf32, #tpu.memory_space<hbm>>
        %dma_start3A_42 = arith.constant 9984 : i32
        %dma_start3A_43 = arith.constant 0 : i32
        %dma_start3A_44 = tpu.memref_slice %arg4[%arg0, %dma_start3A_42, %dma_start3A_43] : memref<2x10000x128xf32, #tpu.memory_space<hbm>> -> memref<1x16x128xf32, #tpu.memory_space<hbm>>
        %dma_start3A_45 = tpu.memref_squeeze %dma_start3A_44 : memref<1x16x128xf32, #tpu.memory_space<hbm>> -> memref<16x128xf32, #tpu.memory_space<hbm>>
        %dma_start3A_46 = arith.constant 0 : i32
        %dma_start3A_47 = arith.constant 0 : i32
        %dma_start3A_48 = tpu.memref_slice %arg8[%dma_start3A_46, %dma_start3A_47] : memref<128x128xf32, #tpu.memory_space<vmem>> -> memref<16x128xf32, #tpu.memory_space<vmem>>
        tpu.enqueue_dma source(%dma_start3A_48 : memref<16x128xf32, #tpu.memory_space<vmem>>) target(%dma_start3A_45 : memref<16x128xf32, #tpu.memory_space<hbm>>) target_semaphore(%run_scoped3A : memref<!tpu.dma_semaphore, #tpu.memory_space<semaphore_mem>>)
        %dma_wait3A = arith.constant 0 : i32
        %dma_wait3A_49 = arith.constant 0 : i32
        %dma_wait3A_50 = tpu.memref_slice %arg8[%dma_wait3A, %dma_wait3A_49] : memref<128x128xf32, #tpu.memory_space<vmem>> -> memref<16x128xf32, #tpu.memory_space<vmem>>
        %dma_wait3A_51 = arith.constant 9984 : i32
        %dma_wait3A_52 = arith.constant 0 : i32
        %dma_wait3A_53 = tpu.memref_slice %arg4[%arg0, %dma_wait3A_51, %dma_wait3A_52] : memref<2x10000x128xf32, #tpu.memory_space<hbm>> -> memref<1x16x128xf32, #tpu.memory_space<hbm>>
        %dma_wait3A_54 = tpu.memref_squeeze %dma_wait3A_53 : memref<1x16x128xf32, #tpu.memory_space<hbm>> -> memref<16x128xf32, #tpu.memory_space<hbm>>
        %dma_wait3A_55 = arith.constant 9984 : i32
        %dma_wait3A_56 = arith.constant 0 : i32
        %dma_wait3A_57 = tpu.memref_slice %arg4[%arg0, %dma_wait3A_55, %dma_wait3A_56] : memref<2x10000x128xf32, #tpu.memory_space<hbm>> -> memref<1x16x128xf32, #tpu.memory_space<hbm>>
        %dma_wait3A_58 = tpu.memref_squeeze %dma_wait3A_57 : memref<1x16x128xf32, #tpu.memory_space<hbm>> -> memref<16x128xf32, #tpu.memory_space<hbm>>
        %dma_wait3A_59 = arith.constant 0 : i32
        %dma_wait3A_60 = arith.constant 0 : i32
        %dma_wait3A_61 = tpu.memref_slice %arg8[%dma_wait3A_59, %dma_wait3A_60] : memref<128x128xf32, #tpu.memory_space<vmem>> -> memref<16x128xf32, #tpu.memory_space<vmem>>
        tpu.wait_dma2 semaphore(%run_scoped3A : memref<!tpu.dma_semaphore, #tpu.memory_space<semaphore_mem>>) src(%dma_wait3A_61 : memref<16x128xf32, #tpu.memory_space<vmem>>) dst(%dma_wait3A_58 : memref<16x128xf32, #tpu.memory_space<hbm>>)
        tpu.yield
      }) : () -> ()
    } else {
    }
    return
  }
}

module attributes {stable_mosaic.version = 14 : i64} {
  func.func @_mlp_sum_body(%arg0: i32, %arg1: memref<2x400x128xf32, #tpu.memory_space<vmem>>, %arg2: memref<128x256xf32, #tpu.memory_space<vmem>>, %arg3: memref<1x256xf32, #tpu.memory_space<vmem>>, %arg4: memref<256x256xf32, #tpu.memory_space<vmem>>, %arg5: memref<1x256xf32, #tpu.memory_space<vmem>>, %arg6: memref<1x256xf32, #tpu.memory_space<vmem>>, %arg7: memref<1x256xf32, #tpu.memory_space<vmem>>, %arg8: memref<2x400x128xf32, #tpu.memory_space<vmem>>, %arg9: memref<400x1xf32, #tpu.memory_space<vmem>>) attributes {dimension_semantics = [#tpu.dimension_semantics<arbitrary>], iteration_bounds = array<i64: 25>, scalar_prefetch = 0 : i64, scratch_operands = 0 : i64, tpu.core_type = #tpu.core_type<tc>, window_params = [{transform_indices = @transform_0, window_bounds = array<i64: 2, 400, 128>}, {pipeline_mode = #tpu.pipeline_mode<synchronous>, transform_indices = @transform_1, window_bounds = array<i64: 128, 256>}, {pipeline_mode = #tpu.pipeline_mode<synchronous>, transform_indices = @transform_2, window_bounds = array<i64: 1, 256>}, {pipeline_mode = #tpu.pipeline_mode<synchronous>, transform_indices = @transform_3, window_bounds = array<i64: 256, 256>}, {pipeline_mode = #tpu.pipeline_mode<synchronous>, transform_indices = @transform_4, window_bounds = array<i64: 1, 256>}, {pipeline_mode = #tpu.pipeline_mode<synchronous>, transform_indices = @transform_5, window_bounds = array<i64: 1, 256>}, {pipeline_mode = #tpu.pipeline_mode<synchronous>, transform_indices = @transform_6, window_bounds = array<i64: 1, 256>}, {transform_indices = @transform_7, window_bounds = array<i64: 2, 400, 128>}, {transform_indices = @transform_8, window_bounds = array<i64: 400, 1>}]} {
    %get3A = arith.constant 0 : index
    %get3A_0 = arith.constant 0 : index
    %get3A_1 = arith.constant 0 : index
    %get3A_2 = vector.load %arg1[%get3A, %get3A_0, %get3A_1] : memref<2x400x128xf32, #tpu.memory_space<vmem>>, vector<1x400x128xf32>
    %get3A_3 = vector.shape_cast %get3A_2 : vector<1x400x128xf32> to vector<400x128xf32>
    %get3A_4 = arith.constant 1 : index
    %get3A_5 = arith.constant 0 : index
    %get3A_6 = arith.constant 0 : index
    %get3A_7 = vector.load %arg1[%get3A_4, %get3A_5, %get3A_6] : memref<2x400x128xf32, #tpu.memory_space<vmem>>, vector<1x400x128xf32>
    %get3A_8 = vector.shape_cast %get3A_7 : vector<1x400x128xf32> to vector<400x128xf32>
    %add3A = arith.addf %get3A_3, %get3A_8 : vector<400x128xf32>
    %get3A_9 = arith.constant 0 : index
    %get3A_10 = arith.constant 0 : index
    %get3A_11 = vector.load %arg2[%get3A_9, %get3A_10] : memref<128x256xf32, #tpu.memory_space<vmem>>, vector<128x256xf32>
    %dot_general3A = arith.constant dense<0.000000e+00> : vector<400x256xf32>
    %dot_general3A_12 = tpu.matmul %add3A, %get3A_11, %dot_general3A {dimension_numbers = #tpu.dot_dimension_numbers<[1], [0], [0], [1], [0, 0, 1, 1], [], []>, transpose_lhs_hint = false} : vector<400x128xf32>, vector<128x256xf32>, vector<400x256xf32> -> vector<400x256xf32>
    %get3A_13 = arith.constant 0 : index
    %get3A_14 = arith.constant 0 : index
    %get3A_15 = vector.load %arg3[%get3A_13, %get3A_14] : memref<1x256xf32, #tpu.memory_space<vmem>>, vector<1x256xf32>
    %add3A_16 = vector.broadcast %get3A_15 : vector<1x256xf32> to vector<400x256xf32>
    %add3A_17 = arith.addf %dot_general3A_12, %add3A_16 : vector<400x256xf32>
    %max3A = arith.constant 0.000000e+00 : f32
    %max3A_18 = vector.broadcast %max3A : f32 to vector<400x256xf32>
    %max3A_19 = arith.maximumf %add3A_17, %max3A_18 : vector<400x256xf32>
    %get3A_20 = arith.constant 0 : index
    %get3A_21 = arith.constant 0 : index
    %get3A_22 = vector.load %arg4[%get3A_20, %get3A_21] : memref<256x256xf32, #tpu.memory_space<vmem>>, vector<256x256xf32>
    %dot_general3A_23 = arith.constant dense<0.000000e+00> : vector<400x256xf32>
    %dot_general3A_24 = tpu.matmul %max3A_19, %get3A_22, %dot_general3A_23 {dimension_numbers = #tpu.dot_dimension_numbers<[1], [0], [0], [1], [0, 0, 1, 1], [], []>, transpose_lhs_hint = false} : vector<400x256xf32>, vector<256x256xf32>, vector<400x256xf32> -> vector<400x256xf32>
    %get3A_25 = arith.constant 0 : index
    %get3A_26 = arith.constant 0 : index
    %get3A_27 = vector.load %arg5[%get3A_25, %get3A_26] : memref<1x256xf32, #tpu.memory_space<vmem>>, vector<1x256xf32>
    %add3A_28 = vector.broadcast %get3A_27 : vector<1x256xf32> to vector<400x256xf32>
    %add3A_29 = arith.addf %dot_general3A_24, %add3A_28 : vector<400x256xf32>
    %max3A_30 = arith.constant 0.000000e+00 : f32
    %max3A_31 = vector.broadcast %max3A_30 : f32 to vector<400x256xf32>
    %max3A_32 = arith.maximumf %add3A_29, %max3A_31 : vector<400x256xf32>
    %get3A_33 = arith.constant 0 : index
    %get3A_34 = arith.constant 0 : index
    %get3A_35 = vector.load %arg6[%get3A_33, %get3A_34] : memref<1x256xf32, #tpu.memory_space<vmem>>, vector<1x256xf32>
    %mul3A = vector.broadcast %get3A_35 : vector<1x256xf32> to vector<400x256xf32>
    %mul3A_36 = arith.mulf %max3A_32, %mul3A : vector<400x256xf32>
    %get3A_37 = arith.constant 0 : index
    %get3A_38 = arith.constant 0 : index
    %get3A_39 = vector.load %arg7[%get3A_37, %get3A_38] : memref<1x256xf32, #tpu.memory_space<vmem>>, vector<1x256xf32>
    %add3A_40 = vector.broadcast %get3A_39 : vector<1x256xf32> to vector<400x256xf32>
    %add3A_41 = arith.addf %mul3A_36, %add3A_40 : vector<400x256xf32>
    %slice3A = vector.extract_strided_slice %add3A_41 {offsets = [0, 0], sizes = [400, 128], strides = [1, 1]} : vector<400x256xf32> to vector<400x128xf32>
    %swap3A = arith.constant 0 : index
    %swap3A_42 = arith.constant 0 : index
    %swap3A_43 = arith.constant 0 : index
    %swap3A_44 = vector.load %arg8[%swap3A, %swap3A_42, %swap3A_43] : memref<2x400x128xf32, #tpu.memory_space<vmem>>, vector<1x400x128xf32>
    %swap3A_45 = vector.shape_cast %swap3A_44 : vector<1x400x128xf32> to vector<400x128xf32>
    %swap3A_46 = vector.shape_cast %slice3A : vector<400x128xf32> to vector<1x400x128xf32>
    tpu.vector_store %arg8[%swap3A, %swap3A_42, %swap3A_43], %swap3A_46 {strides = array<i32>} : memref<2x400x128xf32, #tpu.memory_space<vmem>>, vector<1x400x128xf32>,
    %slice3A_47 = vector.extract_strided_slice %add3A_41 {offsets = [0, 128], sizes = [400, 128], strides = [1, 1]} : vector<400x256xf32> to vector<400x128xf32>
    %swap3A_48 = arith.constant 1 : index
    %swap3A_49 = arith.constant 0 : index
    %swap3A_50 = arith.constant 0 : index
    %swap3A_51 = vector.load %arg8[%swap3A_48, %swap3A_49, %swap3A_50] : memref<2x400x128xf32, #tpu.memory_space<vmem>>, vector<1x400x128xf32>
    %swap3A_52 = vector.shape_cast %swap3A_51 : vector<1x400x128xf32> to vector<400x128xf32>
    %swap3A_53 = vector.shape_cast %slice3A_47 : vector<400x128xf32> to vector<1x400x128xf32>
    tpu.vector_store %arg8[%swap3A_48, %swap3A_49, %swap3A_50], %swap3A_53 {strides = array<i32>} : memref<2x400x128xf32, #tpu.memory_space<vmem>>, vector<1x400x128xf32>,
    %reduce_sum3A = arith.constant dense<0.000000e+00> : vector<400xf32>
    %reduce_sum3A_54 = vector.multi_reduction <add>, %add3A_41, %reduce_sum3A [1] : vector<400x256xf32> to vector<400xf32>
    %broadcast_in_dim3A = vector.shape_cast %reduce_sum3A_54 : vector<400xf32> to vector<400x1xf32>
    %swap3A_55 = arith.constant 0 : index
    %swap3A_56 = arith.constant 0 : index
    %swap3A_57 = vector.load %arg9[%swap3A_55, %swap3A_56] : memref<400x1xf32, #tpu.memory_space<vmem>>, vector<400x1xf32>
    tpu.vector_store %arg9[%swap3A_55, %swap3A_56], %broadcast_in_dim3A {strides = array<i32>} : memref<400x1xf32, #tpu.memory_space<vmem>>, vector<400x1xf32>,
    return
  }
  func.func @transform_0(%arg0: i32) -> (i32, i32, i32) {
    %c0_i32 = arith.constant 0 : i32
    %c0_i32_0 = arith.constant 0 : i32
    %c0_i32_1 = arith.constant 0 : i32
    return %c0_i32, %arg0, %c0_i32_0 : i32, i32, i32
  }
  func.func @transform_1(%arg0: i32) -> (i32, i32) {
    %c0_i32 = arith.constant 0 : i32
    %c0_i32_0 = arith.constant 0 : i32
    %c0_i32_1 = arith.constant 0 : i32
    return %c0_i32, %c0_i32_0 : i32, i32
  }
  func.func @transform_2(%arg0: i32) -> (i32, i32) {
    %c0_i32 = arith.constant 0 : i32
    %c0_i32_0 = arith.constant 0 : i32
    %c0_i32_1 = arith.constant 0 : i32
    return %c0_i32, %c0_i32_0 : i32, i32
  }
  func.func @transform_3(%arg0: i32) -> (i32, i32) {
    %c0_i32 = arith.constant 0 : i32
    %c0_i32_0 = arith.constant 0 : i32
    %c0_i32_1 = arith.constant 0 : i32
    return %c0_i32, %c0_i32_0 : i32, i32
  }
  func.func @transform_4(%arg0: i32) -> (i32, i32) {
    %c0_i32 = arith.constant 0 : i32
    %c0_i32_0 = arith.constant 0 : i32
    %c0_i32_1 = arith.constant 0 : i32
    return %c0_i32, %c0_i32_0 : i32, i32
  }
  func.func @transform_5(%arg0: i32) -> (i32, i32) {
    %c0_i32 = arith.constant 0 : i32
    %c0_i32_0 = arith.constant 0 : i32
    %c0_i32_1 = arith.constant 0 : i32
    return %c0_i32, %c0_i32_0 : i32, i32
  }
  func.func @transform_6(%arg0: i32) -> (i32, i32) {
    %c0_i32 = arith.constant 0 : i32
    %c0_i32_0 = arith.constant 0 : i32
    %c0_i32_1 = arith.constant 0 : i32
    return %c0_i32, %c0_i32_0 : i32, i32
  }
  func.func @transform_7(%arg0: i32) -> (i32, i32, i32) {
    %c0_i32 = arith.constant 0 : i32
    %c0_i32_0 = arith.constant 0 : i32
    %c0_i32_1 = arith.constant 0 : i32
    return %c0_i32, %arg0, %c0_i32_0 : i32, i32, i32
  }
  func.func @transform_8(%arg0: i32) -> (i32, i32) {
    %c0_i32 = arith.constant 0 : i32
    %c0_i32_0 = arith.constant 0 : i32
    return %arg0, %c0_i32 : i32, i32
  }
}

module attributes {stable_mosaic.version = 14 : i64} {
  func.func @_mlp_halves_body(%arg0: i32, %arg1: memref<2x400x128xf32, #tpu.memory_space<vmem>>, %arg2: memref<256x256xf32, #tpu.memory_space<vmem>>, %arg3: memref<1x256xf32, #tpu.memory_space<vmem>>, %arg4: memref<256x256xf32, #tpu.memory_space<vmem>>, %arg5: memref<1x256xf32, #tpu.memory_space<vmem>>, %arg6: memref<1x256xf32, #tpu.memory_space<vmem>>, %arg7: memref<1x256xf32, #tpu.memory_space<vmem>>, %arg8: memref<2x400x128xf32, #tpu.memory_space<vmem>>, %arg9: memref<400x1xf32, #tpu.memory_space<vmem>>) attributes {dimension_semantics = [#tpu.dimension_semantics<arbitrary>], iteration_bounds = array<i64: 25>, scalar_prefetch = 0 : i64, scratch_operands = 0 : i64, tpu.core_type = #tpu.core_type<tc>, window_params = [{transform_indices = @transform_0, window_bounds = array<i64: 2, 400, 128>}, {pipeline_mode = #tpu.pipeline_mode<synchronous>, transform_indices = @transform_1, window_bounds = array<i64: 256, 256>}, {pipeline_mode = #tpu.pipeline_mode<synchronous>, transform_indices = @transform_2, window_bounds = array<i64: 1, 256>}, {pipeline_mode = #tpu.pipeline_mode<synchronous>, transform_indices = @transform_3, window_bounds = array<i64: 256, 256>}, {pipeline_mode = #tpu.pipeline_mode<synchronous>, transform_indices = @transform_4, window_bounds = array<i64: 1, 256>}, {pipeline_mode = #tpu.pipeline_mode<synchronous>, transform_indices = @transform_5, window_bounds = array<i64: 1, 256>}, {pipeline_mode = #tpu.pipeline_mode<synchronous>, transform_indices = @transform_6, window_bounds = array<i64: 1, 256>}, {transform_indices = @transform_7, window_bounds = array<i64: 2, 400, 128>}, {transform_indices = @transform_8, window_bounds = array<i64: 400, 1>}]} {
    %get3A = arith.constant 0 : index
    %get3A_0 = arith.constant 0 : index
    %get3A_1 = vector.load %arg2[%get3A, %get3A_0] : memref<256x256xf32, #tpu.memory_space<vmem>>, vector<256x256xf32>
    %get3A_2 = arith.constant 0 : index
    %get3A_3 = arith.constant 0 : index
    %get3A_4 = arith.constant 0 : index
    %get3A_5 = vector.load %arg1[%get3A_2, %get3A_3, %get3A_4] : memref<2x400x128xf32, #tpu.memory_space<vmem>>, vector<1x400x128xf32>
    %get3A_6 = vector.shape_cast %get3A_5 : vector<1x400x128xf32> to vector<400x128xf32>
    %slice3A = vector.extract_strided_slice %get3A_1 {offsets = [0, 0], sizes = [128, 256], strides = [1, 1]} : vector<256x256xf32> to vector<128x256xf32>
    %dot_general3A = arith.constant dense<0.000000e+00> : vector<400x256xf32>
    %dot_general3A_7 = tpu.matmul %get3A_6, %slice3A, %dot_general3A {dimension_numbers = #tpu.dot_dimension_numbers<[1], [0], [0], [1], [0, 0, 1, 1], [], []>, transpose_lhs_hint = false} : vector<400x128xf32>, vector<128x256xf32>, vector<400x256xf32> -> vector<400x256xf32>
    %get3A_8 = arith.constant 1 : index
    %get3A_9 = arith.constant 0 : index
    %get3A_10 = arith.constant 0 : index
    %get3A_11 = vector.load %arg1[%get3A_8, %get3A_9, %get3A_10] : memref<2x400x128xf32, #tpu.memory_space<vmem>>, vector<1x400x128xf32>
    %get3A_12 = vector.shape_cast %get3A_11 : vector<1x400x128xf32> to vector<400x128xf32>
    %slice3A_13 = vector.extract_strided_slice %get3A_1 {offsets = [128, 0], sizes = [128, 256], strides = [1, 1]} : vector<256x256xf32> to vector<128x256xf32>
    %dot_general3A_14 = arith.constant dense<0.000000e+00> : vector<400x256xf32>
    %dot_general3A_15 = tpu.matmul %get3A_12, %slice3A_13, %dot_general3A_14 {dimension_numbers = #tpu.dot_dimension_numbers<[1], [0], [0], [1], [0, 0, 1, 1], [], []>, transpose_lhs_hint = false} : vector<400x128xf32>, vector<128x256xf32>, vector<400x256xf32> -> vector<400x256xf32>
    %add3A = arith.addf %dot_general3A_7, %dot_general3A_15 : vector<400x256xf32>
    %get3A_16 = arith.constant 0 : index
    %get3A_17 = arith.constant 0 : index
    %get3A_18 = vector.load %arg3[%get3A_16, %get3A_17] : memref<1x256xf32, #tpu.memory_space<vmem>>, vector<1x256xf32>
    %add3A_19 = vector.broadcast %get3A_18 : vector<1x256xf32> to vector<400x256xf32>
    %add3A_20 = arith.addf %add3A, %add3A_19 : vector<400x256xf32>
    %max3A = arith.constant 0.000000e+00 : f32
    %max3A_21 = vector.broadcast %max3A : f32 to vector<400x256xf32>
    %max3A_22 = arith.maximumf %add3A_20, %max3A_21 : vector<400x256xf32>
    %get3A_23 = arith.constant 0 : index
    %get3A_24 = arith.constant 0 : index
    %get3A_25 = vector.load %arg4[%get3A_23, %get3A_24] : memref<256x256xf32, #tpu.memory_space<vmem>>, vector<256x256xf32>
    %dot_general3A_26 = arith.constant dense<0.000000e+00> : vector<400x256xf32>
    %dot_general3A_27 = tpu.matmul %max3A_22, %get3A_25, %dot_general3A_26 {dimension_numbers = #tpu.dot_dimension_numbers<[1], [0], [0], [1], [0, 0, 1, 1], [], []>, transpose_lhs_hint = false} : vector<400x256xf32>, vector<256x256xf32>, vector<400x256xf32> -> vector<400x256xf32>
    %get3A_28 = arith.constant 0 : index
    %get3A_29 = arith.constant 0 : index
    %get3A_30 = vector.load %arg5[%get3A_28, %get3A_29] : memref<1x256xf32, #tpu.memory_space<vmem>>, vector<1x256xf32>
    %add3A_31 = vector.broadcast %get3A_30 : vector<1x256xf32> to vector<400x256xf32>
    %add3A_32 = arith.addf %dot_general3A_27, %add3A_31 : vector<400x256xf32>
    %max3A_33 = arith.constant 0.000000e+00 : f32
    %max3A_34 = vector.broadcast %max3A_33 : f32 to vector<400x256xf32>
    %max3A_35 = arith.maximumf %add3A_32, %max3A_34 : vector<400x256xf32>
    %get3A_36 = arith.constant 0 : index
    %get3A_37 = arith.constant 0 : index
    %get3A_38 = vector.load %arg6[%get3A_36, %get3A_37] : memref<1x256xf32, #tpu.memory_space<vmem>>, vector<1x256xf32>
    %mul3A = vector.broadcast %get3A_38 : vector<1x256xf32> to vector<400x256xf32>
    %mul3A_39 = arith.mulf %max3A_35, %mul3A : vector<400x256xf32>
    %get3A_40 = arith.constant 0 : index
    %get3A_41 = arith.constant 0 : index
    %get3A_42 = vector.load %arg7[%get3A_40, %get3A_41] : memref<1x256xf32, #tpu.memory_space<vmem>>, vector<1x256xf32>
    %add3A_43 = vector.broadcast %get3A_42 : vector<1x256xf32> to vector<400x256xf32>
    %add3A_44 = arith.addf %mul3A_39, %add3A_43 : vector<400x256xf32>
    %slice3A_45 = vector.extract_strided_slice %add3A_44 {offsets = [0, 0], sizes = [400, 128], strides = [1, 1]} : vector<400x256xf32> to vector<400x128xf32>
    %swap3A = arith.constant 0 : index
    %swap3A_46 = arith.constant 0 : index
    %swap3A_47 = arith.constant 0 : index
    %swap3A_48 = vector.load %arg8[%swap3A, %swap3A_46, %swap3A_47] : memref<2x400x128xf32, #tpu.memory_space<vmem>>, vector<1x400x128xf32>
    %swap3A_49 = vector.shape_cast %swap3A_48 : vector<1x400x128xf32> to vector<400x128xf32>
    %swap3A_50 = vector.shape_cast %slice3A_45 : vector<400x128xf32> to vector<1x400x128xf32>
    tpu.vector_store %arg8[%swap3A, %swap3A_46, %swap3A_47], %swap3A_50 {strides = array<i32>} : memref<2x400x128xf32, #tpu.memory_space<vmem>>, vector<1x400x128xf32>,
    %slice3A_51 = vector.extract_strided_slice %add3A_44 {offsets = [0, 128], sizes = [400, 128], strides = [1, 1]} : vector<400x256xf32> to vector<400x128xf32>
    %swap3A_52 = arith.constant 1 : index
    %swap3A_53 = arith.constant 0 : index
    %swap3A_54 = arith.constant 0 : index
    %swap3A_55 = vector.load %arg8[%swap3A_52, %swap3A_53, %swap3A_54] : memref<2x400x128xf32, #tpu.memory_space<vmem>>, vector<1x400x128xf32>
    %swap3A_56 = vector.shape_cast %swap3A_55 : vector<1x400x128xf32> to vector<400x128xf32>
    %swap3A_57 = vector.shape_cast %slice3A_51 : vector<400x128xf32> to vector<1x400x128xf32>
    tpu.vector_store %arg8[%swap3A_52, %swap3A_53, %swap3A_54], %swap3A_57 {strides = array<i32>} : memref<2x400x128xf32, #tpu.memory_space<vmem>>, vector<1x400x128xf32>,
    %reduce_sum3A = arith.constant dense<0.000000e+00> : vector<400xf32>
    %reduce_sum3A_58 = vector.multi_reduction <add>, %add3A_44, %reduce_sum3A [1] : vector<400x256xf32> to vector<400xf32>
    %broadcast_in_dim3A = vector.shape_cast %reduce_sum3A_58 : vector<400xf32> to vector<400x1xf32>
    %swap3A_59 = arith.constant 0 : index
    %swap3A_60 = arith.constant 0 : index
    %swap3A_61 = vector.load %arg9[%swap3A_59, %swap3A_60] : memref<400x1xf32, #tpu.memory_space<vmem>>, vector<400x1xf32>
    tpu.vector_store %arg9[%swap3A_59, %swap3A_60], %broadcast_in_dim3A {strides = array<i32>} : memref<400x1xf32, #tpu.memory_space<vmem>>, vector<400x1xf32>,
    return
  }
  func.func @transform_0(%arg0: i32) -> (i32, i32, i32) {
    %c0_i32 = arith.constant 0 : i32
    %c0_i32_0 = arith.constant 0 : i32
    %c0_i32_1 = arith.constant 0 : i32
    return %c0_i32, %arg0, %c0_i32_0 : i32, i32, i32
  }
  func.func @transform_1(%arg0: i32) -> (i32, i32) {
    %c0_i32 = arith.constant 0 : i32
    %c0_i32_0 = arith.constant 0 : i32
    %c0_i32_1 = arith.constant 0 : i32
    return %c0_i32, %c0_i32_0 : i32, i32
  }
  func.func @transform_2(%arg0: i32) -> (i32, i32) {
    %c0_i32 = arith.constant 0 : i32
    %c0_i32_0 = arith.constant 0 : i32
    %c0_i32_1 = arith.constant 0 : i32
    return %c0_i32, %c0_i32_0 : i32, i32
  }
  func.func @transform_3(%arg0: i32) -> (i32, i32) {
    %c0_i32 = arith.constant 0 : i32
    %c0_i32_0 = arith.constant 0 : i32
    %c0_i32_1 = arith.constant 0 : i32
    return %c0_i32, %c0_i32_0 : i32, i32
  }
  func.func @transform_4(%arg0: i32) -> (i32, i32) {
    %c0_i32 = arith.constant 0 : i32
    %c0_i32_0 = arith.constant 0 : i32
    %c0_i32_1 = arith.constant 0 : i32
    return %c0_i32, %c0_i32_0 : i32, i32
  }
  func.func @transform_5(%arg0: i32) -> (i32, i32) {
    %c0_i32 = arith.constant 0 : i32
    %c0_i32_0 = arith.constant 0 : i32
    %c0_i32_1 = arith.constant 0 : i32
    return %c0_i32, %c0_i32_0 : i32, i32
  }
  func.func @transform_6(%arg0: i32) -> (i32, i32) {
    %c0_i32 = arith.constant 0 : i32
    %c0_i32_0 = arith.constant 0 : i32
    %c0_i32_1 = arith.constant 0 : i32
    return %c0_i32, %c0_i32_0 : i32, i32
  }
  func.func @transform_7(%arg0: i32) -> (i32, i32, i32) {
    %c0_i32 = arith.constant 0 : i32
    %c0_i32_0 = arith.constant 0 : i32
    %c0_i32_1 = arith.constant 0 : i32
    return %c0_i32, %arg0, %c0_i32_0 : i32, i32, i32
  }
  func.func @transform_8(%arg0: i32) -> (i32, i32) {
    %c0_i32 = arith.constant 0 : i32
    %c0_i32_0 = arith.constant 0 : i32
    return %arg0, %c0_i32 : i32, i32
  }
}

</mosaic_0001>

<sc_bundles>
// kernel: kernel.11.cloned.1.call-start
scs
__scs_entry_jumppad:
0x0: {  	(pc) =	sbr.rel $0x88, $3  }
0x1: {  	(tag) =	ssettag $0x0;
	lr =	simm.s32 $0x1  }
0x2: {  	[smem:$0x3F8D] =	sst lr;
	_ =	strace $0xD0000000  }
0x3: {  	_ = 	snop  }
0x4: {  	_ = 	snop  }
0x5: {  	_ = 	snop  }
0x6: {  	_ = 	snop  }
0x7: {  	_ = 	snop  }
__scs_overlays_trampoline_lowered:
0x8: {  	[smem:$0x3F9C] =	sst s0  }
0x9: {  	[smem:$0x3F9D] =	sst s1  }
0xa: {  	[smem:$0x3F9E] =	sst s2  }
0xb: {  	[smem:$0x3F9F] =	sst s3  }
0xc: {  	[smem:$0x3FA0] =	sst s4  }
0xd: {  	[smem:$0x3FA1] =	sst s5  }
0xe: {  	[smem:$0x3FA2] =	sst s6  }
0xf: {  	[smem:$0x3FA3] =	sst s7  }
0x10: {  	[smem:$0x3FA4] =	sst s8  }
0x11: {  	[smem:$0x3FA5] =	sst s9;
	s0 =	simm.s32 @!p0 $0x0  }
0x12: {  	s1 =	sld [smem:$0x3F8B];
	s0 =	simm.s32 @p0 $0x1  }
0x13: {  	[smem:$0x3FA6] =	sst s0;
	s0 =	simm.s32 @!p1 $0x0  }
0x14: {  	s2 =	sld [smem:$0x3F8A];
	s0 =	simm.s32 @p1 $0x1  }
0x15: {  	[smem:$0x3FA7] =	sst s0;
	s0 =	simm.s32 @!p2 $0x0  }
0x16: {  	s3 =	sld [smem:$0x3FDB];
	s0 =	simm.s32 @p2 $0x1  }
0x17: {  	s4 =	simm.s32 $0x1BF5;
	[smem:$0x3FA9] =	sst s0  }
0x18: {  	s0 =	sld [smem:$0x3F8C];
	_ =	swait.ge [sflag:s4], $0x0  }
0x19: {  	s7 =	sld [smem:$0x3F8D]  }
0x1a: {  	s8 =	sadd.s32 $0xFFFFE003, lr  }
0x1b: {  	s9 =	sadd.s32 $0xFFFFFEF7, lr;
	s5 =	simm.s32 $0xFFFFFFFF;
	p2 =	slt.u32 s8, $0xFFFFF086  }
0x1c: {  	p1 =	slt.u32 s9, $0xF7A;
	s5 =	simm.s32 @!p2 $0x0  }
0x1d: {  	s5 =	simm.s32 @p1 $0x1;
	p0 =	seq.s32 s7, s2  }
0x1e: {  	s7 =	smul.u32 @!p0 $0xF7A, s2;
	p2 =	seq.s32 @!p0 s5, $0x0  }
0x1f: {  	s9 =	smul.u32 $0xF7A, s1;
	s8 =	simm.s32 @!p0 $0x1BF5;
	p2 =	por !p2, p0  }
0x20: {  	[sflag:s8] =	ssyncset.s32 @!p0 $0xFFFFF086;
	s6 =	sadd.s32 @!p0 s3, s7;
	s7 =	simm.s32 @!p0 $0x108  }
0x21: {  	s3 =	sadd.s32 s3, s9;
	s6 =	sadd.s32 @!p0 $0x88, s6;
	s7 =	simm.s32 @p2 $0x1082  }
0x22: {  	[simem:s7], [sflag:s8] =	dma.local @!p0 [hbm:s6], $0xF7A  }
0x23: {  	s9 =	sor.u32 $0xD0000000, s2;
	s6 =	simm.s32 $0x108;
	_ =	swait.ge @!p0 [sflag:s8], $0x0  }
0x24: {  	s3 =	sadd.s32 $0x88, s3;
	s6 =	simm.s32 @!p1 $0x1082;
	[sflag:s4] =	ssyncset.s32 $0xFFFFF086  }
0x25: {  	[simem:s6], [sflag:s4] =	dma.local [hbm:s3], $0xF7A  }
0x26: {  	[smem:$0x3F8D] =	sst s1;
	(tag) =	ssettag s2;
	_ =	strace s9  }
0x27: {  	s1 =	sld [smem:$0x3F9D]  }
0x28: {  	s2 =	sld [smem:$0x3F9E]  }
0x29: {  	s4 =	sld [smem:$0x3FA0]  }
0x2a: {  	p0 =	seq.s32 s5, $0x0;
	s5 =	sld [smem:$0x3FA1]  }
0x2b: {  	s6 =	sld [smem:$0x3FA2]  }
0x2c: {  	s7 =	sld [smem:$0x3FA3]  }
0x2d: {  	s3 =	simm.s32 $0x108;
	s8 =	sld [smem:$0x3FA4]  }
0x2e: {  	s3 =	simm.s32 @!p0 $0x1082;
	s9 =	sld [smem:$0x3FA5]  }
0x2f: {  	lr =	sadd.s32 s0, s3;
	s0 =	sld [smem:$0x3F9C]  }
0x30: {  	s3 =	sld [smem:$0x3F9F]  }
0x31: {  	[smem:$0x3FA8] =	sst s10  }
0x32: {  	s10 =	sld [smem:$0x3FA6];
	_ =	sdelay $0x3  }
0x33: {  	p0 =	seq.s32 s10, $0x1;
	s10 =	sld [smem:$0x3FA8];
	_ =	sdelay $0x3  }
0x34: {  	[smem:$0x3FA8] =	sst s10  }
0x35: {  	s10 =	sld [smem:$0x3FA7];
	_ =	sdelay $0x3  }
0x36: {  	p1 =	seq.s32 s10, $0x1;
	s10 =	sld [smem:$0x3FA8];
	_ =	sdelay $0x3  }
0x37: {  	[smem:$0x3FA8] =	sst s10  }
0x38: {  	s10 =	sld [smem:$0x3FA9]  }
0x39: {  	_ = 	snop;
	(pc) =	sbr.ind lr, $3  }
0x3a: {  	_ = 	snop  }
0x3b: {  	_ = 	snop  }
0x3c: {  	p2 =	seq.s32 s10, $0x1;
	s10 =	sld [smem:$0x3FA8]  }
0x3d: {  	_ =	shalt  }
0x3e: {  	_ =	shalt  }
0x3f: {  	_ =	shalt  }
0x40: {  	_ =	shalt  }
0x41: {  	_ =	shalt  }
0x42: {  	_ =	shalt  }
0x43: {  	_ =	shalt  }
0x44: {  	_ =	shalt  }
0x45: {  	_ =	shalt  }
0x46: {  	_ =	shalt  }
0x47: {  	_ =	shalt  }
0x48: {  	_ =	shalt  }
0x49: {  	_ =	shalt  }
0x4a: {  	_ =	shalt  }
0x4b: {  	_ =	shalt  }
0x4c: {  	_ =	shalt  }
0x4d: {  	_ =	shalt  }
0x4e: {  	_ =	shalt  }
0x4f: {  	_ =	shalt  }
0x50: {  	_ =	shalt  }
0x51: {  	_ =	shalt  }
0x52: {  	_ =	shalt  }
0x53: {  	_ =	shalt  }
0x54: {  	_ =	shalt  }
0x55: {  	_ =	shalt  }
0x56: {  	_ =	shalt  }
0x57: {  	_ =	shalt  }
0x58: {  	_ =	shalt  }
0x59: {  	_ =	shalt  }
0x5a: {  	_ =	shalt  }
0x5b: {  	_ =	shalt  }
0x5c: {  	_ =	shalt  }
0x5d: {  	_ =	shalt  }
0x5e: {  	_ =	shalt  }
0x5f: {  	_ =	shalt  }
0x60: {  	_ =	shalt  }
0x61: {  	_ =	shalt  }
0x62: {  	_ =	shalt  }
0x63: {  	_ =	shalt  }
0x64: {  	_ =	shalt  }
0x65: {  	_ =	shalt  }
0x66: {  	_ =	shalt  }
0x67: {  	_ =	shalt  }
0x68: {  	_ =	shalt  }
0x69: {  	_ =	shalt  }
0x6a: {  	_ =	shalt  }
0x6b: {  	_ =	shalt  }
0x6c: {  	_ =	shalt  }
0x6d: {  	_ =	shalt  }
0x6e: {  	_ =	shalt  }
0x6f: {  	_ =	shalt  }
0x70: {  	_ =	shalt  }
0x71: {  	_ =	shalt  }
0x72: {  	_ =	shalt  }
0x73: {  	_ =	shalt  }
0x74: {  	_ =	shalt  }
0x75: {  	_ =	shalt  }
0x76: {  	_ =	shalt  }
0x77: {  	_ =	shalt  }
0x78: {  	_ =	shalt  }
0x79: {  	_ =	shalt  }
0x7a: {  	_ =	shalt  }
0x7b: {  	_ =	shalt  }
0x7c: {  	_ =	shalt  }
0x7d: {  	_ =	shalt  }
0x7e: {  	_ =	shalt  }
0x7f: {  	_ =	shalt  }
0x80: {  	_ =	shalt  }
0x81: {  	_ =	shalt  }
0x82: {  	_ =	shalt  }
0x83: {  	_ =	shalt  }
0x84: {  	_ =	shalt  }
0x85: {  	_ =	shalt  }
0x86: {  	_ =	shalt  }
0x87: {  	_ =	shalt  }
.Lfunc_end0:
.L_simem_size_0:
called_computation.1_lowered:
.L_overlay_start_0:
0x88: {  	s2 =	sld [smem:$0x3FD9]  }
0x89: {  	s3 =	sld [smem:$0x3FFE];
	_ =	sdelay $0x1  }
0x8a: {  	s1 =	srdreg.scid  }
0x8b: {  	s0 =	sand.u32 $0x1, s1  }
0x8c: {  	s14 =	sshll.u32 s0, $0xA;
	s2 =	sadd.s32 s3, s2  }
0x8d: {  	s2 =	sadd.s32 s2, s14  }
0x8e: {  	[smem:$0x3FB4] =	sst s2  }
0x8f: {  	_ = 	snop  }
0x90: {  	s2 =	sld [smem:$0x3FD0];
	_ =	sdelay $0x2  }
0x91: {  	s15 =	simm.s32 $0xA;
	s4 =	simm.s32 $0x10  }
0x92: {  	[smem:s4], [sflag:s15] =	dma.local [hbm:s2], $0x1  }
0x93: {  	_ =	swait.eq [sflag:s15], $0x1  }
0x94: {  	[sflag:s15] =	ssyncset.done $0x0  }
0x95: {  	[sflag:s15] =	ssyncadd.s32 $0xFFFFFFFF  }
0x96: {  	s16 =	sld [smem:$0x11];
	(tm) =	ssettm $0x1  }
0x97: {  	s17 =	sld [smem:$0x3FFB];
	_ =	sdelay $0x3  }
0x98: {  	_ =	strace s17  }
0x99: {  	s3 =	sld [smem:$0x3FFC];
	_ =	sdelay $0x3  }
0x9a: {  	_ =	strace s3  }
0x9b: {  	s3 =	sld [smem:$0x3FFD];
	_ =	sdelay $0x3  }
0x9c: {  	_ =	strace s3  }
0x9d: {  	_ =	strace $0x8FFFFFFF  }
0x9e: {  	s18 =	sld [smem:$0x3FDB];
	_ =	sdelay $0x1  }
0x9f: {  	s19 =	simm.s32 $_scs_section_size  }
0xa0: {  	s5 =	simm.s32 $_size__tile_overlayer_lowered;
	s6 =	simm.s32 $_tile_overlayer_lowered  }
0xa1: {  	s22 =	simm.s32 $0x1BFF;
	s21 =	sshll.u32 s6, $0x1;
	s3 =	sadd.s32 s19, s18  }
0xa2: {  	s7 =	simm.s32 $0x0;
	s20 =	sshll.u32 s5, $0x1;
	s5 =	sadd.s32 s21, s3  }
0xa3: {  	[timem:s7], [sflag:s22] =	dma.local [hbm:s5], s20  }
0xa4: {  	_ =	swait.ge [sflag:s22], s20  }
0xa5: {  	s4 =	ssub.s32 $0x0, s20;
	[sflag:s22] =	ssyncset.done $0x0  }
0xa6: {  	[sflag:s22] =	ssyncadd.s32 s4;
	_ =	sdelay $0x1  }
0xa7: {  	s23 =	simm.s32 $0x1B8B  }
0xa8: {  	_ =	swait.ge [sflag:s23], $0x1  }
0xa9: {  	[sflag:s23] =	ssyncset.done $0x0  }
0xaa: {  	s25 =	simm.s32 $0x1B8E;
	s24 =	sld [smem:$0x3FFE];
	[sflag:s23] =	ssyncadd.s32 $0xFFFFFFFF  }
0xab: {  	s26 =	simm.s32 $execute0_lowered;
	[smem:$0x3FD2] =	sst s25  }
0xac: {  	s5 =	sshll.u32 s26, $0x1;
	_ =	strace $0x80000049;
	[dreg:$0x1] =	wrdreg $0xFFFFFFFF  }
0xad: {  	s28 =	simm.s32 $_size_execute0_lowered;
	s3 =	sadd.s32 s3, s5;
	[dreg:$0x0] =	wrdreg $0x0  }
0xae: {  	s5 =	sshll.u32 s28, $0x1;
	[dreg:$0x2] =	wrdreg s3  }
0xaf: {  	[dreg:$0x3] =	wrdreg s5  }
0xb0: {  	[dreg:$0x4] =	wrdreg $0xC0  }
0xb1: {  	_ =	task [dreg:s7], $0x5FFFF  }
0xb2: {  	[dreg:$0x1] =	wrdreg $0xFFFFFFFF  }
0xb3: {  	[dreg:$0x0] =	wrdreg $0x60  }
0xb4: {  	[dreg:$0x2] =	wrdreg s16  }
0xb5: {  	[dreg:$0x3] =	wrdreg s24  }
0xb6: {  	[dreg:$0x4] =	wrdreg $0x0  }
0xb7: {  	[dreg:$0x5] =	wrdreg $0x9  }
0xb8: {  	_ =	task.clear_ibuf [dreg:s7], $0x6FFFF;
	_ =	strace $0x90000049  }
0xb9: {  	s29 =	simm.s32 $0x9;
	_ =	strace $0x8000004B  }
0xba: {  	_ =	swait.ge [sflag:s29], $0x1  }
0xbb: {  	[sflag:s29] =	ssyncadd.s32 $0xFFFFFFFF  }
0xbc: {  	_ =	strace $0x9000004B  }
0xbd: {  	_ =	sfence  }
0xbe: {  	s30 =	sld [smem:$0x0];
	_ =	sdelay $0x2  }
0xbf: {  	s31 =	sshll.u32 s1, $0xD;
	s1 =	sshrl.u32 s1, $0x2  }
0xc0: {  	s3 =	sand.u32 $0x4000, s31;
	s1 =	sadd.s32 s1, s30  }
0xc1: {  	s0 =	sor.u32 s3, s0;
	s1 =	sshll.u32 s1, $0x11  }
0xc2: {  	s0 =	sor.u32 s1, s0  }
0xc3: {  	s0 =	sadd.s32 $0x8F2B, s0  }
0xc4: {  	[sflag:s0] =	ssyncadd.remote.s32 $0x1  }
0xc5: {  	_ =	sfence.sel $0xFFFF  }
0xc6: {  	[dreg:$0x0] =	wrdreg $0xFFFFFFFF;
	(pc) =	sbr.abs _section_cstart, $3  }
0xc7: {  	[dreg:$0x1] =	wrdreg $0xFFFFFFFF  }
0xc8: {  	_ =	task.clear_ibuf [dreg:s7], $0x2FFFF;
	_ =	strace $0x9FFFFFFF  }
0xc9: {  	(tm) =	ssettm $0x7FFFFFFF  }
tec
execute0_lowered:
.L_overlay_start_1:
0x0: {  	(tag) =	ssettag $0x1  }
0x1: {  	s0 =	srdreg.scid;
	s22 =	stileid.u32  }
0x2: {  	s1 =	sand.u32 $0x1, s0;
	s4 =	smul.u32 $0xA000, s22  }
0x3: {  	s2 =	rddreg [dreg:$0x0];
	s0 =	smul.u32 $0xA0000, s1  }
0x4: {  	s6 =	rddreg [dreg:$0x1]  }
0x5: {  	s3 =	rddreg [dreg:$0x2];
	s0 =	sadd.s32 s4, s0;
	s4 =	simm.s32 $0x0  }
0x6: {  	s10 =	simm.s32 $0x13D80;
	[smem:$0x7FF] =	sst s4  }
0x7: {  	s11 =	simm.s32 $0x13D00;
	_ =	strace $0x8000004A;
	[dreg:$0x5] =	wrdreg s10  }
0x8: {  	s12 =	simm.s32 $0x13E80;
	[dreg:$0x6] =	wrdreg s11  }
0x9: {  	s13 =	simm.s32 $0x13E00;
	[dreg:$0x7] =	wrdreg s12  }
0xa: {  	s14 =	simm.s32 $0x13F80;
	[dreg:$0x8] =	wrdreg s13  }
0xb: {  	s15 =	simm.s32 $0x13F00;
	[dreg:$0x9] =	wrdreg s14  }
0xc: {  	s16 =	simm.s32 $0x14080;
	[dreg:$0xa] =	wrdreg s15  }
0xd: {  	s17 =	simm.s32 $0x14000;
	[dreg:$0xb] =	wrdreg s16  }
0xe: {  	s18 =	simm.s32 $0x14180;
	[dreg:$0xc] =	wrdreg s17  }
0xf: {  	s19 =	simm.s32 $0x14100;
	[dreg:$0xd] =	wrdreg s18  }
0x10: {  	s20 =	simm.s32 $0x14280;
	[dreg:$0xe] =	wrdreg s19  }
0x11: {  	s21 =	simm.s32 $0x14200;
	[dreg:$0xf] =	wrdreg s20  }
0x12: {  	s23 =	simm.s32 $0x14380;
	[dreg:$0x10] =	wrdreg s21  }
0x13: {  	s24 =	simm.s32 $0x14300;
	[dreg:$0x11] =	wrdreg s23  }
0x14: {  	s25 =	simm.s32 $0x14480;
	[dreg:$0x12] =	wrdreg s24  }
0x15: {  	s26 =	simm.s32 $0x14400;
	[dreg:$0x13] =	wrdreg s25  }
0x16: {  	s8 =	simm.s32 $0x14580;
	[dreg:$0x14] =	wrdreg s26  }
0x17: {  	s9 =	simm.s32 $0x14500;
	[dreg:$0x15] =	wrdreg s8  }
0x18: {  	[dreg:$0x16] =	wrdreg s9;
	s10 =	simm.s32 $0x14680  }
0x19: {  	s11 =	simm.s32 $0x14600;
	[dreg:$0x17] =	wrdreg s10  }
0x1a: {  	s12 =	simm.s32 $0x14780;
	[dreg:$0x18] =	wrdreg s11  }
0x1b: {  	s13 =	simm.s32 $0x14700;
	[dreg:$0x19] =	wrdreg s12  }
0x1c: {  	s14 =	simm.s32 $0x14880;
	[dreg:$0x1a] =	wrdreg s13  }
0x1d: {  	s15 =	simm.s32 $0x14800;
	[dreg:$0x1b] =	wrdreg s14  }
0x1e: {  	s16 =	simm.s32 $0x14980;
	[dreg:$0x1c] =	wrdreg s15  }
0x1f: {  	s17 =	simm.s32 $0x14900;
	[dreg:$0x1d] =	wrdreg s16  }
0x20: {  	s18 =	simm.s32 $0x14A80;
	[dreg:$0x1e] =	wrdreg s17  }
0x21: {  	s19 =	simm.s32 $0x14A00;
	[dreg:$0x1f] =	wrdreg s18  }
0x22: {  	s20 =	simm.s32 $0x14B80;
	[smem:$0x7B7] =	sst s19  }
0x23: {  	s21 =	simm.s32 $0x14B00;
	[smem:$0x7B8] =	sst s20  }
0x24: {  	s23 =	simm.s32 $0x14C80;
	[smem:$0x7B9] =	sst s21  }
0x25: {  	s24 =	simm.s32 $0x14C00;
	[smem:$0x7BA] =	sst s23  }
0x26: {  	s25 =	simm.s32 $0x14D80;
	[smem:$0x7BB] =	sst s24  }
0x27: {  	s5 =	sadd.s32 $0x3EE00, s6;
	s26 =	simm.s32 $0x14D00;
	[smem:$0x7BC] =	sst s25  }
0x28: {  	s7 =	sor.u32 $0x1400, s0;
	s8 =	simm.s32 $0x14E80;
	[smem:$0x7BD] =	sst s26  }
0x29: {  	s7 =	sshrl.u32 s7, $0x3;
	s9 =	simm.s32 $0x14E00;
	[smem:$0x7BE] =	sst s8  }
0x2a: {  	s7 =	sadd.s32 s7, s5;
	[smem:$0x7BF] =	sst s9  }
0x2b: {  	s10 =	simm.s32 $0x14F80;
	[dreg:$0x4] =	wrdreg s7  }
0x2c: {  	s11 =	simm.s32 $0x14F00;
	[smem:$0x7C0] =	sst s10  }
0x2d: {  	s12 =	simm.s32 $0x15000;
	[smem:$0x7C1] =	sst s11  }
0x2e: {  	s13 =	simm.s32 $0x15180;
	[smem:$0x7C2] =	sst s12  }
0x2f: {  	s28 =	simm.s32 $0x16100;
	s14 =	simm.s32 $0x15100;
	[smem:$0x7C3] =	sst s13  }
0x30: {  	s29 =	simm.s32 $0x16280;
	s15 =	simm.s32 $0x15200;
	[smem:$0x7C4] =	sst s14  }
0x31: {  	s30 =	simm.s32 $0x16200;
	s16 =	simm.s32 $0x15380;
	[smem:$0x7C6] =	sst s15  }
0x32: {  	s31 =	simm.s32 $0x16380;
	s17 =	simm.s32 $0x15300;
	[smem:$0x7C7] =	sst s16  }
0x33: {  	s6 =	sadd.s32 $0x66E00, s6;
	s20 =	simm.s32 $0x15480;
	[smem:$0x7C8] =	sst s17  }
0x34: {  	p0 =	seq.s32 s22, $0xF;
	s21 =	simm.s32 $0x15400;
	[smem:$0x7C9] =	sst s20  }
0x35: {  	s8 =	ssub.s32 $0x2, s1;
	s23 =	simm.s32 $0x15500;
	[smem:$0x7CA] =	sst s21  }
0x36: {  	s18 =	smul.u32 $0x2710, s1;
	s24 =	simm.s32 $0x15600;
	[smem:$0x7CC] =	sst s23  }
0x37: {  	s19 =	smul.u32 $0x280, s22;
	s25 =	simm.s32 $0x15780;
	[smem:$0x7CE] =	sst s24  }
0x38: {  	s26 =	simm.s32 $0x15700;
	s9 =	sshrl.u32 s8, $0x1;
	[smem:$0x7CF] =	sst s25  }
0x39: {  	s10 =	simm.s32 $0x15280;
	s11 =	smul.u32 $0x138800, s1;
	[smem:$0x7D0] =	sst s26  }
0x3a: {  	s12 =	simm.s32 $0x15580;
	s14 =	simm.s32 $0x15680;
	[smem:$0x7C5] =	sst s10  }
0x3b: {  	s17 =	simm.s32 $0x15880;
	s21 =	simm.s32 $0x15980;
	[smem:$0x7CB] =	sst s12  }
0x3c: {  	s23 =	simm.s32 $0x15A80;
	s24 =	simm.s32 $0x15A00;
	[smem:$0x7CD] =	sst s14  }
0x3d: {  	s25 =	simm.s32 $0x15B80;
	s26 =	smul.u32 $0x14000, s22;
	[smem:$0x7D1] =	sst s17  }
0x3e: {  	s1 =	smul.u32 $0x27100, s1;
	s7 =	ssub.s32 s8, s9;
	[smem:$0x7D3] =	sst s21  }
0x3f: {  	s9 =	sadd.s32 s18, s19;
	s13 =	sadd.s32 $0x80, s19;
	[smem:$0x7D5] =	sst s23  }
0x40: {  	s16 =	sadd.s32 $0x100, s19;
	s17 =	simm.s32 $0x15800;
	[smem:$0x7D6] =	sst s24  }
0x41: {  	s20 =	sadd.s32 $0x180, s19;
	s21 =	simm.s32 $0x15900;
	[smem:$0x7D7] =	sst s25  }
0x42: {  	s19 =	sadd.s32 $0x200, s19;
	s23 =	simm.s32 $0x15B00;
	[smem:$0x7D2] =	sst s17  }
0x43: {  	s24 =	simm.s32 $0x15C80;
	s25 =	simm.s32 $0x15C00;
	[smem:$0x7D4] =	sst s21  }
0x44: {  	s10 =	sshrl.u32 s11, $0x3;
	s12 =	sadd.s32 s18, s13;
	[smem:$0x7D8] =	sst s23  }
0x45: {  	s13 =	sshll.u32 s13, $0x7;
	s15 =	sadd.s32 s18, s16;
	[smem:$0x7D9] =	sst s24  }
0x46: {  	s21 =	sadd.s32 s11, s26;
	[smem:$0x7DA] =	sst s25;
	s26 =	simm.s32 $0x15D80  }
0x47: {  	s14 =	sshll.u32 s16, $0x7;
	s23 =	simm.s32 $0x15D00;
	[smem:$0x7DC] =	sst s26  }
0x48: {  	s17 =	sadd.s32 s18, s20;
	s25 =	simm.s32 $0x15E80;
	[smem:$0x7DD] =	sst s23  }
0x49: {  	s16 =	sshll.u32 s20, $0x7;
	[smem:$0x7DE] =	sst s25;
	s26 =	simm.s32 $0x15E00  }
0x4a: {  	s18 =	sadd.s32 s18, s19;
	s23 =	simm.s32 $0x15F80;
	[smem:$0x7E0] =	sst s26  }
0x4b: {  	s21 =	sshrl.u32 s21, $0x3;
	s25 =	simm.s32 $0x15F00;
	[smem:$0x7E1] =	sst s23  }
0x4c: {  	s19 =	sshll.u32 s19, $0x7;
	s21 =	sadd.s32 s6, s21;
	[smem:$0x7E2] =	sst s25  }
0x4d: {  	s24 =	sadd.s32 s11, s13;
	s26 =	sadd.s32 s11, s16;
	[smem:$0x7DB] =	sst s21  }
0x4e: {  	s21 =	sshrl.u32 s24, $0x3;
	s24 =	sadd.s32 s11, s14;
	s20 =	sshrl.u32 s26, $0x3  }
0x4f: {  	s26 =	smax.u32 s7, $0x1;
	s7 =	sshll.u32 s9, $0x4;
	s9 =	sshll.u32 s12, $0x4  }
0x50: {  	s12 =	sshll.u32 s15, $0x4;
	s15 =	sadd.s32 s14, s3;
	[smem:$0x7E9] =	sst s26  }
0x51: {  	s11 =	sadd.s32 s11, s19;
	s19 =	sadd.s32 s19, s3;
	[smem:$0x7EE] =	sst s15  }
0x52: {  	s1 =	sadd.s32 s2, s1;
	s21 =	sadd.s32 s6, s21;
	[smem:$0x7F2] =	sst s19  }
0x53: {  	s8 =	sadd.s32 $0x27000, s10;
	s20 =	sadd.s32 s6, s20;
	[smem:$0x7DF] =	sst s21  }
0x54: {  	s11 =	sshrl.u32 s11, $0x3;
	s26 =	sadd.s32 $0x12C000, s3;
	[smem:$0x7E4] =	sst s20  }
0x55: {  	s10 =	sadd.s32 s6, s10;
	s11 =	sadd.s32 s6, s11;
	[smem:$0x7FA] =	sst s26  }
0x56: {  	s21 =	sshrl.u32 s24, $0x3;
	s24 =	sadd.s32 s2, s8;
	[smem:$0x7E5] =	sst s11  }
0x57: {  	s23 =	smul.u32 $0x50000, s22;
	s20 =	sadd.s32 $0x25800, s1;
	[smem:$0x7E7] =	sst s24  }
0x58: {  	s14 =	simm.s32 $0x1A480;
	s21 =	sadd.s32 s6, s21;
	[smem:$0x7F3] =	sst s20  }
0x59: {  	s15 =	simm.s32 $0x1;
	s6 =	sadd.s32 s6, s8;
	[smem:$0x7E3] =	sst s21  }
0x5a: {  	s11 =	sadd.s32 s13, s3;
	s13 =	sshll.u32 s17, $0x4;
	[smem:$0x7E6] =	sst s6  }
0x5b: {  	s17 =	sshll.u32 s18, $0x4;
	s18 =	sadd.s32 s16, s3;
	[smem:$0x7EC] =	sst s11  }
0x5c: {  	s8 =	sshrl.u32 s23, $0x2;
	s23 =	sadd.s32 $0x25800, s10;
	[smem:$0x7F0] =	sst s18  }
0x5d: {  	s19 =	simm.s32 $0x2;
	s24 =	sadd.s32 $0x26000, s10;
	[smem:$0x7F6] =	sst s23  }
0x5e: {  	s26 =	simm.s32 $0x16180;
	s20 =	sadd.s32 $0x130000, s3;
	[smem:$0x7F7] =	sst s24  }
0x5f: {  	s16 =	simm.s32 $0x16300;
	s6 =	sadd.s32 s2, s7;
	[smem:$0x7FC] =	sst s20  }
0x60: {  	s21 =	sshrl.u32 s0, $0x3;
	s0 =	sadd.s32 $0x2800, s0;
	[smem:$0x7EA] =	sst s6  }
0x61: {  	s7 =	sadd.s32 s8, s3;
	s8 =	sadd.s32 $0x138000, s3;
	[smem:$0x7F9] =	sst s0  }
0x62: {  	s24 =	sadd.s32 $0x134000, s3;
	s11 =	simm.s32 $0x15080;
	[smem:$0x7FB] =	sst s8  }
0x63: {  	s23 =	simm.s32 $0x16080;
	s25 =	sadd.s32 s5, s21;
	[smem:$0x7FD] =	sst s24  }
0x64: {  	s18 =	simm.s32 $0x16400;
	s6 =	sadd.s32 s2, s9;
	[smem:$0x7E8] =	sst s25  }
0x65: {  	s21 =	sadd.s32 $0x26000, s1;
	s1 =	sadd.s32 $0x26800, s1;
	[smem:$0x7EB] =	sst s6  }
0x66: {  	s9 =	simm.s32 $0x13C80;
	s6 =	sadd.s32 s2, s12;
	[smem:$0x7F4] =	sst s21  }
0x67: {  	[smem:$0x7F5] =	sst s1;
	s25 =	sadd.s32 $0x26800, s10;
	s10 =	simm.s32 $0x3  }
0x68: {  	s12 =	simm.s32 $0x80;
	s21 =	simm.s32 $0x4;
	[smem:$0x7ED] =	sst s6  }
0x69: {  	s6 =	sadd.s32 s2, s13;
	[smem:$0x7F8] =	sst s25;
	s13 =	simm.s32 $0x16480  }
0x6a: {  	s25 =	simm.s32 $0x16000;
	[smem:$0x7EF] =	sst s6;
	s6 =	sadd.s32 s2, s17  }
0x6b: {  	s17 =	simm.s32 $0x5;
	[smem:$0x7F1] =	sst s6;
	s6 =	simm.s32 $0x0  }
.LBB2_1:
0x6c: {  	[smem:$0x7B6] =	sst s6  }
0x6d: {  	s6 =	sld [smem:$0x7F3];
	_ =	sdelay $0x1  }
0x6e: {  	s0 =	simm.s32 @p0 $0x0;
	s1 =	simm.s32 @p0 $0x16480;
	s22 =	simm.s32 @p0 $0x5  }
0x6f: {  	[tilespmem:s1], [sflag:$0x5] =	stream.linear.gather @p0 [hbm4b:s6+s0], $0x4000, $0x38;
	[tilespmem:$0x1E480] =	vst v63  }
0x70: {  	_ =	swait.ge @p0 [sflag:s22], $0x4000  }
0x71: {  	s6 =	sld [smem:$0x7FA]  }
0x72: {  	[sflag:s22] =	ssyncset.done @p0 $0x0  }
0x73: {  	[sflag:s22] =	ssyncadd.s32 @p0 $0xFFFFC000  }
0x74: {  	[spmem:s6] =	stream.linear.scatter @p0 [tilespmem:s1], [sflag:$0x5], $0x4000, $0x38;
	[tilespmem:$0x1E480] =	vst v63  }
0x75: {  	_ =	swait.ge @p0 [sflag:s22], $0x4000  }
0x76: {  	s6 =	sld [smem:$0x7F4]  }
0x77: {  	[sflag:s22] =	ssyncset.done @p0 $0x0  }
0x78: {  	[sflag:s22] =	ssyncadd.s32 @p0 $0xFFFFC000  }
0x79: {  	[tilespmem:s1], [sflag:$0x5] =	stream.linear.gather @p0 [hbm4b:s6+s0], $0x4000, $0x38;
	[tilespmem:$0x1E480] =	vst v63  }
0x7a: {  	_ =	swait.ge @p0 [sflag:s22], $0x4000  }
0x7b: {  	[sflag:s22] =	ssyncset.done @p0 $0x0  }
0x7c: {  	[sflag:s22] =	ssyncadd.s32 @p0 $0xFFFFC000  }
0x7d: {  	[spmem:s20] =	stream.linear.scatter @p0 [tilespmem:s1], [sflag:$0x5], $0x4000, $0x38;
	[tilespmem:$0x1E480] =	vst v63  }
0x7e: {  	_ =	swait.ge @p0 [sflag:s22], $0x4000  }
0x7f: {  	s6 =	sld [smem:$0x7F5]  }
0x80: {  	[sflag:s22] =	ssyncset.done @p0 $0x0  }
0x81: {  	[sflag:s22] =	ssyncadd.s32 @p0 $0xFFFFC000  }
0x82: {  	[tilespmem:s1], [sflag:$0x5] =	stream.linear.gather @p0 [hbm4b:s6+s0], $0x4000, $0x38;
	[tilespmem:$0x1E480] =	vst v63  }
0x83: {  	_ =	swait.ge @p0 [sflag:s22], $0x4000  }
0x84: {  	[sflag:s22] =	ssyncset.done @p0 $0x0  }
0x85: {  	[sflag:s22] =	ssyncadd.s32 @p0 $0xFFFFC000  }
0x86: {  	[spmem:s24] =	stream.linear.scatter @p0 [tilespmem:s1], [sflag:$0x5], $0x4000, $0x38;
	[tilespmem:$0x1E480] =	vst v63  }
0x87: {  	_ =	swait.ge @p0 [sflag:s22], $0x4000  }
0x88: {  	s6 =	sld [smem:$0x7E7]  }
0x89: {  	[sflag:s22] =	ssyncset.done @p0 $0x0  }
0x8a: {  	[sflag:s22] =	ssyncadd.s32 @p0 $0xFFFFC000  }
0x8b: {  	[tilespmem:s1], [sflag:$0x5] =	stream.linear.gather @p0 [hbm4b:s6+s0], $0x800, $0x38;
	[tilespmem:$0x1E480] =	vst v63  }
0x8c: {  	_ =	swait.ge @p0 [sflag:s22], $0x800  }
0x8d: {  	[sflag:s22] =	ssyncset.done @p0 $0x0  }
0x8e: {  	[sflag:s22] =	ssyncadd.s32 @p0 $0xFFFFF800  }
0x8f: {  	[spmem:s8] =	stream.linear.scatter @p0 [tilespmem:s1], [sflag:$0x5], $0x800, $0x38;
	[tilespmem:$0x1E480] =	vst v63  }
0x90: {  	_ =	swait.ge @p0 [sflag:s22], $0x800  }
0x91: {  	s6 =	sld [smem:$0x7EA]  }
0x92: {  	s0 =	simm.s32 @!p0 $0x0;
	[sflag:s22] =	ssyncset.done @p0 $0x0  }
0x93: {  	s1 =	simm.s32 @!p0 $0x16480;
	[sflag:s22] =	ssyncadd.s32 @p0 $0xFFFFF800;
	s22 =	simm.s32 @!p0 $0x5  }
0x94: {  	[tilespmem:s1], [sflag:$0x5] =	stream.linear.gather @!p0 [hbm4b:s6+s0], $0x4000, $0x38;
	[tilespmem:$0x1E480] =	vst v63  }
0x95: {  	_ =	swait.ge @!p0 [sflag:s22], $0x4000  }
0x96: {  	[sflag:s22] =	ssyncset.done @!p0 $0x0  }
0x97: {  	[sflag:s22] =	ssyncadd.s32 @!p0 $0xFFFFC000  }
0x98: {  	[spmem:s7] =	stream.linear.scatter @!p0 [tilespmem:s1], [sflag:$0x5], $0x4000, $0x38;
	[tilespmem:$0x1E480] =	vst v63  }
0x99: {  	_ =	swait.ge @!p0 [sflag:s22], $0x4000  }
0x9a: {  	s6 =	sld [smem:$0x7EB]  }
0x9b: {  	[sflag:s22] =	ssyncset.done @!p0 $0x0  }
0x9c: {  	[sflag:s22] =	ssyncadd.s32 @!p0 $0xFFFFC000  }
0x9d: {  	[tilespmem:s1], [sflag:$0x5] =	stream.linear.gather @!p0 [hbm4b:s6+s0], $0x4000, $0x38;
	[tilespmem:$0x1E480] =	vst v63  }
0x9e: {  	_ =	swait.ge @!p0 [sflag:s22], $0x4000  }
0x9f: {  	s6 =	sld [smem:$0x7EC]  }
0xa0: {  	[sflag:s22] =	ssyncset.done @!p0 $0x0  }
0xa1: {  	[sflag:s22] =	ssyncadd.s32 @!p0 $0xFFFFC000  }
0xa2: {  	[spmem:s6] =	stream.linear.scatter @!p0 [tilespmem:s1], [sflag:$0x5], $0x4000, $0x38;
	[tilespmem:$0x1E480] =	vst v63  }
0xa3: {  	_ =	swait.ge @!p0 [sflag:s22], $0x4000  }
0xa4: {  	s6 =	sld [smem:$0x7ED]  }
0xa5: {  	[sflag:s22] =	ssyncset.done @!p0 $0x0  }
0xa6: {  	[sflag:s22] =	ssyncadd.s32 @!p0 $0xFFFFC000  }
0xa7: {  	[tilespmem:s1], [sflag:$0x5] =	stream.linear.gather @!p0 [hbm4b:s6+s0], $0x4000, $0x38;
	[tilespmem:$0x1E480] =	vst v63  }
0xa8: {  	_ =	swait.ge @!p0 [sflag:s22], $0x4000  }
0xa9: {  	s6 =	sld [smem:$0x7EE]  }
0xaa: {  	[sflag:s22] =	ssyncset.done @!p0 $0x0  }
0xab: {  	[sflag:s22] =	ssyncadd.s32 @!p0 $0xFFFFC000  }
0xac: {  	[spmem:s6] =	stream.linear.scatter @!p0 [tilespmem:s1], [sflag:$0x5], $0x4000, $0x38;
	[tilespmem:$0x1E480] =	vst v63  }
0xad: {  	_ =	swait.ge @!p0 [sflag:s22], $0x4000  }
0xae: {  	s6 =	sld [smem:$0x7EF]  }
0xaf: {  	[sflag:s22] =	ssyncset.done @!p0 $0x0  }
0xb0: {  	[sflag:s22] =	ssyncadd.s32 @!p0 $0xFFFFC000  }
0xb1: {  	[tilespmem:s1], [sflag:$0x5] =	stream.linear.gather @!p0 [hbm4b:s6+s0], $0x4000, $0x38;
	[tilespmem:$0x1E480] =	vst v63  }
0xb2: {  	_ =	swait.ge @!p0 [sflag:s22], $0x4000  }
0xb3: {  	s6 =	sld [smem:$0x7F0]  }
0xb4: {  	[sflag:s22] =	ssyncset.done @!p0 $0x0  }
0xb5: {  	[sflag:s22] =	ssyncadd.s32 @!p0 $0xFFFFC000  }
0xb6: {  	[spmem:s6] =	stream.linear.scatter @!p0 [tilespmem:s1], [sflag:$0x5], $0x4000, $0x38;
	[tilespmem:$0x1E480] =	vst v63  }
0xb7: {  	_ =	swait.ge @!p0 [sflag:s22], $0x4000  }
0xb8: {  	s6 =	sld [smem:$0x7F1]  }
0xb9: {  	[sflag:s22] =	ssyncset.done @!p0 $0x0  }
0xba: {  	[sflag:s22] =	ssyncadd.s32 @!p0 $0xFFFFC000  }
0xbb: {  	[tilespmem:s1], [sflag:$0x5] =	stream.linear.gather @!p0 [hbm4b:s6+s0], $0x4000, $0x38;
	[tilespmem:$0x1E480] =	vst v63  }
0xbc: {  	_ =	swait.ge @!p0 [sflag:s22], $0x4000  }
0xbd: {  	s0 =	sld [smem:$0x7F2]  }
0xbe: {  	[sflag:s22] =	ssyncset.done @!p0 $0x0  }
0xbf: {  	[sflag:s22] =	ssyncadd.s32 @!p0 $0xFFFFC000  }
0xc0: {  	[spmem:s0] =	stream.linear.scatter @!p0 [tilespmem:s1], [sflag:$0x5], $0x4000, $0x38;
	[tilespmem:$0x1E480] =	vst v63  }
0xc1: {  	_ =	swait.ge @!p0 [sflag:s22], $0x4000  }
0xc2: {  	[sflag:s22] =	ssyncset.done @!p0 $0x0  }
0xc3: {  	[sflag:s22] =	ssyncadd.s32 @!p0 $0xFFFFC000  }
0xc4: {  	[bflag:$0x0] =	sbarrier.arrive $0xFFFF  }
0xc5: {  	s6 =	sld [smem:$0x7E8];
	_ =	sdelay $0x2  }
0xc6: {  	[tilespmem:s9], [sflag:$0x3] =	stream.linear.gather [hbm4b:s6+s4], $0x1400, $0x38;
	[tilespmem:$0x1E480] =	vst v63  }
0xc7: {  	_ =	swait.ge [sflag:s10], $0x1400  }
0xc8: {  	s8 =	smov.u32 s7;
	s7 =	rddreg [dreg:$0x4];
	[sflag:s10] =	ssyncset.done $0x0  }
0xc9: {  	[sflag:s10] =	ssyncadd.s32 $0xFFFFEC00;
	s0 =	sadd.s32 $0x0, s7  }
0xca: {  	[tilespmem:s11], [sflag:$0x4] =	stream.linear.gather [hbm4b:s0+s4], $0x1400, $0x38;
	[tilespmem:$0x1E480] =	vst v63  }
0xcb: {  	_ = 	snop  }
0xcc: {  	[tilespmem:s13], [sflag:$0x1] =	stream.indirect.gather [hbm4b:s2+s12], $0x80, s9, s12, $0xb8;
	[tilespmem:$0x1E480] =	vst v63  }
0xcd: {  	s20 =	rddreg [dreg:$0x5]  }
0xce: {  	[tilespmem:s14], [sflag:$0x2] =	stream.indirect.gather [hbm4b:s2+s12], $0x80, s20, s12, $0xb8;
	[tilespmem:$0x1E480] =	vst v63  }
0xcf: {  	_ =	swait.ge [sflag:s15], $0x4000  }
0xd0: {  	[sflag:s15] =	ssyncset.done $0x0  }
0xd1: {  	s22 =	rddreg [dreg:$0x6];
	[sflag:s15] =	ssyncadd.s32 $0xFFFFC000  }
0xd2: {  	[spmem:s3] =	stream.indirect.scatter.add.f32 [tilespmem:s13], [sflag:$0x5], $0x80, s22, s12, $0xb8;
	[tilespmem:$0x1E480] =	vst v63  }
0xd3: {  	_ =	swait.ge [sflag:s17], $0x4000  }
0xd4: {  	[sflag:s17] =	ssyncset.done $0x0  }
0xd5: {  	s24 =	rddreg [dreg:$0x7];
	[sflag:s17] =	ssyncadd.s32 $0xFFFFC000  }
0xd6: {  	[tilespmem:s13], [sflag:$0x1] =	stream.indirect.gather [hbm4b:s2+s12], $0x80, s24, s12, $0xb8;
	[tilespmem:$0x1E480] =	vst v63  }
0xd7: {  	_ =	swait.ge [sflag:s19], $0x4000  }
0xd8: {  	[sflag:s19] =	ssyncset.done $0x0  }
0xd9: {  	s1 =	rddreg [dreg:$0x8];
	[sflag:s19] =	ssyncadd.s32 $0xFFFFC000  }
0xda: {  	[spmem:s3] =	stream.indirect.scatter.add.f32 [tilespmem:s14], [sflag:$0x5], $0x80, s1, s12, $0xb8;
	[tilespmem:$0x1E480] =	vst v63  }
0xdb: {  	_ =	swait.ge [sflag:s17], $0x4000  }
0xdc: {  	[sflag:s17] =	ssyncset.done $0x0  }
0xdd: {  	s6 =	rddreg [dreg:$0x9];
	[sflag:s17] =	ssyncadd.s32 $0xFFFFC000  }
0xde: {  	[tilespmem:s14], [sflag:$0x2] =	stream.indirect.gather [hbm4b:s2+s12], $0x80, s6, s12, $0xb8;
	[tilespmem:$0x1E480] =	vst v63  }
0xdf: {  	_ =	swait.ge [sflag:s15], $0x4000  }
0xe0: {  	[sflag:s15] =	ssyncset.done $0x0  }
0xe1: {  	s7 =	rddreg [dreg:$0xa];
	[sflag:s15] =	ssyncadd.s32 $0xFFFFC000  }
0xe2: {  	[spmem:s3] =	stream.indirect.scatter.add.f32 [tilespmem:s13], [sflag:$0x5], $0x80, s7, s12, $0xb8;
	[tilespmem:$0x1E480] =	vst v63  }
0xe3: {  	_ =	swait.ge [sflag:s17], $0x4000  }
0xe4: {  	[sflag:s17] =	ssyncset.done $0x0  }
0xe5: {  	s20 =	rddreg [dreg:$0xb];
	[sflag:s17] =	ssyncadd.s32 $0xFFFFC000  }
0xe6: {  	[tilespmem:s13], [sflag:$0x1] =	stream.indirect.gather [hbm4b:s2+s12], $0x80, s20, s12, $0xb8;
	[tilespmem:$0x1E480] =	vst v63  }
0xe7: {  	_ =	swait.ge [sflag:s19], $0x4000  }
0xe8: {  	[sflag:s19] =	ssyncset.done $0x0  }
0xe9: {  	s22 =	rddreg [dreg:$0xc];
	[sflag:s19] =	ssyncadd.s32 $0xFFFFC000  }
0xea: {  	[spmem:s3] =	stream.indirect.scatter.add.f32 [tilespmem:s14], [sflag:$0x5], $0x80, s22, s12, $0xb8;
	[tilespmem:$0x1E480] =	vst v63  }
0xeb: {  	_ =	swait.ge [sflag:s17], $0x4000  }
0xec: {  	[sflag:s17] =	ssyncset.done $0x0  }
0xed: {  	s24 =	rddreg [dreg:$0xd];
	[sflag:s17] =	ssyncadd.s32 $0xFFFFC000  }
0xee: {  	[tilespmem:s14], [sflag:$0x2] =	stream.indirect.gather [hbm4b:s2+s12], $0x80, s24, s12, $0xb8;
	[tilespmem:$0x1E480] =	vst v63  }
0xef: {  	_ =	swait.ge [sflag:s15], $0x4000  }
0xf0: {  	[sflag:s15] =	ssyncset.done $0x0  }
0xf1: {  	s1 =	rddreg [dreg:$0xe];
	[sflag:s15] =	ssyncadd.s32 $0xFFFFC000  }
0xf2: {  	[spmem:s3] =	stream.indirect.scatter.add.f32 [tilespmem:s13], [sflag:$0x5], $0x80, s1, s12, $0xb8;
	[tilespmem:$0x1E480] =	vst v63  }
0xf3: {  	_ =	swait.ge [sflag:s17], $0x4000  }
0xf4: {  	[sflag:s17] =	ssyncset.done $0x0  }
0xf5: {  	s6 =	rddreg [dreg:$0xf];
	[sflag:s17] =	ssyncadd.s32 $0xFFFFC000  }
0xf6: {  	[tilespmem:s13], [sflag:$0x1] =	stream.indirect.gather [hbm4b:s2+s12], $0x80, s6, s12, $0xb8;
	[tilespmem:$0x1E480] =	vst v63  }
0xf7: {  	_ =	swait.ge [sflag:s19], $0x4000  }
0xf8: {  	[sflag:s19] =	ssyncset.done $0x0  }
0xf9: {  	s7 =	rddreg [dreg:$0x10];
	[sflag:s19] =	ssyncadd.s32 $0xFFFFC000  }
0xfa: {  	[spmem:s3] =	stream.indirect.scatter.add.f32 [tilespmem:s14], [sflag:$0x5], $0x80, s7, s12, $0xb8;
	[tilespmem:$0x1E480] =	vst v63  }
0xfb: {  	_ =	swait.ge [sflag:s17], $0x4000  }
0xfc: {  	[sflag:s17] =	ssyncset.done $0x0  }
0xfd: {  	s20 =	rddreg [dreg:$0x11];
	[sflag:s17] =	ssyncadd.s32 $0xFFFFC000  }
0xfe: {  	[tilespmem:s14], [sflag:$0x2] =	stream.indirect.gather [hbm4b:s2+s12], $0x80, s20, s12, $0xb8;
	[tilespmem:$0x1E480] =	vst v63  }
0xff: {  	_ =	swait.ge [sflag:s15], $0x4000  }
0x100: {  	[sflag:s15] =	ssyncset.done $0x0  }
0x101: {  	s22 =	rddreg [dreg:$0x12];
	[sflag:s15] =	ssyncadd.s32 $0xFFFFC000  }
0x102: {  	[spmem:s3] =	stream.indirect.scatter.add.f32 [tilespmem:s13], [sflag:$0x5], $0x80, s22, s12, $0xb8;
	[tilespmem:$0x1E480] =	vst v63  }
0x103: {  	_ =	swait.ge [sflag:s17], $0x4000  }
0x104: {  	[sflag:s17] =	ssyncset.done $0x0  }
0x105: {  	s24 =	rddreg [dreg:$0x13];
	[sflag:s17] =	ssyncadd.s32 $0xFFFFC000  }
0x106: {  	[tilespmem:s13], [sflag:$0x1] =	stream.indirect.gather [hbm4b:s2+s12], $0x80, s24, s12, $0xb8;
	[tilespmem:$0x1E480] =	vst v63  }
0x107: {  	_ =	swait.ge [sflag:s19], $0x4000  }
0x108: {  	[sflag:s19] =	ssyncset.done $0x0  }
0x109: {  	s1 =	rddreg [dreg:$0x14];
	[sflag:s19] =	ssyncadd.s32 $0xFFFFC000  }
0x10a: {  	[spmem:s3] =	stream.indirect.scatter.add.f32 [tilespmem:s14], [sflag:$0x5], $0x80, s1, s12, $0xb8;
	[tilespmem:$0x1E480] =	vst v63  }
0x10b: {  	_ =	swait.ge [sflag:s17], $0x4000  }
0x10c: {  	[sflag:s17] =	ssyncset.done $0x0  }
0x10d: {  	s6 =	rddreg [dreg:$0x15];
	[sflag:s17] =	ssyncadd.s32 $0xFFFFC000  }
0x10e: {  	[tilespmem:s14], [sflag:$0x2] =	stream.indirect.gather [hbm4b:s2+s12], $0x80, s6, s12, $0xb8;
	[tilespmem:$0x1E480] =	vst v63  }
0x10f: {  	_ =	swait.ge [sflag:s15], $0x4000  }
0x110: {  	[sflag:s15] =	ssyncset.done $0x0  }
0x111: {  	s7 =	rddreg [dreg:$0x16];
	[sflag:s15] =	ssyncadd.s32 $0xFFFFC000  }
0x112: {  	[spmem:s3] =	stream.indirect.scatter.add.f32 [tilespmem:s13], [sflag:$0x5], $0x80, s7, s12, $0xb8;
	[tilespmem:$0x1E480] =	vst v63  }
0x113: {  	_ =	swait.ge [sflag:s17], $0x4000  }
0x114: {  	[sflag:s17] =	ssyncset.done $0x0  }
0x115: {  	s20 =	rddreg [dreg:$0x17];
	[sflag:s17] =	ssyncadd.s32 $0xFFFFC000  }
0x116: {  	[tilespmem:s13], [sflag:$0x1] =	stream.indirect.gather [hbm4b:s2+s12], $0x80, s20, s12, $0xb8;
	[tilespmem:$0x1E480] =	vst v63  }
0x117: {  	_ =	swait.ge [sflag:s19], $0x4000  }
0x118: {  	[sflag:s19] =	ssyncset.done $0x0  }
0x119: {  	s22 =	rddreg [dreg:$0x18];
	[sflag:s19] =	ssyncadd.s32 $0xFFFFC000  }
0x11a: {  	[spmem:s3] =	stream.indirect.scatter.add.f32 [tilespmem:s14], [sflag:$0x5], $0x80, s22, s12, $0xb8;
	[tilespmem:$0x1E480] =	vst v63  }
0x11b: {  	_ =	swait.ge [sflag:s17], $0x4000  }
0x11c: {  	[sflag:s17] =	ssyncset.done $0x0  }
0x11d: {  	s24 =	rddreg [dreg:$0x19];
	[sflag:s17] =	ssyncadd.s32 $0xFFFFC000  }
0x11e: {  	[tilespmem:s14], [sflag:$0x2] =	stream.indirect.gather [hbm4b:s2+s12], $0x80, s24, s12, $0xb8;
	[tilespmem:$0x1E480] =	vst v63  }
0x11f: {  	_ =	swait.ge [sflag:s15], $0x4000  }
0x120: {  	[sflag:s15] =	ssyncset.done $0x0  }
0x121: {  	s1 =	rddreg [dreg:$0x1a];
	[sflag:s15] =	ssyncadd.s32 $0xFFFFC000  }
0x122: {  	[spmem:s3] =	stream.indirect.scatter.add.f32 [tilespmem:s13], [sflag:$0x5], $0x80, s1, s12, $0xb8;
	[tilespmem:$0x1E480] =	vst v63  }
0x123: {  	_ =	swait.ge [sflag:s17], $0x4000  }
0x124: {  	[sflag:s17] =	ssyncset.done $0x0  }
0x125: {  	s6 =	rddreg [dreg:$0x1b];
	[sflag:s17] =	ssyncadd.s32 $0xFFFFC000  }
0x126: {  	[tilespmem:s13], [sflag:$0x1] =	stream.indirect.gather [hbm4b:s2+s12], $0x80, s6, s12, $0xb8;
	[tilespmem:$0x1E480] =	vst v63  }
0x127: {  	_ =	swait.ge [sflag:s19], $0x4000  }
0x128: {  	[sflag:s19] =	ssyncset.done $0x0  }
0x129: {  	s7 =	rddreg [dreg:$0x1c];
	[sflag:s19] =	ssyncadd.s32 $0xFFFFC000  }
0x12a: {  	[spmem:s3] =	stream.indirect.scatter.add.f32 [tilespmem:s14], [sflag:$0x5], $0x80, s7, s12, $0xb8;
	[tilespmem:$0x1E480] =	vst v63  }
0x12b: {  	_ =	swait.ge [sflag:s17], $0x4000  }
0x12c: {  	[sflag:s17] =	ssyncset.done $0x0  }
0x12d: {  	s20 =	rddreg [dreg:$0x1d];
	[sflag:s17] =	ssyncadd.s32 $0xFFFFC000  }
0x12e: {  	[tilespmem:s14], [sflag:$0x2] =	stream.indirect.gather [hbm4b:s2+s12], $0x80, s20, s12, $0xb8;
	[tilespmem:$0x1E480] =	vst v63  }
0x12f: {  	_ =	swait.ge [sflag:s15], $0x4000  }
0x130: {  	[sflag:s15] =	ssyncset.done $0x0  }
0x131: {  	s22 =	rddreg [dreg:$0x1e];
	[sflag:s15] =	ssyncadd.s32 $0xFFFFC000  }
0x132: {  	[spmem:s3] =	stream.indirect.scatter.add.f32 [tilespmem:s13], [sflag:$0x5], $0x80, s22, s12, $0xb8;
	[tilespmem:$0x1E480] =	vst v63  }
0x133: {  	_ =	swait.ge [sflag:s17], $0x4000  }
0x134: {  	[sflag:s17] =	ssyncset.done $0x0  }
0x135: {  	s24 =	rddreg [dreg:$0x1f];
	[sflag:s17] =	ssyncadd.s32 $0xFFFFC000  }
0x136: {  	[tilespmem:s13], [sflag:$0x1] =	stream.indirect.gather [hbm4b:s2+s12], $0x80, s24, s12, $0xb8;
	[tilespmem:$0x1E480] =	vst v63  }
0x137: {  	_ =	swait.ge [sflag:s19], $0x4000  }
0x138: {  	s1 =	sld [smem:$0x7B7]  }
0x139: {  	[sflag:s19] =	ssyncset.done $0x0  }
0x13a: {  	[sflag:s19] =	ssyncadd.s32 $0xFFFFC000  }
0x13b: {  	[spmem:s3] =	stream.indirect.scatter.add.f32 [tilespmem:s14], [sflag:$0x5], $0x80, s1, s12, $0xb8;
	[tilespmem:$0x1E480] =	vst v63  }
0x13c: {  	_ =	swait.ge [sflag:s17], $0x4000  }
0x13d: {  	s6 =	sld [smem:$0x7B8]  }
0x13e: {  	[sflag:s17] =	ssyncset.done $0x0  }
0x13f: {  	[sflag:s17] =	ssyncadd.s32 $0xFFFFC000  }
0x140: {  	[tilespmem:s14], [sflag:$0x2] =	stream.indirect.gather [hbm4b:s2+s12], $0x80, s6, s12, $0xb8;
	[tilespmem:$0x1E480] =	vst v63  }
0x141: {  	_ =	swait.ge [sflag:s15], $0x4000  }
0x142: {  	s7 =	sld [smem:$0x7B9]  }
0x143: {  	[sflag:s15] =	ssyncset.done $0x0  }
0x144: {  	[sflag:s15] =	ssyncadd.s32 $0xFFFFC000  }
0x145: {  	[spmem:s3] =	stream.indirect.scatter.add.f32 [tilespmem:s13], [sflag:$0x5], $0x80, s7, s12, $0xb8;
	[tilespmem:$0x1E480] =	vst v63  }
0x146: {  	_ =	swait.ge [sflag:s17], $0x4000  }
0x147: {  	s20 =	sld [smem:$0x7BA]  }
0x148: {  	[sflag:s17] =	ssyncset.done $0x0  }
0x149: {  	[sflag:s17] =	ssyncadd.s32 $0xFFFFC000  }
0x14a: {  	[tilespmem:s13], [sflag:$0x1] =	stream.indirect.gather [hbm4b:s2+s12], $0x80, s20, s12, $0xb8;
	[tilespmem:$0x1E480] =	vst v63  }
0x14b: {  	_ =	swait.ge [sflag:s19], $0x4000  }
0x14c: {  	s22 =	sld [smem:$0x7BB]  }
0x14d: {  	[sflag:s19] =	ssyncset.done $0x0  }
0x14e: {  	[sflag:s19] =	ssyncadd.s32 $0xFFFFC000  }
0x14f: {  	[spmem:s3] =	stream.indirect.scatter.add.f32 [tilespmem:s14], [sflag:$0x5], $0x80, s22, s12, $0xb8;
	[tilespmem:$0x1E480] =	vst v63  }
0x150: {  	_ =	swait.ge [sflag:s17], $0x4000  }
0x151: {  	s24 =	sld [smem:$0x7BC]  }
0x152: {  	[sflag:s17] =	ssyncset.done $0x0  }
0x153: {  	[sflag:s17] =	ssyncadd.s32 $0xFFFFC000  }
0x154: {  	[tilespmem:s14], [sflag:$0x2] =	stream.indirect.gather [hbm4b:s2+s12], $0x80, s24, s12, $0xb8;
	[tilespmem:$0x1E480] =	vst v63  }
0x155: {  	_ =	swait.ge [sflag:s15], $0x4000  }
0x156: {  	s1 =	sld [smem:$0x7BD]  }
0x157: {  	[sflag:s15] =	ssyncset.done $0x0  }
0x158: {  	[sflag:s15] =	ssyncadd.s32 $0xFFFFC000  }
0x159: {  	[spmem:s3] =	stream.indirect.scatter.add.f32 [tilespmem:s13], [sflag:$0x5], $0x80, s1, s12, $0xb8;
	[tilespmem:$0x1E480] =	vst v63  }
0x15a: {  	_ =	swait.ge [sflag:s17], $0x4000  }
0x15b: {  	s6 =	sld [smem:$0x7BE]  }
0x15c: {  	[sflag:s17] =	ssyncset.done $0x0  }
0x15d: {  	[sflag:s17] =	ssyncadd.s32 $0xFFFFC000  }
0x15e: {  	[tilespmem:s13], [sflag:$0x1] =	stream.indirect.gather [hbm4b:s2+s12], $0x80, s6, s12, $0xb8;
	[tilespmem:$0x1E480] =	vst v63  }
0x15f: {  	_ =	swait.ge [sflag:s19], $0x4000  }
0x160: {  	s7 =	sld [smem:$0x7BF]  }
0x161: {  	[sflag:s19] =	ssyncset.done $0x0  }
0x162: {  	[sflag:s19] =	ssyncadd.s32 $0xFFFFC000  }
0x163: {  	[spmem:s3] =	stream.indirect.scatter.add.f32 [tilespmem:s14], [sflag:$0x5], $0x80, s7, s12, $0xb8;
	[tilespmem:$0x1E480] =	vst v63  }
0x164: {  	_ =	swait.ge [sflag:s17], $0x4000  }
0x165: {  	s20 =	sld [smem:$0x7C0]  }
0x166: {  	[sflag:s17] =	ssyncset.done $0x0  }
0x167: {  	[sflag:s17] =	ssyncadd.s32 $0xFFFFC000  }
0x168: {  	[tilespmem:s14], [sflag:$0x2] =	stream.indirect.gather [hbm4b:s2+s12], $0x80, s20, s12, $0xb8;
	[tilespmem:$0x1E480] =	vst v63  }
0x169: {  	_ =	swait.ge [sflag:s15], $0x4000  }
0x16a: {  	s22 =	sld [smem:$0x7C1]  }
0x16b: {  	[sflag:s15] =	ssyncset.done $0x0  }
0x16c: {  	[sflag:s15] =	ssyncadd.s32 $0xFFFFC000  }
0x16d: {  	[spmem:s3] =	stream.indirect.scatter.add.f32 [tilespmem:s13], [sflag:$0x5], $0x80, s22, s12, $0xb8;
	[tilespmem:$0x1E480] =	vst v63  }
0x16e: {  	_ =	swait.ge [sflag:s17], $0x4000  }
0x16f: {  	[sflag:s17] =	ssyncset.done $0x0  }
0x170: {  	[sflag:s17] =	ssyncadd.s32 $0xFFFFC000  }
0x171: {  	_ =	swait.ge [sflag:s19], $0x4000  }
0x172: {  	s24 =	sld [smem:$0x7C2]  }
0x173: {  	[sflag:s19] =	ssyncset.done $0x0  }
0x174: {  	[sflag:s19] =	ssyncadd.s32 $0xFFFFC000  }
0x175: {  	[spmem:s3] =	stream.indirect.scatter.add.f32 [tilespmem:s14], [sflag:$0x5], $0x80, s24, s12, $0xb8;
	[tilespmem:$0x1E480] =	vst v63  }
0x176: {  	_ =	swait.ge [sflag:s17], $0x4000  }
0x177: {  	[sflag:s17] =	ssyncset.done $0x0  }
0x178: {  	[sflag:s17] =	ssyncadd.s32 $0xFFFFC000  }
0x179: {  	_ =	swait.ge [sflag:s21], $0x1400  }
0x17a: {  	s6 =	sld [smem:$0x7F9];
	_ =	sdelay $0x1  }
0x17b: {  	p1 =	por $0x0, $0x0  }
0x17c: {  	s1 =	simm.s32 @!p1 $0x13C80;
	[sflag:s21] =	ssyncset.done $0x0;
	s0 =	sshrl.u32 @!p1 s6, $0x3  }
0x17d: {  	s22 =	simm.s32 @!p1 $0x0;
	[sflag:s21] =	ssyncadd.s32 $0xFFFFEC00;
	s0 =	sadd.s32 @!p1 s5, s0  }
0x17e: {  	[tilespmem:s1], [sflag:$0x3] =	stream.linear.gather @!p1 [hbm4b:s0+s22], $0x1400, $0x38;
	[tilespmem:$0x1E480] =	vst v63  }
0x17f: {  	s1 =	sld [smem:$0x7C3]  }
0x180: {  	[tilespmem:s13], [sflag:$0x1] =	stream.indirect.gather [hbm4b:s2+s12], $0x80, s11, s12, $0xb8;
	[tilespmem:$0x1E480] =	vst v63  }
0x181: {  	_ = 	snop  }
0x182: {  	[tilespmem:s14], [sflag:$0x2] =	stream.indirect.gather [hbm4b:s2+s12], $0x80, s1, s12, $0xb8;
	[tilespmem:$0x1E480] =	vst v63  }
0x183: {  	_ =	swait.ge [sflag:s15], $0x4000  }
0x184: {  	s7 =	sld [smem:$0x7C4]  }
0x185: {  	[sflag:s15] =	ssyncset.done $0x0  }
0x186: {  	[sflag:s15] =	ssyncadd.s32 $0xFFFFC000  }
0x187: {  	[spmem:s3] =	stream.indirect.scatter.add.f32 [tilespmem:s13], [sflag:$0x5], $0x80, s7, s12, $0xb8;
	[tilespmem:$0x1E480] =	vst v63  }
0x188: {  	_ =	swait.ge [sflag:s17], $0x4000  }
0x189: {  	s20 =	sld [smem:$0x7C5]  }
0x18a: {  	[sflag:s17] =	ssyncset.done $0x0  }
0x18b: {  	[sflag:s17] =	ssyncadd.s32 $0xFFFFC000  }
0x18c: {  	[tilespmem:s13], [sflag:$0x1] =	stream.indirect.gather [hbm4b:s2+s12], $0x80, s20, s12, $0xb8;
	[tilespmem:$0x1E480] =	vst v63  }
0x18d: {  	_ =	swait.ge [sflag:s19], $0x4000  }
0x18e: {  	s22 =	sld [smem:$0x7C6]  }
0x18f: {  	[sflag:s19] =	ssyncset.done $0x0  }
0x190: {  	[sflag:s19] =	ssyncadd.s32 $0xFFFFC000  }
0x191: {  	[spmem:s3] =	stream.indirect.scatter.add.f32 [tilespmem:s14], [sflag:$0x5], $0x80, s22, s12, $0xb8;
	[tilespmem:$0x1E480] =	vst v63  }
0x192: {  	_ =	swait.ge [sflag:s17], $0x4000  }
0x193: {  	s24 =	sld [smem:$0x7C7]  }
0x194: {  	[sflag:s17] =	ssyncset.done $0x0  }
0x195: {  	[sflag:s17] =	ssyncadd.s32 $0xFFFFC000  }
0x196: {  	[tilespmem:s14], [sflag:$0x2] =	stream.indirect.gather [hbm4b:s2+s12], $0x80, s24, s12, $0xb8;
	[tilespmem:$0x1E480] =	vst v63  }
0x197: {  	_ =	swait.ge [sflag:s15], $0x4000  }
0x198: {  	s1 =	sld [smem:$0x7C8]  }
0x199: {  	[sflag:s15] =	ssyncset.done $0x0  }
0x19a: {  	[sflag:s15] =	ssyncadd.s32 $0xFFFFC000  }
0x19b: {  	[spmem:s3] =	stream.indirect.scatter.add.f32 [tilespmem:s13], [sflag:$0x5], $0x80, s1, s12, $0xb8;
	[tilespmem:$0x1E480] =	vst v63  }
0x19c: {  	_ =	swait.ge [sflag:s17], $0x4000  }
0x19d: {  	s7 =	sld [smem:$0x7C9]  }
0x19e: {  	[sflag:s17] =	ssyncset.done $0x0  }
0x19f: {  	[sflag:s17] =	ssyncadd.s32 $0xFFFFC000  }
0x1a0: {  	[tilespmem:s13], [sflag:$0x1] =	stream.indirect.gather [hbm4b:s2+s12], $0x80, s7, s12, $0xb8;
	[tilespmem:$0x1E480] =	vst v63  }
0x1a1: {  	_ =	swait.ge [sflag:s19], $0x4000  }
0x1a2: {  	s20 =	sld [smem:$0x7CA]  }
0x1a3: {  	[sflag:s19] =	ssyncset.done $0x0  }
0x1a4: {  	[sflag:s19] =	ssyncadd.s32 $0xFFFFC000  }
0x1a5: {  	[spmem:s3] =	stream.indirect.scatter.add.f32 [tilespmem:s14], [sflag:$0x5], $0x80, s20, s12, $0xb8;
	[tilespmem:$0x1E480] =	vst v63  }
0x1a6: {  	_ =	swait.ge [sflag:s17], $0x4000  }
0x1a7: {  	s22 =	sld [smem:$0x7CB]  }
0x1a8: {  	[sflag:s17] =	ssyncset.done $0x0  }
0x1a9: {  	[sflag:s17] =	ssyncadd.s32 $0xFFFFC000  }
0x1aa: {  	[tilespmem:s14], [sflag:$0x2] =	stream.indirect.gather [hbm4b:s2+s12], $0x80, s22, s12, $0xb8;
	[tilespmem:$0x1E480] =	vst v63  }
0x1ab: {  	_ =	swait.ge [sflag:s15], $0x4000  }
0x1ac: {  	s24 =	sld [smem:$0x7CC]  }
0x1ad: {  	[sflag:s15] =	ssyncset.done $0x0  }
0x1ae: {  	[sflag:s15] =	ssyncadd.s32 $0xFFFFC000  }
0x1af: {  	[spmem:s3] =	stream.indirect.scatter.add.f32 [tilespmem:s13], [sflag:$0x5], $0x80, s24, s12, $0xb8;
	[tilespmem:$0x1E480] =	vst v63  }
0x1b0: {  	_ =	swait.ge [sflag:s17], $0x4000  }
0x1b1: {  	s1 =	sld [smem:$0x7CD]  }
0x1b2: {  	[sflag:s17] =	ssyncset.done $0x0  }
0x1b3: {  	[sflag:s17] =	ssyncadd.s32 $0xFFFFC000  }
0x1b4: {  	[tilespmem:s13], [sflag:$0x1] =	stream.indirect.gather [hbm4b:s2+s12], $0x80, s1, s12, $0xb8;
	[tilespmem:$0x1E480] =	vst v63  }
0x1b5: {  	_ =	swait.ge [sflag:s19], $0x4000  }
0x1b6: {  	s7 =	sld [smem:$0x7CE]  }
0x1b7: {  	[sflag:s19] =	ssyncset.done $0x0  }
0x1b8: {  	[sflag:s19] =	ssyncadd.s32 $0xFFFFC000  }
0x1b9: {  	[spmem:s3] =	stream.indirect.scatter.add.f32 [tilespmem:s14], [sflag:$0x5], $0x80, s7, s12, $0xb8;
	[tilespmem:$0x1E480] =	vst v63  }
0x1ba: {  	_ =	swait.ge [sflag:s17], $0x4000  }
0x1bb: {  	s20 =	sld [smem:$0x7CF]  }
0x1bc: {  	[sflag:s17] =	ssyncset.done $0x0  }
0x1bd: {  	[sflag:s17] =	ssyncadd.s32 $0xFFFFC000  }
0x1be: {  	[tilespmem:s14], [sflag:$0x2] =	stream.indirect.gather [hbm4b:s2+s12], $0x80, s20, s12, $0xb8;
	[tilespmem:$0x1E480] =	vst v63  }
0x1bf: {  	_ =	swait.ge [sflag:s15], $0x4000  }
0x1c0: {  	s22 =	sld [smem:$0x7D0]  }
0x1c1: {  	[sflag:s15] =	ssyncset.done $0x0  }
0x1c2: {  	[sflag:s15] =	ssyncadd.s32 $0xFFFFC000  }
0x1c3: {  	[spmem:s3] =	stream.indirect.scatter.add.f32 [tilespmem:s13], [sflag:$0x5], $0x80, s22, s12, $0xb8;
	[tilespmem:$0x1E480] =	vst v63  }
0x1c4: {  	_ =	swait.ge [sflag:s17], $0x4000  }
0x1c5: {  	s24 =	sld [smem:$0x7D1]  }
0x1c6: {  	[sflag:s17] =	ssyncset.done $0x0  }
0x1c7: {  	[sflag:s17] =	ssyncadd.s32 $0xFFFFC000  }
0x1c8: {  	[tilespmem:s13], [sflag:$0x1] =	stream.indirect.gather [hbm4b:s2+s12], $0x80, s24, s12, $0xb8;
	[tilespmem:$0x1E480] =	vst v63  }
0x1c9: {  	_ =	swait.ge [sflag:s19], $0x4000  }
0x1ca: {  	s1 =	sld [smem:$0x7D2]  }
0x1cb: {  	[sflag:s19] =	ssyncset.done $0x0  }
0x1cc: {  	[sflag:s19] =	ssyncadd.s32 $0xFFFFC000  }
0x1cd: {  	[spmem:s3] =	stream.indirect.scatter.add.f32 [tilespmem:s14], [sflag:$0x5], $0x80, s1, s12, $0xb8;
	[tilespmem:$0x1E480] =	vst v63  }
0x1ce: {  	_ =	swait.ge [sflag:s17], $0x4000  }
0x1cf: {  	s7 =	sld [smem:$0x7D3]  }
0x1d0: {  	[sflag:s17] =	ssyncset.done $0x0  }
0x1d1: {  	[sflag:s17] =	ssyncadd.s32 $0xFFFFC000  }
0x1d2: {  	[tilespmem:s14], [sflag:$0x2] =	stream.indirect.gather [hbm4b:s2+s12], $0x80, s7, s12, $0xb8;
	[tilespmem:$0x1E480] =	vst v63  }
0x1d3: {  	_ =	swait.ge [sflag:s15], $0x4000  }
0x1d4: {  	s20 =	sld [smem:$0x7D4]  }
0x1d5: {  	[sflag:s15] =	ssyncset.done $0x0  }
0x1d6: {  	[sflag:s15] =	ssyncadd.s32 $0xFFFFC000  }
0x1d7: {  	[spmem:s3] =	stream.indirect.scatter.add.f32 [tilespmem:s13], [sflag:$0x5], $0x80, s20, s12, $0xb8;
	[tilespmem:$0x1E480] =	vst v63  }
0x1d8: {  	_ =	swait.ge [sflag:s17], $0x4000  }
0x1d9: {  	s22 =	sld [smem:$0x7D5]  }
0x1da: {  	[sflag:s17] =	ssyncset.done $0x0  }
0x1db: {  	[sflag:s17] =	ssyncadd.s32 $0xFFFFC000  }
0x1dc: {  	[tilespmem:s13], [sflag:$0x1] =	stream.indirect.gather [hbm4b:s2+s12], $0x80, s22, s12, $0xb8;
	[tilespmem:$0x1E480] =	vst v63  }
0x1dd: {  	_ =	swait.ge [sflag:s19], $0x4000  }
0x1de: {  	s24 =	sld [smem:$0x7D6]  }
0x1df: {  	[sflag:s19] =	ssyncset.done $0x0  }
0x1e0: {  	[sflag:s19] =	ssyncadd.s32 $0xFFFFC000  }
0x1e1: {  	[spmem:s3] =	stream.indirect.scatter.add.f32 [tilespmem:s14], [sflag:$0x5], $0x80, s24, s12, $0xb8;
	[tilespmem:$0x1E480] =	vst v63  }
0x1e2: {  	_ =	swait.ge [sflag:s17], $0x4000  }
0x1e3: {  	s1 =	sld [smem:$0x7D7]  }
0x1e4: {  	[sflag:s17] =	ssyncset.done $0x0  }
0x1e5: {  	[sflag:s17] =	ssyncadd.s32 $0xFFFFC000  }
0x1e6: {  	[tilespmem:s14], [sflag:$0x2] =	stream.indirect.gather [hbm4b:s2+s12], $0x80, s1, s12, $0xb8;
	[tilespmem:$0x1E480] =	vst v63  }
0x1e7: {  	_ =	swait.ge [sflag:s15], $0x4000  }
0x1e8: {  	s7 =	sld [smem:$0x7D8]  }
0x1e9: {  	[sflag:s15] =	ssyncset.done $0x0  }
0x1ea: {  	[sflag:s15] =	ssyncadd.s32 $0xFFFFC000  }
0x1eb: {  	[spmem:s3] =	stream.indirect.scatter.add.f32 [tilespmem:s13], [sflag:$0x5], $0x80, s7, s12, $0xb8;
	[tilespmem:$0x1E480] =	vst v63  }
0x1ec: {  	_ =	swait.ge [sflag:s17], $0x4000  }
0x1ed: {  	s20 =	sld [smem:$0x7D9]  }
0x1ee: {  	[sflag:s17] =	ssyncset.done $0x0  }
0x1ef: {  	[sflag:s17] =	ssyncadd.s32 $0xFFFFC000  }
0x1f0: {  	[tilespmem:s13], [sflag:$0x1] =	stream.indirect.gather [hbm4b:s2+s12], $0x80, s20, s12, $0xb8;
	[tilespmem:$0x1E480] =	vst v63  }
0x1f1: {  	_ =	swait.ge [sflag:s19], $0x4000  }
0x1f2: {  	s22 =	sld [smem:$0x7DA]  }
0x1f3: {  	[sflag:s19] =	ssyncset.done $0x0  }
0x1f4: {  	[sflag:s19] =	ssyncadd.s32 $0xFFFFC000  }
0x1f5: {  	[spmem:s3] =	stream.indirect.scatter.add.f32 [tilespmem:s14], [sflag:$0x5], $0x80, s22, s12, $0xb8;
	[tilespmem:$0x1E480] =	vst v63  }
0x1f6: {  	_ =	swait.ge [sflag:s17], $0x4000  }
0x1f7: {  	s24 =	sld [smem:$0x7DC]  }
0x1f8: {  	[sflag:s17] =	ssyncset.done $0x0  }
0x1f9: {  	[sflag:s17] =	ssyncadd.s32 $0xFFFFC000  }
0x1fa: {  	[tilespmem:s14], [sflag:$0x2] =	stream.indirect.gather [hbm4b:s2+s12], $0x80, s24, s12, $0xb8;
	[tilespmem:$0x1E480] =	vst v63  }
0x1fb: {  	_ =	swait.ge [sflag:s15], $0x4000  }
0x1fc: {  	s1 =	sld [smem:$0x7DD]  }
0x1fd: {  	[sflag:s15] =	ssyncset.done $0x0  }
0x1fe: {  	[sflag:s15] =	ssyncadd.s32 $0xFFFFC000  }
0x1ff: {  	[spmem:s3] =	stream.indirect.scatter.add.f32 [tilespmem:s13], [sflag:$0x5], $0x80, s1, s12, $0xb8;
	[tilespmem:$0x1E480] =	vst v63  }
0x200: {  	_ =	swait.ge [sflag:s17], $0x4000  }
0x201: {  	s7 =	sld [smem:$0x7DE]  }
0x202: {  	[sflag:s17] =	ssyncset.done $0x0  }
0x203: {  	[sflag:s17] =	ssyncadd.s32 $0xFFFFC000  }
0x204: {  	[tilespmem:s13], [sflag:$0x1] =	stream.indirect.gather [hbm4b:s2+s12], $0x80, s7, s12, $0xb8;
	[tilespmem:$0x1E480] =	vst v63  }
0x205: {  	_ =	swait.ge [sflag:s19], $0x4000  }
0x206: {  	s20 =	sld [smem:$0x7E0]  }
0x207: {  	[sflag:s19] =	ssyncset.done $0x0  }
0x208: {  	[sflag:s19] =	ssyncadd.s32 $0xFFFFC000  }
0x209: {  	[spmem:s3] =	stream.indirect.scatter.add.f32 [tilespmem:s14], [sflag:$0x5], $0x80, s20, s12, $0xb8;
	[tilespmem:$0x1E480] =	vst v63  }
0x20a: {  	_ =	swait.ge [sflag:s17], $0x4000  }
0x20b: {  	s22 =	sld [smem:$0x7E1]  }
0x20c: {  	[sflag:s17] =	ssyncset.done $0x0  }
0x20d: {  	[sflag:s17] =	ssyncadd.s32 $0xFFFFC000  }
0x20e: {  	[tilespmem:s14], [sflag:$0x2] =	stream.indirect.gather [hbm4b:s2+s12], $0x80, s22, s12, $0xb8;
	[tilespmem:$0x1E480] =	vst v63  }
0x20f: {  	_ =	swait.ge [sflag:s15], $0x4000  }
0x210: {  	s24 =	sld [smem:$0x7E2]  }
0x211: {  	[sflag:s15] =	ssyncset.done $0x0  }
0x212: {  	[sflag:s15] =	ssyncadd.s32 $0xFFFFC000  }
0x213: {  	[spmem:s3] =	stream.indirect.scatter.add.f32 [tilespmem:s13], [sflag:$0x5], $0x80, s24, s12, $0xb8;
	[tilespmem:$0x1E480] =	vst v63  }
0x214: {  	_ =	swait.ge [sflag:s17], $0x4000  }
0x215: {  	[sflag:s17] =	ssyncset.done $0x0  }
0x216: {  	[sflag:s17] =	ssyncadd.s32 $0xFFFFC000  }
0x217: {  	[tilespmem:s13], [sflag:$0x1] =	stream.indirect.gather [hbm4b:s2+s12], $0x80, s23, s12, $0xb8;
	[tilespmem:$0x1E480] =	vst v63  }
0x218: {  	_ =	swait.ge [sflag:s19], $0x4000  }
0x219: {  	[sflag:s19] =	ssyncset.done $0x0  }
0x21a: {  	[sflag:s19] =	ssyncadd.s32 $0xFFFFC000  }
0x21b: {  	[spmem:s3] =	stream.indirect.scatter.add.f32 [tilespmem:s14], [sflag:$0x5], $0x80, s25, s12, $0xb8;
	[tilespmem:$0x1E480] =	vst v63  }
0x21c: {  	_ =	swait.ge [sflag:s17], $0x4000  }
0x21d: {  	[sflag:s17] =	ssyncset.done $0x0  }
0x21e: {  	[sflag:s17] =	ssyncadd.s32 $0xFFFFC000  }
0x21f: {  	[tilespmem:s14], [sflag:$0x2] =	stream.indirect.gather [hbm4b:s2+s12], $0x80, s26, s12, $0xb8;
	[tilespmem:$0x1E480] =	vst v63  }
0x220: {  	_ =	swait.ge [sflag:s15], $0x4000  }
0x221: {  	[sflag:s15] =	ssyncset.done $0x0  }
0x222: {  	[sflag:s15] =	ssyncadd.s32 $0xFFFFC000  }
0x223: {  	[spmem:s3] =	stream.indirect.scatter.add.f32 [tilespmem:s13], [sflag:$0x5], $0x80, s28, s12, $0xb8;
	[tilespmem:$0x1E480] =	vst v63  }
0x224: {  	_ =	swait.ge [sflag:s17], $0x4000  }
0x225: {  	[sflag:s17] =	ssyncset.done $0x0  }
0x226: {  	[sflag:s17] =	ssyncadd.s32 $0xFFFFC000  }
0x227: {  	[tilespmem:s13], [sflag:$0x1] =	stream.indirect.gather [hbm4b:s2+s12], $0x80, s29, s12, $0xb8;
	[tilespmem:$0x1E480] =	vst v63  }
0x228: {  	_ =	swait.ge [sflag:s19], $0x4000  }
0x229: {  	[sflag:s19] =	ssyncset.done $0x0  }
0x22a: {  	[sflag:s19] =	ssyncadd.s32 $0xFFFFC000  }
0x22b: {  	[spmem:s3] =	stream.indirect.scatter.add.f32 [tilespmem:s14], [sflag:$0x5], $0x80, s30, s12, $0xb8;
	[tilespmem:$0x1E480] =	vst v63  }
0x22c: {  	_ =	swait.ge [sflag:s17], $0x4000  }
0x22d: {  	[sflag:s17] =	ssyncset.done $0x0  }
0x22e: {  	[sflag:s17] =	ssyncadd.s32 $0xFFFFC000  }
0x22f: {  	[tilespmem:s14], [sflag:$0x2] =	stream.indirect.gather [hbm4b:s2+s12], $0x80, s31, s12, $0xb8;
	[tilespmem:$0x1E480] =	vst v63  }
0x230: {  	_ =	swait.ge [sflag:s15], $0x4000  }
0x231: {  	[sflag:s15] =	ssyncset.done $0x0  }
0x232: {  	[sflag:s15] =	ssyncadd.s32 $0xFFFFC000  }
0x233: {  	[spmem:s3] =	stream.indirect.scatter.add.f32 [tilespmem:s13], [sflag:$0x5], $0x80, s16, s12, $0xb8;
	[tilespmem:$0x1E480] =	vst v63  }
0x234: {  	_ =	swait.ge [sflag:s17], $0x4000  }
0x235: {  	[sflag:s17] =	ssyncset.done $0x0  }
0x236: {  	[sflag:s17] =	ssyncadd.s32 $0xFFFFC000  }
0x237: {  	_ =	swait.ge [sflag:s19], $0x4000  }
0x238: {  	[sflag:s19] =	ssyncset.done $0x0  }
0x239: {  	[sflag:s19] =	ssyncadd.s32 $0xFFFFC000  }
0x23a: {  	[spmem:s3] =	stream.indirect.scatter.add.f32 [tilespmem:s14], [sflag:$0x5], $0x80, s18, s12, $0xb8;
	[tilespmem:$0x1E480] =	vst v63  }
0x23b: {  	_ =	swait.ge [sflag:s17], $0x4000  }
0x23c: {  	s1 =	smov.u32 s6;
	s22 =	simm.s32 $0x500;
	[sflag:s17] =	ssyncset.done $0x0  }
.LBB2_2:
0x23d: {  	[sflag:s17] =	ssyncadd.s32 $0xFFFFC000  }
0x23e: {  	_ =	swait.ge [sflag:s10], $0x1400  }
0x23f: {  	s0 =	smov.u32 s22;
	s6 =	rddreg [dreg:$0x4];
	[sflag:s10] =	ssyncset.done $0x0  }
0x240: {  	[sflag:s10] =	ssyncadd.s32 $0xFFFFEC00;
	s6 =	sadd.s32 s0, s6  }
0x241: {  	[tilespmem:s11], [sflag:$0x4] =	stream.linear.gather [hbm4b:s6+s4], $0x1400, $0x38;
	[tilespmem:$0x1E480] =	vst v63  }
0x242: {  	_ = 	snop  }
0x243: {  	[tilespmem:s13], [sflag:$0x1] =	stream.indirect.gather [hbm4b:s2+s12], $0x80, s9, s12, $0xb8;
	[tilespmem:$0x1E480] =	vst v63  }
0x244: {  	s20 =	rddreg [dreg:$0x5]  }
0x245: {  	[tilespmem:s14], [sflag:$0x2] =	stream.indirect.gather [hbm4b:s2+s12], $0x80, s20, s12, $0xb8;
	[tilespmem:$0x1E480] =	vst v63  }
0x246: {  	_ =	swait.ge [sflag:s15], $0x4000  }
0x247: {  	[sflag:s15] =	ssyncset.done $0x0  }
0x248: {  	s24 =	rddreg [dreg:$0x6];
	[sflag:s15] =	ssyncadd.s32 $0xFFFFC000  }
0x249: {  	[spmem:s3] =	stream.indirect.scatter.add.f32 [tilespmem:s13], [sflag:$0x5], $0x80, s24, s12, $0xb8;
	[tilespmem:$0x1E480] =	vst v63  }
0x24a: {  	_ =	swait.ge [sflag:s17], $0x4000  }
0x24b: {  	[sflag:s17] =	ssyncset.done $0x0  }
0x24c: {  	s7 =	rddreg [dreg:$0x7];
	[sflag:s17] =	ssyncadd.s32 $0xFFFFC000  }
0x24d: {  	[tilespmem:s13], [sflag:$0x1] =	stream.indirect.gather [hbm4b:s2+s12], $0x80, s7, s12, $0xb8;
	[tilespmem:$0x1E480] =	vst v63  }
0x24e: {  	_ =	swait.ge [sflag:s19], $0x4000  }
0x24f: {  	[sflag:s19] =	ssyncset.done $0x0  }
0x250: {  	s20 =	rddreg [dreg:$0x8];
	[sflag:s19] =	ssyncadd.s32 $0xFFFFC000  }
0x251: {  	[spmem:s3] =	stream.indirect.scatter.add.f32 [tilespmem:s14], [sflag:$0x5], $0x80, s20, s12, $0xb8;
	[tilespmem:$0x1E480] =	vst v63  }
0x252: {  	_ =	swait.ge [sflag:s17], $0x4000  }
0x253: {  	[sflag:s17] =	ssyncset.done $0x0  }
0x254: {  	s24 =	rddreg [dreg:$0x9];
	[sflag:s17] =	ssyncadd.s32 $0xFFFFC000  }
0x255: {  	[tilespmem:s14], [sflag:$0x2] =	stream.indirect.gather [hbm4b:s2+s12], $0x80, s24, s12, $0xb8;
	[tilespmem:$0x1E480] =	vst v63  }
0x256: {  	_ =	swait.ge [sflag:s15], $0x4000  }
0x257: {  	[sflag:s15] =	ssyncset.done $0x0  }
0x258: {  	s7 =	rddreg [dreg:$0xa];
	[sflag:s15] =	ssyncadd.s32 $0xFFFFC000  }
0x259: {  	[spmem:s3] =	stream.indirect.scatter.add.f32 [tilespmem:s13], [sflag:$0x5], $0x80, s7, s12, $0xb8;
	[tilespmem:$0x1E480] =	vst v63  }
0x25a: {  	_ =	swait.ge [sflag:s17], $0x4000  }
0x25b: {  	[sflag:s17] =	ssyncset.done $0x0  }
0x25c: {  	s20 =	rddreg [dreg:$0xb];
	[sflag:s17] =	ssyncadd.s32 $0xFFFFC000  }
0x25d: {  	[tilespmem:s13], [sflag:$0x1] =	stream.indirect.gather [hbm4b:s2+s12], $0x80, s20, s12, $0xb8;
	[tilespmem:$0x1E480] =	vst v63  }
0x25e: {  	_ =	swait.ge [sflag:s19], $0x4000  }
0x25f: {  	[sflag:s19] =	ssyncset.done $0x0  }
0x260: {  	s24 =	rddreg [dreg:$0xc];
	[sflag:s19] =	ssyncadd.s32 $0xFFFFC000  }
0x261: {  	[spmem:s3] =	stream.indirect.scatter.add.f32 [tilespmem:s14], [sflag:$0x5], $0x80, s24, s12, $0xb8;
	[tilespmem:$0x1E480] =	vst v63  }
0x262: {  	_ =	swait.ge [sflag:s17], $0x4000  }
0x263: {  	[sflag:s17] =	ssyncset.done $0x0  }
0x264: {  	s7 =	rddreg [dreg:$0xd];
	[sflag:s17] =	ssyncadd.s32 $0xFFFFC000  }
0x265: {  	[tilespmem:s14], [sflag:$0x2] =	stream.indirect.gather [hbm4b:s2+s12], $0x80, s7, s12, $0xb8;
	[tilespmem:$0x1E480] =	vst v63  }
0x266: {  	_ =	swait.ge [sflag:s15], $0x4000  }
0x267: {  	[sflag:s15] =	ssyncset.done $0x0  }
0x268: {  	s20 =	rddreg [dreg:$0xe];
	[sflag:s15] =	ssyncadd.s32 $0xFFFFC000  }
0x269: {  	[spmem:s3] =	stream.indirect.scatter.add.f32 [tilespmem:s13], [sflag:$0x5], $0x80, s20, s12, $0xb8;
	[tilespmem:$0x1E480] =	vst v63  }
0x26a: {  	_ =	swait.ge [sflag:s17], $0x4000  }
0x26b: {  	[sflag:s17] =	ssyncset.done $0x0  }
0x26c: {  	s24 =	rddreg [dreg:$0xf];
	[sflag:s17] =	ssyncadd.s32 $0xFFFFC000  }
0x26d: {  	[tilespmem:s13], [sflag:$0x1] =	stream.indirect.gather [hbm4b:s2+s12], $0x80, s24, s12, $0xb8;
	[tilespmem:$0x1E480] =	vst v63  }
0x26e: {  	_ =	swait.ge [sflag:s19], $0x4000  }
0x26f: {  	[sflag:s19] =	ssyncset.done $0x0  }
0x270: {  	s7 =	rddreg [dreg:$0x10];
	[sflag:s19] =	ssyncadd.s32 $0xFFFFC000  }
0x271: {  	[spmem:s3] =	stream.indirect.scatter.add.f32 [tilespmem:s14], [sflag:$0x5], $0x80, s7, s12, $0xb8;
	[tilespmem:$0x1E480] =	vst v63  }
0x272: {  	_ =	swait.ge [sflag:s17], $0x4000  }
0x273: {  	[sflag:s17] =	ssyncset.done $0x0  }
0x274: {  	s20 =	rddreg [dreg:$0x11];
	[sflag:s17] =	ssyncadd.s32 $0xFFFFC000  }
0x275: {  	[tilespmem:s14], [sflag:$0x2] =	stream.indirect.gather [hbm4b:s2+s12], $0x80, s20, s12, $0xb8;
	[tilespmem:$0x1E480] =	vst v63  }
0x276: {  	_ =	swait.ge [sflag:s15], $0x4000  }
0x277: {  	[sflag:s15] =	ssyncset.done $0x0  }
0x278: {  	s24 =	rddreg [dreg:$0x12];
	[sflag:s15] =	ssyncadd.s32 $0xFFFFC000  }
0x279: {  	[spmem:s3] =	stream.indirect.scatter.add.f32 [tilespmem:s13], [sflag:$0x5], $0x80, s24, s12, $0xb8;
	[tilespmem:$0x1E480] =	vst v63  }
0x27a: {  	_ =	swait.ge [sflag:s17], $0x4000  }
0x27b: {  	[sflag:s17] =	ssyncset.done $0x0  }
0x27c: {  	s7 =	rddreg [dreg:$0x13];
	[sflag:s17] =	ssyncadd.s32 $0xFFFFC000  }
0x27d: {  	[tilespmem:s13], [sflag:$0x1] =	stream.indirect.gather [hbm4b:s2+s12], $0x80, s7, s12, $0xb8;
	[tilespmem:$0x1E480] =	vst v63  }
0x27e: {  	_ =	swait.ge [sflag:s19], $0x4000  }
0x27f: {  	[sflag:s19] =	ssyncset.done $0x0  }
0x280: {  	s20 =	rddreg [dreg:$0x14];
	[sflag:s19] =	ssyncadd.s32 $0xFFFFC000  }
0x281: {  	[spmem:s3] =	stream.indirect.scatter.add.f32 [tilespmem:s14], [sflag:$0x5], $0x80, s20, s12, $0xb8;
	[tilespmem:$0x1E480] =	vst v63  }
0x282: {  	_ =	swait.ge [sflag:s17], $0x4000  }
0x283: {  	[sflag:s17] =	ssyncset.done $0x0  }
0x284: {  	s24 =	rddreg [dreg:$0x15];
	[sflag:s17] =	ssyncadd.s32 $0xFFFFC000  }
0x285: {  	[tilespmem:s14], [sflag:$0x2] =	stream.indirect.gather [hbm4b:s2+s12], $0x80, s24, s12, $0xb8;
	[tilespmem:$0x1E480] =	vst v63  }
0x286: {  	_ =	swait.ge [sflag:s15], $0x4000  }
0x287: {  	[sflag:s15] =	ssyncset.done $0x0  }
0x288: {  	s7 =	rddreg [dreg:$0x16];
	[sflag:s15] =	ssyncadd.s32 $0xFFFFC000  }
0x289: {  	[spmem:s3] =	stream.indirect.scatter.add.f32 [tilespmem:s13], [sflag:$0x5], $0x80, s7, s12, $0xb8;
	[tilespmem:$0x1E480] =	vst v63  }
0x28a: {  	_ =	swait.ge [sflag:s17], $0x4000  }
0x28b: {  	[sflag:s17] =	ssyncset.done $0x0  }
0x28c: {  	s20 =	rddreg [dreg:$0x17];
	[sflag:s17] =	ssyncadd.s32 $0xFFFFC000  }
0x28d: {  	[tilespmem:s13], [sflag:$0x1] =	stream.indirect.gather [hbm4b:s2+s12], $0x80, s20, s12, $0xb8;
	[tilespmem:$0x1E480] =	vst v63  }
0x28e: {  	_ =	swait.ge [sflag:s19], $0x4000  }
0x28f: {  	[sflag:s19] =	ssyncset.done $0x0  }
0x290: {  	s24 =	rddreg [dreg:$0x18];
	[sflag:s19] =	ssyncadd.s32 $0xFFFFC000  }
0x291: {  	[spmem:s3] =	stream.indirect.scatter.add.f32 [tilespmem:s14], [sflag:$0x5], $0x80, s24, s12, $0xb8;
	[tilespmem:$0x1E480] =	vst v63  }
0x292: {  	_ =	swait.ge [sflag:s17], $0x4000  }
0x293: {  	[sflag:s17] =	ssyncset.done $0x0  }
0x294: {  	s7 =	rddreg [dreg:$0x19];
	[sflag:s17] =	ssyncadd.s32 $0xFFFFC000  }
0x295: {  	[tilespmem:s14], [sflag:$0x2] =	stream.indirect.gather [hbm4b:s2+s12], $0x80, s7, s12, $0xb8;
	[tilespmem:$0x1E480] =	vst v63  }
0x296: {  	_ =	swait.ge [sflag:s15], $0x4000  }
0x297: {  	[sflag:s15] =	ssyncset.done $0x0  }
0x298: {  	s20 =	rddreg [dreg:$0x1a];
	[sflag:s15] =	ssyncadd.s32 $0xFFFFC000  }
0x299: {  	[spmem:s3] =	stream.indirect.scatter.add.f32 [tilespmem:s13], [sflag:$0x5], $0x80, s20, s12, $0xb8;
	[tilespmem:$0x1E480] =	vst v63  }
0x29a: {  	_ =	swait.ge [sflag:s17], $0x4000  }
0x29b: {  	[sflag:s17] =	ssyncset.done $0x0  }
0x29c: {  	s24 =	rddreg [dreg:$0x1b];
	[sflag:s17] =	ssyncadd.s32 $0xFFFFC000  }
0x29d: {  	[tilespmem:s13], [sflag:$0x1] =	stream.indirect.gather [hbm4b:s2+s12], $0x80, s24, s12, $0xb8;
	[tilespmem:$0x1E480] =	vst v63  }
0x29e: {  	_ =	swait.ge [sflag:s19], $0x4000  }
0x29f: {  	[sflag:s19] =	ssyncset.done $0x0  }
0x2a0: {  	s7 =	rddreg [dreg:$0x1c];
	[sflag:s19] =	ssyncadd.s32 $0xFFFFC000  }
0x2a1: {  	[spmem:s3] =	stream.indirect.scatter.add.f32 [tilespmem:s14], [sflag:$0x5], $0x80, s7, s12, $0xb8;
	[tilespmem:$0x1E480] =	vst v63  }
0x2a2: {  	_ =	swait.ge [sflag:s17], $0x4000  }
0x2a3: {  	[sflag:s17] =	ssyncset.done $0x0  }
0x2a4: {  	s20 =	rddreg [dreg:$0x1d];
	[sflag:s17] =	ssyncadd.s32 $0xFFFFC000  }
0x2a5: {  	[tilespmem:s14], [sflag:$0x2] =	stream.indirect.gather [hbm4b:s2+s12], $0x80, s20, s12, $0xb8;
	[tilespmem:$0x1E480] =	vst v63  }
0x2a6: {  	_ =	swait.ge [sflag:s15], $0x4000  }
0x2a7: {  	[sflag:s15] =	ssyncset.done $0x0  }
0x2a8: {  	s24 =	rddreg [dreg:$0x1e];
	[sflag:s15] =	ssyncadd.s32 $0xFFFFC000  }
0x2a9: {  	[spmem:s3] =	stream.indirect.scatter.add.f32 [tilespmem:s13], [sflag:$0x5], $0x80, s24, s12, $0xb8;
	[tilespmem:$0x1E480] =	vst v63  }
0x2aa: {  	_ =	swait.ge [sflag:s17], $0x4000  }
0x2ab: {  	[sflag:s17] =	ssyncset.done $0x0  }
0x2ac: {  	s7 =	rddreg [dreg:$0x1f];
	[sflag:s17] =	ssyncadd.s32 $0xFFFFC000  }
0x2ad: {  	[tilespmem:s13], [sflag:$0x1] =	stream.indirect.gather [hbm4b:s2+s12], $0x80, s7, s12, $0xb8;
	[tilespmem:$0x1E480] =	vst v63  }
0x2ae: {  	_ =	swait.ge [sflag:s19], $0x4000  }
0x2af: {  	s20 =	sld [smem:$0x7B7]  }
0x2b0: {  	[sflag:s19] =	ssyncset.done $0x0  }
0x2b1: {  	[sflag:s19] =	ssyncadd.s32 $0xFFFFC000  }
0x2b2: {  	[spmem:s3] =	stream.indirect.scatter.add.f32 [tilespmem:s14], [sflag:$0x5], $0x80, s20, s12, $0xb8;
	[tilespmem:$0x1E480] =	vst v63  }
0x2b3: {  	_ =	swait.ge [sflag:s17], $0x4000  }
0x2b4: {  	s24 =	sld [smem:$0x7B8]  }
0x2b5: {  	[sflag:s17] =	ssyncset.done $0x0  }
0x2b6: {  	[sflag:s17] =	ssyncadd.s32 $0xFFFFC000  }
0x2b7: {  	[tilespmem:s14], [sflag:$0x2] =	stream.indirect.gather [hbm4b:s2+s12], $0x80, s24, s12, $0xb8;
	[tilespmem:$0x1E480] =	vst v63  }
0x2b8: {  	_ =	swait.ge [sflag:s15], $0x4000  }
0x2b9: {  	s7 =	sld [smem:$0x7B9]  }
0x2ba: {  	[sflag:s15] =	ssyncset.done $0x0  }
0x2bb: {  	[sflag:s15] =	ssyncadd.s32 $0xFFFFC000  }
0x2bc: {  	[spmem:s3] =	stream.indirect.scatter.add.f32 [tilespmem:s13], [sflag:$0x5], $0x80, s7, s12, $0xb8;
	[tilespmem:$0x1E480] =	vst v63  }
0x2bd: {  	_ =	swait.ge [sflag:s17], $0x4000  }
0x2be: {  	s20 =	sld [smem:$0x7BA]  }
0x2bf: {  	[sflag:s17] =	ssyncset.done $0x0  }
0x2c0: {  	[sflag:s17] =	ssyncadd.s32 $0xFFFFC000  }
0x2c1: {  	[tilespmem:s13], [sflag:$0x1] =	stream.indirect.gather [hbm4b:s2+s12], $0x80, s20, s12, $0xb8;
	[tilespmem:$0x1E480] =	vst v63  }
0x2c2: {  	_ =	swait.ge [sflag:s19], $0x4000  }
0x2c3: {  	s24 =	sld [smem:$0x7BB]  }
0x2c4: {  	[sflag:s19] =	ssyncset.done $0x0  }
0x2c5: {  	[sflag:s19] =	ssyncadd.s32 $0xFFFFC000  }
0x2c6: {  	[spmem:s3] =	stream.indirect.scatter.add.f32 [tilespmem:s14], [sflag:$0x5], $0x80, s24, s12, $0xb8;
	[tilespmem:$0x1E480] =	vst v63  }
0x2c7: {  	_ =	swait.ge [sflag:s17], $0x4000  }
0x2c8: {  	s7 =	sld [smem:$0x7BC]  }
0x2c9: {  	[sflag:s17] =	ssyncset.done $0x0  }
0x2ca: {  	[sflag:s17] =	ssyncadd.s32 $0xFFFFC000  }
0x2cb: {  	[tilespmem:s14], [sflag:$0x2] =	stream.indirect.gather [hbm4b:s2+s12], $0x80, s7, s12, $0xb8;
	[tilespmem:$0x1E480] =	vst v63  }
0x2cc: {  	_ =	swait.ge [sflag:s15], $0x4000  }
0x2cd: {  	s20 =	sld [smem:$0x7BD]  }
0x2ce: {  	[sflag:s15] =	ssyncset.done $0x0  }
0x2cf: {  	[sflag:s15] =	ssyncadd.s32 $0xFFFFC000  }
0x2d0: {  	[spmem:s3] =	stream.indirect.scatter.add.f32 [tilespmem:s13], [sflag:$0x5], $0x80, s20, s12, $0xb8;
	[tilespmem:$0x1E480] =	vst v63  }
0x2d1: {  	_ =	swait.ge [sflag:s17], $0x4000  }
0x2d2: {  	s24 =	sld [smem:$0x7BE]  }
0x2d3: {  	[sflag:s17] =	ssyncset.done $0x0  }
0x2d4: {  	[sflag:s17] =	ssyncadd.s32 $0xFFFFC000  }
0x2d5: {  	[tilespmem:s13], [sflag:$0x1] =	stream.indirect.gather [hbm4b:s2+s12], $0x80, s24, s12, $0xb8;
	[tilespmem:$0x1E480] =	vst v63  }
0x2d6: {  	_ =	swait.ge [sflag:s19], $0x4000  }
0x2d7: {  	s7 =	sld [smem:$0x7BF]  }
0x2d8: {  	[sflag:s19] =	ssyncset.done $0x0  }
0x2d9: {  	[sflag:s19] =	ssyncadd.s32 $0xFFFFC000  }
0x2da: {  	[spmem:s3] =	stream.indirect.scatter.add.f32 [tilespmem:s14], [sflag:$0x5], $0x80, s7, s12, $0xb8;
	[tilespmem:$0x1E480] =	vst v63  }
0x2db: {  	_ =	swait.ge [sflag:s17], $0x4000  }
0x2dc: {  	s20 =	sld [smem:$0x7C0]  }
0x2dd: {  	[sflag:s17] =	ssyncset.done $0x0  }
0x2de: {  	[sflag:s17] =	ssyncadd.s32 $0xFFFFC000  }
0x2df: {  	[tilespmem:s14], [sflag:$0x2] =	stream.indirect.gather [hbm4b:s2+s12], $0x80, s20, s12, $0xb8;
	[tilespmem:$0x1E480] =	vst v63  }
0x2e0: {  	_ =	swait.ge [sflag:s15], $0x4000  }
0x2e1: {  	s24 =	sld [smem:$0x7C1]  }
0x2e2: {  	[sflag:s15] =	ssyncset.done $0x0  }
0x2e3: {  	[sflag:s15] =	ssyncadd.s32 $0xFFFFC000  }
0x2e4: {  	[spmem:s3] =	stream.indirect.scatter.add.f32 [tilespmem:s13], [sflag:$0x5], $0x80, s24, s12, $0xb8;
	[tilespmem:$0x1E480] =	vst v63  }
0x2e5: {  	_ =	swait.ge [sflag:s17], $0x4000  }
0x2e6: {  	[sflag:s17] =	ssyncset.done $0x0  }
0x2e7: {  	[sflag:s17] =	ssyncadd.s32 $0xFFFFC000  }
0x2e8: {  	_ =	swait.ge [sflag:s19], $0x4000  }
0x2e9: {  	s7 =	sld [smem:$0x7C2]  }
0x2ea: {  	[sflag:s19] =	ssyncset.done $0x0  }
0x2eb: {  	[sflag:s19] =	ssyncadd.s32 $0xFFFFC000  }
0x2ec: {  	[spmem:s3] =	stream.indirect.scatter.add.f32 [tilespmem:s14], [sflag:$0x5], $0x80, s7, s12, $0xb8;
	[tilespmem:$0x1E480] =	vst v63  }
0x2ed: {  	_ =	swait.ge [sflag:s17], $0x4000  }
0x2ee: {  	[sflag:s17] =	ssyncset.done $0x0  }
0x2ef: {  	[sflag:s17] =	ssyncadd.s32 $0xFFFFC000  }
0x2f0: {  	s1 =	sadd.s32 $0x2800, s1;
	p2 =	seq.s32 s0, $0xF00;
	_ =	swait.ge [sflag:s21], $0x1400  }
0x2f1: {  	s0 =	sshrl.u32 @!p2 s1, $0x3;
	s6 =	simm.s32 @!p2 $0x13C80;
	[sflag:s21] =	ssyncset.done $0x0  }
0x2f2: {  	s0 =	sadd.s32 @!p2 s5, s0;
	s7 =	simm.s32 @!p2 $0x0;
	[sflag:s21] =	ssyncadd.s32 $0xFFFFEC00  }
0x2f3: {  	[tilespmem:s6], [sflag:$0x3] =	stream.linear.gather @!p2 [hbm4b:s0+s7], $0x1400, $0x38;
	[tilespmem:$0x1E480] =	vst v63  }
0x2f4: {  	s20 =	sld [smem:$0x7C3]  }
0x2f5: {  	[tilespmem:s13], [sflag:$0x1] =	stream.indirect.gather [hbm4b:s2+s12], $0x80, s11, s12, $0xb8;
	[tilespmem:$0x1E480] =	vst v63  }
0x2f6: {  	_ = 	snop  }
0x2f7: {  	[tilespmem:s14], [sflag:$0x2] =	stream.indirect.gather [hbm4b:s2+s12], $0x80, s20, s12, $0xb8;
	[tilespmem:$0x1E480] =	vst v63  }
0x2f8: {  	_ =	swait.ge [sflag:s15], $0x4000  }
0x2f9: {  	s24 =	sld [smem:$0x7C4]  }
0x2fa: {  	[sflag:s15] =	ssyncset.done $0x0  }
0x2fb: {  	[sflag:s15] =	ssyncadd.s32 $0xFFFFC000  }
0x2fc: {  	[spmem:s3] =	stream.indirect.scatter.add.f32 [tilespmem:s13], [sflag:$0x5], $0x80, s24, s12, $0xb8;
	[tilespmem:$0x1E480] =	vst v63  }
0x2fd: {  	_ =	swait.ge [sflag:s17], $0x4000  }
0x2fe: {  	s6 =	sld [smem:$0x7C5]  }
0x2ff: {  	[sflag:s17] =	ssyncset.done $0x0  }
0x300: {  	[sflag:s17] =	ssyncadd.s32 $0xFFFFC000  }
0x301: {  	[tilespmem:s13], [sflag:$0x1] =	stream.indirect.gather [hbm4b:s2+s12], $0x80, s6, s12, $0xb8;
	[tilespmem:$0x1E480] =	vst v63  }
0x302: {  	_ =	swait.ge [sflag:s19], $0x4000  }
0x303: {  	s7 =	sld [smem:$0x7C6]  }
0x304: {  	[sflag:s19] =	ssyncset.done $0x0  }
0x305: {  	[sflag:s19] =	ssyncadd.s32 $0xFFFFC000  }
0x306: {  	[spmem:s3] =	stream.indirect.scatter.add.f32 [tilespmem:s14], [sflag:$0x5], $0x80, s7, s12, $0xb8;
	[tilespmem:$0x1E480] =	vst v63  }
0x307: {  	_ =	swait.ge [sflag:s17], $0x4000  }
0x308: {  	s20 =	sld [smem:$0x7C7]  }
0x309: {  	[sflag:s17] =	ssyncset.done $0x0  }
0x30a: {  	[sflag:s17] =	ssyncadd.s32 $0xFFFFC000  }
0x30b: {  	[tilespmem:s14], [sflag:$0x2] =	stream.indirect.gather [hbm4b:s2+s12], $0x80, s20, s12, $0xb8;
	[tilespmem:$0x1E480] =	vst v63  }
0x30c: {  	_ =	swait.ge [sflag:s15], $0x4000  }
0x30d: {  	s24 =	sld [smem:$0x7C8]  }
0x30e: {  	[sflag:s15] =	ssyncset.done $0x0  }
0x30f: {  	[sflag:s15] =	ssyncadd.s32 $0xFFFFC000  }
0x310: {  	[spmem:s3] =	stream.indirect.scatter.add.f32 [tilespmem:s13], [sflag:$0x5], $0x80, s24, s12, $0xb8;
	[tilespmem:$0x1E480] =	vst v63  }
0x311: {  	_ =	swait.ge [sflag:s17], $0x4000  }
0x312: {  	s6 =	sld [smem:$0x7C9]  }
0x313: {  	[sflag:s17] =	ssyncset.done $0x0  }
0x314: {  	[sflag:s17] =	ssyncadd.s32 $0xFFFFC000  }
0x315: {  	[tilespmem:s13], [sflag:$0x1] =	stream.indirect.gather [hbm4b:s2+s12], $0x80, s6, s12, $0xb8;
	[tilespmem:$0x1E480] =	vst v63  }
0x316: {  	_ =	swait.ge [sflag:s19], $0x4000  }
0x317: {  	s7 =	sld [smem:$0x7CA]  }
0x318: {  	[sflag:s19] =	ssyncset.done $0x0  }
0x319: {  	[sflag:s19] =	ssyncadd.s32 $0xFFFFC000  }
0x31a: {  	[spmem:s3] =	stream.indirect.scatter.add.f32 [tilespmem:s14], [sflag:$0x5], $0x80, s7, s12, $0xb8;
	[tilespmem:$0x1E480] =	vst v63  }
0x31b: {  	_ =	swait.ge [sflag:s17], $0x4000  }
0x31c: {  	s20 =	sld [smem:$0x7CB]  }
0x31d: {  	[sflag:s17] =	ssyncset.done $0x0  }
0x31e: {  	[sflag:s17] =	ssyncadd.s32 $0xFFFFC000  }
0x31f: {  	[tilespmem:s14], [sflag:$0x2] =	stream.indirect.gather [hbm4b:s2+s12], $0x80, s20, s12, $0xb8;
	[tilespmem:$0x1E480] =	vst v63  }
0x320: {  	_ =	swait.ge [sflag:s15], $0x4000  }
0x321: {  	s24 =	sld [smem:$0x7CC]  }
0x322: {  	[sflag:s15] =	ssyncset.done $0x0  }
0x323: {  	[sflag:s15] =	ssyncadd.s32 $0xFFFFC000  }
0x324: {  	[spmem:s3] =	stream.indirect.scatter.add.f32 [tilespmem:s13], [sflag:$0x5], $0x80, s24, s12, $0xb8;
	[tilespmem:$0x1E480] =	vst v63  }
0x325: {  	_ =	swait.ge [sflag:s17], $0x4000  }
0x326: {  	s6 =	sld [smem:$0x7CD]  }
0x327: {  	[sflag:s17] =	ssyncset.done $0x0  }
0x328: {  	[sflag:s17] =	ssyncadd.s32 $0xFFFFC000  }
0x329: {  	[tilespmem:s13], [sflag:$0x1] =	stream.indirect.gather [hbm4b:s2+s12], $0x80, s6, s12, $0xb8;
	[tilespmem:$0x1E480] =	vst v63  }
0x32a: {  	_ =	swait.ge [sflag:s19], $0x4000  }
0x32b: {  	s7 =	sld [smem:$0x7CE]  }
0x32c: {  	[sflag:s19] =	ssyncset.done $0x0  }
0x32d: {  	[sflag:s19] =	ssyncadd.s32 $0xFFFFC000  }
0x32e: {  	[spmem:s3] =	stream.indirect.scatter.add.f32 [tilespmem:s14], [sflag:$0x5], $0x80, s7, s12, $0xb8;
	[tilespmem:$0x1E480] =	vst v63  }
0x32f: {  	_ =	swait.ge [sflag:s17], $0x4000  }
0x330: {  	s20 =	sld [smem:$0x7CF]  }
0x331: {  	[sflag:s17] =	ssyncset.done $0x0  }
0x332: {  	[sflag:s17] =	ssyncadd.s32 $0xFFFFC000  }
0x333: {  	[tilespmem:s14], [sflag:$0x2] =	stream.indirect.gather [hbm4b:s2+s12], $0x80, s20, s12, $0xb8;
	[tilespmem:$0x1E480] =	vst v63  }
0x334: {  	_ =	swait.ge [sflag:s15], $0x4000  }
0x335: {  	s24 =	sld [smem:$0x7D0]  }
0x336: {  	[sflag:s15] =	ssyncset.done $0x0  }
0x337: {  	[sflag:s15] =	ssyncadd.s32 $0xFFFFC000  }
0x338: {  	[spmem:s3] =	stream.indirect.scatter.add.f32 [tilespmem:s13], [sflag:$0x5], $0x80, s24, s12, $0xb8;
	[tilespmem:$0x1E480] =	vst v63  }
0x339: {  	_ =	swait.ge [sflag:s17], $0x4000  }
0x33a: {  	s6 =	sld [smem:$0x7D1]  }
0x33b: {  	[sflag:s17] =	ssyncset.done $0x0  }
0x33c: {  	[sflag:s17] =	ssyncadd.s32 $0xFFFFC000  }
0x33d: {  	[tilespmem:s13], [sflag:$0x1] =	stream.indirect.gather [hbm4b:s2+s12], $0x80, s6, s12, $0xb8;
	[tilespmem:$0x1E480] =	vst v63  }
0x33e: {  	_ =	swait.ge [sflag:s19], $0x4000  }
0x33f: {  	s7 =	sld [smem:$0x7D2]  }
0x340: {  	[sflag:s19] =	ssyncset.done $0x0  }
0x341: {  	[sflag:s19] =	ssyncadd.s32 $0xFFFFC000  }
0x342: {  	[spmem:s3] =	stream.indirect.scatter.add.f32 [tilespmem:s14], [sflag:$0x5], $0x80, s7, s12, $0xb8;
	[tilespmem:$0x1E480] =	vst v63  }
0x343: {  	_ =	swait.ge [sflag:s17], $0x4000  }
0x344: {  	s20 =	sld [smem:$0x7D3]  }
0x345: {  	[sflag:s17] =	ssyncset.done $0x0  }
0x346: {  	[sflag:s17] =	ssyncadd.s32 $0xFFFFC000  }
0x347: {  	[tilespmem:s14], [sflag:$0x2] =	stream.indirect.gather [hbm4b:s2+s12], $0x80, s20, s12, $0xb8;
	[tilespmem:$0x1E480] =	vst v63  }
0x348: {  	_ =	swait.ge [sflag:s15], $0x4000  }
0x349: {  	s24 =	sld [smem:$0x7D4]  }
0x34a: {  	[sflag:s15] =	ssyncset.done $0x0  }
0x34b: {  	[sflag:s15] =	ssyncadd.s32 $0xFFFFC000  }
0x34c: {  	[spmem:s3] =	stream.indirect.scatter.add.f32 [tilespmem:s13], [sflag:$0x5], $0x80, s24, s12, $0xb8;
	[tilespmem:$0x1E480] =	vst v63  }
0x34d: {  	_ =	swait.ge [sflag:s17], $0x4000  }
0x34e: {  	s6 =	sld [smem:$0x7D5]  }
0x34f: {  	[sflag:s17] =	ssyncset.done $0x0  }
0x350: {  	[sflag:s17] =	ssyncadd.s32 $0xFFFFC000  }
0x351: {  	[tilespmem:s13], [sflag:$0x1] =	stream.indirect.gather [hbm4b:s2+s12], $0x80, s6, s12, $0xb8;
	[tilespmem:$0x1E480] =	vst v63  }
0x352: {  	_ =	swait.ge [sflag:s19], $0x4000  }
0x353: {  	s7 =	sld [smem:$0x7D6]  }
0x354: {  	[sflag:s19] =	ssyncset.done $0x0  }
0x355: {  	[sflag:s19] =	ssyncadd.s32 $0xFFFFC000  }
0x356: {  	[spmem:s3] =	stream.indirect.scatter.add.f32 [tilespmem:s14], [sflag:$0x5], $0x80, s7, s12, $0xb8;
	[tilespmem:$0x1E480] =	vst v63  }
0x357: {  	_ =	swait.ge [sflag:s17], $0x4000  }
0x358: {  	s20 =	sld [smem:$0x7D7]  }
0x359: {  	[sflag:s17] =	ssyncset.done $0x0  }
0x35a: {  	[sflag:s17] =	ssyncadd.s32 $0xFFFFC000  }
0x35b: {  	[tilespmem:s14], [sflag:$0x2] =	stream.indirect.gather [hbm4b:s2+s12], $0x80, s20, s12, $0xb8;
	[tilespmem:$0x1E480] =	vst v63  }
0x35c: {  	_ =	swait.ge [sflag:s15], $0x4000  }
0x35d: {  	s24 =	sld [smem:$0x7D8]  }
0x35e: {  	[sflag:s15] =	ssyncset.done $0x0  }
0x35f: {  	[sflag:s15] =	ssyncadd.s32 $0xFFFFC000  }
0x360: {  	[spmem:s3] =	stream.indirect.scatter.add.f32 [tilespmem:s13], [sflag:$0x5], $0x80, s24, s12, $0xb8;
	[tilespmem:$0x1E480] =	vst v63  }
0x361: {  	_ =	swait.ge [sflag:s17], $0x4000  }
0x362: {  	s6 =	sld [smem:$0x7D9]  }
0x363: {  	[sflag:s17] =	ssyncset.done $0x0  }
0x364: {  	[sflag:s17] =	ssyncadd.s32 $0xFFFFC000  }
0x365: {  	[tilespmem:s13], [sflag:$0x1] =	stream.indirect.gather [hbm4b:s2+s12], $0x80, s6, s12, $0xb8;
	[tilespmem:$0x1E480] =	vst v63  }
0x366: {  	_ =	swait.ge [sflag:s19], $0x4000  }
0x367: {  	s7 =	sld [smem:$0x7DA]  }
0x368: {  	[sflag:s19] =	ssyncset.done $0x0  }
0x369: {  	[sflag:s19] =	ssyncadd.s32 $0xFFFFC000  }
0x36a: {  	[spmem:s3] =	stream.indirect.scatter.add.f32 [tilespmem:s14], [sflag:$0x5], $0x80, s7, s12, $0xb8;
	[tilespmem:$0x1E480] =	vst v63  }
0x36b: {  	_ =	swait.ge [sflag:s17], $0x4000  }
0x36c: {  	s20 =	sld [smem:$0x7DC]  }
0x36d: {  	[sflag:s17] =	ssyncset.done $0x0  }
0x36e: {  	[sflag:s17] =	ssyncadd.s32 $0xFFFFC000  }
0x36f: {  	[tilespmem:s14], [sflag:$0x2] =	stream.indirect.gather [hbm4b:s2+s12], $0x80, s20, s12, $0xb8;
	[tilespmem:$0x1E480] =	vst v63  }
0x370: {  	_ =	swait.ge [sflag:s15], $0x4000  }
0x371: {  	s24 =	sld [smem:$0x7DD]  }
0x372: {  	[sflag:s15] =	ssyncset.done $0x0  }
0x373: {  	[sflag:s15] =	ssyncadd.s32 $0xFFFFC000  }
0x374: {  	[spmem:s3] =	stream.indirect.scatter.add.f32 [tilespmem:s13], [sflag:$0x5], $0x80, s24, s12, $0xb8;
	[tilespmem:$0x1E480] =	vst v63  }
0x375: {  	_ =	swait.ge [sflag:s17], $0x4000  }
0x376: {  	s6 =	sld [smem:$0x7DE]  }
0x377: {  	[sflag:s17] =	ssyncset.done $0x0  }
0x378: {  	[sflag:s17] =	ssyncadd.s32 $0xFFFFC000  }
0x379: {  	[tilespmem:s13], [sflag:$0x1] =	stream.indirect.gather [hbm4b:s2+s12], $0x80, s6, s12, $0xb8;
	[tilespmem:$0x1E480] =	vst v63  }
0x37a: {  	_ =	swait.ge [sflag:s19], $0x4000  }
0x37b: {  	s7 =	sld [smem:$0x7E0]  }
0x37c: {  	[sflag:s19] =	ssyncset.done $0x0  }
0x37d: {  	[sflag:s19] =	ssyncadd.s32 $0xFFFFC000  }
0x37e: {  	[spmem:s3] =	stream.indirect.scatter.add.f32 [tilespmem:s14], [sflag:$0x5], $0x80, s7, s12, $0xb8;
	[tilespmem:$0x1E480] =	vst v63  }
0x37f: {  	_ =	swait.ge [sflag:s17], $0x4000  }
0x380: {  	s20 =	sld [smem:$0x7E1]  }
0x381: {  	[sflag:s17] =	ssyncset.done $0x0  }
0x382: {  	[sflag:s17] =	ssyncadd.s32 $0xFFFFC000  }
0x383: {  	[tilespmem:s14], [sflag:$0x2] =	stream.indirect.gather [hbm4b:s2+s12], $0x80, s20, s12, $0xb8;
	[tilespmem:$0x1E480] =	vst v63  }
0x384: {  	_ =	swait.ge [sflag:s15], $0x4000  }
0x385: {  	s24 =	sld [smem:$0x7E2]  }
0x386: {  	[sflag:s15] =	ssyncset.done $0x0  }
0x387: {  	[sflag:s15] =	ssyncadd.s32 $0xFFFFC000  }
0x388: {  	[spmem:s3] =	stream.indirect.scatter.add.f32 [tilespmem:s13], [sflag:$0x5], $0x80, s24, s12, $0xb8;
	[tilespmem:$0x1E480] =	vst v63  }
0x389: {  	_ =	swait.ge [sflag:s17], $0x4000  }
0x38a: {  	[sflag:s17] =	ssyncset.done $0x0  }
0x38b: {  	[sflag:s17] =	ssyncadd.s32 $0xFFFFC000  }
0x38c: {  	[tilespmem:s13], [sflag:$0x1] =	stream.indirect.gather [hbm4b:s2+s12], $0x80, s23, s12, $0xb8;
	[tilespmem:$0x1E480] =	vst v63  }
0x38d: {  	_ =	swait.ge [sflag:s19], $0x4000  }
0x38e: {  	[sflag:s19] =	ssyncset.done $0x0  }
0x38f: {  	[sflag:s19] =	ssyncadd.s32 $0xFFFFC000  }
0x390: {  	[spmem:s3] =	stream.indirect.scatter.add.f32 [tilespmem:s14], [sflag:$0x5], $0x80, s25, s12, $0xb8;
	[tilespmem:$0x1E480] =	vst v63  }
0x391: {  	_ =	swait.ge [sflag:s17], $0x4000  }
0x392: {  	[sflag:s17] =	ssyncset.done $0x0  }
0x393: {  	[sflag:s17] =	ssyncadd.s32 $0xFFFFC000  }
0x394: {  	[tilespmem:s14], [sflag:$0x2] =	stream.indirect.gather [hbm4b:s2+s12], $0x80, s26, s12, $0xb8;
	[tilespmem:$0x1E480] =	vst v63  }
0x395: {  	_ =	swait.ge [sflag:s15], $0x4000  }
0x396: {  	[sflag:s15] =	ssyncset.done $0x0  }
0x397: {  	[sflag:s15] =	ssyncadd.s32 $0xFFFFC000  }
0x398: {  	[spmem:s3] =	stream.indirect.scatter.add.f32 [tilespmem:s13], [sflag:$0x5], $0x80, s28, s12, $0xb8;
	[tilespmem:$0x1E480] =	vst v63  }
0x399: {  	_ =	swait.ge [sflag:s17], $0x4000  }
0x39a: {  	[sflag:s17] =	ssyncset.done $0x0  }
0x39b: {  	[sflag:s17] =	ssyncadd.s32 $0xFFFFC000  }
0x39c: {  	[tilespmem:s13], [sflag:$0x1] =	stream.indirect.gather [hbm4b:s2+s12], $0x80, s29, s12, $0xb8;
	[tilespmem:$0x1E480] =	vst v63  }
0x39d: {  	_ =	swait.ge [sflag:s19], $0x4000  }
0x39e: {  	[sflag:s19] =	ssyncset.done $0x0  }
0x39f: {  	[sflag:s19] =	ssyncadd.s32 $0xFFFFC000  }
0x3a0: {  	[spmem:s3] =	stream.indirect.scatter.add.f32 [tilespmem:s14], [sflag:$0x5], $0x80, s30, s12, $0xb8;
	[tilespmem:$0x1E480] =	vst v63  }
0x3a1: {  	_ =	swait.ge [sflag:s17], $0x4000  }
0x3a2: {  	[sflag:s17] =	ssyncset.done $0x0  }
0x3a3: {  	[sflag:s17] =	ssyncadd.s32 $0xFFFFC000  }
0x3a4: {  	[tilespmem:s14], [sflag:$0x2] =	stream.indirect.gather [hbm4b:s2+s12], $0x80, s31, s12, $0xb8;
	[tilespmem:$0x1E480] =	vst v63  }
0x3a5: {  	_ =	swait.ge [sflag:s15], $0x4000  }
0x3a6: {  	[sflag:s15] =	ssyncset.done $0x0  }
0x3a7: {  	[sflag:s15] =	ssyncadd.s32 $0xFFFFC000  }
0x3a8: {  	[spmem:s3] =	stream.indirect.scatter.add.f32 [tilespmem:s13], [sflag:$0x5], $0x80, s16, s12, $0xb8;
	[tilespmem:$0x1E480] =	vst v63  }
0x3a9: {  	_ =	swait.ge [sflag:s17], $0x4000  }
0x3aa: {  	[sflag:s17] =	ssyncset.done $0x0  }
0x3ab: {  	s22 =	sadd.s32 $0x500, s22;
	[sflag:s17] =	ssyncadd.s32 $0xFFFFC000  }
0x3ac: {  	p1 =	sne.s32 s22, $0x1400;
	_ =	swait.ge [sflag:s19], $0x4000  }
.Ltmp0:
0x3ad: {  	[sflag:s19] =	ssyncset.done $0x0;
	(pc) =	sbr.rel @p1 .LBB2_2-.Ltmp0, $4  }
0x3ae: {  	[sflag:s19] =	ssyncadd.s32 $0xFFFFC000  }
0x3af: {  	[spmem:s3] =	stream.indirect.scatter.add.f32 [tilespmem:s14], [sflag:$0x5], $0x80, s18, s12, $0xb8;
	[tilespmem:$0x1E480] =	vst v63  }
0x3b0: {  	_ =	swait.ge [sflag:s17], $0x4000  }
0x3b1: {  	[sflag:s17] =	ssyncset.done $0x0  }
0x3b2: {  	[sflag:s17] =	ssyncadd.s32 $0xFFFFC000  }
0x3b3: {  	[bflag:$0x0] =	sbarrier.arrive $0xFFFF  }
0x3b4: {  	s1 =	sld [smem:$0x7FA];
	_ =	sdelay $0x1  }
0x3b5: {  	s0 =	simm.s32 @p0 $0x16480  }
0x3b6: {  	[tilespmem:s0], [sflag:$0x5] =	stream.linear.gather @p0 [spmem:s1], $0x4000, $0x38;
	[tilespmem:$0x1E480] =	vst v63  }
0x3b7: {  	s1 =	simm.s32 @p0 $0x5  }
0x3b8: {  	_ =	swait.ge @p0 [sflag:s1], $0x4000  }
0x3b9: {  	s7 =	sld [smem:$0x7F6]  }
0x3ba: {  	[sflag:s1] =	ssyncset.done @p0 $0x0  }
0x3bb: {  	s6 =	simm.s32 @p0 $0x0;
	[sflag:s1] =	ssyncadd.s32 @p0 $0xFFFFC000  }
0x3bc: {  	[hbm4b:s7+s6] =	stream.linear.scatter @p0 [tilespmem:s0], [sflag:$0x5], $0x4000, $0x38;
	[tilespmem:$0x1E480] =	vst v63  }
0x3bd: {  	_ =	swait.ge @p0 [sflag:s1], $0x4000  }
0x3be: {  	s20 =	sld [smem:$0x7FC]  }
0x3bf: {  	[sflag:s1] =	ssyncset.done @p0 $0x0  }
0x3c0: {  	[sflag:s1] =	ssyncadd.s32 @p0 $0xFFFFC000  }
0x3c1: {  	[tilespmem:s0], [sflag:$0x5] =	stream.linear.gather @p0 [spmem:s20], $0x4000, $0x38;
	[tilespmem:$0x1E480] =	vst v63  }
0x3c2: {  	_ =	swait.ge @p0 [sflag:s1], $0x4000  }
0x3c3: {  	s7 =	sld [smem:$0x7F7]  }
0x3c4: {  	[sflag:s1] =	ssyncset.done @p0 $0x0  }
0x3c5: {  	[sflag:s1] =	ssyncadd.s32 @p0 $0xFFFFC000  }
0x3c6: {  	[hbm4b:s7+s6] =	stream.linear.scatter @p0 [tilespmem:s0], [sflag:$0x5], $0x4000, $0x38;
	[tilespmem:$0x1E480] =	vst v63  }
0x3c7: {  	_ =	swait.ge @p0 [sflag:s1], $0x4000  }
0x3c8: {  	s24 =	sld [smem:$0x7FD]  }
0x3c9: {  	[sflag:s1] =	ssyncset.done @p0 $0x0  }
0x3ca: {  	[sflag:s1] =	ssyncadd.s32 @p0 $0xFFFFC000  }
0x3cb: {  	[tilespmem:s0], [sflag:$0x5] =	stream.linear.gather @p0 [spmem:s24], $0x4000, $0x38;
	[tilespmem:$0x1E480] =	vst v63  }
0x3cc: {  	_ =	swait.ge @p0 [sflag:s1], $0x4000  }
0x3cd: {  	s7 =	sld [smem:$0x7F8]  }
0x3ce: {  	[sflag:s1] =	ssyncset.done @p0 $0x0  }
0x3cf: {  	[sflag:s1] =	ssyncadd.s32 @p0 $0xFFFFC000  }
0x3d0: {  	[hbm4b:s7+s6] =	stream.linear.scatter @p0 [tilespmem:s0], [sflag:$0x5], $0x4000, $0x38;
	[tilespmem:$0x1E480] =	vst v63  }
0x3d1: {  	_ =	swait.ge @p0 [sflag:s1], $0x4000  }
0x3d2: {  	s22 =	sld [smem:$0x7FB]  }
0x3d3: {  	[sflag:s1] =	ssyncset.done @p0 $0x0  }
0x3d4: {  	[sflag:s1] =	ssyncadd.s32 @p0 $0xFFFFC000  }
0x3d5: {  	[tilespmem:s0], [sflag:$0x5] =	stream.linear.gather @p0 [spmem:s22], $0x800, $0x38;
	[tilespmem:$0x1E480] =	vst v63  }
0x3d6: {  	_ =	swait.ge @p0 [sflag:s1], $0x800  }
0x3d7: {  	s7 =	sld [smem:$0x7E6]  }
0x3d8: {  	[sflag:s1] =	ssyncset.done @p0 $0x0  }
0x3d9: {  	[sflag:s1] =	ssyncadd.s32 @p0 $0xFFFFF800  }
0x3da: {  	[hbm4b:s7+s6] =	stream.linear.scatter @p0 [tilespmem:s0], [sflag:$0x5], $0x800, $0x38;
	[tilespmem:$0x1E480] =	vst v63  }
0x3db: {  	_ =	swait.ge @p0 [sflag:s1], $0x800  }
0x3dc: {  	[sflag:s1] =	ssyncset.done @p0 $0x0  }
0x3dd: {  	s0 =	simm.s32 @!p0 $0x16480;
	[sflag:s1] =	ssyncadd.s32 @p0 $0xFFFFF800;
	s1 =	simm.s32 @!p0 $0x5  }
0x3de: {  	[tilespmem:s0], [sflag:$0x5] =	stream.linear.gather @!p0 [spmem:s8], $0x4000, $0x38;
	[tilespmem:$0x1E480] =	vst v63  }
0x3df: {  	_ =	swait.ge @!p0 [sflag:s1], $0x4000  }
0x3e0: {  	s7 =	sld [smem:$0x7DB]  }
0x3e1: {  	[sflag:s1] =	ssyncset.done @!p0 $0x0  }
0x3e2: {  	s6 =	simm.s32 @!p0 $0x0;
	[sflag:s1] =	ssyncadd.s32 @!p0 $0xFFFFC000  }
0x3e3: {  	[hbm4b:s7+s6] =	stream.linear.scatter @!p0 [tilespmem:s0], [sflag:$0x5], $0x4000, $0x38;
	[tilespmem:$0x1E480] =	vst v63  }
0x3e4: {  	_ =	swait.ge @!p0 [sflag:s1], $0x4000  }
0x3e5: {  	s7 =	sld [smem:$0x7EC]  }
0x3e6: {  	[sflag:s1] =	ssyncset.done @!p0 $0x0  }
0x3e7: {  	[sflag:s1] =	ssyncadd.s32 @!p0 $0xFFFFC000  }
0x3e8: {  	[tilespmem:s0], [sflag:$0x5] =	stream.linear.gather @!p0 [spmem:s7], $0x4000, $0x38;
	[tilespmem:$0x1E480] =	vst v63  }
0x3e9: {  	_ =	swait.ge @!p0 [sflag:s1], $0x4000  }
0x3ea: {  	s7 =	sld [smem:$0x7DF]  }
0x3eb: {  	[sflag:s1] =	ssyncset.done @!p0 $0x0  }
0x3ec: {  	[sflag:s1] =	ssyncadd.s32 @!p0 $0xFFFFC000  }
0x3ed: {  	[hbm4b:s7+s6] =	stream.linear.scatter @!p0 [tilespmem:s0], [sflag:$0x5], $0x4000, $0x38;
	[tilespmem:$0x1E480] =	vst v63  }
0x3ee: {  	_ =	swait.ge @!p0 [sflag:s1], $0x4000  }
0x3ef: {  	s7 =	sld [smem:$0x7EE]  }
0x3f0: {  	[sflag:s1] =	ssyncset.done @!p0 $0x0  }
0x3f1: {  	[sflag:s1] =	ssyncadd.s32 @!p0 $0xFFFFC000  }
0x3f2: {  	[tilespmem:s0], [sflag:$0x5] =	stream.linear.gather @!p0 [spmem:s7], $0x4000, $0x38;
	[tilespmem:$0x1E480] =	vst v63  }
0x3f3: {  	_ =	swait.ge @!p0 [sflag:s1], $0x4000  }
0x3f4: {  	s7 =	sld [smem:$0x7E3]  }
0x3f5: {  	[sflag:s1] =	ssyncset.done @!p0 $0x0  }
0x3f6: {  	[sflag:s1] =	ssyncadd.s32 @!p0 $0xFFFFC000  }
0x3f7: {  	[hbm4b:s7+s6] =	stream.linear.scatter @!p0 [tilespmem:s0], [sflag:$0x5], $0x4000, $0x38;
	[tilespmem:$0x1E480] =	vst v63  }
0x3f8: {  	_ =	swait.ge @!p0 [sflag:s1], $0x4000  }
0x3f9: {  	s7 =	sld [smem:$0x7F0]  }
0x3fa: {  	[sflag:s1] =	ssyncset.done @!p0 $0x0  }
0x3fb: {  	[sflag:s1] =	ssyncadd.s32 @!p0 $0xFFFFC000  }
0x3fc: {  	[tilespmem:s0], [sflag:$0x5] =	stream.linear.gather @!p0 [spmem:s7], $0x4000, $0x38;
	[tilespmem:$0x1E480] =	vst v63  }
0x3fd: {  	_ =	swait.ge @!p0 [sflag:s1], $0x4000  }
0x3fe: {  	s7 =	sld [smem:$0x7E4]  }
0x3ff: {  	[sflag:s1] =	ssyncset.done @!p0 $0x0  }
0x400: {  	[sflag:s1] =	ssyncadd.s32 @!p0 $0xFFFFC000  }
0x401: {  	[hbm4b:s7+s6] =	stream.linear.scatter @!p0 [tilespmem:s0], [sflag:$0x5], $0x4000, $0x38;
	[tilespmem:$0x1E480] =	vst v63  }
0x402: {  	_ =	swait.ge @!p0 [sflag:s1], $0x4000  }
0x403: {  	s7 =	sld [smem:$0x7F2]  }
0x404: {  	[sflag:s1] =	ssyncset.done @!p0 $0x0  }
0x405: {  	[sflag:s1] =	ssyncadd.s32 @!p0 $0xFFFFC000  }
0x406: {  	[tilespmem:s0], [sflag:$0x5] =	stream.linear.gather @!p0 [spmem:s7], $0x4000, $0x38;
	[tilespmem:$0x1E480] =	vst v63  }
0x407: {  	_ =	swait.ge @!p0 [sflag:s1], $0x4000  }
0x408: {  	s7 =	sld [smem:$0x7E5]  }
0x409: {  	[sflag:s1] =	ssyncset.done @!p0 $0x0  }
0x40a: {  	[sflag:s1] =	ssyncadd.s32 @!p0 $0xFFFFC000  }
0x40b: {  	[hbm4b:s7+s6] =	stream.linear.scatter @!p0 [tilespmem:s0], [sflag:$0x5], $0x4000, $0x38;
	[tilespmem:$0x1E480] =	vst v63  }
0x40c: {  	_ =	swait.ge @!p0 [sflag:s1], $0x4000  }
0x40d: {  	s0 =	sld [smem:$0x7B6]  }
0x40e: {  	s7 =	smov.u32 s8;
	s8 =	smov.u32 s22;
	s22 =	sld [smem:$0x7E9]  }
0x40f: {  	_ = 	snop  }
0x410: {  	s6 =	sadd.s32 $0x1, s0  }
0x411: {  	p1 =	sne.s32 s6, s22  }
.Ltmp1:
0x412: {  	_ = 	snop;
	(pc) =	sbr.rel @p1 .LBB2_1-.Ltmp1, $3  }
0x413: {  	_ =	sdelay $0x1  }
0x414: {  	[sflag:s1] =	ssyncset.done @!p0 $0x0  }
0x415: {  	[sflag:s1] =	ssyncadd.s32 @!p0 $0xFFFFC000  }
0x416: {  	_ =	sfence.sel $0x180000  }
0x417: {  	[bflag:$0x0] =	sbarrier.arrive $0xFFFF  }
0x418: {  	_ =	strace $0x9000004A  }
0x419: {  	s0 =	stileid.u32;
	[bflag:$0x2] =	sbarrier.arrive $0xFFFF  }
0x41a: {  	p0 =	sne.s32 s0, $0x0;
	s0 =	rddreg [dreg:$0x3]  }
0x41b: {  	s0 =	sadd.s32 @!p0 $0x100000, s0  }
0x41c: {  	[sflag:s0] =	ssyncadd.tile.s32 @!p0 $0x1;
	_ =	shalt  }
.Lfunc_end2:
_tile_overlayer_lowered:
.L_overlay_start_2:
0x41d: {  	(tag) =	ssettag $0x2  }
0x41e: {  	s0 =	rddreg [dreg:$0x0];
	s2 =	stileid.u32  }
0x41f: {  	s1 =	rddreg [dreg:$0x1];
	p0 =	sne.s32 s2, $0x0  }
0x420: {  	s3 =	rddreg [dreg:$0x2];
	[bflag:$0x3] =	sbarrier.arrive $0xFFFF;
	s2 =	simm.s32 @!p0 $0x1C05  }
0x421: {  	[timem:s3], [sflag:s2] =	dma.local @!p0 [hbm:s0], s1  }
0x422: {  	s0 =	simm.s32 @!p0 $0x5  }
0x423: {  	_ =	swait.ge @!p0 [sflag:s0], s1  }
0x424: {  	s1 =	ssub.s32 @!p0 $0x0, s1;
	[sflag:s0] =	ssyncset.done @!p0 $0x0  }
0x425: {  	[sflag:s0] =	ssyncadd.s32 @!p0 s1  }
0x426: {  	[bflag:$0x3] =	sbarrier.arrive $0xFFFF  }
0x427: {  	_ =	shalt  }

// kernel: kernel.14.cloned.1.call-start
scs
__scs_entry_jumppad:
0x0: {  	(pc) =	sbr.rel $0x88, $3  }
0x1: {  	(tag) =	ssettag $0x0;
	lr =	simm.s32 $0x1  }
0x2: {  	[smem:$0x3F8D] =	sst lr;
	_ =	strace $0xD0000000  }
0x3: {  	_ = 	snop  }
0x4: {  	_ = 	snop  }
0x5: {  	_ = 	snop  }
0x6: {  	_ = 	snop  }
0x7: {  	_ = 	snop  }
__scs_overlays_trampoline_lowered:
0x8: {  	[smem:$0x3F9C] =	sst s0  }
0x9: {  	[smem:$0x3F9D] =	sst s1  }
0xa: {  	[smem:$0x3F9E] =	sst s2  }
0xb: {  	[smem:$0x3F9F] =	sst s3  }
0xc: {  	[smem:$0x3FA0] =	sst s4  }
0xd: {  	[smem:$0x3FA1] =	sst s5  }
0xe: {  	[smem:$0x3FA2] =	sst s6  }
0xf: {  	[smem:$0x3FA3] =	sst s7  }
0x10: {  	[smem:$0x3FA4] =	sst s8  }
0x11: {  	[smem:$0x3FA5] =	sst s9;
	s0 =	simm.s32 @!p0 $0x0  }
0x12: {  	s1 =	sld [smem:$0x3F8B];
	s0 =	simm.s32 @p0 $0x1  }
0x13: {  	[smem:$0x3FA6] =	sst s0;
	s0 =	simm.s32 @!p1 $0x0  }
0x14: {  	s2 =	sld [smem:$0x3F8A];
	s0 =	simm.s32 @p1 $0x1  }
0x15: {  	[smem:$0x3FA7] =	sst s0;
	s0 =	simm.s32 @!p2 $0x0  }
0x16: {  	s3 =	sld [smem:$0x3FDB];
	s0 =	simm.s32 @p2 $0x1  }
0x17: {  	s4 =	simm.s32 $0x1BF5;
	[smem:$0x3FA9] =	sst s0  }
0x18: {  	s0 =	sld [smem:$0x3F8C];
	_ =	swait.ge [sflag:s4], $0x0  }
0x19: {  	s7 =	sld [smem:$0x3F8D]  }
0x1a: {  	s8 =	sadd.s32 $0xFFFFE003, lr  }
0x1b: {  	s9 =	sadd.s32 $0xFFFFFEF7, lr;
	s5 =	simm.s32 $0xFFFFFFFF;
	p2 =	slt.u32 s8, $0xFFFFF086  }
0x1c: {  	p1 =	slt.u32 s9, $0xF7A;
	s5 =	simm.s32 @!p2 $0x0  }
0x1d: {  	s5 =	simm.s32 @p1 $0x1;
	p0 =	seq.s32 s7, s2  }
0x1e: {  	s7 =	smul.u32 @!p0 $0xF7A, s2;
	p2 =	seq.s32 @!p0 s5, $0x0  }
0x1f: {  	s9 =	smul.u32 $0xF7A, s1;
	s8 =	simm.s32 @!p0 $0x1BF5;
	p2 =	por !p2, p0  }
0x20: {  	[sflag:s8] =	ssyncset.s32 @!p0 $0xFFFFF086;
	s6 =	sadd.s32 @!p0 s3, s7;
	s7 =	simm.s32 @!p0 $0x108  }
0x21: {  	s3 =	sadd.s32 s3, s9;
	s6 =	sadd.s32 @!p0 $0x88, s6;
	s7 =	simm.s32 @p2 $0x1082  }
0x22: {  	[simem:s7], [sflag:s8] =	dma.local @!p0 [hbm:s6], $0xF7A  }
0x23: {  	s9 =	sor.u32 $0xD0000000, s2;
	s6 =	simm.s32 $0x108;
	_ =	swait.ge @!p0 [sflag:s8], $0x0  }
0x24: {  	s3 =	sadd.s32 $0x88, s3;
	s6 =	simm.s32 @!p1 $0x1082;
	[sflag:s4] =	ssyncset.s32 $0xFFFFF086  }
0x25: {  	[simem:s6], [sflag:s4] =	dma.local [hbm:s3], $0xF7A  }
0x26: {  	[smem:$0x3F8D] =	sst s1;
	(tag) =	ssettag s2;
	_ =	strace s9  }
0x27: {  	s1 =	sld [smem:$0x3F9D]  }
0x28: {  	s2 =	sld [smem:$0x3F9E]  }
0x29: {  	s4 =	sld [smem:$0x3FA0]  }
0x2a: {  	p0 =	seq.s32 s5, $0x0;
	s5 =	sld [smem:$0x3FA1]  }
0x2b: {  	s6 =	sld [smem:$0x3FA2]  }
0x2c: {  	s7 =	sld [smem:$0x3FA3]  }
0x2d: {  	s3 =	simm.s32 $0x108;
	s8 =	sld [smem:$0x3FA4]  }
0x2e: {  	s3 =	simm.s32 @!p0 $0x1082;
	s9 =	sld [smem:$0x3FA5]  }
0x2f: {  	lr =	sadd.s32 s0, s3;
	s0 =	sld [smem:$0x3F9C]  }
0x30: {  	s3 =	sld [smem:$0x3F9F]  }
0x31: {  	[smem:$0x3FA8] =	sst s10  }
0x32: {  	s10 =	sld [smem:$0x3FA6];
	_ =	sdelay $0x3  }
0x33: {  	p0 =	seq.s32 s10, $0x1;
	s10 =	sld [smem:$0x3FA8];
	_ =	sdelay $0x3  }
0x34: {  	[smem:$0x3FA8] =	sst s10  }
0x35: {  	s10 =	sld [smem:$0x3FA7];
	_ =	sdelay $0x3  }
0x36: {  	p1 =	seq.s32 s10, $0x1;
	s10 =	sld [smem:$0x3FA8];
	_ =	sdelay $0x3  }
0x37: {  	[smem:$0x3FA8] =	sst s10  }
0x38: {  	s10 =	sld [smem:$0x3FA9]  }
0x39: {  	_ = 	snop;
	(pc) =	sbr.ind lr, $3  }
0x3a: {  	_ = 	snop  }
0x3b: {  	_ = 	snop  }
0x3c: {  	p2 =	seq.s32 s10, $0x1;
	s10 =	sld [smem:$0x3FA8]  }
0x3d: {  	_ =	shalt  }
0x3e: {  	_ =	shalt  }
0x3f: {  	_ =	shalt  }
0x40: {  	_ =	shalt  }
0x41: {  	_ =	shalt  }
0x42: {  	_ =	shalt  }
0x43: {  	_ =	shalt  }
0x44: {  	_ =	shalt  }
0x45: {  	_ =	shalt  }
0x46: {  	_ =	shalt  }
0x47: {  	_ =	shalt  }
0x48: {  	_ =	shalt  }
0x49: {  	_ =	shalt  }
0x4a: {  	_ =	shalt  }
0x4b: {  	_ =	shalt  }
0x4c: {  	_ =	shalt  }
0x4d: {  	_ =	shalt  }
0x4e: {  	_ =	shalt  }
0x4f: {  	_ =	shalt  }
0x50: {  	_ =	shalt  }
0x51: {  	_ =	shalt  }
0x52: {  	_ =	shalt  }
0x53: {  	_ =	shalt  }
0x54: {  	_ =	shalt  }
0x55: {  	_ =	shalt  }
0x56: {  	_ =	shalt  }
0x57: {  	_ =	shalt  }
0x58: {  	_ =	shalt  }
0x59: {  	_ =	shalt  }
0x5a: {  	_ =	shalt  }
0x5b: {  	_ =	shalt  }
0x5c: {  	_ =	shalt  }
0x5d: {  	_ =	shalt  }
0x5e: {  	_ =	shalt  }
0x5f: {  	_ =	shalt  }
0x60: {  	_ =	shalt  }
0x61: {  	_ =	shalt  }
0x62: {  	_ =	shalt  }
0x63: {  	_ =	shalt  }
0x64: {  	_ =	shalt  }
0x65: {  	_ =	shalt  }
0x66: {  	_ =	shalt  }
0x67: {  	_ =	shalt  }
0x68: {  	_ =	shalt  }
0x69: {  	_ =	shalt  }
0x6a: {  	_ =	shalt  }
0x6b: {  	_ =	shalt  }
0x6c: {  	_ =	shalt  }
0x6d: {  	_ =	shalt  }
0x6e: {  	_ =	shalt  }
0x6f: {  	_ =	shalt  }
0x70: {  	_ =	shalt  }
0x71: {  	_ =	shalt  }
0x72: {  	_ =	shalt  }
0x73: {  	_ =	shalt  }
0x74: {  	_ =	shalt  }
0x75: {  	_ =	shalt  }
0x76: {  	_ =	shalt  }
0x77: {  	_ =	shalt  }
0x78: {  	_ =	shalt  }
0x79: {  	_ =	shalt  }
0x7a: {  	_ =	shalt  }
0x7b: {  	_ =	shalt  }
0x7c: {  	_ =	shalt  }
0x7d: {  	_ =	shalt  }
0x7e: {  	_ =	shalt  }
0x7f: {  	_ =	shalt  }
0x80: {  	_ =	shalt  }
0x81: {  	_ =	shalt  }
0x82: {  	_ =	shalt  }
0x83: {  	_ =	shalt  }
0x84: {  	_ =	shalt  }
0x85: {  	_ =	shalt  }
0x86: {  	_ =	shalt  }
0x87: {  	_ =	shalt  }
.Lfunc_end0:
.L_simem_size_0:
called_computation.2_lowered:
.L_overlay_start_0:
0x88: {  	s2 =	sld [smem:$0x3FD9]  }
0x89: {  	s3 =	sld [smem:$0x3FFE];
	_ =	sdelay $0x1  }
0x8a: {  	s1 =	srdreg.scid  }
0x8b: {  	s0 =	sand.u32 $0x1, s1  }
0x8c: {  	s16 =	sshll.u32 s0, $0xA;
	s2 =	sadd.s32 s3, s2  }
0x8d: {  	s2 =	sadd.s32 s2, s16  }
0x8e: {  	[smem:$0x3FB4] =	sst s2  }
0x8f: {  	_ = 	snop  }
0x90: {  	(tm) =	ssettm $0x1  }
0x91: {  	s17 =	sld [smem:$0x3FFB];
	_ =	sdelay $0x3  }
0x92: {  	_ =	strace s17  }
0x93: {  	s2 =	sld [smem:$0x3FFC];
	_ =	sdelay $0x3  }
0x94: {  	_ =	strace s2  }
0x95: {  	s2 =	sld [smem:$0x3FFD];
	_ =	sdelay $0x3  }
0x96: {  	_ =	strace s2  }
0x97: {  	_ =	strace $0x8FFFFFFF  }
0x98: {  	s18 =	sld [smem:$0x3FDB];
	_ =	sdelay $0x1  }
0x99: {  	s19 =	simm.s32 $_scs_section_size  }
0x9a: {  	s4 =	simm.s32 $_size__tile_overlayer_lowered;
	s5 =	simm.s32 $_tile_overlayer_lowered  }
0x9b: {  	s22 =	simm.s32 $0x1BFF;
	s21 =	sshll.u32 s5, $0x1;
	s2 =	sadd.s32 s19, s18  }
0x9c: {  	s6 =	simm.s32 $0x0;
	s20 =	sshll.u32 s4, $0x1;
	s4 =	sadd.s32 s21, s2  }
0x9d: {  	[timem:s6], [sflag:s22] =	dma.local [hbm:s4], s20  }
0x9e: {  	_ =	swait.ge [sflag:s22], s20  }
0x9f: {  	s3 =	ssub.s32 $0x0, s20;
	[sflag:s22] =	ssyncset.done $0x0  }
0xa0: {  	[sflag:s22] =	ssyncadd.s32 s3;
	_ =	sdelay $0x1  }
0xa1: {  	s23 =	simm.s32 $0x1B8B  }
0xa2: {  	_ =	swait.ge [sflag:s23], $0x1  }
0xa3: {  	[sflag:s23] =	ssyncset.done $0x0  }
0xa4: {  	s25 =	simm.s32 $0x1B8E;
	s24 =	sld [smem:$0x3FFE];
	[sflag:s23] =	ssyncadd.s32 $0xFFFFFFFF  }
0xa5: {  	s26 =	simm.s32 $execute0_lowered;
	[smem:$0x3FD2] =	sst s25  }
0xa6: {  	s4 =	sshll.u32 s26, $0x1;
	_ =	strace $0x8000004C;
	[dreg:$0x1] =	wrdreg $0xFFFFFFFF  }
0xa7: {  	s28 =	simm.s32 $_size_execute0_lowered;
	s2 =	sadd.s32 s2, s4;
	[dreg:$0x0] =	wrdreg $0x0  }
0xa8: {  	s4 =	sshll.u32 s28, $0x1;
	[dreg:$0x2] =	wrdreg s2  }
0xa9: {  	[dreg:$0x3] =	wrdreg s4  }
0xaa: {  	[dreg:$0x4] =	wrdreg $0xC0  }
0xab: {  	_ =	task [dreg:s6], $0x5FFFF  }
0xac: {  	[dreg:$0x1] =	wrdreg $0xFFFFFFFF  }
0xad: {  	[dreg:$0x0] =	wrdreg $0x60  }
0xae: {  	[dreg:$0x2] =	wrdreg s24  }
0xaf: {  	[dreg:$0x3] =	wrdreg $0x0  }
0xb0: {  	[dreg:$0x4] =	wrdreg $0x9  }
0xb1: {  	_ =	task.clear_ibuf [dreg:s6], $0x5FFFF;
	_ =	strace $0x9000004C  }
0xb2: {  	s29 =	simm.s32 $0x9;
	_ =	strace $0x8000004E  }
0xb3: {  	_ =	swait.ge [sflag:s29], $0x1  }
0xb4: {  	[sflag:s29] =	ssyncadd.s32 $0xFFFFFFFF  }
0xb5: {  	_ =	strace $0x9000004E  }
0xb6: {  	_ =	sfence  }
0xb7: {  	s30 =	sld [smem:$0x0];
	_ =	sdelay $0x2  }
0xb8: {  	s31 =	sshll.u32 s1, $0xD;
	s1 =	sshrl.u32 s1, $0x2  }
0xb9: {  	s3 =	sand.u32 $0x4000, s31;
	s1 =	sadd.s32 s1, s30  }
0xba: {  	s0 =	sor.u32 s3, s0;
	s1 =	sshll.u32 s1, $0x11  }
0xbb: {  	s0 =	sor.u32 s1, s0  }
0xbc: {  	s0 =	sadd.s32 $0x8F2B, s0  }
0xbd: {  	[sflag:s0] =	ssyncadd.remote.s32 $0x1  }
0xbe: {  	_ =	sfence.sel $0xFFFF  }
0xbf: {  	[dreg:$0x0] =	wrdreg $0xFFFFFFFF;
	(pc) =	sbr.abs _section_cstart, $3  }
0xc0: {  	[dreg:$0x1] =	wrdreg $0xFFFFFFFF  }
0xc1: {  	_ =	task.clear_ibuf [dreg:s6], $0x2FFFF;
	_ =	strace $0x9FFFFFFF  }
0xc2: {  	(tm) =	ssettm $0x7FFFFFFF  }
0xc3: {  	_ =	shalt  }
tec
execute0_lowered:
.L_overlay_start_1:
0x0: {  	(tag) =	ssettag $0x1  }
0x1: {  	s0 =	srdreg.scid;
	s22 =	stileid.u32  }
0x2: {  	s1 =	sand.u32 $0x1, s0;
	s3 =	smul.u32 $0xA000, s22  }
0x3: {  	s0 =	smul.u32 $0xA0000, s1  }
0x4: {  	s6 =	rddreg [dreg:$0x0]  }
0x5: {  	s2 =	rddreg [dreg:$0x1];
	s0 =	sadd.s32 s3, s0;
	s3 =	simm.s32 $0x0  }
0x6: {  	s13 =	simm.s32 $0x13D80;
	[smem:$0x7FF] =	sst s3  }
0x7: {  	s14 =	simm.s32 $0x13D00;
	_ =	strace $0x8000004D;
	[dreg:$0x4] =	wrdreg s13  }
0x8: {  	s15 =	simm.s32 $0x13E80;
	[dreg:$0x5] =	wrdreg s14  }
0x9: {  	s16 =	simm.s32 $0x13E00;
	[dreg:$0x6] =	wrdreg s15  }
0xa: {  	s17 =	simm.s32 $0x13F80;
	[dreg:$0x7] =	wrdreg s16  }
0xb: {  	s18 =	simm.s32 $0x13F00;
	[dreg:$0x8] =	wrdreg s17  }
0xc: {  	s19 =	simm.s32 $0x14080;
	[dreg:$0x9] =	wrdreg s18  }
0xd: {  	s20 =	simm.s32 $0x14000;
	[dreg:$0xa] =	wrdreg s19  }
0xe: {  	s21 =	simm.s32 $0x14180;
	[dreg:$0xb] =	wrdreg s20  }
0xf: {  	s23 =	simm.s32 $0x14100;
	[dreg:$0xc] =	wrdreg s21  }
0x10: {  	s24 =	simm.s32 $0x14280;
	[dreg:$0xd] =	wrdreg s23  }
0x11: {  	s25 =	simm.s32 $0x14200;
	[dreg:$0xe] =	wrdreg s24  }
0x12: {  	s26 =	simm.s32 $0x14380;
	[dreg:$0xf] =	wrdreg s25  }
0x13: {  	s7 =	simm.s32 $0x14300;
	[dreg:$0x10] =	wrdreg s26  }
0x14: {  	s8 =	simm.s32 $0x14480;
	[dreg:$0x11] =	wrdreg s7  }
0x15: {  	s9 =	simm.s32 $0x14400;
	[dreg:$0x12] =	wrdreg s8  }
0x16: {  	s10 =	simm.s32 $0x14580;
	[dreg:$0x13] =	wrdreg s9  }
0x17: {  	s11 =	simm.s32 $0x14500;
	[dreg:$0x14] =	wrdreg s10  }
0x18: {  	s12 =	simm.s32 $0x14680;
	[dreg:$0x15] =	wrdreg s11  }
0x19: {  	[dreg:$0x16] =	wrdreg s12;
	s13 =	simm.s32 $0x14600  }
0x1a: {  	s14 =	simm.s32 $0x14780;
	[dreg:$0x17] =	wrdreg s13  }
0x1b: {  	s15 =	simm.s32 $0x14700;
	[dreg:$0x18] =	wrdreg s14  }
0x1c: {  	s16 =	simm.s32 $0x14880;
	[dreg:$0x19] =	wrdreg s15  }
0x1d: {  	s17 =	simm.s32 $0x14800;
	[dreg:$0x1a] =	wrdreg s16  }
0x1e: {  	s18 =	simm.s32 $0x14980;
	[dreg:$0x1b] =	wrdreg s17  }
0x1f: {  	s19 =	simm.s32 $0x14900;
	[dreg:$0x1c] =	wrdreg s18  }
0x20: {  	s20 =	simm.s32 $0x14A80;
	[dreg:$0x1d] =	wrdreg s19  }
0x21: {  	s21 =	simm.s32 $0x14A00;
	[dreg:$0x1e] =	wrdreg s20  }
0x22: {  	s23 =	simm.s32 $0x14B80;
	[dreg:$0x1f] =	wrdreg s21  }
0x23: {  	s24 =	simm.s32 $0x14B00;
	[smem:$0x7B8] =	sst s23  }
0x24: {  	s25 =	simm.s32 $0x14C80;
	[smem:$0x7B9] =	sst s24  }
0x25: {  	s26 =	simm.s32 $0x14C00;
	[smem:$0x7BA] =	sst s25  }
0x26: {  	s7 =	simm.s32 $0x14D80;
	[smem:$0x7BB] =	sst s26  }
0x27: {  	s8 =	simm.s32 $0x14D00;
	[smem:$0x7BC] =	sst s7  }
0x28: {  	s9 =	simm.s32 $0x14E80;
	[smem:$0x7BD] =	sst s8  }
0x29: {  	s4 =	sadd.s32 $0x3EE00, s6;
	s10 =	simm.s32 $0x14E00;
	[smem:$0x7BE] =	sst s9  }
0x2a: {  	s5 =	sor.u32 $0x1400, s0;
	s11 =	simm.s32 $0x14F80;
	[smem:$0x7BF] =	sst s10  }
0x2b: {  	s5 =	sshrl.u32 s5, $0x3;
	s12 =	simm.s32 $0x15000;
	[smem:$0x7C0] =	sst s11  }
0x2c: {  	s5 =	sadd.s32 s5, s4;
	[smem:$0x7C2] =	sst s12  }
0x2d: {  	s7 =	simm.s32 $0x14F00;
	[dreg:$0x3] =	wrdreg s5  }
0x2e: {  	s28 =	simm.s32 $0x16100;
	s13 =	simm.s32 $0x15180;
	[smem:$0x7C1] =	sst s7  }
0x2f: {  	s29 =	simm.s32 $0x16280;
	s14 =	simm.s32 $0x15100;
	[smem:$0x7C3] =	sst s13  }
0x30: {  	s30 =	simm.s32 $0x16200;
	s10 =	simm.s32 $0x15280;
	[smem:$0x7C4] =	sst s14  }
0x31: {  	s31 =	simm.s32 $0x16380;
	s15 =	simm.s32 $0x15200;
	[smem:$0x7C5] =	sst s10  }
0x32: {  	p0 =	seq.s32 s22, $0xF;
	s16 =	simm.s32 $0x15380;
	[smem:$0x7C6] =	sst s15  }
0x33: {  	s8 =	ssub.s32 $0x2, s1;
	s17 =	simm.s32 $0x15300;
	[smem:$0x7C7] =	sst s16  }
0x34: {  	s18 =	smul.u32 $0x2710, s1;
	s20 =	simm.s32 $0x15480;
	[smem:$0x7C8] =	sst s17  }
0x35: {  	s11 =	smul.u32 $0x138800, s1;
	s21 =	simm.s32 $0x15400;
	[smem:$0x7C9] =	sst s20  }
0x36: {  	s19 =	smul.u32 $0x280, s22;
	s12 =	simm.s32 $0x15580;
	[smem:$0x7CA] =	sst s21  }
0x37: {  	s23 =	simm.s32 $0x15500;
	s24 =	simm.s32 $0x15600;
	[smem:$0x7CB] =	sst s12  }
0x38: {  	s25 =	simm.s32 $0x15780;
	s26 =	simm.s32 $0x15700;
	[smem:$0x7CC] =	sst s23  }
0x39: {  	s1 =	smul.u32 $0x27100, s1;
	s5 =	sadd.s32 $0x66E00, s6;
	[smem:$0x7CE] =	sst s24  }
0x3a: {  	s6 =	sadd.s32 $0xB5000, s6;
	s9 =	sshrl.u32 s8, $0x1;
	[smem:$0x7CF] =	sst s25  }
0x3b: {  	s14 =	simm.s32 $0x15680;
	[smem:$0x7D0] =	sst s26;
	s17 =	simm.s32 $0x15880  }
0x3c: {  	s21 =	simm.s32 $0x15980;
	s23 =	simm.s32 $0x15A80;
	[smem:$0x7CD] =	sst s14  }
0x3d: {  	s24 =	simm.s32 $0x15A00;
	s25 =	simm.s32 $0x15B80;
	[smem:$0x7D1] =	sst s17  }
0x3e: {  	s26 =	smul.u32 $0x14000, s22;
	s7 =	ssub.s32 s8, s9;
	[smem:$0x7D3] =	sst s21  }
0x3f: {  	s10 =	sshrl.u32 s11, $0x3;
	s9 =	sadd.s32 s18, s19;
	[smem:$0x7D5] =	sst s23  }
0x40: {  	s13 =	sadd.s32 $0x80, s19;
	s16 =	sadd.s32 $0x100, s19;
	[smem:$0x7D6] =	sst s24  }
0x41: {  	s17 =	simm.s32 $0x15800;
	s20 =	sadd.s32 $0x180, s19;
	[smem:$0x7D7] =	sst s25  }
0x42: {  	s21 =	simm.s32 $0x15900;
	s19 =	sadd.s32 $0x200, s19;
	[smem:$0x7D2] =	sst s17  }
0x43: {  	s23 =	simm.s32 $0x15B00;
	s24 =	simm.s32 $0x15C80;
	[smem:$0x7D4] =	sst s21  }
0x44: {  	s25 =	simm.s32 $0x15C00;
	s12 =	sadd.s32 s18, s13;
	[smem:$0x7D8] =	sst s23  }
0x45: {  	s13 =	sshll.u32 s13, $0x7;
	s15 =	sadd.s32 s18, s16;
	[smem:$0x7D9] =	sst s24  }
0x46: {  	s21 =	sadd.s32 s11, s26;
	[smem:$0x7DA] =	sst s25;
	s26 =	simm.s32 $0x15D80  }
0x47: {  	s14 =	sshll.u32 s16, $0x7;
	s23 =	simm.s32 $0x15D00;
	[smem:$0x7DC] =	sst s26  }
0x48: {  	s17 =	sadd.s32 s18, s20;
	s25 =	simm.s32 $0x15E80;
	[smem:$0x7DD] =	sst s23  }
0x49: {  	s16 =	sshll.u32 s20, $0x7;
	[smem:$0x7DE] =	sst s25;
	s26 =	simm.s32 $0x15E00  }
0x4a: {  	s18 =	sadd.s32 s18, s19;
	s23 =	simm.s32 $0x15F80;
	[smem:$0x7E0] =	sst s26  }
0x4b: {  	s21 =	sshrl.u32 s21, $0x3;
	s25 =	simm.s32 $0x15F00;
	[smem:$0x7E1] =	sst s23  }
0x4c: {  	s19 =	sshll.u32 s19, $0x7;
	s21 =	sadd.s32 s6, s21;
	[smem:$0x7E2] =	sst s25  }
0x4d: {  	s24 =	sadd.s32 s11, s13;
	s26 =	sadd.s32 s11, s16;
	[smem:$0x7DB] =	sst s21  }
0x4e: {  	s21 =	sshrl.u32 s24, $0x3;
	s24 =	sadd.s32 s11, s14;
	s20 =	sshrl.u32 s26, $0x3  }
0x4f: {  	s26 =	smax.u32 s7, $0x1;
	s7 =	sshll.u32 s9, $0x4;
	s9 =	sshll.u32 s12, $0x4  }
0x50: {  	s12 =	sshll.u32 s15, $0x4;
	s15 =	sadd.s32 s14, s2;
	[smem:$0x7E9] =	sst s26  }
0x51: {  	s11 =	sadd.s32 s11, s19;
	s19 =	sadd.s32 s19, s2;
	[smem:$0x7EE] =	sst s15  }
0x52: {  	s1 =	sadd.s32 s5, s1;
	s21 =	sadd.s32 s6, s21;
	[smem:$0x7F2] =	sst s19  }
0x53: {  	s8 =	sadd.s32 $0x27000, s10;
	s20 =	sadd.s32 s6, s20;
	[smem:$0x7DF] =	sst s21  }
0x54: {  	s11 =	sshrl.u32 s11, $0x3;
	s26 =	sadd.s32 $0x12C000, s2;
	[smem:$0x7E4] =	sst s20  }
0x55: {  	s10 =	sadd.s32 s6, s10;
	s11 =	sadd.s32 s6, s11;
	[smem:$0x7FA] =	sst s26  }
0x56: {  	s21 =	sshrl.u32 s24, $0x3;
	s24 =	sadd.s32 s5, s8;
	[smem:$0x7E5] =	sst s11  }
0x57: {  	s23 =	smul.u32 $0x50000, s22;
	s20 =	sadd.s32 $0x25800, s1;
	[smem:$0x7E7] =	sst s24  }
0x58: {  	s14 =	simm.s32 $0x1A480;
	s21 =	sadd.s32 s6, s21;
	[smem:$0x7F3] =	sst s20  }
0x59: {  	s15 =	simm.s32 $0x1;
	s6 =	sadd.s32 s6, s8;
	[smem:$0x7E3] =	sst s21  }
0x5a: {  	s11 =	sadd.s32 s13, s2;
	s13 =	sshll.u32 s17, $0x4;
	[smem:$0x7E6] =	sst s6  }
0x5b: {  	s17 =	sshll.u32 s18, $0x4;
	s18 =	sadd.s32 s16, s2;
	[smem:$0x7EC] =	sst s11  }
0x5c: {  	s8 =	sshrl.u32 s23, $0x2;
	s23 =	sadd.s32 $0x25800, s10;
	[smem:$0x7F0] =	sst s18  }
0x5d: {  	s19 =	simm.s32 $0x2;
	s24 =	sadd.s32 $0x26000, s10;
	[smem:$0x7F6] =	sst s23  }
0x5e: {  	s26 =	simm.s32 $0x16180;
	s20 =	sadd.s32 $0x130000, s2;
	[smem:$0x7F7] =	sst s24  }
0x5f: {  	s16 =	simm.s32 $0x16300;
	s6 =	sadd.s32 s5, s7;
	[smem:$0x7FC] =	sst s20  }
0x60: {  	s21 =	sshrl.u32 s0, $0x3;
	s0 =	sadd.s32 $0x2800, s0;
	[smem:$0x7EA] =	sst s6  }
0x61: {  	s7 =	sadd.s32 s8, s2;
	s8 =	sadd.s32 $0x138000, s2;
	[smem:$0x7F9] =	sst s0  }
0x62: {  	s24 =	sadd.s32 $0x134000, s2;
	s11 =	simm.s32 $0x15080;
	[smem:$0x7FB] =	sst s8  }
0x63: {  	s23 =	simm.s32 $0x16080;
	s25 =	sadd.s32 s4, s21;
	[smem:$0x7FD] =	sst s24  }
0x64: {  	s18 =	simm.s32 $0x16400;
	s6 =	sadd.s32 s5, s9;
	[smem:$0x7E8] =	sst s25  }
0x65: {  	s21 =	sadd.s32 $0x26000, s1;
	s1 =	sadd.s32 $0x26800, s1;
	[smem:$0x7EB] =	sst s6  }
0x66: {  	s9 =	simm.s32 $0x13C80;
	s6 =	sadd.s32 s5, s12;
	[smem:$0x7F4] =	sst s21  }
0x67: {  	[smem:$0x7F5] =	sst s1;
	s25 =	sadd.s32 $0x26800, s10;
	s10 =	simm.s32 $0x3  }
0x68: {  	s12 =	simm.s32 $0x80;
	s21 =	simm.s32 $0x4;
	[smem:$0x7ED] =	sst s6  }
0x69: {  	s6 =	sadd.s32 s5, s13;
	[smem:$0x7F8] =	sst s25;
	s13 =	simm.s32 $0x16480  }
0x6a: {  	s25 =	simm.s32 $0x16000;
	[smem:$0x7EF] =	sst s6;
	s6 =	sadd.s32 s5, s17  }
0x6b: {  	s17 =	simm.s32 $0x5;
	[smem:$0x7F1] =	sst s6;
	s6 =	simm.s32 $0x0  }
.LBB2_1:
0x6c: {  	[smem:$0x7B7] =	sst s6  }
0x6d: {  	s6 =	sld [smem:$0x7F3];
	_ =	sdelay $0x1  }
0x6e: {  	s0 =	simm.s32 @p0 $0x0;
	s1 =	simm.s32 @p0 $0x16480;
	s22 =	simm.s32 @p0 $0x5  }
0x6f: {  	[tilespmem:s1], [sflag:$0x5] =	stream.linear.gather @p0 [hbm4b:s6+s0], $0x4000, $0x38;
	[tilespmem:$0x1E480] =	vst v63  }
0x70: {  	_ =	swait.ge @p0 [sflag:s22], $0x4000  }
0x71: {  	s6 =	sld [smem:$0x7FA]  }
0x72: {  	[sflag:s22] =	ssyncset.done @p0 $0x0  }
0x73: {  	[sflag:s22] =	ssyncadd.s32 @p0 $0xFFFFC000  }
0x74: {  	[spmem:s6] =	stream.linear.scatter @p0 [tilespmem:s1], [sflag:$0x5], $0x4000, $0x38;
	[tilespmem:$0x1E480] =	vst v63  }
0x75: {  	_ =	swait.ge @p0 [sflag:s22], $0x4000  }
0x76: {  	s6 =	sld [smem:$0x7F4]  }
0x77: {  	[sflag:s22] =	ssyncset.done @p0 $0x0  }
0x78: {  	[sflag:s22] =	ssyncadd.s32 @p0 $0xFFFFC000  }
0x79: {  	[tilespmem:s1], [sflag:$0x5] =	stream.linear.gather @p0 [hbm4b:s6+s0], $0x4000, $0x38;
	[tilespmem:$0x1E480] =	vst v63  }
0x7a: {  	_ =	swait.ge @p0 [sflag:s22], $0x4000  }
0x7b: {  	[sflag:s22] =	ssyncset.done @p0 $0x0  }
0x7c: {  	[sflag:s22] =	ssyncadd.s32 @p0 $0xFFFFC000  }
0x7d: {  	[spmem:s20] =	stream.linear.scatter @p0 [tilespmem:s1], [sflag:$0x5], $0x4000, $0x38;
	[tilespmem:$0x1E480] =	vst v63  }
0x7e: {  	_ =	swait.ge @p0 [sflag:s22], $0x4000  }
0x7f: {  	s6 =	sld [smem:$0x7F5]  }
0x80: {  	[sflag:s22] =	ssyncset.done @p0 $0x0  }
0x81: {  	[sflag:s22] =	ssyncadd.s32 @p0 $0xFFFFC000  }
0x82: {  	[tilespmem:s1], [sflag:$0x5] =	stream.linear.gather @p0 [hbm4b:s6+s0], $0x4000, $0x38;
	[tilespmem:$0x1E480] =	vst v63  }
0x83: {  	_ =	swait.ge @p0 [sflag:s22], $0x4000  }
0x84: {  	[sflag:s22] =	ssyncset.done @p0 $0x0  }
0x85: {  	[sflag:s22] =	ssyncadd.s32 @p0 $0xFFFFC000  }
0x86: {  	[spmem:s24] =	stream.linear.scatter @p0 [tilespmem:s1], [sflag:$0x5], $0x4000, $0x38;
	[tilespmem:$0x1E480] =	vst v63  }
0x87: {  	_ =	swait.ge @p0 [sflag:s22], $0x4000  }
0x88: {  	s6 =	sld [smem:$0x7E7]  }
0x89: {  	[sflag:s22] =	ssyncset.done @p0 $0x0  }
0x8a: {  	[sflag:s22] =	ssyncadd.s32 @p0 $0xFFFFC000  }
0x8b: {  	[tilespmem:s1], [sflag:$0x5] =	stream.linear.gather @p0 [hbm4b:s6+s0], $0x800, $0x38;
	[tilespmem:$0x1E480] =	vst v63  }
0x8c: {  	_ =	swait.ge @p0 [sflag:s22], $0x800  }
0x8d: {  	[sflag:s22] =	ssyncset.done @p0 $0x0  }
0x8e: {  	[sflag:s22] =	ssyncadd.s32 @p0 $0xFFFFF800  }
0x8f: {  	[spmem:s8] =	stream.linear.scatter @p0 [tilespmem:s1], [sflag:$0x5], $0x800, $0x38;
	[tilespmem:$0x1E480] =	vst v63  }
0x90: {  	_ =	swait.ge @p0 [sflag:s22], $0x800  }
0x91: {  	s6 =	sld [smem:$0x7EA]  }
0x92: {  	s0 =	simm.s32 @!p0 $0x0;
	[sflag:s22] =	ssyncset.done @p0 $0x0  }
0x93: {  	s1 =	simm.s32 @!p0 $0x16480;
	[sflag:s22] =	ssyncadd.s32 @p0 $0xFFFFF800;
	s22 =	simm.s32 @!p0 $0x5  }
0x94: {  	[tilespmem:s1], [sflag:$0x5] =	stream.linear.gather @!p0 [hbm4b:s6+s0], $0x4000, $0x38;
	[tilespmem:$0x1E480] =	vst v63  }
0x95: {  	_ =	swait.ge @!p0 [sflag:s22], $0x4000  }
0x96: {  	[sflag:s22] =	ssyncset.done @!p0 $0x0  }
0x97: {  	[sflag:s22] =	ssyncadd.s32 @!p0 $0xFFFFC000  }
0x98: {  	[spmem:s7] =	stream.linear.scatter @!p0 [tilespmem:s1], [sflag:$0x5], $0x4000, $0x38;
	[tilespmem:$0x1E480] =	vst v63  }
0x99: {  	_ =	swait.ge @!p0 [sflag:s22], $0x4000  }
0x9a: {  	s6 =	sld [smem:$0x7EB]  }
0x9b: {  	[sflag:s22] =	ssyncset.done @!p0 $0x0  }
0x9c: {  	[sflag:s22] =	ssyncadd.s32 @!p0 $0xFFFFC000  }
0x9d: {  	[tilespmem:s1], [sflag:$0x5] =	stream.linear.gather @!p0 [hbm4b:s6+s0], $0x4000, $0x38;
	[tilespmem:$0x1E480] =	vst v63  }
0x9e: {  	_ =	swait.ge @!p0 [sflag:s22], $0x4000  }
0x9f: {  	s6 =	sld [smem:$0x7EC]  }
0xa0: {  	[sflag:s22] =	ssyncset.done @!p0 $0x0  }
0xa1: {  	[sflag:s22] =	ssyncadd.s32 @!p0 $0xFFFFC000  }
0xa2: {  	[spmem:s6] =	stream.linear.scatter @!p0 [tilespmem:s1], [sflag:$0x5], $0x4000, $0x38;
	[tilespmem:$0x1E480] =	vst v63  }
0xa3: {  	_ =	swait.ge @!p0 [sflag:s22], $0x4000  }
0xa4: {  	s6 =	sld [smem:$0x7ED]  }
0xa5: {  	[sflag:s22] =	ssyncset.done @!p0 $0x0  }
0xa6: {  	[sflag:s22] =	ssyncadd.s32 @!p0 $0xFFFFC000  }
0xa7: {  	[tilespmem:s1], [sflag:$0x5] =	stream.linear.gather @!p0 [hbm4b:s6+s0], $0x4000, $0x38;
	[tilespmem:$0x1E480] =	vst v63  }
0xa8: {  	_ =	swait.ge @!p0 [sflag:s22], $0x4000  }
0xa9: {  	s6 =	sld [smem:$0x7EE]  }
0xaa: {  	[sflag:s22] =	ssyncset.done @!p0 $0x0  }
0xab: {  	[sflag:s22] =	ssyncadd.s32 @!p0 $0xFFFFC000  }
0xac: {  	[spmem:s6] =	stream.linear.scatter @!p0 [tilespmem:s1], [sflag:$0x5], $0x4000, $0x38;
	[tilespmem:$0x1E480] =	vst v63  }
0xad: {  	_ =	swait.ge @!p0 [sflag:s22], $0x4000  }
0xae: {  	s6 =	sld [smem:$0x7EF]  }
0xaf: {  	[sflag:s22] =	ssyncset.done @!p0 $0x0  }
0xb0: {  	[sflag:s22] =	ssyncadd.s32 @!p0 $0xFFFFC000  }
0xb1: {  	[tilespmem:s1], [sflag:$0x5] =	stream.linear.gather @!p0 [hbm4b:s6+s0], $0x4000, $0x38;
	[tilespmem:$0x1E480] =	vst v63  }
0xb2: {  	_ =	swait.ge @!p0 [sflag:s22], $0x4000  }
0xb3: {  	s6 =	sld [smem:$0x7F0]  }
0xb4: {  	[sflag:s22] =	ssyncset.done @!p0 $0x0  }
0xb5: {  	[sflag:s22] =	ssyncadd.s32 @!p0 $0xFFFFC000  }
0xb6: {  	[spmem:s6] =	stream.linear.scatter @!p0 [tilespmem:s1], [sflag:$0x5], $0x4000, $0x38;
	[tilespmem:$0x1E480] =	vst v63  }
0xb7: {  	_ =	swait.ge @!p0 [sflag:s22], $0x4000  }
0xb8: {  	s6 =	sld [smem:$0x7F1]  }
0xb9: {  	[sflag:s22] =	ssyncset.done @!p0 $0x0  }
0xba: {  	[sflag:s22] =	ssyncadd.s32 @!p0 $0xFFFFC000  }
0xbb: {  	[tilespmem:s1], [sflag:$0x5] =	stream.linear.gather @!p0 [hbm4b:s6+s0], $0x4000, $0x38;
	[tilespmem:$0x1E480] =	vst v63  }
0xbc: {  	_ =	swait.ge @!p0 [sflag:s22], $0x4000  }
0xbd: {  	s0 =	sld [smem:$0x7F2]  }
0xbe: {  	[sflag:s22] =	ssyncset.done @!p0 $0x0  }
0xbf: {  	[sflag:s22] =	ssyncadd.s32 @!p0 $0xFFFFC000  }
0xc0: {  	[spmem:s0] =	stream.linear.scatter @!p0 [tilespmem:s1], [sflag:$0x5], $0x4000, $0x38;
	[tilespmem:$0x1E480] =	vst v63  }
0xc1: {  	_ =	swait.ge @!p0 [sflag:s22], $0x4000  }
0xc2: {  	[sflag:s22] =	ssyncset.done @!p0 $0x0  }
0xc3: {  	[sflag:s22] =	ssyncadd.s32 @!p0 $0xFFFFC000  }
0xc4: {  	[bflag:$0x0] =	sbarrier.arrive $0xFFFF  }
0xc5: {  	s6 =	sld [smem:$0x7E8];
	_ =	sdelay $0x2  }
0xc6: {  	[tilespmem:s9], [sflag:$0x3] =	stream.linear.gather [hbm4b:s6+s3], $0x1400, $0x38;
	[tilespmem:$0x1E480] =	vst v63  }
0xc7: {  	_ =	swait.ge [sflag:s10], $0x1400  }
0xc8: {  	s8 =	smov.u32 s7;
	s7 =	rddreg [dreg:$0x3];
	[sflag:s10] =	ssyncset.done $0x0  }
0xc9: {  	[sflag:s10] =	ssyncadd.s32 $0xFFFFEC00;
	s0 =	sadd.s32 $0x0, s7  }
0xca: {  	[tilespmem:s11], [sflag:$0x4] =	stream.linear.gather [hbm4b:s0+s3], $0x1400, $0x38;
	[tilespmem:$0x1E480] =	vst v63  }
0xcb: {  	_ = 	snop  }
0xcc: {  	[tilespmem:s13], [sflag:$0x1] =	stream.indirect.gather [hbm4b:s5+s12], $0x80, s9, s12, $0xb8;
	[tilespmem:$0x1E480] =	vst v63  }
0xcd: {  	s20 =	rddreg [dreg:$0x4]  }
0xce: {  	[tilespmem:s14], [sflag:$0x2] =	stream.indirect.gather [hbm4b:s5+s12], $0x80, s20, s12, $0xb8;
	[tilespmem:$0x1E480] =	vst v63  }
0xcf: {  	_ =	swait.ge [sflag:s15], $0x4000  }
0xd0: {  	[sflag:s15] =	ssyncset.done $0x0  }
0xd1: {  	s22 =	rddreg [dreg:$0x5];
	[sflag:s15] =	ssyncadd.s32 $0xFFFFC000  }
0xd2: {  	[spmem:s2] =	stream.indirect.scatter.add.f32 [tilespmem:s13], [sflag:$0x5], $0x80, s22, s12, $0xb8;
	[tilespmem:$0x1E480] =	vst v63  }
0xd3: {  	_ =	swait.ge [sflag:s17], $0x4000  }
0xd4: {  	[sflag:s17] =	ssyncset.done $0x0  }
0xd5: {  	s24 =	rddreg [dreg:$0x6];
	[sflag:s17] =	ssyncadd.s32 $0xFFFFC000  }
0xd6: {  	[tilespmem:s13], [sflag:$0x1] =	stream.indirect.gather [hbm4b:s5+s12], $0x80, s24, s12, $0xb8;
	[tilespmem:$0x1E480] =	vst v63  }
0xd7: {  	_ =	swait.ge [sflag:s19], $0x4000  }
0xd8: {  	[sflag:s19] =	ssyncset.done $0x0  }
0xd9: {  	s1 =	rddreg [dreg:$0x7];
	[sflag:s19] =	ssyncadd.s32 $0xFFFFC000  }
0xda: {  	[spmem:s2] =	stream.indirect.scatter.add.f32 [tilespmem:s14], [sflag:$0x5], $0x80, s1, s12, $0xb8;
	[tilespmem:$0x1E480] =	vst v63  }
0xdb: {  	_ =	swait.ge [sflag:s17], $0x4000  }
0xdc: {  	[sflag:s17] =	ssyncset.done $0x0  }
0xdd: {  	s6 =	rddreg [dreg:$0x8];
	[sflag:s17] =	ssyncadd.s32 $0xFFFFC000  }
0xde: {  	[tilespmem:s14], [sflag:$0x2] =	stream.indirect.gather [hbm4b:s5+s12], $0x80, s6, s12, $0xb8;
	[tilespmem:$0x1E480] =	vst v63  }
0xdf: {  	_ =	swait.ge [sflag:s15], $0x4000  }
0xe0: {  	[sflag:s15] =	ssyncset.done $0x0  }
0xe1: {  	s7 =	rddreg [dreg:$0x9];
	[sflag:s15] =	ssyncadd.s32 $0xFFFFC000  }
0xe2: {  	[spmem:s2] =	stream.indirect.scatter.add.f32 [tilespmem:s13], [sflag:$0x5], $0x80, s7, s12, $0xb8;
	[tilespmem:$0x1E480] =	vst v63  }
0xe3: {  	_ =	swait.ge [sflag:s17], $0x4000  }
0xe4: {  	[sflag:s17] =	ssyncset.done $0x0  }
0xe5: {  	s20 =	rddreg [dreg:$0xa];
	[sflag:s17] =	ssyncadd.s32 $0xFFFFC000  }
0xe6: {  	[tilespmem:s13], [sflag:$0x1] =	stream.indirect.gather [hbm4b:s5+s12], $0x80, s20, s12, $0xb8;
	[tilespmem:$0x1E480] =	vst v63  }
0xe7: {  	_ =	swait.ge [sflag:s19], $0x4000  }
0xe8: {  	[sflag:s19] =	ssyncset.done $0x0  }
0xe9: {  	s22 =	rddreg [dreg:$0xb];
	[sflag:s19] =	ssyncadd.s32 $0xFFFFC000  }
0xea: {  	[spmem:s2] =	stream.indirect.scatter.add.f32 [tilespmem:s14], [sflag:$0x5], $0x80, s22, s12, $0xb8;
	[tilespmem:$0x1E480] =	vst v63  }
0xeb: {  	_ =	swait.ge [sflag:s17], $0x4000  }
0xec: {  	[sflag:s17] =	ssyncset.done $0x0  }
0xed: {  	s24 =	rddreg [dreg:$0xc];
	[sflag:s17] =	ssyncadd.s32 $0xFFFFC000  }
0xee: {  	[tilespmem:s14], [sflag:$0x2] =	stream.indirect.gather [hbm4b:s5+s12], $0x80, s24, s12, $0xb8;
	[tilespmem:$0x1E480] =	vst v63  }
0xef: {  	_ =	swait.ge [sflag:s15], $0x4000  }
0xf0: {  	[sflag:s15] =	ssyncset.done $0x0  }
0xf1: {  	s1 =	rddreg [dreg:$0xd];
	[sflag:s15] =	ssyncadd.s32 $0xFFFFC000  }
0xf2: {  	[spmem:s2] =	stream.indirect.scatter.add.f32 [tilespmem:s13], [sflag:$0x5], $0x80, s1, s12, $0xb8;
	[tilespmem:$0x1E480] =	vst v63  }
0xf3: {  	_ =	swait.ge [sflag:s17], $0x4000  }
0xf4: {  	[sflag:s17] =	ssyncset.done $0x0  }
0xf5: {  	s6 =	rddreg [dreg:$0xe];
	[sflag:s17] =	ssyncadd.s32 $0xFFFFC000  }
0xf6: {  	[tilespmem:s13], [sflag:$0x1] =	stream.indirect.gather [hbm4b:s5+s12], $0x80, s6, s12, $0xb8;
	[tilespmem:$0x1E480] =	vst v63  }
0xf7: {  	_ =	swait.ge [sflag:s19], $0x4000  }
0xf8: {  	[sflag:s19] =	ssyncset.done $0x0  }
0xf9: {  	s7 =	rddreg [dreg:$0xf];
	[sflag:s19] =	ssyncadd.s32 $0xFFFFC000  }
0xfa: {  	[spmem:s2] =	stream.indirect.scatter.add.f32 [tilespmem:s14], [sflag:$0x5], $0x80, s7, s12, $0xb8;
	[tilespmem:$0x1E480] =	vst v63  }
0xfb: {  	_ =	swait.ge [sflag:s17], $0x4000  }
0xfc: {  	[sflag:s17] =	ssyncset.done $0x0  }
0xfd: {  	s20 =	rddreg [dreg:$0x10];
	[sflag:s17] =	ssyncadd.s32 $0xFFFFC000  }
0xfe: {  	[tilespmem:s14], [sflag:$0x2] =	stream.indirect.gather [hbm4b:s5+s12], $0x80, s20, s12, $0xb8;
	[tilespmem:$0x1E480] =	vst v63  }
0xff: {  	_ =	swait.ge [sflag:s15], $0x4000  }
0x100: {  	[sflag:s15] =	ssyncset.done $0x0  }
0x101: {  	s22 =	rddreg [dreg:$0x11];
	[sflag:s15] =	ssyncadd.s32 $0xFFFFC000  }
0x102: {  	[spmem:s2] =	stream.indirect.scatter.add.f32 [tilespmem:s13], [sflag:$0x5], $0x80, s22, s12, $0xb8;
	[tilespmem:$0x1E480] =	vst v63  }
0x103: {  	_ =	swait.ge [sflag:s17], $0x4000  }
0x104: {  	[sflag:s17] =	ssyncset.done $0x0  }
0x105: {  	s24 =	rddreg [dreg:$0x12];
	[sflag:s17] =	ssyncadd.s32 $0xFFFFC000  }
0x106: {  	[tilespmem:s13], [sflag:$0x1] =	stream.indirect.gather [hbm4b:s5+s12], $0x80, s24, s12, $0xb8;
	[tilespmem:$0x1E480] =	vst v63  }
0x107: {  	_ =	swait.ge [sflag:s19], $0x4000  }
0x108: {  	[sflag:s19] =	ssyncset.done $0x0  }
0x109: {  	s1 =	rddreg [dreg:$0x13];
	[sflag:s19] =	ssyncadd.s32 $0xFFFFC000  }
0x10a: {  	[spmem:s2] =	stream.indirect.scatter.add.f32 [tilespmem:s14], [sflag:$0x5], $0x80, s1, s12, $0xb8;
	[tilespmem:$0x1E480] =	vst v63  }
0x10b: {  	_ =	swait.ge [sflag:s17], $0x4000  }
0x10c: {  	[sflag:s17] =	ssyncset.done $0x0  }
0x10d: {  	s6 =	rddreg [dreg:$0x14];
	[sflag:s17] =	ssyncadd.s32 $0xFFFFC000  }
0x10e: {  	[tilespmem:s14], [sflag:$0x2] =	stream.indirect.gather [hbm4b:s5+s12], $0x80, s6, s12, $0xb8;
	[tilespmem:$0x1E480] =	vst v63  }
0x10f: {  	_ =	swait.ge [sflag:s15], $0x4000  }
0x110: {  	[sflag:s15] =	ssyncset.done $0x0  }
0x111: {  	s7 =	rddreg [dreg:$0x15];
	[sflag:s15] =	ssyncadd.s32 $0xFFFFC000  }
0x112: {  	[spmem:s2] =	stream.indirect.scatter.add.f32 [tilespmem:s13], [sflag:$0x5], $0x80, s7, s12, $0xb8;
	[tilespmem:$0x1E480] =	vst v63  }
0x113: {  	_ =	swait.ge [sflag:s17], $0x4000  }
0x114: {  	[sflag:s17] =	ssyncset.done $0x0  }
0x115: {  	s20 =	rddreg [dreg:$0x16];
	[sflag:s17] =	ssyncadd.s32 $0xFFFFC000  }
0x116: {  	[tilespmem:s13], [sflag:$0x1] =	stream.indirect.gather [hbm4b:s5+s12], $0x80, s20, s12, $0xb8;
	[tilespmem:$0x1E480] =	vst v63  }
0x117: {  	_ =	swait.ge [sflag:s19], $0x4000  }
0x118: {  	[sflag:s19] =	ssyncset.done $0x0  }
0x119: {  	s22 =	rddreg [dreg:$0x17];
	[sflag:s19] =	ssyncadd.s32 $0xFFFFC000  }
0x11a: {  	[spmem:s2] =	stream.indirect.scatter.add.f32 [tilespmem:s14], [sflag:$0x5], $0x80, s22, s12, $0xb8;
	[tilespmem:$0x1E480] =	vst v63  }
0x11b: {  	_ =	swait.ge [sflag:s17], $0x4000  }
0x11c: {  	[sflag:s17] =	ssyncset.done $0x0  }
0x11d: {  	s24 =	rddreg [dreg:$0x18];
	[sflag:s17] =	ssyncadd.s32 $0xFFFFC000  }
0x11e: {  	[tilespmem:s14], [sflag:$0x2] =	stream.indirect.gather [hbm4b:s5+s12], $0x80, s24, s12, $0xb8;
	[tilespmem:$0x1E480] =	vst v63  }
0x11f: {  	_ =	swait.ge [sflag:s15], $0x4000  }
0x120: {  	[sflag:s15] =	ssyncset.done $0x0  }
0x121: {  	s1 =	rddreg [dreg:$0x19];
	[sflag:s15] =	ssyncadd.s32 $0xFFFFC000  }
0x122: {  	[spmem:s2] =	stream.indirect.scatter.add.f32 [tilespmem:s13], [sflag:$0x5], $0x80, s1, s12, $0xb8;
	[tilespmem:$0x1E480] =	vst v63  }
0x123: {  	_ =	swait.ge [sflag:s17], $0x4000  }
0x124: {  	[sflag:s17] =	ssyncset.done $0x0  }
0x125: {  	s6 =	rddreg [dreg:$0x1a];
	[sflag:s17] =	ssyncadd.s32 $0xFFFFC000  }
0x126: {  	[tilespmem:s13], [sflag:$0x1] =	stream.indirect.gather [hbm4b:s5+s12], $0x80, s6, s12, $0xb8;
	[tilespmem:$0x1E480] =	vst v63  }
0x127: {  	_ =	swait.ge [sflag:s19], $0x4000  }
0x128: {  	[sflag:s19] =	ssyncset.done $0x0  }
0x129: {  	s7 =	rddreg [dreg:$0x1b];
	[sflag:s19] =	ssyncadd.s32 $0xFFFFC000  }
0x12a: {  	[spmem:s2] =	stream.indirect.scatter.add.f32 [tilespmem:s14], [sflag:$0x5], $0x80, s7, s12, $0xb8;
	[tilespmem:$0x1E480] =	vst v63  }
0x12b: {  	_ =	swait.ge [sflag:s17], $0x4000  }
0x12c: {  	[sflag:s17] =	ssyncset.done $0x0  }
0x12d: {  	s20 =	rddreg [dreg:$0x1c];
	[sflag:s17] =	ssyncadd.s32 $0xFFFFC000  }
0x12e: {  	[tilespmem:s14], [sflag:$0x2] =	stream.indirect.gather [hbm4b:s5+s12], $0x80, s20, s12, $0xb8;
	[tilespmem:$0x1E480] =	vst v63  }
0x12f: {  	_ =	swait.ge [sflag:s15], $0x4000  }
0x130: {  	[sflag:s15] =	ssyncset.done $0x0  }
0x131: {  	s22 =	rddreg [dreg:$0x1d];
	[sflag:s15] =	ssyncadd.s32 $0xFFFFC000  }
0x132: {  	[spmem:s2] =	stream.indirect.scatter.add.f32 [tilespmem:s13], [sflag:$0x5], $0x80, s22, s12, $0xb8;
	[tilespmem:$0x1E480] =	vst v63  }
0x133: {  	_ =	swait.ge [sflag:s17], $0x4000  }
0x134: {  	[sflag:s17] =	ssyncset.done $0x0  }
0x135: {  	s24 =	rddreg [dreg:$0x1e];
	[sflag:s17] =	ssyncadd.s32 $0xFFFFC000  }
0x136: {  	[tilespmem:s13], [sflag:$0x1] =	stream.indirect.gather [hbm4b:s5+s12], $0x80, s24, s12, $0xb8;
	[tilespmem:$0x1E480] =	vst v63  }
0x137: {  	_ =	swait.ge [sflag:s19], $0x4000  }
0x138: {  	[sflag:s19] =	ssyncset.done $0x0  }
0x139: {  	s1 =	rddreg [dreg:$0x1f];
	[sflag:s19] =	ssyncadd.s32 $0xFFFFC000  }
0x13a: {  	[spmem:s2] =	stream.indirect.scatter.add.f32 [tilespmem:s14], [sflag:$0x5], $0x80, s1, s12, $0xb8;
	[tilespmem:$0x1E480] =	vst v63  }
0x13b: {  	_ =	swait.ge [sflag:s17], $0x4000  }
0x13c: {  	s6 =	sld [smem:$0x7B8]  }
0x13d: {  	[sflag:s17] =	ssyncset.done $0x0  }
0x13e: {  	[sflag:s17] =	ssyncadd.s32 $0xFFFFC000  }
0x13f: {  	[tilespmem:s14], [sflag:$0x2] =	stream.indirect.gather [hbm4b:s5+s12], $0x80, s6, s12, $0xb8;
	[tilespmem:$0x1E480] =	vst v63  }
0x140: {  	_ =	swait.ge [sflag:s15], $0x4000  }
0x141: {  	s7 =	sld [smem:$0x7B9]  }
0x142: {  	[sflag:s15] =	ssyncset.done $0x0  }
0x143: {  	[sflag:s15] =	ssyncadd.s32 $0xFFFFC000  }
0x144: {  	[spmem:s2] =	stream.indirect.scatter.add.f32 [tilespmem:s13], [sflag:$0x5], $0x80, s7, s12, $0xb8;
	[tilespmem:$0x1E480] =	vst v63  }
0x145: {  	_ =	swait.ge [sflag:s17], $0x4000  }
0x146: {  	s20 =	sld [smem:$0x7BA]  }
0x147: {  	[sflag:s17] =	ssyncset.done $0x0  }
0x148: {  	[sflag:s17] =	ssyncadd.s32 $0xFFFFC000  }
0x149: {  	[tilespmem:s13], [sflag:$0x1] =	stream.indirect.gather [hbm4b:s5+s12], $0x80, s20, s12, $0xb8;
	[tilespmem:$0x1E480] =	vst v63  }
0x14a: {  	_ =	swait.ge [sflag:s19], $0x4000  }
0x14b: {  	s22 =	sld [smem:$0x7BB]  }
0x14c: {  	[sflag:s19] =	ssyncset.done $0x0  }
0x14d: {  	[sflag:s19] =	ssyncadd.s32 $0xFFFFC000  }
0x14e: {  	[spmem:s2] =	stream.indirect.scatter.add.f32 [tilespmem:s14], [sflag:$0x5], $0x80, s22, s12, $0xb8;
	[tilespmem:$0x1E480] =	vst v63  }
0x14f: {  	_ =	swait.ge [sflag:s17], $0x4000  }
0x150: {  	s24 =	sld [smem:$0x7BC]  }
0x151: {  	[sflag:s17] =	ssyncset.done $0x0  }
0x152: {  	[sflag:s17] =	ssyncadd.s32 $0xFFFFC000  }
0x153: {  	[tilespmem:s14], [sflag:$0x2] =	stream.indirect.gather [hbm4b:s5+s12], $0x80, s24, s12, $0xb8;
	[tilespmem:$0x1E480] =	vst v63  }
0x154: {  	_ =	swait.ge [sflag:s15], $0x4000  }
0x155: {  	s1 =	sld [smem:$0x7BD]  }
0x156: {  	[sflag:s15] =	ssyncset.done $0x0  }
0x157: {  	[sflag:s15] =	ssyncadd.s32 $0xFFFFC000  }
0x158: {  	[spmem:s2] =	stream.indirect.scatter.add.f32 [tilespmem:s13], [sflag:$0x5], $0x80, s1, s12, $0xb8;
	[tilespmem:$0x1E480] =	vst v63  }
0x159: {  	_ =	swait.ge [sflag:s17], $0x4000  }
0x15a: {  	s6 =	sld [smem:$0x7BE]  }
0x15b: {  	[sflag:s17] =	ssyncset.done $0x0  }
0x15c: {  	[sflag:s17] =	ssyncadd.s32 $0xFFFFC000  }
0x15d: {  	[tilespmem:s13], [sflag:$0x1] =	stream.indirect.gather [hbm4b:s5+s12], $0x80, s6, s12, $0xb8;
	[tilespmem:$0x1E480] =	vst v63  }
0x15e: {  	_ =	swait.ge [sflag:s19], $0x4000  }
0x15f: {  	s7 =	sld [smem:$0x7BF]  }
0x160: {  	[sflag:s19] =	ssyncset.done $0x0  }
0x161: {  	[sflag:s19] =	ssyncadd.s32 $0xFFFFC000  }
0x162: {  	[spmem:s2] =	stream.indirect.scatter.add.f32 [tilespmem:s14], [sflag:$0x5], $0x80, s7, s12, $0xb8;
	[tilespmem:$0x1E480] =	vst v63  }
0x163: {  	_ =	swait.ge [sflag:s17], $0x4000  }
0x164: {  	s20 =	sld [smem:$0x7C0]  }
0x165: {  	[sflag:s17] =	ssyncset.done $0x0  }
0x166: {  	[sflag:s17] =	ssyncadd.s32 $0xFFFFC000  }
0x167: {  	[tilespmem:s14], [sflag:$0x2] =	stream.indirect.gather [hbm4b:s5+s12], $0x80, s20, s12, $0xb8;
	[tilespmem:$0x1E480] =	vst v63  }
0x168: {  	_ =	swait.ge [sflag:s15], $0x4000  }
0x169: {  	s22 =	sld [smem:$0x7C1]  }
0x16a: {  	[sflag:s15] =	ssyncset.done $0x0  }
0x16b: {  	[sflag:s15] =	ssyncadd.s32 $0xFFFFC000  }
0x16c: {  	[spmem:s2] =	stream.indirect.scatter.add.f32 [tilespmem:s13], [sflag:$0x5], $0x80, s22, s12, $0xb8;
	[tilespmem:$0x1E480] =	vst v63  }
0x16d: {  	_ =	swait.ge [sflag:s17], $0x4000  }
0x16e: {  	[sflag:s17] =	ssyncset.done $0x0  }
0x16f: {  	[sflag:s17] =	ssyncadd.s32 $0xFFFFC000  }
0x170: {  	_ =	swait.ge [sflag:s19], $0x4000  }
0x171: {  	s24 =	sld [smem:$0x7C2]  }
0x172: {  	[sflag:s19] =	ssyncset.done $0x0  }
0x173: {  	[sflag:s19] =	ssyncadd.s32 $0xFFFFC000  }
0x174: {  	[spmem:s2] =	stream.indirect.scatter.add.f32 [tilespmem:s14], [sflag:$0x5], $0x80, s24, s12, $0xb8;
	[tilespmem:$0x1E480] =	vst v63  }
0x175: {  	_ =	swait.ge [sflag:s17], $0x4000  }
0x176: {  	[sflag:s17] =	ssyncset.done $0x0  }
0x177: {  	[sflag:s17] =	ssyncadd.s32 $0xFFFFC000  }
0x178: {  	_ =	swait.ge [sflag:s21], $0x1400  }
0x179: {  	s6 =	sld [smem:$0x7F9];
	_ =	sdelay $0x1  }
0x17a: {  	p1 =	por $0x0, $0x0  }
0x17b: {  	s1 =	simm.s32 @!p1 $0x13C80;
	[sflag:s21] =	ssyncset.done $0x0;
	s0 =	sshrl.u32 @!p1 s6, $0x3  }
0x17c: {  	s22 =	simm.s32 @!p1 $0x0;
	[sflag:s21] =	ssyncadd.s32 $0xFFFFEC00;
	s0 =	sadd.s32 @!p1 s4, s0  }
0x17d: {  	[tilespmem:s1], [sflag:$0x3] =	stream.linear.gather @!p1 [hbm4b:s0+s22], $0x1400, $0x38;
	[tilespmem:$0x1E480] =	vst v63  }
0x17e: {  	s1 =	sld [smem:$0x7C3]  }
0x17f: {  	[tilespmem:s13], [sflag:$0x1] =	stream.indirect.gather [hbm4b:s5+s12], $0x80, s11, s12, $0xb8;
	[tilespmem:$0x1E480] =	vst v63  }
0x180: {  	_ = 	snop  }
0x181: {  	[tilespmem:s14], [sflag:$0x2] =	stream.indirect.gather [hbm4b:s5+s12], $0x80, s1, s12, $0xb8;
	[tilespmem:$0x1E480] =	vst v63  }
0x182: {  	_ =	swait.ge [sflag:s15], $0x4000  }
0x183: {  	s7 =	sld [smem:$0x7C4]  }
0x184: {  	[sflag:s15] =	ssyncset.done $0x0  }
0x185: {  	[sflag:s15] =	ssyncadd.s32 $0xFFFFC000  }
0x186: {  	[spmem:s2] =	stream.indirect.scatter.add.f32 [tilespmem:s13], [sflag:$0x5], $0x80, s7, s12, $0xb8;
	[tilespmem:$0x1E480] =	vst v63  }
0x187: {  	_ =	swait.ge [sflag:s17], $0x4000  }
0x188: {  	s20 =	sld [smem:$0x7C5]  }
0x189: {  	[sflag:s17] =	ssyncset.done $0x0  }
0x18a: {  	[sflag:s17] =	ssyncadd.s32 $0xFFFFC000  }
0x18b: {  	[tilespmem:s13], [sflag:$0x1] =	stream.indirect.gather [hbm4b:s5+s12], $0x80, s20, s12, $0xb8;
	[tilespmem:$0x1E480] =	vst v63  }
0x18c: {  	_ =	swait.ge [sflag:s19], $0x4000  }
0x18d: {  	s22 =	sld [smem:$0x7C6]  }
0x18e: {  	[sflag:s19] =	ssyncset.done $0x0  }
0x18f: {  	[sflag:s19] =	ssyncadd.s32 $0xFFFFC000  }
0x190: {  	[spmem:s2] =	stream.indirect.scatter.add.f32 [tilespmem:s14], [sflag:$0x5], $0x80, s22, s12, $0xb8;
	[tilespmem:$0x1E480] =	vst v63  }
0x191: {  	_ =	swait.ge [sflag:s17], $0x4000  }
0x192: {  	s24 =	sld [smem:$0x7C7]  }
0x193: {  	[sflag:s17] =	ssyncset.done $0x0  }
0x194: {  	[sflag:s17] =	ssyncadd.s32 $0xFFFFC000  }
0x195: {  	[tilespmem:s14], [sflag:$0x2] =	stream.indirect.gather [hbm4b:s5+s12], $0x80, s24, s12, $0xb8;
	[tilespmem:$0x1E480] =	vst v63  }
0x196: {  	_ =	swait.ge [sflag:s15], $0x4000  }
0x197: {  	s1 =	sld [smem:$0x7C8]  }
0x198: {  	[sflag:s15] =	ssyncset.done $0x0  }
0x199: {  	[sflag:s15] =	ssyncadd.s32 $0xFFFFC000  }
0x19a: {  	[spmem:s2] =	stream.indirect.scatter.add.f32 [tilespmem:s13], [sflag:$0x5], $0x80, s1, s12, $0xb8;
	[tilespmem:$0x1E480] =	vst v63  }
0x19b: {  	_ =	swait.ge [sflag:s17], $0x4000  }
0x19c: {  	s7 =	sld [smem:$0x7C9]  }
0x19d: {  	[sflag:s17] =	ssyncset.done $0x0  }
0x19e: {  	[sflag:s17] =	ssyncadd.s32 $0xFFFFC000  }
0x19f: {  	[tilespmem:s13], [sflag:$0x1] =	stream.indirect.gather [hbm4b:s5+s12], $0x80, s7, s12, $0xb8;
	[tilespmem:$0x1E480] =	vst v63  }
0x1a0: {  	_ =	swait.ge [sflag:s19], $0x4000  }
0x1a1: {  	s20 =	sld [smem:$0x7CA]  }
0x1a2: {  	[sflag:s19] =	ssyncset.done $0x0  }
0x1a3: {  	[sflag:s19] =	ssyncadd.s32 $0xFFFFC000  }
0x1a4: {  	[spmem:s2] =	stream.indirect.scatter.add.f32 [tilespmem:s14], [sflag:$0x5], $0x80, s20, s12, $0xb8;
	[tilespmem:$0x1E480] =	vst v63  }
0x1a5: {  	_ =	swait.ge [sflag:s17], $0x4000  }
0x1a6: {  	s22 =	sld [smem:$0x7CB]  }
0x1a7: {  	[sflag:s17] =	ssyncset.done $0x0  }
0x1a8: {  	[sflag:s17] =	ssyncadd.s32 $0xFFFFC000  }
0x1a9: {  	[tilespmem:s14], [sflag:$0x2] =	stream.indirect.gather [hbm4b:s5+s12], $0x80, s22, s12, $0xb8;
	[tilespmem:$0x1E480] =	vst v63  }
0x1aa: {  	_ =	swait.ge [sflag:s15], $0x4000  }
0x1ab: {  	s24 =	sld [smem:$0x7CC]  }
0x1ac: {  	[sflag:s15] =	ssyncset.done $0x0  }
0x1ad: {  	[sflag:s15] =	ssyncadd.s32 $0xFFFFC000  }
0x1ae: {  	[spmem:s2] =	stream.indirect.scatter.add.f32 [tilespmem:s13], [sflag:$0x5], $0x80, s24, s12, $0xb8;
	[tilespmem:$0x1E480] =	vst v63  }
0x1af: {  	_ =	swait.ge [sflag:s17], $0x4000  }
0x1b0: {  	s1 =	sld [smem:$0x7CD]  }
0x1b1: {  	[sflag:s17] =	ssyncset.done $0x0  }
0x1b2: {  	[sflag:s17] =	ssyncadd.s32 $0xFFFFC000  }
0x1b3: {  	[tilespmem:s13], [sflag:$0x1] =	stream.indirect.gather [hbm4b:s5+s12], $0x80, s1, s12, $0xb8;
	[tilespmem:$0x1E480] =	vst v63  }
0x1b4: {  	_ =	swait.ge [sflag:s19], $0x4000  }
0x1b5: {  	s7 =	sld [smem:$0x7CE]  }
0x1b6: {  	[sflag:s19] =	ssyncset.done $0x0  }
0x1b7: {  	[sflag:s19] =	ssyncadd.s32 $0xFFFFC000  }
0x1b8: {  	[spmem:s2] =	stream.indirect.scatter.add.f32 [tilespmem:s14], [sflag:$0x5], $0x80, s7, s12, $0xb8;
	[tilespmem:$0x1E480] =	vst v63  }
0x1b9: {  	_ =	swait.ge [sflag:s17], $0x4000  }
0x1ba: {  	s20 =	sld [smem:$0x7CF]  }
0x1bb: {  	[sflag:s17] =	ssyncset.done $0x0  }
0x1bc: {  	[sflag:s17] =	ssyncadd.s32 $0xFFFFC000  }
0x1bd: {  	[tilespmem:s14], [sflag:$0x2] =	stream.indirect.gather [hbm4b:s5+s12], $0x80, s20, s12, $0xb8;
	[tilespmem:$0x1E480] =	vst v63  }
0x1be: {  	_ =	swait.ge [sflag:s15], $0x4000  }
0x1bf: {  	s22 =	sld [smem:$0x7D0]  }
0x1c0: {  	[sflag:s15] =	ssyncset.done $0x0  }
0x1c1: {  	[sflag:s15] =	ssyncadd.s32 $0xFFFFC000  }
0x1c2: {  	[spmem:s2] =	stream.indirect.scatter.add.f32 [tilespmem:s13], [sflag:$0x5], $0x80, s22, s12, $0xb8;
	[tilespmem:$0x1E480] =	vst v63  }
0x1c3: {  	_ =	swait.ge [sflag:s17], $0x4000  }
0x1c4: {  	s24 =	sld [smem:$0x7D1]  }
0x1c5: {  	[sflag:s17] =	ssyncset.done $0x0  }
0x1c6: {  	[sflag:s17] =	ssyncadd.s32 $0xFFFFC000  }
0x1c7: {  	[tilespmem:s13], [sflag:$0x1] =	stream.indirect.gather [hbm4b:s5+s12], $0x80, s24, s12, $0xb8;
	[tilespmem:$0x1E480] =	vst v63  }
0x1c8: {  	_ =	swait.ge [sflag:s19], $0x4000  }
0x1c9: {  	s1 =	sld [smem:$0x7D2]  }
0x1ca: {  	[sflag:s19] =	ssyncset.done $0x0  }
0x1cb: {  	[sflag:s19] =	ssyncadd.s32 $0xFFFFC000  }
0x1cc: {  	[spmem:s2] =	stream.indirect.scatter.add.f32 [tilespmem:s14], [sflag:$0x5], $0x80, s1, s12, $0xb8;
	[tilespmem:$0x1E480] =	vst v63  }
0x1cd: {  	_ =	swait.ge [sflag:s17], $0x4000  }
0x1ce: {  	s7 =	sld [smem:$0x7D3]  }
0x1cf: {  	[sflag:s17] =	ssyncset.done $0x0  }
0x1d0: {  	[sflag:s17] =	ssyncadd.s32 $0xFFFFC000  }
0x1d1: {  	[tilespmem:s14], [sflag:$0x2] =	stream.indirect.gather [hbm4b:s5+s12], $0x80, s7, s12, $0xb8;
	[tilespmem:$0x1E480] =	vst v63  }
0x1d2: {  	_ =	swait.ge [sflag:s15], $0x4000  }
0x1d3: {  	s20 =	sld [smem:$0x7D4]  }
0x1d4: {  	[sflag:s15] =	ssyncset.done $0x0  }
0x1d5: {  	[sflag:s15] =	ssyncadd.s32 $0xFFFFC000  }
0x1d6: {  	[spmem:s2] =	stream.indirect.scatter.add.f32 [tilespmem:s13], [sflag:$0x5], $0x80, s20, s12, $0xb8;
	[tilespmem:$0x1E480] =	vst v63  }
0x1d7: {  	_ =	swait.ge [sflag:s17], $0x4000  }
0x1d8: {  	s22 =	sld [smem:$0x7D5]  }
0x1d9: {  	[sflag:s17] =	ssyncset.done $0x0  }
0x1da: {  	[sflag:s17] =	ssyncadd.s32 $0xFFFFC000  }
0x1db: {  	[tilespmem:s13], [sflag:$0x1] =	stream.indirect.gather [hbm4b:s5+s12], $0x80, s22, s12, $0xb8;
	[tilespmem:$0x1E480] =	vst v63  }
0x1dc: {  	_ =	swait.ge [sflag:s19], $0x4000  }
0x1dd: {  	s24 =	sld [smem:$0x7D6]  }
0x1de: {  	[sflag:s19] =	ssyncset.done $0x0  }
0x1df: {  	[sflag:s19] =	ssyncadd.s32 $0xFFFFC000  }
0x1e0: {  	[spmem:s2] =	stream.indirect.scatter.add.f32 [tilespmem:s14], [sflag:$0x5], $0x80, s24, s12, $0xb8;
	[tilespmem:$0x1E480] =	vst v63  }
0x1e1: {  	_ =	swait.ge [sflag:s17], $0x4000  }
0x1e2: {  	s1 =	sld [smem:$0x7D7]  }
0x1e3: {  	[sflag:s17] =	ssyncset.done $0x0  }
0x1e4: {  	[sflag:s17] =	ssyncadd.s32 $0xFFFFC000  }
0x1e5: {  	[tilespmem:s14], [sflag:$0x2] =	stream.indirect.gather [hbm4b:s5+s12], $0x80, s1, s12, $0xb8;
	[tilespmem:$0x1E480] =	vst v63  }
0x1e6: {  	_ =	swait.ge [sflag:s15], $0x4000  }
0x1e7: {  	s7 =	sld [smem:$0x7D8]  }
0x1e8: {  	[sflag:s15] =	ssyncset.done $0x0  }
0x1e9: {  	[sflag:s15] =	ssyncadd.s32 $0xFFFFC000  }
0x1ea: {  	[spmem:s2] =	stream.indirect.scatter.add.f32 [tilespmem:s13], [sflag:$0x5], $0x80, s7, s12, $0xb8;
	[tilespmem:$0x1E480] =	vst v63  }
0x1eb: {  	_ =	swait.ge [sflag:s17], $0x4000  }
0x1ec: {  	s20 =	sld [smem:$0x7D9]  }
0x1ed: {  	[sflag:s17] =	ssyncset.done $0x0  }
0x1ee: {  	[sflag:s17] =	ssyncadd.s32 $0xFFFFC000  }
0x1ef: {  	[tilespmem:s13], [sflag:$0x1] =	stream.indirect.gather [hbm4b:s5+s12], $0x80, s20, s12, $0xb8;
	[tilespmem:$0x1E480] =	vst v63  }
0x1f0: {  	_ =	swait.ge [sflag:s19], $0x4000  }
0x1f1: {  	s22 =	sld [smem:$0x7DA]  }
0x1f2: {  	[sflag:s19] =	ssyncset.done $0x0  }
0x1f3: {  	[sflag:s19] =	ssyncadd.s32 $0xFFFFC000  }
0x1f4: {  	[spmem:s2] =	stream.indirect.scatter.add.f32 [tilespmem:s14], [sflag:$0x5], $0x80, s22, s12, $0xb8;
	[tilespmem:$0x1E480] =	vst v63  }
0x1f5: {  	_ =	swait.ge [sflag:s17], $0x4000  }
0x1f6: {  	s24 =	sld [smem:$0x7DC]  }
0x1f7: {  	[sflag:s17] =	ssyncset.done $0x0  }
0x1f8: {  	[sflag:s17] =	ssyncadd.s32 $0xFFFFC000  }
0x1f9: {  	[tilespmem:s14], [sflag:$0x2] =	stream.indirect.gather [hbm4b:s5+s12], $0x80, s24, s12, $0xb8;
	[tilespmem:$0x1E480] =	vst v63  }
0x1fa: {  	_ =	swait.ge [sflag:s15], $0x4000  }
0x1fb: {  	s1 =	sld [smem:$0x7DD]  }
0x1fc: {  	[sflag:s15] =	ssyncset.done $0x0  }
0x1fd: {  	[sflag:s15] =	ssyncadd.s32 $0xFFFFC000  }
0x1fe: {  	[spmem:s2] =	stream.indirect.scatter.add.f32 [tilespmem:s13], [sflag:$0x5], $0x80, s1, s12, $0xb8;
	[tilespmem:$0x1E480] =	vst v63  }
0x1ff: {  	_ =	swait.ge [sflag:s17], $0x4000  }
0x200: {  	s7 =	sld [smem:$0x7DE]  }
0x201: {  	[sflag:s17] =	ssyncset.done $0x0  }
0x202: {  	[sflag:s17] =	ssyncadd.s32 $0xFFFFC000  }
0x203: {  	[tilespmem:s13], [sflag:$0x1] =	stream.indirect.gather [hbm4b:s5+s12], $0x80, s7, s12, $0xb8;
	[tilespmem:$0x1E480] =	vst v63  }
0x204: {  	_ =	swait.ge [sflag:s19], $0x4000  }
0x205: {  	s20 =	sld [smem:$0x7E0]  }
0x206: {  	[sflag:s19] =	ssyncset.done $0x0  }
0x207: {  	[sflag:s19] =	ssyncadd.s32 $0xFFFFC000  }
0x208: {  	[spmem:s2] =	stream.indirect.scatter.add.f32 [tilespmem:s14], [sflag:$0x5], $0x80, s20, s12, $0xb8;
	[tilespmem:$0x1E480] =	vst v63  }
0x209: {  	_ =	swait.ge [sflag:s17], $0x4000  }
0x20a: {  	s22 =	sld [smem:$0x7E1]  }
0x20b: {  	[sflag:s17] =	ssyncset.done $0x0  }
0x20c: {  	[sflag:s17] =	ssyncadd.s32 $0xFFFFC000  }
0x20d: {  	[tilespmem:s14], [sflag:$0x2] =	stream.indirect.gather [hbm4b:s5+s12], $0x80, s22, s12, $0xb8;
	[tilespmem:$0x1E480] =	vst v63  }
0x20e: {  	_ =	swait.ge [sflag:s15], $0x4000  }
0x20f: {  	s24 =	sld [smem:$0x7E2]  }
0x210: {  	[sflag:s15] =	ssyncset.done $0x0  }
0x211: {  	[sflag:s15] =	ssyncadd.s32 $0xFFFFC000  }
0x212: {  	[spmem:s2] =	stream.indirect.scatter.add.f32 [tilespmem:s13], [sflag:$0x5], $0x80, s24, s12, $0xb8;
	[tilespmem:$0x1E480] =	vst v63  }
0x213: {  	_ =	swait.ge [sflag:s17], $0x4000  }
0x214: {  	[sflag:s17] =	ssyncset.done $0x0  }
0x215: {  	[sflag:s17] =	ssyncadd.s32 $0xFFFFC000  }
0x216: {  	[tilespmem:s13], [sflag:$0x1] =	stream.indirect.gather [hbm4b:s5+s12], $0x80, s23, s12, $0xb8;
	[tilespmem:$0x1E480] =	vst v63  }
0x217: {  	_ =	swait.ge [sflag:s19], $0x4000  }
0x218: {  	[sflag:s19] =	ssyncset.done $0x0  }
0x219: {  	[sflag:s19] =	ssyncadd.s32 $0xFFFFC000  }
0x21a: {  	[spmem:s2] =	stream.indirect.scatter.add.f32 [tilespmem:s14], [sflag:$0x5], $0x80, s25, s12, $0xb8;
	[tilespmem:$0x1E480] =	vst v63  }
0x21b: {  	_ =	swait.ge [sflag:s17], $0x4000  }
0x21c: {  	[sflag:s17] =	ssyncset.done $0x0  }
0x21d: {  	[sflag:s17] =	ssyncadd.s32 $0xFFFFC000  }
0x21e: {  	[tilespmem:s14], [sflag:$0x2] =	stream.indirect.gather [hbm4b:s5+s12], $0x80, s26, s12, $0xb8;
	[tilespmem:$0x1E480] =	vst v63  }
0x21f: {  	_ =	swait.ge [sflag:s15], $0x4000  }
0x220: {  	[sflag:s15] =	ssyncset.done $0x0  }
0x221: {  	[sflag:s15] =	ssyncadd.s32 $0xFFFFC000  }
0x222: {  	[spmem:s2] =	stream.indirect.scatter.add.f32 [tilespmem:s13], [sflag:$0x5], $0x80, s28, s12, $0xb8;
	[tilespmem:$0x1E480] =	vst v63  }
0x223: {  	_ =	swait.ge [sflag:s17], $0x4000  }
0x224: {  	[sflag:s17] =	ssyncset.done $0x0  }
0x225: {  	[sflag:s17] =	ssyncadd.s32 $0xFFFFC000  }
0x226: {  	[tilespmem:s13], [sflag:$0x1] =	stream.indirect.gather [hbm4b:s5+s12], $0x80, s29, s12, $0xb8;
	[tilespmem:$0x1E480] =	vst v63  }
0x227: {  	_ =	swait.ge [sflag:s19], $0x4000  }
0x228: {  	[sflag:s19] =	ssyncset.done $0x0  }
0x229: {  	[sflag:s19] =	ssyncadd.s32 $0xFFFFC000  }
0x22a: {  	[spmem:s2] =	stream.indirect.scatter.add.f32 [tilespmem:s14], [sflag:$0x5], $0x80, s30, s12, $0xb8;
	[tilespmem:$0x1E480] =	vst v63  }
0x22b: {  	_ =	swait.ge [sflag:s17], $0x4000  }
0x22c: {  	[sflag:s17] =	ssyncset.done $0x0  }
0x22d: {  	[sflag:s17] =	ssyncadd.s32 $0xFFFFC000  }
0x22e: {  	[tilespmem:s14], [sflag:$0x2] =	stream.indirect.gather [hbm4b:s5+s12], $0x80, s31, s12, $0xb8;
	[tilespmem:$0x1E480] =	vst v63  }
0x22f: {  	_ =	swait.ge [sflag:s15], $0x4000  }
0x230: {  	[sflag:s15] =	ssyncset.done $0x0  }
0x231: {  	[sflag:s15] =	ssyncadd.s32 $0xFFFFC000  }
0x232: {  	[spmem:s2] =	stream.indirect.scatter.add.f32 [tilespmem:s13], [sflag:$0x5], $0x80, s16, s12, $0xb8;
	[tilespmem:$0x1E480] =	vst v63  }
0x233: {  	_ =	swait.ge [sflag:s17], $0x4000  }
0x234: {  	[sflag:s17] =	ssyncset.done $0x0  }
0x235: {  	[sflag:s17] =	ssyncadd.s32 $0xFFFFC000  }
0x236: {  	_ =	swait.ge [sflag:s19], $0x4000  }
0x237: {  	[sflag:s19] =	ssyncset.done $0x0  }
0x238: {  	[sflag:s19] =	ssyncadd.s32 $0xFFFFC000  }
0x239: {  	[spmem:s2] =	stream.indirect.scatter.add.f32 [tilespmem:s14], [sflag:$0x5], $0x80, s18, s12, $0xb8;
	[tilespmem:$0x1E480] =	vst v63  }
0x23a: {  	_ =	swait.ge [sflag:s17], $0x4000  }
0x23b: {  	s1 =	smov.u32 s6;
	s22 =	simm.s32 $0x500;
	[sflag:s17] =	ssyncset.done $0x0  }
.LBB2_2:
0x23c: {  	[sflag:s17] =	ssyncadd.s32 $0xFFFFC000  }
0x23d: {  	_ =	swait.ge [sflag:s10], $0x1400  }
0x23e: {  	s0 =	smov.u32 s22;
	s6 =	rddreg [dreg:$0x3];
	[sflag:s10] =	ssyncset.done $0x0  }
0x23f: {  	[sflag:s10] =	ssyncadd.s32 $0xFFFFEC00;
	s6 =	sadd.s32 s0, s6  }
0x240: {  	[tilespmem:s11], [sflag:$0x4] =	stream.linear.gather [hbm4b:s6+s3], $0x1400, $0x38;
	[tilespmem:$0x1E480] =	vst v63  }
0x241: {  	_ = 	snop  }
0x242: {  	[tilespmem:s13], [sflag:$0x1] =	stream.indirect.gather [hbm4b:s5+s12], $0x80, s9, s12, $0xb8;
	[tilespmem:$0x1E480] =	vst v63  }
0x243: {  	s20 =	rddreg [dreg:$0x4]  }
0x244: {  	[tilespmem:s14], [sflag:$0x2] =	stream.indirect.gather [hbm4b:s5+s12], $0x80, s20, s12, $0xb8;
	[tilespmem:$0x1E480] =	vst v63  }
0x245: {  	_ =	swait.ge [sflag:s15], $0x4000  }
0x246: {  	[sflag:s15] =	ssyncset.done $0x0  }
0x247: {  	s24 =	rddreg [dreg:$0x5];
	[sflag:s15] =	ssyncadd.s32 $0xFFFFC000  }
0x248: {  	[spmem:s2] =	stream.indirect.scatter.add.f32 [tilespmem:s13], [sflag:$0x5], $0x80, s24, s12, $0xb8;
	[tilespmem:$0x1E480] =	vst v63  }
0x249: {  	_ =	swait.ge [sflag:s17], $0x4000  }
0x24a: {  	[sflag:s17] =	ssyncset.done $0x0  }
0x24b: {  	s7 =	rddreg [dreg:$0x6];
	[sflag:s17] =	ssyncadd.s32 $0xFFFFC000  }
0x24c: {  	[tilespmem:s13], [sflag:$0x1] =	stream.indirect.gather [hbm4b:s5+s12], $0x80, s7, s12, $0xb8;
	[tilespmem:$0x1E480] =	vst v63  }
0x24d: {  	_ =	swait.ge [sflag:s19], $0x4000  }
0x24e: {  	[sflag:s19] =	ssyncset.done $0x0  }
0x24f: {  	s20 =	rddreg [dreg:$0x7];
	[sflag:s19] =	ssyncadd.s32 $0xFFFFC000  }
0x250: {  	[spmem:s2] =	stream.indirect.scatter.add.f32 [tilespmem:s14], [sflag:$0x5], $0x80, s20, s12, $0xb8;
	[tilespmem:$0x1E480] =	vst v63  }
0x251: {  	_ =	swait.ge [sflag:s17], $0x4000  }
0x252: {  	[sflag:s17] =	ssyncset.done $0x0  }
0x253: {  	s24 =	rddreg [dreg:$0x8];
	[sflag:s17] =	ssyncadd.s32 $0xFFFFC000  }
0x254: {  	[tilespmem:s14], [sflag:$0x2] =	stream.indirect.gather [hbm4b:s5+s12], $0x80, s24, s12, $0xb8;
	[tilespmem:$0x1E480] =	vst v63  }
0x255: {  	_ =	swait.ge [sflag:s15], $0x4000  }
0x256: {  	[sflag:s15] =	ssyncset.done $0x0  }
0x257: {  	s7 =	rddreg [dreg:$0x9];
	[sflag:s15] =	ssyncadd.s32 $0xFFFFC000  }
0x258: {  	[spmem:s2] =	stream.indirect.scatter.add.f32 [tilespmem:s13], [sflag:$0x5], $0x80, s7, s12, $0xb8;
	[tilespmem:$0x1E480] =	vst v63  }
0x259: {  	_ =	swait.ge [sflag:s17], $0x4000  }
0x25a: {  	[sflag:s17] =	ssyncset.done $0x0  }
0x25b: {  	s20 =	rddreg [dreg:$0xa];
	[sflag:s17] =	ssyncadd.s32 $0xFFFFC000  }
0x25c: {  	[tilespmem:s13], [sflag:$0x1] =	stream.indirect.gather [hbm4b:s5+s12], $0x80, s20, s12, $0xb8;
	[tilespmem:$0x1E480] =	vst v63  }
0x25d: {  	_ =	swait.ge [sflag:s19], $0x4000  }
0x25e: {  	[sflag:s19] =	ssyncset.done $0x0  }
0x25f: {  	s24 =	rddreg [dreg:$0xb];
	[sflag:s19] =	ssyncadd.s32 $0xFFFFC000  }
0x260: {  	[spmem:s2] =	stream.indirect.scatter.add.f32 [tilespmem:s14], [sflag:$0x5], $0x80, s24, s12, $0xb8;
	[tilespmem:$0x1E480] =	vst v63  }
0x261: {  	_ =	swait.ge [sflag:s17], $0x4000  }
0x262: {  	[sflag:s17] =	ssyncset.done $0x0  }
0x263: {  	s7 =	rddreg [dreg:$0xc];
	[sflag:s17] =	ssyncadd.s32 $0xFFFFC000  }
0x264: {  	[tilespmem:s14], [sflag:$0x2] =	stream.indirect.gather [hbm4b:s5+s12], $0x80, s7, s12, $0xb8;
	[tilespmem:$0x1E480] =	vst v63  }
0x265: {  	_ =	swait.ge [sflag:s15], $0x4000  }
0x266: {  	[sflag:s15] =	ssyncset.done $0x0  }
0x267: {  	s20 =	rddreg [dreg:$0xd];
	[sflag:s15] =	ssyncadd.s32 $0xFFFFC000  }
0x268: {  	[spmem:s2] =	stream.indirect.scatter.add.f32 [tilespmem:s13], [sflag:$0x5], $0x80, s20, s12, $0xb8;
	[tilespmem:$0x1E480] =	vst v63  }
0x269: {  	_ =	swait.ge [sflag:s17], $0x4000  }
0x26a: {  	[sflag:s17] =	ssyncset.done $0x0  }
0x26b: {  	s24 =	rddreg [dreg:$0xe];
	[sflag:s17] =	ssyncadd.s32 $0xFFFFC000  }
0x26c: {  	[tilespmem:s13], [sflag:$0x1] =	stream.indirect.gather [hbm4b:s5+s12], $0x80, s24, s12, $0xb8;
	[tilespmem:$0x1E480] =	vst v63  }
0x26d: {  	_ =	swait.ge [sflag:s19], $0x4000  }
0x26e: {  	[sflag:s19] =	ssyncset.done $0x0  }
0x26f: {  	s7 =	rddreg [dreg:$0xf];
	[sflag:s19] =	ssyncadd.s32 $0xFFFFC000  }
0x270: {  	[spmem:s2] =	stream.indirect.scatter.add.f32 [tilespmem:s14], [sflag:$0x5], $0x80, s7, s12, $0xb8;
	[tilespmem:$0x1E480] =	vst v63  }
0x271: {  	_ =	swait.ge [sflag:s17], $0x4000  }
0x272: {  	[sflag:s17] =	ssyncset.done $0x0  }
0x273: {  	s20 =	rddreg [dreg:$0x10];
	[sflag:s17] =	ssyncadd.s32 $0xFFFFC000  }
0x274: {  	[tilespmem:s14], [sflag:$0x2] =	stream.indirect.gather [hbm4b:s5+s12], $0x80, s20, s12, $0xb8;
	[tilespmem:$0x1E480] =	vst v63  }
0x275: {  	_ =	swait.ge [sflag:s15], $0x4000  }
0x276: {  	[sflag:s15] =	ssyncset.done $0x0  }
0x277: {  	s24 =	rddreg [dreg:$0x11];
	[sflag:s15] =	ssyncadd.s32 $0xFFFFC000  }
0x278: {  	[spmem:s2] =	stream.indirect.scatter.add.f32 [tilespmem:s13], [sflag:$0x5], $0x80, s24, s12, $0xb8;
	[tilespmem:$0x1E480] =	vst v63  }
0x279: {  	_ =	swait.ge [sflag:s17], $0x4000  }
0x27a: {  	[sflag:s17] =	ssyncset.done $0x0  }
0x27b: {  	s7 =	rddreg [dreg:$0x12];
	[sflag:s17] =	ssyncadd.s32 $0xFFFFC000  }
0x27c: {  	[tilespmem:s13], [sflag:$0x1] =	stream.indirect.gather [hbm4b:s5+s12], $0x80, s7, s12, $0xb8;
	[tilespmem:$0x1E480] =	vst v63  }
0x27d: {  	_ =	swait.ge [sflag:s19], $0x4000  }
0x27e: {  	[sflag:s19] =	ssyncset.done $0x0  }
0x27f: {  	s20 =	rddreg [dreg:$0x13];
	[sflag:s19] =	ssyncadd.s32 $0xFFFFC000  }
0x280: {  	[spmem:s2] =	stream.indirect.scatter.add.f32 [tilespmem:s14], [sflag:$0x5], $0x80, s20, s12, $0xb8;
	[tilespmem:$0x1E480] =	vst v63  }
0x281: {  	_ =	swait.ge [sflag:s17], $0x4000  }
0x282: {  	[sflag:s17] =	ssyncset.done $0x0  }
0x283: {  	s24 =	rddreg [dreg:$0x14];
	[sflag:s17] =	ssyncadd.s32 $0xFFFFC000  }
0x284: {  	[tilespmem:s14], [sflag:$0x2] =	stream.indirect.gather [hbm4b:s5+s12], $0x80, s24, s12, $0xb8;
	[tilespmem:$0x1E480] =	vst v63  }
0x285: {  	_ =	swait.ge [sflag:s15], $0x4000  }
0x286: {  	[sflag:s15] =	ssyncset.done $0x0  }
0x287: {  	s7 =	rddreg [dreg:$0x15];
	[sflag:s15] =	ssyncadd.s32 $0xFFFFC000  }
0x288: {  	[spmem:s2] =	stream.indirect.scatter.add.f32 [tilespmem:s13], [sflag:$0x5], $0x80, s7, s12, $0xb8;
	[tilespmem:$0x1E480] =	vst v63  }
0x289: {  	_ =	swait.ge [sflag:s17], $0x4000  }
0x28a: {  	[sflag:s17] =	ssyncset.done $0x0  }
0x28b: {  	s20 =	rddreg [dreg:$0x16];
	[sflag:s17] =	ssyncadd.s32 $0xFFFFC000  }
0x28c: {  	[tilespmem:s13], [sflag:$0x1] =	stream.indirect.gather [hbm4b:s5+s12], $0x80, s20, s12, $0xb8;
	[tilespmem:$0x1E480] =	vst v63  }
0x28d: {  	_ =	swait.ge [sflag:s19], $0x4000  }
0x28e: {  	[sflag:s19] =	ssyncset.done $0x0  }
0x28f: {  	s24 =	rddreg [dreg:$0x17];
	[sflag:s19] =	ssyncadd.s32 $0xFFFFC000  }
0x290: {  	[spmem:s2] =	stream.indirect.scatter.add.f32 [tilespmem:s14], [sflag:$0x5], $0x80, s24, s12, $0xb8;
	[tilespmem:$0x1E480] =	vst v63  }
0x291: {  	_ =	swait.ge [sflag:s17], $0x4000  }
0x292: {  	[sflag:s17] =	ssyncset.done $0x0  }
0x293: {  	s7 =	rddreg [dreg:$0x18];
	[sflag:s17] =	ssyncadd.s32 $0xFFFFC000  }
0x294: {  	[tilespmem:s14], [sflag:$0x2] =	stream.indirect.gather [hbm4b:s5+s12], $0x80, s7, s12, $0xb8;
	[tilespmem:$0x1E480] =	vst v63  }
0x295: {  	_ =	swait.ge [sflag:s15], $0x4000  }
0x296: {  	[sflag:s15] =	ssyncset.done $0x0  }
0x297: {  	s20 =	rddreg [dreg:$0x19];
	[sflag:s15] =	ssyncadd.s32 $0xFFFFC000  }
0x298: {  	[spmem:s2] =	stream.indirect.scatter.add.f32 [tilespmem:s13], [sflag:$0x5], $0x80, s20, s12, $0xb8;
	[tilespmem:$0x1E480] =	vst v63  }
0x299: {  	_ =	swait.ge [sflag:s17], $0x4000  }
0x29a: {  	[sflag:s17] =	ssyncset.done $0x0  }
0x29b: {  	s24 =	rddreg [dreg:$0x1a];
	[sflag:s17] =	ssyncadd.s32 $0xFFFFC000  }
0x29c: {  	[tilespmem:s13], [sflag:$0x1] =	stream.indirect.gather [hbm4b:s5+s12], $0x80, s24, s12, $0xb8;
	[tilespmem:$0x1E480] =	vst v63  }
0x29d: {  	_ =	swait.ge [sflag:s19], $0x4000  }
0x29e: {  	[sflag:s19] =	ssyncset.done $0x0  }
0x29f: {  	s7 =	rddreg [dreg:$0x1b];
	[sflag:s19] =	ssyncadd.s32 $0xFFFFC000  }
0x2a0: {  	[spmem:s2] =	stream.indirect.scatter.add.f32 [tilespmem:s14], [sflag:$0x5], $0x80, s7, s12, $0xb8;
	[tilespmem:$0x1E480] =	vst v63  }
0x2a1: {  	_ =	swait.ge [sflag:s17], $0x4000  }
0x2a2: {  	[sflag:s17] =	ssyncset.done $0x0  }
0x2a3: {  	s20 =	rddreg [dreg:$0x1c];
	[sflag:s17] =	ssyncadd.s32 $0xFFFFC000  }
0x2a4: {  	[tilespmem:s14], [sflag:$0x2] =	stream.indirect.gather [hbm4b:s5+s12], $0x80, s20, s12, $0xb8;
	[tilespmem:$0x1E480] =	vst v63  }
0x2a5: {  	_ =	swait.ge [sflag:s15], $0x4000  }
0x2a6: {  	[sflag:s15] =	ssyncset.done $0x0  }
0x2a7: {  	s24 =	rddreg [dreg:$0x1d];
	[sflag:s15] =	ssyncadd.s32 $0xFFFFC000  }
0x2a8: {  	[spmem:s2] =	stream.indirect.scatter.add.f32 [tilespmem:s13], [sflag:$0x5], $0x80, s24, s12, $0xb8;
	[tilespmem:$0x1E480] =	vst v63  }
0x2a9: {  	_ =	swait.ge [sflag:s17], $0x4000  }
0x2aa: {  	[sflag:s17] =	ssyncset.done $0x0  }
0x2ab: {  	s7 =	rddreg [dreg:$0x1e];
	[sflag:s17] =	ssyncadd.s32 $0xFFFFC000  }
0x2ac: {  	[tilespmem:s13], [sflag:$0x1] =	stream.indirect.gather [hbm4b:s5+s12], $0x80, s7, s12, $0xb8;
	[tilespmem:$0x1E480] =	vst v63  }
0x2ad: {  	_ =	swait.ge [sflag:s19], $0x4000  }
0x2ae: {  	[sflag:s19] =	ssyncset.done $0x0  }
0x2af: {  	s20 =	rddreg [dreg:$0x1f];
	[sflag:s19] =	ssyncadd.s32 $0xFFFFC000  }
0x2b0: {  	[spmem:s2] =	stream.indirect.scatter.add.f32 [tilespmem:s14], [sflag:$0x5], $0x80, s20, s12, $0xb8;
	[tilespmem:$0x1E480] =	vst v63  }
0x2b1: {  	_ =	swait.ge [sflag:s17], $0x4000  }
0x2b2: {  	s24 =	sld [smem:$0x7B8]  }
0x2b3: {  	[sflag:s17] =	ssyncset.done $0x0  }
0x2b4: {  	[sflag:s17] =	ssyncadd.s32 $0xFFFFC000  }
0x2b5: {  	[tilespmem:s14], [sflag:$0x2] =	stream.indirect.gather [hbm4b:s5+s12], $0x80, s24, s12, $0xb8;
	[tilespmem:$0x1E480] =	vst v63  }
0x2b6: {  	_ =	swait.ge [sflag:s15], $0x4000  }
0x2b7: {  	s7 =	sld [smem:$0x7B9]  }
0x2b8: {  	[sflag:s15] =	ssyncset.done $0x0  }
0x2b9: {  	[sflag:s15] =	ssyncadd.s32 $0xFFFFC000  }
0x2ba: {  	[spmem:s2] =	stream.indirect.scatter.add.f32 [tilespmem:s13], [sflag:$0x5], $0x80, s7, s12, $0xb8;
	[tilespmem:$0x1E480] =	vst v63  }
0x2bb: {  	_ =	swait.ge [sflag:s17], $0x4000  }
0x2bc: {  	s20 =	sld [smem:$0x7BA]  }
0x2bd: {  	[sflag:s17] =	ssyncset.done $0x0  }
0x2be: {  	[sflag:s17] =	ssyncadd.s32 $0xFFFFC000  }
0x2bf: {  	[tilespmem:s13], [sflag:$0x1] =	stream.indirect.gather [hbm4b:s5+s12], $0x80, s20, s12, $0xb8;
	[tilespmem:$0x1E480] =	vst v63  }
0x2c0: {  	_ =	swait.ge [sflag:s19], $0x4000  }
0x2c1: {  	s24 =	sld [smem:$0x7BB]  }
0x2c2: {  	[sflag:s19] =	ssyncset.done $0x0  }
0x2c3: {  	[sflag:s19] =	ssyncadd.s32 $0xFFFFC000  }
0x2c4: {  	[spmem:s2] =	stream.indirect.scatter.add.f32 [tilespmem:s14], [sflag:$0x5], $0x80, s24, s12, $0xb8;
	[tilespmem:$0x1E480] =	vst v63  }
0x2c5: {  	_ =	swait.ge [sflag:s17], $0x4000  }
0x2c6: {  	s7 =	sld [smem:$0x7BC]  }
0x2c7: {  	[sflag:s17] =	ssyncset.done $0x0  }
0x2c8: {  	[sflag:s17] =	ssyncadd.s32 $0xFFFFC000  }
0x2c9: {  	[tilespmem:s14], [sflag:$0x2] =	stream.indirect.gather [hbm4b:s5+s12], $0x80, s7, s12, $0xb8;
	[tilespmem:$0x1E480] =	vst v63  }
0x2ca: {  	_ =	swait.ge [sflag:s15], $0x4000  }
0x2cb: {  	s20 =	sld [smem:$0x7BD]  }
0x2cc: {  	[sflag:s15] =	ssyncset.done $0x0  }
0x2cd: {  	[sflag:s15] =	ssyncadd.s32 $0xFFFFC000  }
0x2ce: {  	[spmem:s2] =	stream.indirect.scatter.add.f32 [tilespmem:s13], [sflag:$0x5], $0x80, s20, s12, $0xb8;
	[tilespmem:$0x1E480] =	vst v63  }
0x2cf: {  	_ =	swait.ge [sflag:s17], $0x4000  }
0x2d0: {  	s24 =	sld [smem:$0x7BE]  }
0x2d1: {  	[sflag:s17] =	ssyncset.done $0x0  }
0x2d2: {  	[sflag:s17] =	ssyncadd.s32 $0xFFFFC000  }
0x2d3: {  	[tilespmem:s13], [sflag:$0x1] =	stream.indirect.gather [hbm4b:s5+s12], $0x80, s24, s12, $0xb8;
	[tilespmem:$0x1E480] =	vst v63  }
0x2d4: {  	_ =	swait.ge [sflag:s19], $0x4000  }
0x2d5: {  	s7 =	sld [smem:$0x7BF]  }
0x2d6: {  	[sflag:s19] =	ssyncset.done $0x0  }
0x2d7: {  	[sflag:s19] =	ssyncadd.s32 $0xFFFFC000  }
0x2d8: {  	[spmem:s2] =	stream.indirect.scatter.add.f32 [tilespmem:s14], [sflag:$0x5], $0x80, s7, s12, $0xb8;
	[tilespmem:$0x1E480] =	vst v63  }
0x2d9: {  	_ =	swait.ge [sflag:s17], $0x4000  }
0x2da: {  	s20 =	sld [smem:$0x7C0]  }
0x2db: {  	[sflag:s17] =	ssyncset.done $0x0  }
0x2dc: {  	[sflag:s17] =	ssyncadd.s32 $0xFFFFC000  }
0x2dd: {  	[tilespmem:s14], [sflag:$0x2] =	stream.indirect.gather [hbm4b:s5+s12], $0x80, s20, s12, $0xb8;
	[tilespmem:$0x1E480] =	vst v63  }
0x2de: {  	_ =	swait.ge [sflag:s15], $0x4000  }
0x2df: {  	s24 =	sld [smem:$0x7C1]  }
0x2e0: {  	[sflag:s15] =	ssyncset.done $0x0  }
0x2e1: {  	[sflag:s15] =	ssyncadd.s32 $0xFFFFC000  }
0x2e2: {  	[spmem:s2] =	stream.indirect.scatter.add.f32 [tilespmem:s13], [sflag:$0x5], $0x80, s24, s12, $0xb8;
	[tilespmem:$0x1E480] =	vst v63  }
0x2e3: {  	_ =	swait.ge [sflag:s17], $0x4000  }
0x2e4: {  	[sflag:s17] =	ssyncset.done $0x0  }
0x2e5: {  	[sflag:s17] =	ssyncadd.s32 $0xFFFFC000  }
0x2e6: {  	_ =	swait.ge [sflag:s19], $0x4000  }
0x2e7: {  	s7 =	sld [smem:$0x7C2]  }
0x2e8: {  	[sflag:s19] =	ssyncset.done $0x0  }
0x2e9: {  	[sflag:s19] =	ssyncadd.s32 $0xFFFFC000  }
0x2ea: {  	[spmem:s2] =	stream.indirect.scatter.add.f32 [tilespmem:s14], [sflag:$0x5], $0x80, s7, s12, $0xb8;
	[tilespmem:$0x1E480] =	vst v63  }
0x2eb: {  	_ =	swait.ge [sflag:s17], $0x4000  }
0x2ec: {  	[sflag:s17] =	ssyncset.done $0x0  }
0x2ed: {  	[sflag:s17] =	ssyncadd.s32 $0xFFFFC000  }
0x2ee: {  	s1 =	sadd.s32 $0x2800, s1;
	p2 =	seq.s32 s0, $0xF00;
	_ =	swait.ge [sflag:s21], $0x1400  }
0x2ef: {  	s0 =	sshrl.u32 @!p2 s1, $0x3;
	s6 =	simm.s32 @!p2 $0x13C80;
	[sflag:s21] =	ssyncset.done $0x0  }
0x2f0: {  	s0 =	sadd.s32 @!p2 s4, s0;
	s7 =	simm.s32 @!p2 $0x0;
	[sflag:s21] =	ssyncadd.s32 $0xFFFFEC00  }
0x2f1: {  	[tilespmem:s6], [sflag:$0x3] =	stream.linear.gather @!p2 [hbm4b:s0+s7], $0x1400, $0x38;
	[tilespmem:$0x1E480] =	vst v63  }
0x2f2: {  	s20 =	sld [smem:$0x7C3]  }
0x2f3: {  	[tilespmem:s13], [sflag:$0x1] =	stream.indirect.gather [hbm4b:s5+s12], $0x80, s11, s12, $0xb8;
	[tilespmem:$0x1E480] =	vst v63  }
0x2f4: {  	_ = 	snop  }
0x2f5: {  	[tilespmem:s14], [sflag:$0x2] =	stream.indirect.gather [hbm4b:s5+s12], $0x80, s20, s12, $0xb8;
	[tilespmem:$0x1E480] =	vst v63  }
0x2f6: {  	_ =	swait.ge [sflag:s15], $0x4000  }
0x2f7: {  	s24 =	sld [smem:$0x7C4]  }
0x2f8: {  	[sflag:s15] =	ssyncset.done $0x0  }
0x2f9: {  	[sflag:s15] =	ssyncadd.s32 $0xFFFFC000  }
0x2fa: {  	[spmem:s2] =	stream.indirect.scatter.add.f32 [tilespmem:s13], [sflag:$0x5], $0x80, s24, s12, $0xb8;
	[tilespmem:$0x1E480] =	vst v63  }
0x2fb: {  	_ =	swait.ge [sflag:s17], $0x4000  }
0x2fc: {  	s6 =	sld [smem:$0x7C5]  }
0x2fd: {  	[sflag:s17] =	ssyncset.done $0x0  }
0x2fe: {  	[sflag:s17] =	ssyncadd.s32 $0xFFFFC000  }
0x2ff: {  	[tilespmem:s13], [sflag:$0x1] =	stream.indirect.gather [hbm4b:s5+s12], $0x80, s6, s12, $0xb8;
	[tilespmem:$0x1E480] =	vst v63  }
0x300: {  	_ =	swait.ge [sflag:s19], $0x4000  }
0x301: {  	s7 =	sld [smem:$0x7C6]  }
0x302: {  	[sflag:s19] =	ssyncset.done $0x0  }
0x303: {  	[sflag:s19] =	ssyncadd.s32 $0xFFFFC000  }
0x304: {  	[spmem:s2] =	stream.indirect.scatter.add.f32 [tilespmem:s14], [sflag:$0x5], $0x80, s7, s12, $0xb8;
	[tilespmem:$0x1E480] =	vst v63  }
0x305: {  	_ =	swait.ge [sflag:s17], $0x4000  }
0x306: {  	s20 =	sld [smem:$0x7C7]  }
0x307: {  	[sflag:s17] =	ssyncset.done $0x0  }
0x308: {  	[sflag:s17] =	ssyncadd.s32 $0xFFFFC000  }
0x309: {  	[tilespmem:s14], [sflag:$0x2] =	stream.indirect.gather [hbm4b:s5+s12], $0x80, s20, s12, $0xb8;
	[tilespmem:$0x1E480] =	vst v63  }
0x30a: {  	_ =	swait.ge [sflag:s15], $0x4000  }
0x30b: {  	s24 =	sld [smem:$0x7C8]  }
0x30c: {  	[sflag:s15] =	ssyncset.done $0x0  }
0x30d: {  	[sflag:s15] =	ssyncadd.s32 $0xFFFFC000  }
0x30e: {  	[spmem:s2] =	stream.indirect.scatter.add.f32 [tilespmem:s13], [sflag:$0x5], $0x80, s24, s12, $0xb8;
	[tilespmem:$0x1E480] =	vst v63  }
0x30f: {  	_ =	swait.ge [sflag:s17], $0x4000  }
0x310: {  	s6 =	sld [smem:$0x7C9]  }
0x311: {  	[sflag:s17] =	ssyncset.done $0x0  }
0x312: {  	[sflag:s17] =	ssyncadd.s32 $0xFFFFC000  }
0x313: {  	[tilespmem:s13], [sflag:$0x1] =	stream.indirect.gather [hbm4b:s5+s12], $0x80, s6, s12, $0xb8;
	[tilespmem:$0x1E480] =	vst v63  }
0x314: {  	_ =	swait.ge [sflag:s19], $0x4000  }
0x315: {  	s7 =	sld [smem:$0x7CA]  }
0x316: {  	[sflag:s19] =	ssyncset.done $0x0  }
0x317: {  	[sflag:s19] =	ssyncadd.s32 $0xFFFFC000  }
0x318: {  	[spmem:s2] =	stream.indirect.scatter.add.f32 [tilespmem:s14], [sflag:$0x5], $0x80, s7, s12, $0xb8;
	[tilespmem:$0x1E480] =	vst v63  }
0x319: {  	_ =	swait.ge [sflag:s17], $0x4000  }
0x31a: {  	s20 =	sld [smem:$0x7CB]  }
0x31b: {  	[sflag:s17] =	ssyncset.done $0x0  }
0x31c: {  	[sflag:s17] =	ssyncadd.s32 $0xFFFFC000  }
0x31d: {  	[tilespmem:s14], [sflag:$0x2] =	stream.indirect.gather [hbm4b:s5+s12], $0x80, s20, s12, $0xb8;
	[tilespmem:$0x1E480] =	vst v63  }
0x31e: {  	_ =	swait.ge [sflag:s15], $0x4000  }
0x31f: {  	s24 =	sld [smem:$0x7CC]  }
0x320: {  	[sflag:s15] =	ssyncset.done $0x0  }
0x321: {  	[sflag:s15] =	ssyncadd.s32 $0xFFFFC000  }
0x322: {  	[spmem:s2] =	stream.indirect.scatter.add.f32 [tilespmem:s13], [sflag:$0x5], $0x80, s24, s12, $0xb8;
	[tilespmem:$0x1E480] =	vst v63  }
0x323: {  	_ =	swait.ge [sflag:s17], $0x4000  }
0x324: {  	s6 =	sld [smem:$0x7CD]  }
0x325: {  	[sflag:s17] =	ssyncset.done $0x0  }
0x326: {  	[sflag:s17] =	ssyncadd.s32 $0xFFFFC000  }
0x327: {  	[tilespmem:s13], [sflag:$0x1] =	stream.indirect.gather [hbm4b:s5+s12], $0x80, s6, s12, $0xb8;
	[tilespmem:$0x1E480] =	vst v63  }
0x328: {  	_ =	swait.ge [sflag:s19], $0x4000  }
0x329: {  	s7 =	sld [smem:$0x7CE]  }
0x32a: {  	[sflag:s19] =	ssyncset.done $0x0  }
0x32b: {  	[sflag:s19] =	ssyncadd.s32 $0xFFFFC000  }
0x32c: {  	[spmem:s2] =	stream.indirect.scatter.add.f32 [tilespmem:s14], [sflag:$0x5], $0x80, s7, s12, $0xb8;
	[tilespmem:$0x1E480] =	vst v63  }
0x32d: {  	_ =	swait.ge [sflag:s17], $0x4000  }
0x32e: {  	s20 =	sld [smem:$0x7CF]  }
0x32f: {  	[sflag:s17] =	ssyncset.done $0x0  }
0x330: {  	[sflag:s17] =	ssyncadd.s32 $0xFFFFC000  }
0x331: {  	[tilespmem:s14], [sflag:$0x2] =	stream.indirect.gather [hbm4b:s5+s12], $0x80, s20, s12, $0xb8;
	[tilespmem:$0x1E480] =	vst v63  }
0x332: {  	_ =	swait.ge [sflag:s15], $0x4000  }
0x333: {  	s24 =	sld [smem:$0x7D0]  }
0x334: {  	[sflag:s15] =	ssyncset.done $0x0  }
0x335: {  	[sflag:s15] =	ssyncadd.s32 $0xFFFFC000  }
0x336: {  	[spmem:s2] =	stream.indirect.scatter.add.f32 [tilespmem:s13], [sflag:$0x5], $0x80, s24, s12, $0xb8;
	[tilespmem:$0x1E480] =	vst v63  }
0x337: {  	_ =	swait.ge [sflag:s17], $0x4000  }
0x338: {  	s6 =	sld [smem:$0x7D1]  }
0x339: {  	[sflag:s17] =	ssyncset.done $0x0  }
0x33a: {  	[sflag:s17] =	ssyncadd.s32 $0xFFFFC000  }
0x33b: {  	[tilespmem:s13], [sflag:$0x1] =	stream.indirect.gather [hbm4b:s5+s12], $0x80, s6, s12, $0xb8;
	[tilespmem:$0x1E480] =	vst v63  }
0x33c: {  	_ =	swait.ge [sflag:s19], $0x4000  }
0x33d: {  	s7 =	sld [smem:$0x7D2]  }
0x33e: {  	[sflag:s19] =	ssyncset.done $0x0  }
0x33f: {  	[sflag:s19] =	ssyncadd.s32 $0xFFFFC000  }
0x340: {  	[spmem:s2] =	stream.indirect.scatter.add.f32 [tilespmem:s14], [sflag:$0x5], $0x80, s7, s12, $0xb8;
	[tilespmem:$0x1E480] =	vst v63  }
0x341: {  	_ =	swait.ge [sflag:s17], $0x4000  }
0x342: {  	s20 =	sld [smem:$0x7D3]  }
0x343: {  	[sflag:s17] =	ssyncset.done $0x0  }
0x344: {  	[sflag:s17] =	ssyncadd.s32 $0xFFFFC000  }
0x345: {  	[tilespmem:s14], [sflag:$0x2] =	stream.indirect.gather [hbm4b:s5+s12], $0x80, s20, s12, $0xb8;
	[tilespmem:$0x1E480] =	vst v63  }
0x346: {  	_ =	swait.ge [sflag:s15], $0x4000  }
0x347: {  	s24 =	sld [smem:$0x7D4]  }
0x348: {  	[sflag:s15] =	ssyncset.done $0x0  }
0x349: {  	[sflag:s15] =	ssyncadd.s32 $0xFFFFC000  }
0x34a: {  	[spmem:s2] =	stream.indirect.scatter.add.f32 [tilespmem:s13], [sflag:$0x5], $0x80, s24, s12, $0xb8;
	[tilespmem:$0x1E480] =	vst v63  }
0x34b: {  	_ =	swait.ge [sflag:s17], $0x4000  }
0x34c: {  	s6 =	sld [smem:$0x7D5]  }
0x34d: {  	[sflag:s17] =	ssyncset.done $0x0  }
0x34e: {  	[sflag:s17] =	ssyncadd.s32 $0xFFFFC000  }
0x34f: {  	[tilespmem:s13], [sflag:$0x1] =	stream.indirect.gather [hbm4b:s5+s12], $0x80, s6, s12, $0xb8;
	[tilespmem:$0x1E480] =	vst v63  }
0x350: {  	_ =	swait.ge [sflag:s19], $0x4000  }
0x351: {  	s7 =	sld [smem:$0x7D6]  }
0x352: {  	[sflag:s19] =	ssyncset.done $0x0  }
0x353: {  	[sflag:s19] =	ssyncadd.s32 $0xFFFFC000  }
0x354: {  	[spmem:s2] =	stream.indirect.scatter.add.f32 [tilespmem:s14], [sflag:$0x5], $0x80, s7, s12, $0xb8;
	[tilespmem:$0x1E480] =	vst v63  }
0x355: {  	_ =	swait.ge [sflag:s17], $0x4000  }
0x356: {  	s20 =	sld [smem:$0x7D7]  }
0x357: {  	[sflag:s17] =	ssyncset.done $0x0  }
0x358: {  	[sflag:s17] =	ssyncadd.s32 $0xFFFFC000  }
0x359: {  	[tilespmem:s14], [sflag:$0x2] =	stream.indirect.gather [hbm4b:s5+s12], $0x80, s20, s12, $0xb8;
	[tilespmem:$0x1E480] =	vst v63  }
0x35a: {  	_ =	swait.ge [sflag:s15], $0x4000  }
0x35b: {  	s24 =	sld [smem:$0x7D8]  }
0x35c: {  	[sflag:s15] =	ssyncset.done $0x0  }
0x35d: {  	[sflag:s15] =	ssyncadd.s32 $0xFFFFC000  }
0x35e: {  	[spmem:s2] =	stream.indirect.scatter.add.f32 [tilespmem:s13], [sflag:$0x5], $0x80, s24, s12, $0xb8;
	[tilespmem:$0x1E480] =	vst v63  }
0x35f: {  	_ =	swait.ge [sflag:s17], $0x4000  }
0x360: {  	s6 =	sld [smem:$0x7D9]  }
0x361: {  	[sflag:s17] =	ssyncset.done $0x0  }
0x362: {  	[sflag:s17] =	ssyncadd.s32 $0xFFFFC000  }
0x363: {  	[tilespmem:s13], [sflag:$0x1] =	stream.indirect.gather [hbm4b:s5+s12], $0x80, s6, s12, $0xb8;
	[tilespmem:$0x1E480] =	vst v63  }
0x364: {  	_ =	swait.ge [sflag:s19], $0x4000  }
0x365: {  	s7 =	sld [smem:$0x7DA]  }
0x366: {  	[sflag:s19] =	ssyncset.done $0x0  }
0x367: {  	[sflag:s19] =	ssyncadd.s32 $0xFFFFC000  }
0x368: {  	[spmem:s2] =	stream.indirect.scatter.add.f32 [tilespmem:s14], [sflag:$0x5], $0x80, s7, s12, $0xb8;
	[tilespmem:$0x1E480] =	vst v63  }
0x369: {  	_ =	swait.ge [sflag:s17], $0x4000  }
0x36a: {  	s20 =	sld [smem:$0x7DC]  }
0x36b: {  	[sflag:s17] =	ssyncset.done $0x0  }
0x36c: {  	[sflag:s17] =	ssyncadd.s32 $0xFFFFC000  }
0x36d: {  	[tilespmem:s14], [sflag:$0x2] =	stream.indirect.gather [hbm4b:s5+s12], $0x80, s20, s12, $0xb8;
	[tilespmem:$0x1E480] =	vst v63  }
0x36e: {  	_ =	swait.ge [sflag:s15], $0x4000  }
0x36f: {  	s24 =	sld [smem:$0x7DD]  }
0x370: {  	[sflag:s15] =	ssyncset.done $0x0  }
0x371: {  	[sflag:s15] =	ssyncadd.s32 $0xFFFFC000  }
0x372: {  	[spmem:s2] =	stream.indirect.scatter.add.f32 [tilespmem:s13], [sflag:$0x5], $0x80, s24, s12, $0xb8;
	[tilespmem:$0x1E480] =	vst v63  }
0x373: {  	_ =	swait.ge [sflag:s17], $0x4000  }
0x374: {  	s6 =	sld [smem:$0x7DE]  }
0x375: {  	[sflag:s17] =	ssyncset.done $0x0  }
0x376: {  	[sflag:s17] =	ssyncadd.s32 $0xFFFFC000  }
0x377: {  	[tilespmem:s13], [sflag:$0x1] =	stream.indirect.gather [hbm4b:s5+s12], $0x80, s6, s12, $0xb8;
	[tilespmem:$0x1E480] =	vst v63  }
0x378: {  	_ =	swait.ge [sflag:s19], $0x4000  }
0x379: {  	s7 =	sld [smem:$0x7E0]  }
0x37a: {  	[sflag:s19] =	ssyncset.done $0x0  }
0x37b: {  	[sflag:s19] =	ssyncadd.s32 $0xFFFFC000  }
0x37c: {  	[spmem:s2] =	stream.indirect.scatter.add.f32 [tilespmem:s14], [sflag:$0x5], $0x80, s7, s12, $0xb8;
	[tilespmem:$0x1E480] =	vst v63  }
0x37d: {  	_ =	swait.ge [sflag:s17], $0x4000  }
0x37e: {  	s20 =	sld [smem:$0x7E1]  }
0x37f: {  	[sflag:s17] =	ssyncset.done $0x0  }
0x380: {  	[sflag:s17] =	ssyncadd.s32 $0xFFFFC000  }
0x381: {  	[tilespmem:s14], [sflag:$0x2] =	stream.indirect.gather [hbm4b:s5+s12], $0x80, s20, s12, $0xb8;
	[tilespmem:$0x1E480] =	vst v63  }
0x382: {  	_ =	swait.ge [sflag:s15], $0x4000  }
0x383: {  	s24 =	sld [smem:$0x7E2]  }
0x384: {  	[sflag:s15] =	ssyncset.done $0x0  }
0x385: {  	[sflag:s15] =	ssyncadd.s32 $0xFFFFC000  }
0x386: {  	[spmem:s2] =	stream.indirect.scatter.add.f32 [tilespmem:s13], [sflag:$0x5], $0x80, s24, s12, $0xb8;
	[tilespmem:$0x1E480] =	vst v63  }
0x387: {  	_ =	swait.ge [sflag:s17], $0x4000  }
0x388: {  	[sflag:s17] =	ssyncset.done $0x0  }
0x389: {  	[sflag:s17] =	ssyncadd.s32 $0xFFFFC000  }
0x38a: {  	[tilespmem:s13], [sflag:$0x1] =	stream.indirect.gather [hbm4b:s5+s12], $0x80, s23, s12, $0xb8;
	[tilespmem:$0x1E480] =	vst v63  }
0x38b: {  	_ =	swait.ge [sflag:s19], $0x4000  }
0x38c: {  	[sflag:s19] =	ssyncset.done $0x0  }
0x38d: {  	[sflag:s19] =	ssyncadd.s32 $0xFFFFC000  }
0x38e: {  	[spmem:s2] =	stream.indirect.scatter.add.f32 [tilespmem:s14], [sflag:$0x5], $0x80, s25, s12, $0xb8;
	[tilespmem:$0x1E480] =	vst v63  }
0x38f: {  	_ =	swait.ge [sflag:s17], $0x4000  }
0x390: {  	[sflag:s17] =	ssyncset.done $0x0  }
0x391: {  	[sflag:s17] =	ssyncadd.s32 $0xFFFFC000  }
0x392: {  	[tilespmem:s14], [sflag:$0x2] =	stream.indirect.gather [hbm4b:s5+s12], $0x80, s26, s12, $0xb8;
	[tilespmem:$0x1E480] =	vst v63  }
0x393: {  	_ =	swait.ge [sflag:s15], $0x4000  }
0x394: {  	[sflag:s15] =	ssyncset.done $0x0  }
0x395: {  	[sflag:s15] =	ssyncadd.s32 $0xFFFFC000  }
0x396: {  	[spmem:s2] =	stream.indirect.scatter.add.f32 [tilespmem:s13], [sflag:$0x5], $0x80, s28, s12, $0xb8;
	[tilespmem:$0x1E480] =	vst v63  }
0x397: {  	_ =	swait.ge [sflag:s17], $0x4000  }
0x398: {  	[sflag:s17] =	ssyncset.done $0x0  }
0x399: {  	[sflag:s17] =	ssyncadd.s32 $0xFFFFC000  }
0x39a: {  	[tilespmem:s13], [sflag:$0x1] =	stream.indirect.gather [hbm4b:s5+s12], $0x80, s29, s12, $0xb8;
	[tilespmem:$0x1E480] =	vst v63  }
0x39b: {  	_ =	swait.ge [sflag:s19], $0x4000  }
0x39c: {  	[sflag:s19] =	ssyncset.done $0x0  }
0x39d: {  	[sflag:s19] =	ssyncadd.s32 $0xFFFFC000  }
0x39e: {  	[spmem:s2] =	stream.indirect.scatter.add.f32 [tilespmem:s14], [sflag:$0x5], $0x80, s30, s12, $0xb8;
	[tilespmem:$0x1E480] =	vst v63  }
0x39f: {  	_ =	swait.ge [sflag:s17], $0x4000  }
0x3a0: {  	[sflag:s17] =	ssyncset.done $0x0  }
0x3a1: {  	[sflag:s17] =	ssyncadd.s32 $0xFFFFC000  }
0x3a2: {  	[tilespmem:s14], [sflag:$0x2] =	stream.indirect.gather [hbm4b:s5+s12], $0x80, s31, s12, $0xb8;
	[tilespmem:$0x1E480] =	vst v63  }
0x3a3: {  	_ =	swait.ge [sflag:s15], $0x4000  }
0x3a4: {  	[sflag:s15] =	ssyncset.done $0x0  }
0x3a5: {  	[sflag:s15] =	ssyncadd.s32 $0xFFFFC000  }
0x3a6: {  	[spmem:s2] =	stream.indirect.scatter.add.f32 [tilespmem:s13], [sflag:$0x5], $0x80, s16, s12, $0xb8;
	[tilespmem:$0x1E480] =	vst v63  }
0x3a7: {  	_ =	swait.ge [sflag:s17], $0x4000  }
0x3a8: {  	[sflag:s17] =	ssyncset.done $0x0  }
0x3a9: {  	s22 =	sadd.s32 $0x500, s22;
	[sflag:s17] =	ssyncadd.s32 $0xFFFFC000  }
0x3aa: {  	p1 =	sne.s32 s22, $0x1400;
	_ =	swait.ge [sflag:s19], $0x4000  }
.Ltmp0:
0x3ab: {  	[sflag:s19] =	ssyncset.done $0x0;
	(pc) =	sbr.rel @p1 .LBB2_2-.Ltmp0, $4  }
0x3ac: {  	[sflag:s19] =	ssyncadd.s32 $0xFFFFC000  }
0x3ad: {  	[spmem:s2] =	stream.indirect.scatter.add.f32 [tilespmem:s14], [sflag:$0x5], $0x80, s18, s12, $0xb8;
	[tilespmem:$0x1E480] =	vst v63  }
0x3ae: {  	_ =	swait.ge [sflag:s17], $0x4000  }
0x3af: {  	[sflag:s17] =	ssyncset.done $0x0  }
0x3b0: {  	[sflag:s17] =	ssyncadd.s32 $0xFFFFC000  }
0x3b1: {  	[bflag:$0x0] =	sbarrier.arrive $0xFFFF  }
0x3b2: {  	s1 =	sld [smem:$0x7FA];
	_ =	sdelay $0x1  }
0x3b3: {  	s0 =	simm.s32 @p0 $0x16480  }
0x3b4: {  	[tilespmem:s0], [sflag:$0x5] =	stream.linear.gather @p0 [spmem:s1], $0x4000, $0x38;
	[tilespmem:$0x1E480] =	vst v63  }
0x3b5: {  	s1 =	simm.s32 @p0 $0x5  }
0x3b6: {  	_ =	swait.ge @p0 [sflag:s1], $0x4000  }
0x3b7: {  	s7 =	sld [smem:$0x7F6]  }
0x3b8: {  	[sflag:s1] =	ssyncset.done @p0 $0x0  }
0x3b9: {  	s6 =	simm.s32 @p0 $0x0;
	[sflag:s1] =	ssyncadd.s32 @p0 $0xFFFFC000  }
0x3ba: {  	[hbm4b:s7+s6] =	stream.linear.scatter @p0 [tilespmem:s0], [sflag:$0x5], $0x4000, $0x38;
	[tilespmem:$0x1E480] =	vst v63  }
0x3bb: {  	_ =	swait.ge @p0 [sflag:s1], $0x4000  }
0x3bc: {  	s20 =	sld [smem:$0x7FC]  }
0x3bd: {  	[sflag:s1] =	ssyncset.done @p0 $0x0  }
0x3be: {  	[sflag:s1] =	ssyncadd.s32 @p0 $0xFFFFC000  }
0x3bf: {  	[tilespmem:s0], [sflag:$0x5] =	stream.linear.gather @p0 [spmem:s20], $0x4000, $0x38;
	[tilespmem:$0x1E480] =	vst v63  }
0x3c0: {  	_ =	swait.ge @p0 [sflag:s1], $0x4000  }
0x3c1: {  	s7 =	sld [smem:$0x7F7]  }
0x3c2: {  	[sflag:s1] =	ssyncset.done @p0 $0x0  }
0x3c3: {  	[sflag:s1] =	ssyncadd.s32 @p0 $0xFFFFC000  }
0x3c4: {  	[hbm4b:s7+s6] =	stream.linear.scatter @p0 [tilespmem:s0], [sflag:$0x5], $0x4000, $0x38;
	[tilespmem:$0x1E480] =	vst v63  }
0x3c5: {  	_ =	swait.ge @p0 [sflag:s1], $0x4000  }
0x3c6: {  	s24 =	sld [smem:$0x7FD]  }
0x3c7: {  	[sflag:s1] =	ssyncset.done @p0 $0x0  }
0x3c8: {  	[sflag:s1] =	ssyncadd.s32 @p0 $0xFFFFC000  }
0x3c9: {  	[tilespmem:s0], [sflag:$0x5] =	stream.linear.gather @p0 [spmem:s24], $0x4000, $0x38;
	[tilespmem:$0x1E480] =	vst v63  }
0x3ca: {  	_ =	swait.ge @p0 [sflag:s1], $0x4000  }
0x3cb: {  	s7 =	sld [smem:$0x7F8]  }
0x3cc: {  	[sflag:s1] =	ssyncset.done @p0 $0x0  }
0x3cd: {  	[sflag:s1] =	ssyncadd.s32 @p0 $0xFFFFC000  }
0x3ce: {  	[hbm4b:s7+s6] =	stream.linear.scatter @p0 [tilespmem:s0], [sflag:$0x5], $0x4000, $0x38;
	[tilespmem:$0x1E480] =	vst v63  }
0x3cf: {  	_ =	swait.ge @p0 [sflag:s1], $0x4000  }
0x3d0: {  	s22 =	sld [smem:$0x7FB]  }
0x3d1: {  	[sflag:s1] =	ssyncset.done @p0 $0x0  }
0x3d2: {  	[sflag:s1] =	ssyncadd.s32 @p0 $0xFFFFC000  }
0x3d3: {  	[tilespmem:s0], [sflag:$0x5] =	stream.linear.gather @p0 [spmem:s22], $0x800, $0x38;
	[tilespmem:$0x1E480] =	vst v63  }
0x3d4: {  	_ =	swait.ge @p0 [sflag:s1], $0x800  }
0x3d5: {  	s7 =	sld [smem:$0x7E6]  }
0x3d6: {  	[sflag:s1] =	ssyncset.done @p0 $0x0  }
0x3d7: {  	[sflag:s1] =	ssyncadd.s32 @p0 $0xFFFFF800  }
0x3d8: {  	[hbm4b:s7+s6] =	stream.linear.scatter @p0 [tilespmem:s0], [sflag:$0x5], $0x800, $0x38;
	[tilespmem:$0x1E480] =	vst v63  }
0x3d9: {  	_ =	swait.ge @p0 [sflag:s1], $0x800  }
0x3da: {  	[sflag:s1] =	ssyncset.done @p0 $0x0  }
0x3db: {  	s0 =	simm.s32 @!p0 $0x16480;
	[sflag:s1] =	ssyncadd.s32 @p0 $0xFFFFF800;
	s1 =	simm.s32 @!p0 $0x5  }
0x3dc: {  	[tilespmem:s0], [sflag:$0x5] =	stream.linear.gather @!p0 [spmem:s8], $0x4000, $0x38;
	[tilespmem:$0x1E480] =	vst v63  }
0x3dd: {  	_ =	swait.ge @!p0 [sflag:s1], $0x4000  }
0x3de: {  	s7 =	sld [smem:$0x7DB]  }
0x3df: {  	[sflag:s1] =	ssyncset.done @!p0 $0x0  }
0x3e0: {  	s6 =	simm.s32 @!p0 $0x0;
	[sflag:s1] =	ssyncadd.s32 @!p0 $0xFFFFC000  }
0x3e1: {  	[hbm4b:s7+s6] =	stream.linear.scatter @!p0 [tilespmem:s0], [sflag:$0x5], $0x4000, $0x38;
	[tilespmem:$0x1E480] =	vst v63  }
0x3e2: {  	_ =	swait.ge @!p0 [sflag:s1], $0x4000  }
0x3e3: {  	s7 =	sld [smem:$0x7EC]  }
0x3e4: {  	[sflag:s1] =	ssyncset.done @!p0 $0x0  }
0x3e5: {  	[sflag:s1] =	ssyncadd.s32 @!p0 $0xFFFFC000  }
0x3e6: {  	[tilespmem:s0], [sflag:$0x5] =	stream.linear.gather @!p0 [spmem:s7], $0x4000, $0x38;
	[tilespmem:$0x1E480] =	vst v63  }
0x3e7: {  	_ =	swait.ge @!p0 [sflag:s1], $0x4000  }
0x3e8: {  	s7 =	sld [smem:$0x7DF]  }
0x3e9: {  	[sflag:s1] =	ssyncset.done @!p0 $0x0  }
0x3ea: {  	[sflag:s1] =	ssyncadd.s32 @!p0 $0xFFFFC000  }
0x3eb: {  	[hbm4b:s7+s6] =	stream.linear.scatter @!p0 [tilespmem:s0], [sflag:$0x5], $0x4000, $0x38;
	[tilespmem:$0x1E480] =	vst v63  }
0x3ec: {  	_ =	swait.ge @!p0 [sflag:s1], $0x4000  }
0x3ed: {  	s7 =	sld [smem:$0x7EE]  }
0x3ee: {  	[sflag:s1] =	ssyncset.done @!p0 $0x0  }
0x3ef: {  	[sflag:s1] =	ssyncadd.s32 @!p0 $0xFFFFC000  }
0x3f0: {  	[tilespmem:s0], [sflag:$0x5] =	stream.linear.gather @!p0 [spmem:s7], $0x4000, $0x38;
	[tilespmem:$0x1E480] =	vst v63  }
0x3f1: {  	_ =	swait.ge @!p0 [sflag:s1], $0x4000  }
0x3f2: {  	s7 =	sld [smem:$0x7E3]  }
0x3f3: {  	[sflag:s1] =	ssyncset.done @!p0 $0x0  }
0x3f4: {  	[sflag:s1] =	ssyncadd.s32 @!p0 $0xFFFFC000  }
0x3f5: {  	[hbm4b:s7+s6] =	stream.linear.scatter @!p0 [tilespmem:s0], [sflag:$0x5], $0x4000, $0x38;
	[tilespmem:$0x1E480] =	vst v63  }
0x3f6: {  	_ =	swait.ge @!p0 [sflag:s1], $0x4000  }
0x3f7: {  	s7 =	sld [smem:$0x7F0]  }
0x3f8: {  	[sflag:s1] =	ssyncset.done @!p0 $0x0  }
0x3f9: {  	[sflag:s1] =	ssyncadd.s32 @!p0 $0xFFFFC000  }
0x3fa: {  	[tilespmem:s0], [sflag:$0x5] =	stream.linear.gather @!p0 [spmem:s7], $0x4000, $0x38;
	[tilespmem:$0x1E480] =	vst v63  }
0x3fb: {  	_ =	swait.ge @!p0 [sflag:s1], $0x4000  }
0x3fc: {  	s7 =	sld [smem:$0x7E4]  }
0x3fd: {  	[sflag:s1] =	ssyncset.done @!p0 $0x0  }
0x3fe: {  	[sflag:s1] =	ssyncadd.s32 @!p0 $0xFFFFC000  }
0x3ff: {  	[hbm4b:s7+s6] =	stream.linear.scatter @!p0 [tilespmem:s0], [sflag:$0x5], $0x4000, $0x38;
	[tilespmem:$0x1E480] =	vst v63  }
0x400: {  	_ =	swait.ge @!p0 [sflag:s1], $0x4000  }
0x401: {  	s7 =	sld [smem:$0x7F2]  }
0x402: {  	[sflag:s1] =	ssyncset.done @!p0 $0x0  }
0x403: {  	[sflag:s1] =	ssyncadd.s32 @!p0 $0xFFFFC000  }
0x404: {  	[tilespmem:s0], [sflag:$0x5] =	stream.linear.gather @!p0 [spmem:s7], $0x4000, $0x38;
	[tilespmem:$0x1E480] =	vst v63  }
0x405: {  	_ =	swait.ge @!p0 [sflag:s1], $0x4000  }
0x406: {  	s7 =	sld [smem:$0x7E5]  }
0x407: {  	[sflag:s1] =	ssyncset.done @!p0 $0x0  }
0x408: {  	[sflag:s1] =	ssyncadd.s32 @!p0 $0xFFFFC000  }
0x409: {  	[hbm4b:s7+s6] =	stream.linear.scatter @!p0 [tilespmem:s0], [sflag:$0x5], $0x4000, $0x38;
	[tilespmem:$0x1E480] =	vst v63  }
0x40a: {  	_ =	swait.ge @!p0 [sflag:s1], $0x4000  }
0x40b: {  	s0 =	sld [smem:$0x7B7]  }
0x40c: {  	s7 =	smov.u32 s8;
	s8 =	smov.u32 s22;
	s22 =	sld [smem:$0x7E9]  }
0x40d: {  	_ = 	snop  }
0x40e: {  	s6 =	sadd.s32 $0x1, s0  }
0x40f: {  	p1 =	sne.s32 s6, s22  }
.Ltmp1:
0x410: {  	_ = 	snop;
	(pc) =	sbr.rel @p1 .LBB2_1-.Ltmp1, $3  }
0x411: {  	_ =	sdelay $0x1  }
0x412: {  	[sflag:s1] =	ssyncset.done @!p0 $0x0  }
0x413: {  	[sflag:s1] =	ssyncadd.s32 @!p0 $0xFFFFC000  }
0x414: {  	_ =	sfence.sel $0x180000  }
0x415: {  	[bflag:$0x0] =	sbarrier.arrive $0xFFFF  }
0x416: {  	_ =	strace $0x9000004D  }
0x417: {  	s0 =	stileid.u32;
	[bflag:$0x2] =	sbarrier.arrive $0xFFFF  }
0x418: {  	p0 =	sne.s32 s0, $0x0;
	s0 =	rddreg [dreg:$0x2]  }
0x419: {  	s0 =	sadd.s32 @!p0 $0x100000, s0  }
0x41a: {  	[sflag:s0] =	ssyncadd.tile.s32 @!p0 $0x1;
	_ =	shalt  }
.Lfunc_end2:
_tile_overlayer_lowered:
.L_overlay_start_2:
0x41b: {  	(tag) =	ssettag $0x2  }
0x41c: {  	s0 =	rddreg [dreg:$0x0];
	s2 =	stileid.u32  }
0x41d: {  	s1 =	rddreg [dreg:$0x1];
	p0 =	sne.s32 s2, $0x0  }
0x41e: {  	s3 =	rddreg [dreg:$0x2];
	[bflag:$0x3] =	sbarrier.arrive $0xFFFF;
	s2 =	simm.s32 @!p0 $0x1C05  }
0x41f: {  	[timem:s3], [sflag:s2] =	dma.local @!p0 [hbm:s0], s1  }
0x420: {  	s0 =	simm.s32 @!p0 $0x5  }
0x421: {  	_ =	swait.ge @!p0 [sflag:s0], s1  }
0x422: {  	s1 =	ssub.s32 @!p0 $0x0, s1;
	[sflag:s0] =	ssyncset.done @!p0 $0x0  }
0x423: {  	[sflag:s0] =	ssyncadd.s32 @!p0 s1  }
0x424: {  	[bflag:$0x3] =	sbarrier.arrive $0xFFFF  }
0x425: {  	_ =	shalt  }

// kernel: kernel.8.cloned.1.call-start
scs
__scs_entry_jumppad:
0x0: {  	(pc) =	sbr.rel $0x88, $3  }
0x1: {  	(tag) =	ssettag $0x0;
	lr =	simm.s32 $0x1  }
0x2: {  	[smem:$0x3F8D] =	sst lr;
	_ =	strace $0xD0000000  }
0x3: {  	_ = 	snop  }
0x4: {  	_ = 	snop  }
0x5: {  	_ = 	snop  }
0x6: {  	_ = 	snop  }
0x7: {  	_ = 	snop  }
__scs_overlays_trampoline_lowered:
0x8: {  	[smem:$0x3F9C] =	sst s0  }
0x9: {  	[smem:$0x3F9D] =	sst s1  }
0xa: {  	[smem:$0x3F9E] =	sst s2  }
0xb: {  	[smem:$0x3F9F] =	sst s3  }
0xc: {  	[smem:$0x3FA0] =	sst s4  }
0xd: {  	[smem:$0x3FA1] =	sst s5  }
0xe: {  	[smem:$0x3FA2] =	sst s6  }
0xf: {  	[smem:$0x3FA3] =	sst s7  }
0x10: {  	[smem:$0x3FA4] =	sst s8  }
0x11: {  	[smem:$0x3FA5] =	sst s9;
	s0 =	simm.s32 @!p0 $0x0  }
0x12: {  	s1 =	sld [smem:$0x3F8B];
	s0 =	simm.s32 @p0 $0x1  }
0x13: {  	[smem:$0x3FA6] =	sst s0;
	s0 =	simm.s32 @!p1 $0x0  }
0x14: {  	s2 =	sld [smem:$0x3F8A];
	s0 =	simm.s32 @p1 $0x1  }
0x15: {  	[smem:$0x3FA7] =	sst s0;
	s0 =	simm.s32 @!p2 $0x0  }
0x16: {  	s3 =	sld [smem:$0x3FDB];
	s0 =	simm.s32 @p2 $0x1  }
0x17: {  	s4 =	simm.s32 $0x1BF5;
	[smem:$0x3FA9] =	sst s0  }
0x18: {  	s0 =	sld [smem:$0x3F8C];
	_ =	swait.ge [sflag:s4], $0x0  }
0x19: {  	s7 =	sld [smem:$0x3F8D]  }
0x1a: {  	s8 =	sadd.s32 $0xFFFFE003, lr  }
0x1b: {  	s9 =	sadd.s32 $0xFFFFFEF7, lr;
	s5 =	simm.s32 $0xFFFFFFFF;
	p2 =	slt.u32 s8, $0xFFFFF086  }
0x1c: {  	p1 =	slt.u32 s9, $0xF7A;
	s5 =	simm.s32 @!p2 $0x0  }
0x1d: {  	s5 =	simm.s32 @p1 $0x1;
	p0 =	seq.s32 s7, s2  }
0x1e: {  	s7 =	smul.u32 @!p0 $0xF7A, s2;
	p2 =	seq.s32 @!p0 s5, $0x0  }
0x1f: {  	s9 =	smul.u32 $0xF7A, s1;
	s8 =	simm.s32 @!p0 $0x1BF5;
	p2 =	por !p2, p0  }
0x20: {  	[sflag:s8] =	ssyncset.s32 @!p0 $0xFFFFF086;
	s6 =	sadd.s32 @!p0 s3, s7;
	s7 =	simm.s32 @!p0 $0x108  }
0x21: {  	s3 =	sadd.s32 s3, s9;
	s6 =	sadd.s32 @!p0 $0x88, s6;
	s7 =	simm.s32 @p2 $0x1082  }
0x22: {  	[simem:s7], [sflag:s8] =	dma.local @!p0 [hbm:s6], $0xF7A  }
0x23: {  	s9 =	sor.u32 $0xD0000000, s2;
	s6 =	simm.s32 $0x108;
	_ =	swait.ge @!p0 [sflag:s8], $0x0  }
0x24: {  	s3 =	sadd.s32 $0x88, s3;
	s6 =	simm.s32 @!p1 $0x1082;
	[sflag:s4] =	ssyncset.s32 $0xFFFFF086  }
0x25: {  	[simem:s6], [sflag:s4] =	dma.local [hbm:s3], $0xF7A  }
0x26: {  	[smem:$0x3F8D] =	sst s1;
	(tag) =	ssettag s2;
	_ =	strace s9  }
0x27: {  	s1 =	sld [smem:$0x3F9D]  }
0x28: {  	s2 =	sld [smem:$0x3F9E]  }
0x29: {  	s4 =	sld [smem:$0x3FA0]  }
0x2a: {  	p0 =	seq.s32 s5, $0x0;
	s5 =	sld [smem:$0x3FA1]  }
0x2b: {  	s6 =	sld [smem:$0x3FA2]  }
0x2c: {  	s7 =	sld [smem:$0x3FA3]  }
0x2d: {  	s3 =	simm.s32 $0x108;
	s8 =	sld [smem:$0x3FA4]  }
0x2e: {  	s3 =	simm.s32 @!p0 $0x1082;
	s9 =	sld [smem:$0x3FA5]  }
0x2f: {  	lr =	sadd.s32 s0, s3;
	s0 =	sld [smem:$0x3F9C]  }
0x30: {  	s3 =	sld [smem:$0x3F9F]  }
0x31: {  	[smem:$0x3FA8] =	sst s10  }
0x32: {  	s10 =	sld [smem:$0x3FA6];
	_ =	sdelay $0x3  }
0x33: {  	p0 =	seq.s32 s10, $0x1;
	s10 =	sld [smem:$0x3FA8];
	_ =	sdelay $0x3  }
0x34: {  	[smem:$0x3FA8] =	sst s10  }
0x35: {  	s10 =	sld [smem:$0x3FA7];
	_ =	sdelay $0x3  }
0x36: {  	p1 =	seq.s32 s10, $0x1;
	s10 =	sld [smem:$0x3FA8];
	_ =	sdelay $0x3  }
0x37: {  	[smem:$0x3FA8] =	sst s10  }
0x38: {  	s10 =	sld [smem:$0x3FA9]  }
0x39: {  	_ = 	snop;
	(pc) =	sbr.ind lr, $3  }
0x3a: {  	_ = 	snop  }
0x3b: {  	_ = 	snop  }
0x3c: {  	p2 =	seq.s32 s10, $0x1;
	s10 =	sld [smem:$0x3FA8]  }
0x3d: {  	_ =	shalt  }
0x3e: {  	_ =	shalt  }
0x3f: {  	_ =	shalt  }
0x40: {  	_ =	shalt  }
0x41: {  	_ =	shalt  }
0x42: {  	_ =	shalt  }
0x43: {  	_ =	shalt  }
0x44: {  	_ =	shalt  }
0x45: {  	_ =	shalt  }
0x46: {  	_ =	shalt  }
0x47: {  	_ =	shalt  }
0x48: {  	_ =	shalt  }
0x49: {  	_ =	shalt  }
0x4a: {  	_ =	shalt  }
0x4b: {  	_ =	shalt  }
0x4c: {  	_ =	shalt  }
0x4d: {  	_ =	shalt  }
0x4e: {  	_ =	shalt  }
0x4f: {  	_ =	shalt  }
0x50: {  	_ =	shalt  }
0x51: {  	_ =	shalt  }
0x52: {  	_ =	shalt  }
0x53: {  	_ =	shalt  }
0x54: {  	_ =	shalt  }
0x55: {  	_ =	shalt  }
0x56: {  	_ =	shalt  }
0x57: {  	_ =	shalt  }
0x58: {  	_ =	shalt  }
0x59: {  	_ =	shalt  }
0x5a: {  	_ =	shalt  }
0x5b: {  	_ =	shalt  }
0x5c: {  	_ =	shalt  }
0x5d: {  	_ =	shalt  }
0x5e: {  	_ =	shalt  }
0x5f: {  	_ =	shalt  }
0x60: {  	_ =	shalt  }
0x61: {  	_ =	shalt  }
0x62: {  	_ =	shalt  }
0x63: {  	_ =	shalt  }
0x64: {  	_ =	shalt  }
0x65: {  	_ =	shalt  }
0x66: {  	_ =	shalt  }
0x67: {  	_ =	shalt  }
0x68: {  	_ =	shalt  }
0x69: {  	_ =	shalt  }
0x6a: {  	_ =	shalt  }
0x6b: {  	_ =	shalt  }
0x6c: {  	_ =	shalt  }
0x6d: {  	_ =	shalt  }
0x6e: {  	_ =	shalt  }
0x6f: {  	_ =	shalt  }
0x70: {  	_ =	shalt  }
0x71: {  	_ =	shalt  }
0x72: {  	_ =	shalt  }
0x73: {  	_ =	shalt  }
0x74: {  	_ =	shalt  }
0x75: {  	_ =	shalt  }
0x76: {  	_ =	shalt  }
0x77: {  	_ =	shalt  }
0x78: {  	_ =	shalt  }
0x79: {  	_ =	shalt  }
0x7a: {  	_ =	shalt  }
0x7b: {  	_ =	shalt  }
0x7c: {  	_ =	shalt  }
0x7d: {  	_ =	shalt  }
0x7e: {  	_ =	shalt  }
0x7f: {  	_ =	shalt  }
0x80: {  	_ =	shalt  }
0x81: {  	_ =	shalt  }
0x82: {  	_ =	shalt  }
0x83: {  	_ =	shalt  }
0x84: {  	_ =	shalt  }
0x85: {  	_ =	shalt  }
0x86: {  	_ =	shalt  }
0x87: {  	_ =	shalt  }
.Lfunc_end0:
.L_simem_size_0:
called_computation_lowered:
.L_overlay_start_0:
0x88: {  	s2 =	sld [smem:$0x3FD9]  }
0x89: {  	s3 =	sld [smem:$0x3FFE];
	_ =	sdelay $0x1  }
0x8a: {  	s1 =	srdreg.scid  }
0x8b: {  	s0 =	sand.u32 $0x1, s1  }
0x8c: {  	s14 =	sshll.u32 s0, $0xA;
	s2 =	sadd.s32 s3, s2  }
0x8d: {  	s2 =	sadd.s32 s2, s14  }
0x8e: {  	[smem:$0x3FB4] =	sst s2  }
0x8f: {  	_ = 	snop  }
0x90: {  	s2 =	sld [smem:$0x3FD0];
	_ =	sdelay $0x2  }
0x91: {  	s4 =	simm.s32 $0xA;
	s5 =	simm.s32 $0x10;
	s15 =	sld [smem:$0x3FC9]  }
0x92: {  	[smem:s5], [sflag:s4] =	dma.local [hbm:s2], $0x1  }
0x93: {  	_ =	swait.eq [sflag:s4], $0x1  }
0x94: {  	[sflag:s4] =	ssyncset.done $0x0  }
0x95: {  	[sflag:s4] =	ssyncadd.s32 $0xFFFFFFFF  }
0x96: {  	s16 =	sld [smem:$0x11];
	(tm) =	ssettm $0x1  }
0x97: {  	s17 =	sld [smem:$0x3FFB];
	_ =	sdelay $0x3  }
0x98: {  	_ =	strace s17  }
0x99: {  	s4 =	sld [smem:$0x3FFC];
	_ =	sdelay $0x3  }
0x9a: {  	_ =	strace s4  }
0x9b: {  	s4 =	sld [smem:$0x3FFD];
	_ =	sdelay $0x3  }
0x9c: {  	_ =	strace s4  }
0x9d: {  	_ =	strace $0x8FFFFFFF  }
0x9e: {  	s18 =	sld [smem:$0x3FDB];
	_ =	sdelay $0x1  }
0x9f: {  	s19 =	simm.s32 $_scs_section_size  }
0xa0: {  	s6 =	simm.s32 $_size__tile_overlayer_lowered;
	s7 =	simm.s32 $_tile_overlayer_lowered  }
0xa1: {  	s22 =	simm.s32 $0x1BFF;
	s21 =	sshll.u32 s7, $0x1;
	s4 =	sadd.s32 s19, s18  }
0xa2: {  	s8 =	simm.s32 $0x0;
	s20 =	sshll.u32 s6, $0x1;
	s6 =	sadd.s32 s21, s4  }
0xa3: {  	[timem:s8], [sflag:s22] =	dma.local [hbm:s6], s20  }
0xa4: {  	_ =	swait.ge [sflag:s22], s20  }
0xa5: {  	s5 =	ssub.s32 $0x0, s20;
	[sflag:s22] =	ssyncset.done $0x0  }
0xa6: {  	[sflag:s22] =	ssyncadd.s32 s5;
	_ =	sdelay $0x1  }
0xa7: {  	s23 =	simm.s32 $0x1B8B  }
0xa8: {  	_ =	swait.ge [sflag:s23], $0x1  }
0xa9: {  	[sflag:s23] =	ssyncset.done $0x0  }
0xaa: {  	s25 =	simm.s32 $0x1B8E;
	s24 =	sld [smem:$0x3FFE];
	[sflag:s23] =	ssyncadd.s32 $0xFFFFFFFF  }
0xab: {  	s26 =	simm.s32 $execute0_lowered;
	[smem:$0x3FD2] =	sst s25  }
0xac: {  	s6 =	sshll.u32 s26, $0x1;
	_ =	strace $0x80000046;
	[dreg:$0x1] =	wrdreg $0xFFFFFFFF  }
0xad: {  	s28 =	simm.s32 $_size_execute0_lowered;
	s4 =	sadd.s32 s4, s6;
	[dreg:$0x0] =	wrdreg $0x0  }
0xae: {  	s6 =	sshll.u32 s28, $0x1;
	[dreg:$0x2] =	wrdreg s4  }
0xaf: {  	[dreg:$0x3] =	wrdreg s6  }
0xb0: {  	[dreg:$0x4] =	wrdreg $0xC0  }
0xb1: {  	_ =	task [dreg:s8], $0x5FFFF  }
0xb2: {  	[dreg:$0x1] =	wrdreg $0xFFFFFFFF  }
0xb3: {  	[dreg:$0x0] =	wrdreg $0x60  }
0xb4: {  	[dreg:$0x2] =	wrdreg s15  }
0xb5: {  	[dreg:$0x3] =	wrdreg s24  }
0xb6: {  	[dreg:$0x4] =	wrdreg s16  }
0xb7: {  	[dreg:$0x5] =	wrdreg $0x0  }
0xb8: {  	[dreg:$0x6] =	wrdreg $0x9  }
0xb9: {  	_ =	task.clear_ibuf [dreg:s8], $0x7FFFF;
	_ =	strace $0x90000046  }
0xba: {  	s29 =	simm.s32 $0x9;
	_ =	strace $0x80000048  }
0xbb: {  	_ =	swait.ge [sflag:s29], $0x1  }
0xbc: {  	[sflag:s29] =	ssyncadd.s32 $0xFFFFFFFF  }
0xbd: {  	_ =	strace $0x90000048  }
0xbe: {  	_ =	sfence  }
0xbf: {  	s30 =	sld [smem:$0x0];
	_ =	sdelay $0x2  }
0xc0: {  	s31 =	sshll.u32 s1, $0xD;
	s1 =	sshrl.u32 s1, $0x2  }
0xc1: {  	s3 =	sand.u32 $0x4000, s31;
	s1 =	sadd.s32 s1, s30  }
0xc2: {  	s0 =	sor.u32 s3, s0;
	s1 =	sshll.u32 s1, $0x11  }
0xc3: {  	s0 =	sor.u32 s1, s0  }
0xc4: {  	s0 =	sadd.s32 $0x8F2B, s0  }
0xc5: {  	[sflag:s0] =	ssyncadd.remote.s32 $0x1  }
0xc6: {  	_ =	sfence.sel $0xFFFF  }
0xc7: {  	[dreg:$0x0] =	wrdreg $0xFFFFFFFF;
	(pc) =	sbr.abs _section_cstart, $3  }
0xc8: {  	[dreg:$0x1] =	wrdreg $0xFFFFFFFF  }
0xc9: {  	_ =	task.clear_ibuf [dreg:s8], $0x2FFFF;
	_ =	strace $0x9FFFFFFF  }
0xca: {  	(tm) =	ssettm $0x7FFFFFFF  }
0xcb: {  	_ =	shalt  }
tec
execute0_lowered:
.L_overlay_start_1:
0x0: {  	(tag) =	ssettag $0x1  }
0x1: {  	s1 =	rddreg [dreg:$0x0]  }
0x2: {  	s0 =	rddreg [dreg:$0x1]  }
0x3: {  	s3 =	rddreg [dreg:$0x2];
	s19 =	stileid.u32  }
0x4: {  	s2 =	rddreg [dreg:$0x3];
	s8 =	smul.u32 $0x5000, s19  }
0x5: {  	s4 =	srdreg.scid;
	s5 =	simm.s32 $0x0;
	s26 =	smul.u32 $0x280, s19  }
0x6: {  	s4 =	sand.u32 $0x1, s4;
	[smem:$0x7FF] =	sst s5;
	s11 =	smul.u32 $0x50000, s19  }
0x7: {  	s25 =	sadd.s32 $0x3C00, s0;
	s22 =	smul.u32 $0x14000, s19;
	p1 =	seq.s32 s19, $0xF  }
0x8: {  	s6 =	smul.u32 $0x50000, s4;
	s7 =	ssub.s32 $0x2, s4;
	_ =	strace $0x80000047  }
0x9: {  	[smem:$0x7F0] =	sst s25;
	p0 =	seq.s32 s4, $0x1;
	s9 =	sshrl.u32 s7, $0x1  }
0xa: {  	s21 =	sadd.s32 $0x80, s26;
	s13 =	sadd.s32 $0x100, s26;
	s14 =	sadd.s32 $0x180, s26  }
0xb: {  	s9 =	ssub.s32 s7, s9;
	s6 =	sadd.s32 s8, s6;
	s8 =	smul.u32 $0x138800, s4  }
0xc: {  	s12 =	sshll.u32 s21, $0x7;
	s15 =	sshll.u32 s13, $0x7;
	s16 =	sshll.u32 s14, $0x7  }
0xd: {  	s4 =	sadd.s32 $0x200, s26;
	s29 =	sshrl.u32 s6, $0x3;
	s7 =	sadd.s32 $0x1400, s6  }
0xe: {  	s9 =	smax.u32 s9, $0x1;
	s18 =	sshll.u32 s4, $0x7;
	s4 =	sshll.u32 s4, $0x4  }
0xf: {  	s20 =	sadd.s32 s25, s29;
	s10 =	sshrl.u32 s8, $0x3;
	[smem:$0x7F1] =	sst s7  }
0x10: {  	[dreg:$0x6] =	wrdreg s9;
	s17 =	sadd.s32 s8, s12;
	s12 =	sadd.s32 s12, s2  }
0x11: {  	s24 =	sadd.s32 s8, s15;
	s15 =	sadd.s32 s15, s2;
	[dreg:$0xd] =	wrdreg s12  }
0x12: {  	s7 =	sshll.u32 s21, $0x4;
	s21 =	sadd.s32 s16, s2;
	[dreg:$0xe] =	wrdreg s15  }
0x13: {  	s25 =	sadd.s32 s8, s16;
	s9 =	sadd.s32 s1, s4;
	[dreg:$0xf] =	wrdreg s21  }
0x14: {  	s29 =	smul.u32 $0x2800, s19;
	s19 =	sadd.s32 $0x138000, s2;
	[dreg:$0x19] =	wrdreg s9  }
0x15: {  	s6 =	sadd.s32 s3, s10;
	s10 =	sshrl.u32 s11, $0x2;
	[smem:$0x7F6] =	sst s19  }
0x16: {  	s23 =	sshrl.u32 s17, $0x3;
	s12 =	sadd.s32 $0x3D400, s0;
	[dreg:$0x5] =	wrdreg s20  }
0x17: {  	s17 =	sshrl.u32 s25, $0x3;
	s21 =	sadd.s32 $0x500, s20;
	[dreg:$0x1c] =	wrdreg s12  }
0x18: {  	s11 =	sadd.s32 s8, s22;
	s26 =	sadd.s32 s3, s17;
	[smem:$0x7F7] =	sst s21  }
0x19: {  	s22 =	sadd.s32 $0x17C00, s0;
	s5 =	sadd.s32 s10, s2;
	[dreg:$0xa] =	wrdreg s26  }
0x1a: {  	s25 =	sadd.s32 s22, s7;
	[dreg:$0xc] =	wrdreg s5  }
0x1b: {  	s10 =	sadd.s32 s18, s2;
	[dreg:$0x13] =	wrdreg s25  }
0x1c: {  	s17 =	sshll.u32 s14, $0x4;
	s14 =	sadd.s32 $0x27000, s6;
	[dreg:$0x1a] =	wrdreg s10  }
0x1d: {  	s15 =	sadd.s32 $0x25800, s6;
	[dreg:$0x1f] =	wrdreg s14  }
0x1e: {  	s8 =	sadd.s32 s8, s18;
	s16 =	sadd.s32 $0x26000, s6;
	[smem:$0x7F2] =	sst s15  }
0x1f: {  	s11 =	sshrl.u32 s11, $0x3;
	s18 =	sadd.s32 $0x27000, s1;
	[smem:$0x7F3] =	sst s16  }
0x20: {  	s13 =	sshll.u32 s13, $0x4;
	s11 =	sadd.s32 s3, s11;
	[smem:$0x7F5] =	sst s18  }
0x21: {  	s26 =	sadd.s32 s1, s13;
	[dreg:$0x7] =	wrdreg s11  }
0x22: {  	s28 =	simm.s32 $0x80;
	s5 =	sadd.s32 s1, s17;
	[dreg:$0x14] =	wrdreg s26  }
0x23: {  	s31 =	simm.s32 $0x16480;
	s25 =	sadd.s32 $0x130000, s2;
	[dreg:$0x16] =	wrdreg s5  }
0x24: {  	s30 =	simm.s32 $0x15300;
	s11 =	sadd.s32 s3, s23;
	[smem:$0x7FB] =	sst s25  }
0x25: {  	s9 =	simm.s32 $0x1A480;
	s23 =	sadd.s32 s1, s29;
	[dreg:$0x8] =	wrdreg s11  }
0x26: {  	s19 =	simm.s32 $0x4;
	s26 =	sadd.s32 $0x26800, s1;
	[dreg:$0x10] =	wrdreg s23  }
0x27: {  	s11 =	sshrl.u32 s24, $0x3;
	s24 =	sadd.s32 s1, s7;
	[smem:$0x7FC] =	sst s26  }
0x28: {  	s20 =	simm.s32 $0x15700;
	s7 =	sadd.s32 s22, s17;
	[dreg:$0x12] =	wrdreg s24  }
0x29: {  	s8 =	sshrl.u32 s8, $0x3;
	s17 =	sadd.s32 $0x26800, s6;
	[dreg:$0x17] =	wrdreg s7  }
0x2a: {  	s12 =	simm.s32 $0x15600;
	s23 =	sadd.s32 $0x12C000, s2;
	[smem:$0x7F4] =	sst s17  }
0x2b: {  	s21 =	simm.s32 $0x15880;
	s11 =	sadd.s32 s3, s11;
	[smem:$0x7F9] =	sst s23  }
0x2c: {  	s10 =	simm.s32 $0x1;
	s3 =	sadd.s32 s3, s8;
	[dreg:$0x9] =	wrdreg s11  }
0x2d: {  	s18 =	simm.s32 $0x15780;
	s8 =	sadd.s32 s22, s4;
	[dreg:$0xb] =	wrdreg s3  }
0x2e: {  	s14 =	simm.s32 $0x15800;
	s24 =	sadd.s32 $0x26000, s1;
	[dreg:$0x18] =	wrdreg s8  }
0x2f: {  	s15 =	simm.s32 $0x15980;
	s3 =	sadd.s32 s22, s29;
	[smem:$0x7FA] =	sst s24  }
0x30: {  	s16 =	simm.s32 $0x15900;
	s29 =	sadd.s32 s22, s13;
	[dreg:$0x11] =	wrdreg s3  }
0x31: {  	s25 =	simm.s32 $0x15500;
	s11 =	sadd.s32 $0x3EC00, s0;
	[dreg:$0x15] =	wrdreg s29  }
0x32: {  	s5 =	simm.s32 $0x15A80;
	s13 =	sadd.s32 $0x3DC00, s0;
	[dreg:$0x1b] =	wrdreg s11  }
0x33: {  	s6 =	simm.s32 $0x15080;
	s0 =	sadd.s32 $0x3E400, s0;
	[dreg:$0x1d] =	wrdreg s13  }
0x34: {  	s26 =	simm.s32 $0x15A00;
	s22 =	sadd.s32 $0x25800, s1;
	[dreg:$0x1e] =	wrdreg s0  }
0x35: {  	s4 =	simm.s32 $0x15400;
	s8 =	simm.s32 $0x15580;
	[smem:$0x7F8] =	sst s22  }
0x36: {  	s29 =	sadd.s32 $0x134000, s2;
	s22 =	simm.s32 $0x3;
	s11 =	simm.s32 $0x5  }
0x37: {  	s13 =	simm.s32 $0x2;
	s0 =	simm.s32 $0x0;
	[smem:$0x7FD] =	sst s29  }
.LBB2_1:
.Ltmp0:
0x38: {  	(pc) =	sbr.rel @!p0 .LBB2_2-.Ltmp0, $2  }
0x39: {  	_ =	sdelay $0x2  }
0x3a: {  	[smem:$0x7EF] =	sst s0  }
0x3b: {  	s17 =	simm.s32 @p1 $0x0  }
0x3c: {  	s23 =	simm.s32 @p1 $0x16480;
	s3 =	rddreg [dreg:$0x1c];
	s29 =	simm.s32 @p1 $0x5  }
0x3d: {  	[tilespmem:s23], [sflag:$0x5] =	stream.linear.gather @p1 [hbm4b:s3+s17], $0x4000, $0x38;
	[tilespmem:$0x1E480] =	vst v63  }
0x3e: {  	_ =	swait.ge @p1 [sflag:s29], $0x4000  }
0x3f: {  	s3 =	sld [smem:$0x7F9]  }
0x40: {  	[sflag:s29] =	ssyncset.done @p1 $0x0  }
0x41: {  	[sflag:s29] =	ssyncadd.s32 @p1 $0xFFFFC000  }
0x42: {  	[spmem:s3] =	stream.linear.scatter @p1 [tilespmem:s23], [sflag:$0x5], $0x4000, $0x38;
	[tilespmem:$0x1E480] =	vst v63  }
0x43: {  	_ =	swait.ge @p1 [sflag:s29], $0x4000  }
0x44: {  	[sflag:s29] =	ssyncset.done @p1 $0x0  }
0x45: {  	s3 =	rddreg [dreg:$0x1d];
	[sflag:s29] =	ssyncadd.s32 @p1 $0xFFFFC000  }
0x46: {  	[tilespmem:s23], [sflag:$0x5] =	stream.linear.gather @p1 [hbm4b:s3+s17], $0x4000, $0x38;
	[tilespmem:$0x1E480] =	vst v63  }
0x47: {  	_ =	swait.ge @p1 [sflag:s29], $0x4000  }
0x48: {  	s3 =	sld [smem:$0x7FB]  }
0x49: {  	[sflag:s29] =	ssyncset.done @p1 $0x0  }
0x4a: {  	[sflag:s29] =	ssyncadd.s32 @p1 $0xFFFFC000  }
0x4b: {  	[spmem:s3] =	stream.linear.scatter @p1 [tilespmem:s23], [sflag:$0x5], $0x4000, $0x38;
	[tilespmem:$0x1E480] =	vst v63  }
0x4c: {  	_ =	swait.ge @p1 [sflag:s29], $0x4000  }
0x4d: {  	[sflag:s29] =	ssyncset.done @p1 $0x0  }
0x4e: {  	s3 =	rddreg [dreg:$0x1e];
	[sflag:s29] =	ssyncadd.s32 @p1 $0xFFFFC000  }
0x4f: {  	[tilespmem:s23], [sflag:$0x5] =	stream.linear.gather @p1 [hbm4b:s3+s17], $0x4000, $0x38;
	[tilespmem:$0x1E480] =	vst v63  }
0x50: {  	_ =	swait.ge @p1 [sflag:s29], $0x4000  }
0x51: {  	s3 =	sld [smem:$0x7FD]  }
0x52: {  	[sflag:s29] =	ssyncset.done @p1 $0x0  }
0x53: {  	[sflag:s29] =	ssyncadd.s32 @p1 $0xFFFFC000  }
0x54: {  	[spmem:s3] =	stream.linear.scatter @p1 [tilespmem:s23], [sflag:$0x5], $0x4000, $0x38;
	[tilespmem:$0x1E480] =	vst v63  }
0x55: {  	_ =	swait.ge @p1 [sflag:s29], $0x4000  }
0x56: {  	[sflag:s29] =	ssyncset.done @p1 $0x0  }
0x57: {  	s3 =	rddreg [dreg:$0x1b];
	[sflag:s29] =	ssyncadd.s32 @p1 $0xFFFFC000  }
0x58: {  	[tilespmem:s23], [sflag:$0x5] =	stream.linear.gather @p1 [hbm4b:s3+s17], $0x800, $0x38;
	[tilespmem:$0x1E480] =	vst v63  }
0x59: {  	_ =	swait.ge @p1 [sflag:s29], $0x800  }
0x5a: {  	s3 =	sld [smem:$0x7F6]  }
0x5b: {  	[sflag:s29] =	ssyncset.done @p1 $0x0  }
0x5c: {  	[sflag:s29] =	ssyncadd.s32 @p1 $0xFFFFF800  }
0x5d: {  	[spmem:s3] =	stream.linear.scatter @p1 [tilespmem:s23], [sflag:$0x5], $0x800, $0x38;
	[tilespmem:$0x1E480] =	vst v63  }
0x5e: {  	_ =	swait.ge @p1 [sflag:s29], $0x800  }
0x5f: {  	s17 =	simm.s32 @!p1 $0x0;
	s23 =	simm.s32 @!p1 $0x16480;
	[sflag:s29] =	ssyncset.done @p1 $0x0  }
0x60: {  	s3 =	rddreg [dreg:$0x11];
	[sflag:s29] =	ssyncadd.s32 @p1 $0xFFFFF800;
	s29 =	simm.s32 @!p1 $0x5  }
0x61: {  	[tilespmem:s23], [sflag:$0x5] =	stream.linear.gather @!p1 [hbm4b:s3+s17], $0x4000, $0x38;
	[tilespmem:$0x1E480] =	vst v63  }
0x62: {  	_ =	swait.ge @!p1 [sflag:s29], $0x4000  }
0x63: {  	[sflag:s29] =	ssyncset.done @!p1 $0x0  }
0x64: {  	s3 =	rddreg [dreg:$0xc];
	[sflag:s29] =	ssyncadd.s32 @!p1 $0xFFFFC000  }
0x65: {  	[spmem:s3] =	stream.linear.scatter @!p1 [tilespmem:s23], [sflag:$0x5], $0x4000, $0x38;
	[tilespmem:$0x1E480] =	vst v63  }
0x66: {  	_ =	swait.ge @!p1 [sflag:s29], $0x4000  }
0x67: {  	[sflag:s29] =	ssyncset.done @!p1 $0x0  }
0x68: {  	s3 =	rddreg [dreg:$0x13];
	[sflag:s29] =	ssyncadd.s32 @!p1 $0xFFFFC000  }
0x69: {  	[tilespmem:s23], [sflag:$0x5] =	stream.linear.gather @!p1 [hbm4b:s3+s17], $0x4000, $0x38;
	[tilespmem:$0x1E480] =	vst v63  }
0x6a: {  	_ =	swait.ge @!p1 [sflag:s29], $0x4000  }
0x6b: {  	[sflag:s29] =	ssyncset.done @!p1 $0x0  }
0x6c: {  	s3 =	rddreg [dreg:$0xd];
	[sflag:s29] =	ssyncadd.s32 @!p1 $0xFFFFC000  }
0x6d: {  	[spmem:s3] =	stream.linear.scatter @!p1 [tilespmem:s23], [sflag:$0x5], $0x4000, $0x38;
	[tilespmem:$0x1E480] =	vst v63  }
0x6e: {  	_ =	swait.ge @!p1 [sflag:s29], $0x4000  }
0x6f: {  	[sflag:s29] =	ssyncset.done @!p1 $0x0  }
0x70: {  	s3 =	rddreg [dreg:$0x15];
	[sflag:s29] =	ssyncadd.s32 @!p1 $0xFFFFC000  }
0x71: {  	[tilespmem:s23], [sflag:$0x5] =	stream.linear.gather @!p1 [hbm4b:s3+s17], $0x4000, $0x38;
	[tilespmem:$0x1E480] =	vst v63  }
0x72: {  	_ =	swait.ge @!p1 [sflag:s29], $0x4000  }
0x73: {  	[sflag:s29] =	ssyncset.done @!p1 $0x0  }
0x74: {  	s3 =	rddreg [dreg:$0xe];
	[sflag:s29] =	ssyncadd.s32 @!p1 $0xFFFFC000  }
0x75: {  	[spmem:s3] =	stream.linear.scatter @!p1 [tilespmem:s23], [sflag:$0x5], $0x4000, $0x38;
	[tilespmem:$0x1E480] =	vst v63  }
0x76: {  	_ =	swait.ge @!p1 [sflag:s29], $0x4000  }
0x77: {  	[sflag:s29] =	ssyncset.done @!p1 $0x0  }
0x78: {  	s3 =	rddreg [dreg:$0x17];
	[sflag:s29] =	ssyncadd.s32 @!p1 $0xFFFFC000  }
0x79: {  	[tilespmem:s23], [sflag:$0x5] =	stream.linear.gather @!p1 [hbm4b:s3+s17], $0x4000, $0x38;
	[tilespmem:$0x1E480] =	vst v63  }
0x7a: {  	_ =	swait.ge @!p1 [sflag:s29], $0x4000  }
0x7b: {  	[sflag:s29] =	ssyncset.done @!p1 $0x0  }
0x7c: {  	s3 =	rddreg [dreg:$0xf];
	[sflag:s29] =	ssyncadd.s32 @!p1 $0xFFFFC000  }
0x7d: {  	[spmem:s3] =	stream.linear.scatter @!p1 [tilespmem:s23], [sflag:$0x5], $0x4000, $0x38;
	[tilespmem:$0x1E480] =	vst v63  }
0x7e: {  	_ =	swait.ge @!p1 [sflag:s29], $0x4000  }
0x7f: {  	[sflag:s29] =	ssyncset.done @!p1 $0x0  }
0x80: {  	s3 =	rddreg [dreg:$0x18];
	[sflag:s29] =	ssyncadd.s32 @!p1 $0xFFFFC000  }
0x81: {  	[tilespmem:s23], [sflag:$0x5] =	stream.linear.gather @!p1 [hbm4b:s3+s17], $0x4000, $0x38;
	[tilespmem:$0x1E480] =	vst v63  }
0x82: {  	_ =	swait.ge @!p1 [sflag:s29], $0x4000  }
0x83: {  	[sflag:s29] =	ssyncset.done @!p1 $0x0  }
.Ltmp1:
0x84: {  	s3 =	rddreg [dreg:$0x1a];
	[sflag:s29] =	ssyncadd.s32 @!p1 $0xFFFFC000;
	(pc) =	sbr.rel .LBB2_4-.Ltmp1, $4  }
0x85: {  	[spmem:s3] =	stream.linear.scatter @!p1 [tilespmem:s23], [sflag:$0x5], $0x4000, $0x38;
	[tilespmem:$0x1E480] =	vst v63  }
0x86: {  	_ =	swait.ge @!p1 [sflag:s29], $0x4000  }
0x87: {  	[sflag:s29] =	ssyncset.done @!p1 $0x0  }
0x88: {  	[sflag:s29] =	ssyncadd.s32 @!p1 $0xFFFFC000  }
.LBB2_2:
0x89: {  	s3 =	sld [smem:$0x7F8];
	_ =	sdelay $0x1  }
0x8a: {  	s17 =	simm.s32 @p1 $0x0;
	s29 =	simm.s32 @p1 $0x16480;
	s23 =	simm.s32 @p1 $0x5  }
0x8b: {  	[tilespmem:s29], [sflag:$0x5] =	stream.linear.gather @p1 [hbm4b:s3+s17], $0x4000, $0x38;
	[tilespmem:$0x1E480] =	vst v63  }
0x8c: {  	_ =	swait.ge @p1 [sflag:s23], $0x4000  }
0x8d: {  	s3 =	sld [smem:$0x7F9]  }
0x8e: {  	[sflag:s23] =	ssyncset.done @p1 $0x0  }
0x8f: {  	[sflag:s23] =	ssyncadd.s32 @p1 $0xFFFFC000  }
0x90: {  	[spmem:s3] =	stream.linear.scatter @p1 [tilespmem:s29], [sflag:$0x5], $0x4000, $0x38;
	[tilespmem:$0x1E480] =	vst v63  }
0x91: {  	_ =	swait.ge @p1 [sflag:s23], $0x4000  }
0x92: {  	s3 =	sld [smem:$0x7FA]  }
0x93: {  	[sflag:s23] =	ssyncset.done @p1 $0x0  }
0x94: {  	[sflag:s23] =	ssyncadd.s32 @p1 $0xFFFFC000  }
0x95: {  	[tilespmem:s29], [sflag:$0x5] =	stream.linear.gather @p1 [hbm4b:s3+s17], $0x4000, $0x38;
	[tilespmem:$0x1E480] =	vst v63  }
0x96: {  	_ =	swait.ge @p1 [sflag:s23], $0x4000  }
0x97: {  	s3 =	sld [smem:$0x7FB]  }
0x98: {  	[sflag:s23] =	ssyncset.done @p1 $0x0  }
0x99: {  	[sflag:s23] =	ssyncadd.s32 @p1 $0xFFFFC000  }
0x9a: {  	[spmem:s3] =	stream.linear.scatter @p1 [tilespmem:s29], [sflag:$0x5], $0x4000, $0x38;
	[tilespmem:$0x1E480] =	vst v63  }
0x9b: {  	_ =	swait.ge @p1 [sflag:s23], $0x4000  }
0x9c: {  	s3 =	sld [smem:$0x7FC]  }
0x9d: {  	[sflag:s23] =	ssyncset.done @p1 $0x0  }
0x9e: {  	[sflag:s23] =	ssyncadd.s32 @p1 $0xFFFFC000  }
0x9f: {  	[tilespmem:s29], [sflag:$0x5] =	stream.linear.gather @p1 [hbm4b:s3+s17], $0x4000, $0x38;
	[tilespmem:$0x1E480] =	vst v63  }
0xa0: {  	_ =	swait.ge @p1 [sflag:s23], $0x4000  }
0xa1: {  	s3 =	sld [smem:$0x7FD]  }
0xa2: {  	[sflag:s23] =	ssyncset.done @p1 $0x0  }
0xa3: {  	[sflag:s23] =	ssyncadd.s32 @p1 $0xFFFFC000  }
0xa4: {  	[spmem:s3] =	stream.linear.scatter @p1 [tilespmem:s29], [sflag:$0x5], $0x4000, $0x38;
	[tilespmem:$0x1E480] =	vst v63  }
0xa5: {  	_ =	swait.ge @p1 [sflag:s23], $0x4000  }
0xa6: {  	s3 =	sld [smem:$0x7F5]  }
0xa7: {  	[sflag:s23] =	ssyncset.done @p1 $0x0  }
0xa8: {  	[sflag:s23] =	ssyncadd.s32 @p1 $0xFFFFC000  }
0xa9: {  	[tilespmem:s29], [sflag:$0x5] =	stream.linear.gather @p1 [hbm4b:s3+s17], $0x800, $0x38;
	[tilespmem:$0x1E480] =	vst v63  }
0xaa: {  	_ =	swait.ge @p1 [sflag:s23], $0x800  }
0xab: {  	s3 =	sld [smem:$0x7F6]  }
0xac: {  	[sflag:s23] =	ssyncset.done @p1 $0x0  }
0xad: {  	[sflag:s23] =	ssyncadd.s32 @p1 $0xFFFFF800  }
0xae: {  	[spmem:s3] =	stream.linear.scatter @p1 [tilespmem:s29], [sflag:$0x5], $0x800, $0x38;
	[tilespmem:$0x1E480] =	vst v63  }
0xaf: {  	_ =	swait.ge @p1 [sflag:s23], $0x800  }
0xb0: {  	s17 =	simm.s32 @!p1 $0x0;
	s29 =	simm.s32 @!p1 $0x5;
	[sflag:s23] =	ssyncset.done @p1 $0x0  }
0xb1: {  	s3 =	rddreg [dreg:$0x10];
	[sflag:s23] =	ssyncadd.s32 @p1 $0xFFFFF800;
	s23 =	simm.s32 @!p1 $0x16480  }
0xb2: {  	[tilespmem:s23], [sflag:$0x5] =	stream.linear.gather @!p1 [hbm4b:s3+s17], $0x4000, $0x38;
	[tilespmem:$0x1E480] =	vst v63  }
0xb3: {  	_ =	swait.ge @!p1 [sflag:s29], $0x4000  }
0xb4: {  	[sflag:s29] =	ssyncset.done @!p1 $0x0  }
0xb5: {  	s3 =	rddreg [dreg:$0xc];
	[sflag:s29] =	ssyncadd.s32 @!p1 $0xFFFFC000  }
0xb6: {  	[spmem:s3] =	stream.linear.scatter @!p1 [tilespmem:s23], [sflag:$0x5], $0x4000, $0x38;
	[tilespmem:$0x1E480] =	vst v63  }
0xb7: {  	_ =	swait.ge @!p1 [sflag:s29], $0x4000  }
0xb8: {  	[sflag:s29] =	ssyncset.done @!p1 $0x0  }
0xb9: {  	s3 =	rddreg [dreg:$0x12];
	[sflag:s29] =	ssyncadd.s32 @!p1 $0xFFFFC000  }
0xba: {  	[tilespmem:s23], [sflag:$0x5] =	stream.linear.gather @!p1 [hbm4b:s3+s17], $0x4000, $0x38;
	[tilespmem:$0x1E480] =	vst v63  }
0xbb: {  	_ =	swait.ge @!p1 [sflag:s29], $0x4000  }
0xbc: {  	[sflag:s29] =	ssyncset.done @!p1 $0x0  }
0xbd: {  	s3 =	rddreg [dreg:$0xd];
	[sflag:s29] =	ssyncadd.s32 @!p1 $0xFFFFC000  }
0xbe: {  	[spmem:s3] =	stream.linear.scatter @!p1 [tilespmem:s23], [sflag:$0x5], $0x4000, $0x38;
	[tilespmem:$0x1E480] =	vst v63  }
0xbf: {  	_ =	swait.ge @!p1 [sflag:s29], $0x4000  }
0xc0: {  	[sflag:s29] =	ssyncset.done @!p1 $0x0  }
0xc1: {  	s3 =	rddreg [dreg:$0x14];
	[sflag:s29] =	ssyncadd.s32 @!p1 $0xFFFFC000  }
0xc2: {  	[tilespmem:s23], [sflag:$0x5] =	stream.linear.gather @!p1 [hbm4b:s3+s17], $0x4000, $0x38;
	[tilespmem:$0x1E480] =	vst v63  }
0xc3: {  	_ =	swait.ge @!p1 [sflag:s29], $0x4000  }
0xc4: {  	[sflag:s29] =	ssyncset.done @!p1 $0x0  }
0xc5: {  	s3 =	rddreg [dreg:$0xe];
	[sflag:s29] =	ssyncadd.s32 @!p1 $0xFFFFC000  }
0xc6: {  	[spmem:s3] =	stream.linear.scatter @!p1 [tilespmem:s23], [sflag:$0x5], $0x4000, $0x38;
	[tilespmem:$0x1E480] =	vst v63  }
0xc7: {  	_ =	swait.ge @!p1 [sflag:s29], $0x4000  }
0xc8: {  	[sflag:s29] =	ssyncset.done @!p1 $0x0  }
0xc9: {  	s3 =	rddreg [dreg:$0x16];
	[sflag:s29] =	ssyncadd.s32 @!p1 $0xFFFFC000  }
0xca: {  	[tilespmem:s23], [sflag:$0x5] =	stream.linear.gather @!p1 [hbm4b:s3+s17], $0x4000, $0x38;
	[tilespmem:$0x1E480] =	vst v63  }
0xcb: {  	_ =	swait.ge @!p1 [sflag:s29], $0x4000  }
0xcc: {  	[sflag:s29] =	ssyncset.done @!p1 $0x0  }
0xcd: {  	s3 =	rddreg [dreg:$0xf];
	[sflag:s29] =	ssyncadd.s32 @!p1 $0xFFFFC000  }
0xce: {  	[spmem:s3] =	stream.linear.scatter @!p1 [tilespmem:s23], [sflag:$0x5], $0x4000, $0x38;
	[tilespmem:$0x1E480] =	vst v63  }
0xcf: {  	_ =	swait.ge @!p1 [sflag:s29], $0x4000  }
0xd0: {  	[sflag:s29] =	ssyncset.done @!p1 $0x0  }
0xd1: {  	s3 =	rddreg [dreg:$0x19];
	[sflag:s29] =	ssyncadd.s32 @!p1 $0xFFFFC000  }
0xd2: {  	[tilespmem:s23], [sflag:$0x5] =	stream.linear.gather @!p1 [hbm4b:s3+s17], $0x4000, $0x38;
	[tilespmem:$0x1E480] =	vst v63  }
0xd3: {  	_ =	swait.ge @!p1 [sflag:s29], $0x4000  }
0xd4: {  	[sflag:s29] =	ssyncset.done @!p1 $0x0  }
0xd5: {  	s3 =	rddreg [dreg:$0x1a];
	[sflag:s29] =	ssyncadd.s32 @!p1 $0xFFFFC000  }
0xd6: {  	[spmem:s3] =	stream.linear.scatter @!p1 [tilespmem:s23], [sflag:$0x5], $0x4000, $0x38;
	[tilespmem:$0x1E480] =	vst v63  }
0xd7: {  	_ =	swait.ge @!p1 [sflag:s29], $0x4000  }
0xd8: {  	[sflag:s29] =	ssyncset.done @!p1 $0x0  }
0xd9: {  	[sflag:s29] =	ssyncadd.s32 @!p1 $0xFFFFC000  }
.LBB2_4:
0xda: {  	[bflag:$0x0] =	sbarrier.arrive $0xFFFF  }
0xdb: {  	s23 =	rddreg [dreg:$0x5]  }
0xdc: {  	s17 =	simm.s32 $0x0;
	s7 =	sld [smem:$0x7F0]  }
0xdd: {  	s0 =	simm.s32 $0x13C80;
	p2 =	por $0x1, $0x1;
	s24 =	sld [smem:$0x7F1]  }
0xde: {  	[tilespmem:s0], [sflag:$0x3] =	stream.linear.gather [hbm4b:s23+s17], $0x1400, $0x38;
	[tilespmem:$0x1E480] =	vst v63  }
0xdf: {  	s3 =	simm.s32 $0x15680;
	s29 =	sld [smem:$0x7F7];
	s0 =	simm.s32 $0x15480  }
.LBB2_5:
0xe0: {  	_ =	swait.ge [sflag:s22], $0x1400;
	s17 =	sadd.s32 s17, s24  }
0xe1: {  	[sflag:s22] =	ssyncset.done $0x0;
	s17 =	sshrl.u32 s17, $0x3  }
0xe2: {  	s23 =	simm.s32 $0x0;
	[sflag:s22] =	ssyncadd.s32 $0xFFFFEC00;
	s17 =	sadd.s32 s7, s17  }
0xe3: {  	[tilespmem:s6], [sflag:$0x4] =	stream.linear.gather [hbm4b:s17+s23], $0x1400, $0x38;
	[tilespmem:$0x1E480] =	vst v63  }
0xe4: {  	s23 =	simm.s32 $0x13C80  }
0xe5: {  	[tilespmem:s31], [sflag:$0x1] =	stream.indirect.gather [hbm4b:s1+s28], $0x80, s23, s28, $0xb8;
	[tilespmem:$0x1E480] =	vst v63  }
0xe6: {  	s23 =	simm.s32 $0x13D80  }
0xe7: {  	[tilespmem:s9], [sflag:$0x2] =	stream.indirect.gather [hbm4b:s1+s28], $0x80, s23, s28, $0xb8;
	[tilespmem:$0x1E480] =	vst v63  }
0xe8: {  	_ =	swait.ge [sflag:s10], $0x4000  }
0xe9: {  	[sflag:s10] =	ssyncset.done $0x0  }
0xea: {  	s23 =	simm.s32 $0x13D00;
	[sflag:s10] =	ssyncadd.s32 $0xFFFFC000  }
0xeb: {  	[spmem:s2] =	stream.indirect.scatter.add.f32 [tilespmem:s31], [sflag:$0x5], $0x80, s23, s28, $0xb8;
	[tilespmem:$0x1E480] =	vst v63  }
0xec: {  	_ =	swait.ge [sflag:s11], $0x4000  }
0xed: {  	[sflag:s11] =	ssyncset.done $0x0  }
0xee: {  	s23 =	simm.s32 $0x13E80;
	[sflag:s11] =	ssyncadd.s32 $0xFFFFC000  }
0xef: {  	[tilespmem:s31], [sflag:$0x1] =	stream.indirect.gather [hbm4b:s1+s28], $0x80, s23, s28, $0xb8;
	[tilespmem:$0x1E480] =	vst v63  }
0xf0: {  	_ =	swait.ge [sflag:s13], $0x4000  }
0xf1: {  	[sflag:s13] =	ssyncset.done $0x0  }
0xf2: {  	s23 =	simm.s32 $0x13E00;
	[sflag:s13] =	ssyncadd.s32 $0xFFFFC000  }
0xf3: {  	[spmem:s2] =	stream.indirect.scatter.add.f32 [tilespmem:s9], [sflag:$0x5], $0x80, s23, s28, $0xb8;
	[tilespmem:$0x1E480] =	vst v63  }
0xf4: {  	_ =	swait.ge [sflag:s11], $0x4000  }
0xf5: {  	[sflag:s11] =	ssyncset.done $0x0  }
0xf6: {  	s23 =	simm.s32 $0x13F80;
	[sflag:s11] =	ssyncadd.s32 $0xFFFFC000  }
0xf7: {  	[tilespmem:s9], [sflag:$0x2] =	stream.indirect.gather [hbm4b:s1+s28], $0x80, s23, s28, $0xb8;
	[tilespmem:$0x1E480] =	vst v63  }
0xf8: {  	_ =	swait.ge [sflag:s10], $0x4000  }
0xf9: {  	[sflag:s10] =	ssyncset.done $0x0  }
0xfa: {  	s23 =	simm.s32 $0x13F00;
	[sflag:s10] =	ssyncadd.s32 $0xFFFFC000  }
0xfb: {  	[spmem:s2] =	stream.indirect.scatter.add.f32 [tilespmem:s31], [sflag:$0x5], $0x80, s23, s28, $0xb8;
	[tilespmem:$0x1E480] =	vst v63  }
0xfc: {  	_ =	swait.ge [sflag:s11], $0x4000  }
0xfd: {  	[sflag:s11] =	ssyncset.done $0x0  }
0xfe: {  	s23 =	simm.s32 $0x14080;
	[sflag:s11] =	ssyncadd.s32 $0xFFFFC000  }
0xff: {  	[tilespmem:s31], [sflag:$0x1] =	stream.indirect.gather [hbm4b:s1+s28], $0x80, s23, s28, $0xb8;
	[tilespmem:$0x1E480] =	vst v63  }
0x100: {  	_ =	swait.ge [sflag:s13], $0x4000  }
0x101: {  	[sflag:s13] =	ssyncset.done $0x0  }
0x102: {  	s23 =	simm.s32 $0x14000;
	[sflag:s13] =	ssyncadd.s32 $0xFFFFC000  }
0x103: {  	[spmem:s2] =	stream.indirect.scatter.add.f32 [tilespmem:s9], [sflag:$0x5], $0x80, s23, s28, $0xb8;
	[tilespmem:$0x1E480] =	vst v63  }
0x104: {  	_ =	swait.ge [sflag:s11], $0x4000  }
0x105: {  	[sflag:s11] =	ssyncset.done $0x0  }
0x106: {  	s23 =	simm.s32 $0x14180;
	[sflag:s11] =	ssyncadd.s32 $0xFFFFC000  }
0x107: {  	[tilespmem:s9], [sflag:$0x2] =	stream.indirect.gather [hbm4b:s1+s28], $0x80, s23, s28, $0xb8;
	[tilespmem:$0x1E480] =	vst v63  }
0x108: {  	_ =	swait.ge [sflag:s10], $0x4000  }
0x109: {  	[sflag:s10] =	ssyncset.done $0x0  }
0x10a: {  	s23 =	simm.s32 $0x14100;
	[sflag:s10] =	ssyncadd.s32 $0xFFFFC000  }
0x10b: {  	[spmem:s2] =	stream.indirect.scatter.add.f32 [tilespmem:s31], [sflag:$0x5], $0x80, s23, s28, $0xb8;
	[tilespmem:$0x1E480] =	vst v63  }
0x10c: {  	_ =	swait.ge [sflag:s11], $0x4000  }
0x10d: {  	[sflag:s11] =	ssyncset.done $0x0  }
0x10e: {  	s23 =	simm.s32 $0x14280;
	[sflag:s11] =	ssyncadd.s32 $0xFFFFC000  }
0x10f: {  	[tilespmem:s31], [sflag:$0x1] =	stream.indirect.gather [hbm4b:s1+s28], $0x80, s23, s28, $0xb8;
	[tilespmem:$0x1E480] =	vst v63  }
0x110: {  	_ =	swait.ge [sflag:s13], $0x4000  }
0x111: {  	[sflag:s13] =	ssyncset.done $0x0  }
0x112: {  	s23 =	simm.s32 $0x14200;
	[sflag:s13] =	ssyncadd.s32 $0xFFFFC000  }
0x113: {  	[spmem:s2] =	stream.indirect.scatter.add.f32 [tilespmem:s9], [sflag:$0x5], $0x80, s23, s28, $0xb8;
	[tilespmem:$0x1E480] =	vst v63  }
0x114: {  	_ =	swait.ge [sflag:s11], $0x4000  }
0x115: {  	[sflag:s11] =	ssyncset.done $0x0  }
0x116: {  	s23 =	simm.s32 $0x14380;
	[sflag:s11] =	ssyncadd.s32 $0xFFFFC000  }
0x117: {  	[tilespmem:s9], [sflag:$0x2] =	stream.indirect.gather [hbm4b:s1+s28], $0x80, s23, s28, $0xb8;
	[tilespmem:$0x1E480] =	vst v63  }
0x118: {  	_ =	swait.ge [sflag:s10], $0x4000  }
0x119: {  	[sflag:s10] =	ssyncset.done $0x0  }
0x11a: {  	s23 =	simm.s32 $0x14300;
	[sflag:s10] =	ssyncadd.s32 $0xFFFFC000  }
0x11b: {  	[spmem:s2] =	stream.indirect.scatter.add.f32 [tilespmem:s31], [sflag:$0x5], $0x80, s23, s28, $0xb8;
	[tilespmem:$0x1E480] =	vst v63  }
0x11c: {  	_ =	swait.ge [sflag:s11], $0x4000  }
0x11d: {  	[sflag:s11] =	ssyncset.done $0x0  }
0x11e: {  	s23 =	simm.s32 $0x14480;
	[sflag:s11] =	ssyncadd.s32 $0xFFFFC000  }
0x11f: {  	[tilespmem:s31], [sflag:$0x1] =	stream.indirect.gather [hbm4b:s1+s28], $0x80, s23, s28, $0xb8;
	[tilespmem:$0x1E480] =	vst v63  }
0x120: {  	_ =	swait.ge [sflag:s13], $0x4000  }
0x121: {  	[sflag:s13] =	ssyncset.done $0x0  }
0x122: {  	s23 =	simm.s32 $0x14400;
	[sflag:s13] =	ssyncadd.s32 $0xFFFFC000  }
0x123: {  	[spmem:s2] =	stream.indirect.scatter.add.f32 [tilespmem:s9], [sflag:$0x5], $0x80, s23, s28, $0xb8;
	[tilespmem:$0x1E480] =	vst v63  }
0x124: {  	_ =	swait.ge [sflag:s11], $0x4000  }
0x125: {  	[sflag:s11] =	ssyncset.done $0x0  }
0x126: {  	s23 =	simm.s32 $0x14580;
	[sflag:s11] =	ssyncadd.s32 $0xFFFFC000  }
0x127: {  	[tilespmem:s9], [sflag:$0x2] =	stream.indirect.gather [hbm4b:s1+s28], $0x80, s23, s28, $0xb8;
	[tilespmem:$0x1E480] =	vst v63  }
0x128: {  	_ =	swait.ge [sflag:s10], $0x4000  }
0x129: {  	[sflag:s10] =	ssyncset.done $0x0  }
0x12a: {  	s23 =	simm.s32 $0x14500;
	[sflag:s10] =	ssyncadd.s32 $0xFFFFC000  }
0x12b: {  	[spmem:s2] =	stream.indirect.scatter.add.f32 [tilespmem:s31], [sflag:$0x5], $0x80, s23, s28, $0xb8;
	[tilespmem:$0x1E480] =	vst v63  }
0x12c: {  	_ =	swait.ge [sflag:s11], $0x4000  }
0x12d: {  	[sflag:s11] =	ssyncset.done $0x0  }
0x12e: {  	s23 =	simm.s32 $0x14680;
	[sflag:s11] =	ssyncadd.s32 $0xFFFFC000  }
0x12f: {  	[tilespmem:s31], [sflag:$0x1] =	stream.indirect.gather [hbm4b:s1+s28], $0x80, s23, s28, $0xb8;
	[tilespmem:$0x1E480] =	vst v63  }
0x130: {  	_ =	swait.ge [sflag:s13], $0x4000  }
0x131: {  	[sflag:s13] =	ssyncset.done $0x0  }
0x132: {  	s23 =	simm.s32 $0x14600;
	[sflag:s13] =	ssyncadd.s32 $0xFFFFC000  }
0x133: {  	[spmem:s2] =	stream.indirect.scatter.add.f32 [tilespmem:s9], [sflag:$0x5], $0x80, s23, s28, $0xb8;
	[tilespmem:$0x1E480] =	vst v63  }
0x134: {  	_ =	swait.ge [sflag:s11], $0x4000  }
0x135: {  	[sflag:s11] =	ssyncset.done $0x0  }
0x136: {  	s23 =	simm.s32 $0x14780;
	[sflag:s11] =	ssyncadd.s32 $0xFFFFC000  }
0x137: {  	[tilespmem:s9], [sflag:$0x2] =	stream.indirect.gather [hbm4b:s1+s28], $0x80, s23, s28, $0xb8;
	[tilespmem:$0x1E480] =	vst v63  }
0x138: {  	_ =	swait.ge [sflag:s10], $0x4000  }
0x139: {  	[sflag:s10] =	ssyncset.done $0x0  }
0x13a: {  	s23 =	simm.s32 $0x14700;
	[sflag:s10] =	ssyncadd.s32 $0xFFFFC000  }
0x13b: {  	[spmem:s2] =	stream.indirect.scatter.add.f32 [tilespmem:s31], [sflag:$0x5], $0x80, s23, s28, $0xb8;
	[tilespmem:$0x1E480] =	vst v63  }
0x13c: {  	_ =	swait.ge [sflag:s11], $0x4000  }
0x13d: {  	[sflag:s11] =	ssyncset.done $0x0  }
0x13e: {  	s23 =	simm.s32 $0x14880;
	[sflag:s11] =	ssyncadd.s32 $0xFFFFC000  }
0x13f: {  	[tilespmem:s31], [sflag:$0x1] =	stream.indirect.gather [hbm4b:s1+s28], $0x80, s23, s28, $0xb8;
	[tilespmem:$0x1E480] =	vst v63  }
0x140: {  	_ =	swait.ge [sflag:s13], $0x4000  }
0x141: {  	[sflag:s13] =	ssyncset.done $0x0  }
0x142: {  	s23 =	simm.s32 $0x14800;
	[sflag:s13] =	ssyncadd.s32 $0xFFFFC000  }
0x143: {  	[spmem:s2] =	stream.indirect.scatter.add.f32 [tilespmem:s9], [sflag:$0x5], $0x80, s23, s28, $0xb8;
	[tilespmem:$0x1E480] =	vst v63  }
0x144: {  	_ =	swait.ge [sflag:s11], $0x4000  }
0x145: {  	[sflag:s11] =	ssyncset.done $0x0  }
0x146: {  	s23 =	simm.s32 $0x14980;
	[sflag:s11] =	ssyncadd.s32 $0xFFFFC000  }
0x147: {  	[tilespmem:s9], [sflag:$0x2] =	stream.indirect.gather [hbm4b:s1+s28], $0x80, s23, s28, $0xb8;
	[tilespmem:$0x1E480] =	vst v63  }
0x148: {  	_ =	swait.ge [sflag:s10], $0x4000  }
0x149: {  	[sflag:s10] =	ssyncset.done $0x0  }
0x14a: {  	s23 =	simm.s32 $0x14900;
	[sflag:s10] =	ssyncadd.s32 $0xFFFFC000  }
0x14b: {  	[spmem:s2] =	stream.indirect.scatter.add.f32 [tilespmem:s31], [sflag:$0x5], $0x80, s23, s28, $0xb8;
	[tilespmem:$0x1E480] =	vst v63  }
0x14c: {  	_ =	swait.ge [sflag:s11], $0x4000  }
0x14d: {  	[sflag:s11] =	ssyncset.done $0x0  }
0x14e: {  	s23 =	simm.s32 $0x14A80;
	[sflag:s11] =	ssyncadd.s32 $0xFFFFC000  }
0x14f: {  	[tilespmem:s31], [sflag:$0x1] =	stream.indirect.gather [hbm4b:s1+s28], $0x80, s23, s28, $0xb8;
	[tilespmem:$0x1E480] =	vst v63  }
0x150: {  	_ =	swait.ge [sflag:s13], $0x4000  }
0x151: {  	[sflag:s13] =	ssyncset.done $0x0  }
0x152: {  	s23 =	simm.s32 $0x14A00;
	[sflag:s13] =	ssyncadd.s32 $0xFFFFC000  }
0x153: {  	[spmem:s2] =	stream.indirect.scatter.add.f32 [tilespmem:s9], [sflag:$0x5], $0x80, s23, s28, $0xb8;
	[tilespmem:$0x1E480] =	vst v63  }
0x154: {  	_ =	swait.ge [sflag:s11], $0x4000  }
0x155: {  	[sflag:s11] =	ssyncset.done $0x0  }
0x156: {  	s23 =	simm.s32 $0x14B80;
	[sflag:s11] =	ssyncadd.s32 $0xFFFFC000  }
0x157: {  	[tilespmem:s9], [sflag:$0x2] =	stream.indirect.gather [hbm4b:s1+s28], $0x80, s23, s28, $0xb8;
	[tilespmem:$0x1E480] =	vst v63  }
0x158: {  	_ =	swait.ge [sflag:s10], $0x4000  }
0x159: {  	[sflag:s10] =	ssyncset.done $0x0  }
0x15a: {  	s23 =	simm.s32 $0x14B00;
	[sflag:s10] =	ssyncadd.s32 $0xFFFFC000  }
0x15b: {  	[spmem:s2] =	stream.indirect.scatter.add.f32 [tilespmem:s31], [sflag:$0x5], $0x80, s23, s28, $0xb8;
	[tilespmem:$0x1E480] =	vst v63  }
0x15c: {  	_ =	swait.ge [sflag:s11], $0x4000  }
0x15d: {  	[sflag:s11] =	ssyncset.done $0x0  }
0x15e: {  	s23 =	simm.s32 $0x14C80;
	[sflag:s11] =	ssyncadd.s32 $0xFFFFC000  }
0x15f: {  	[tilespmem:s31], [sflag:$0x1] =	stream.indirect.gather [hbm4b:s1+s28], $0x80, s23, s28, $0xb8;
	[tilespmem:$0x1E480] =	vst v63  }
0x160: {  	_ =	swait.ge [sflag:s13], $0x4000  }
0x161: {  	[sflag:s13] =	ssyncset.done $0x0  }
0x162: {  	s23 =	simm.s32 $0x14C00;
	[sflag:s13] =	ssyncadd.s32 $0xFFFFC000  }
0x163: {  	[spmem:s2] =	stream.indirect.scatter.add.f32 [tilespmem:s9], [sflag:$0x5], $0x80, s23, s28, $0xb8;
	[tilespmem:$0x1E480] =	vst v63  }
0x164: {  	_ =	swait.ge [sflag:s11], $0x4000  }
0x165: {  	[sflag:s11] =	ssyncset.done $0x0  }
0x166: {  	s23 =	simm.s32 $0x14D80;
	[sflag:s11] =	ssyncadd.s32 $0xFFFFC000  }
0x167: {  	[tilespmem:s9], [sflag:$0x2] =	stream.indirect.gather [hbm4b:s1+s28], $0x80, s23, s28, $0xb8;
	[tilespmem:$0x1E480] =	vst v63  }
0x168: {  	_ =	swait.ge [sflag:s10], $0x4000  }
0x169: {  	[sflag:s10] =	ssyncset.done $0x0  }
0x16a: {  	s23 =	simm.s32 $0x14D00;
	[sflag:s10] =	ssyncadd.s32 $0xFFFFC000  }
0x16b: {  	[spmem:s2] =	stream.indirect.scatter.add.f32 [tilespmem:s31], [sflag:$0x5], $0x80, s23, s28, $0xb8;
	[tilespmem:$0x1E480] =	vst v63  }
0x16c: {  	_ =	swait.ge [sflag:s11], $0x4000  }
0x16d: {  	[sflag:s11] =	ssyncset.done $0x0  }
0x16e: {  	s23 =	simm.s32 $0x14E80;
	[sflag:s11] =	ssyncadd.s32 $0xFFFFC000  }
0x16f: {  	[tilespmem:s31], [sflag:$0x1] =	stream.indirect.gather [hbm4b:s1+s28], $0x80, s23, s28, $0xb8;
	[tilespmem:$0x1E480] =	vst v63  }
0x170: {  	_ =	swait.ge [sflag:s13], $0x4000  }
0x171: {  	[sflag:s13] =	ssyncset.done $0x0  }
0x172: {  	s23 =	simm.s32 $0x14E00;
	[sflag:s13] =	ssyncadd.s32 $0xFFFFC000  }
0x173: {  	[spmem:s2] =	stream.indirect.scatter.add.f32 [tilespmem:s9], [sflag:$0x5], $0x80, s23, s28, $0xb8;
	[tilespmem:$0x1E480] =	vst v63  }
0x174: {  	_ =	swait.ge [sflag:s11], $0x4000  }
0x175: {  	[sflag:s11] =	ssyncset.done $0x0  }
0x176: {  	s23 =	simm.s32 $0x14F80;
	[sflag:s11] =	ssyncadd.s32 $0xFFFFC000  }
0x177: {  	[tilespmem:s9], [sflag:$0x2] =	stream.indirect.gather [hbm4b:s1+s28], $0x80, s23, s28, $0xb8;
	[tilespmem:$0x1E480] =	vst v63  }
0x178: {  	_ =	swait.ge [sflag:s10], $0x4000  }
0x179: {  	[sflag:s10] =	ssyncset.done $0x0  }
0x17a: {  	s23 =	simm.s32 $0x14F00;
	[sflag:s10] =	ssyncadd.s32 $0xFFFFC000  }
0x17b: {  	[spmem:s2] =	stream.indirect.scatter.add.f32 [tilespmem:s31], [sflag:$0x5], $0x80, s23, s28, $0xb8;
	[tilespmem:$0x1E480] =	vst v63  }
0x17c: {  	_ =	swait.ge [sflag:s11], $0x4000  }
0x17d: {  	[sflag:s11] =	ssyncset.done $0x0  }
0x17e: {  	[sflag:s11] =	ssyncadd.s32 $0xFFFFC000  }
0x17f: {  	_ =	swait.ge [sflag:s13], $0x4000  }
0x180: {  	[sflag:s13] =	ssyncset.done $0x0  }
0x181: {  	s23 =	simm.s32 $0x15000;
	[sflag:s13] =	ssyncadd.s32 $0xFFFFC000  }
0x182: {  	[spmem:s2] =	stream.indirect.scatter.add.f32 [tilespmem:s9], [sflag:$0x5], $0x80, s23, s28, $0xb8;
	[tilespmem:$0x1E480] =	vst v63  }
0x183: {  	_ =	swait.ge [sflag:s11], $0x4000  }
0x184: {  	[sflag:s11] =	ssyncset.done $0x0  }
0x185: {  	[sflag:s11] =	ssyncadd.s32 $0xFFFFC000  }
0x186: {  	_ =	swait.ge [sflag:s19], $0x1400  }
0x187: {  	[sflag:s19] =	ssyncset.done $0x0  }
0x188: {  	s17 =	simm.s32 @p2 $0x0;
	s23 =	simm.s32 @p2 $0x13C80;
	[sflag:s19] =	ssyncadd.s32 $0xFFFFEC00  }
0x189: {  	[tilespmem:s23], [sflag:$0x3] =	stream.linear.gather @p2 [hbm4b:s29+s17], $0x1400, $0x38;
	[tilespmem:$0x1E480] =	vst v63  }
0x18a: {  	_ = 	snop  }
0x18b: {  	[tilespmem:s31], [sflag:$0x1] =	stream.indirect.gather [hbm4b:s1+s28], $0x80, s6, s28, $0xb8;
	[tilespmem:$0x1E480] =	vst v63  }
0x18c: {  	s23 =	simm.s32 $0x15180  }
0x18d: {  	[tilespmem:s9], [sflag:$0x2] =	stream.indirect.gather [hbm4b:s1+s28], $0x80, s23, s28, $0xb8;
	[tilespmem:$0x1E480] =	vst v63  }
0x18e: {  	_ =	swait.ge [sflag:s10], $0x4000  }
0x18f: {  	[sflag:s10] =	ssyncset.done $0x0  }
0x190: {  	s23 =	simm.s32 $0x15100;
	[sflag:s10] =	ssyncadd.s32 $0xFFFFC000  }
0x191: {  	[spmem:s2] =	stream.indirect.scatter.add.f32 [tilespmem:s31], [sflag:$0x5], $0x80, s23, s28, $0xb8;
	[tilespmem:$0x1E480] =	vst v63  }
0x192: {  	_ =	swait.ge [sflag:s11], $0x4000  }
0x193: {  	[sflag:s11] =	ssyncset.done $0x0  }
0x194: {  	s23 =	simm.s32 $0x15280;
	[sflag:s11] =	ssyncadd.s32 $0xFFFFC000  }
0x195: {  	[tilespmem:s31], [sflag:$0x1] =	stream.indirect.gather [hbm4b:s1+s28], $0x80, s23, s28, $0xb8;
	[tilespmem:$0x1E480] =	vst v63  }
0x196: {  	_ =	swait.ge [sflag:s13], $0x4000  }
0x197: {  	[sflag:s13] =	ssyncset.done $0x0  }
0x198: {  	s23 =	simm.s32 $0x15200;
	[sflag:s13] =	ssyncadd.s32 $0xFFFFC000  }
0x199: {  	[spmem:s2] =	stream.indirect.scatter.add.f32 [tilespmem:s9], [sflag:$0x5], $0x80, s23, s28, $0xb8;
	[tilespmem:$0x1E480] =	vst v63  }
0x19a: {  	_ =	swait.ge [sflag:s11], $0x4000  }
0x19b: {  	[sflag:s11] =	ssyncset.done $0x0  }
0x19c: {  	s23 =	simm.s32 $0x15380;
	[sflag:s11] =	ssyncadd.s32 $0xFFFFC000  }
0x19d: {  	[tilespmem:s9], [sflag:$0x2] =	stream.indirect.gather [hbm4b:s1+s28], $0x80, s23, s28, $0xb8;
	[tilespmem:$0x1E480] =	vst v63  }
0x19e: {  	_ =	swait.ge [sflag:s10], $0x4000  }
0x19f: {  	[sflag:s10] =	ssyncset.done $0x0  }
0x1a0: {  	[sflag:s10] =	ssyncadd.s32 $0xFFFFC000  }
0x1a1: {  	[spmem:s2] =	stream.indirect.scatter.add.f32 [tilespmem:s31], [sflag:$0x5], $0x80, s30, s28, $0xb8;
	[tilespmem:$0x1E480] =	vst v63  }
0x1a2: {  	_ =	swait.ge [sflag:s11], $0x4000  }
0x1a3: {  	[sflag:s11] =	ssyncset.done $0x0  }
0x1a4: {  	[sflag:s11] =	ssyncadd.s32 $0xFFFFC000  }
0x1a5: {  	[tilespmem:s31], [sflag:$0x1] =	stream.indirect.gather [hbm4b:s1+s28], $0x80, s0, s28, $0xb8;
	[tilespmem:$0x1E480] =	vst v63  }
0x1a6: {  	_ =	swait.ge [sflag:s13], $0x4000  }
0x1a7: {  	[sflag:s13] =	ssyncset.done $0x0  }
0x1a8: {  	[sflag:s13] =	ssyncadd.s32 $0xFFFFC000  }
0x1a9: {  	[spmem:s2] =	stream.indirect.scatter.add.f32 [tilespmem:s9], [sflag:$0x5], $0x80, s4, s28, $0xb8;
	[tilespmem:$0x1E480] =	vst v63  }
0x1aa: {  	_ =	swait.ge [sflag:s11], $0x4000  }
0x1ab: {  	[sflag:s11] =	ssyncset.done $0x0  }
0x1ac: {  	[sflag:s11] =	ssyncadd.s32 $0xFFFFC000  }
0x1ad: {  	[tilespmem:s9], [sflag:$0x2] =	stream.indirect.gather [hbm4b:s1+s28], $0x80, s8, s28, $0xb8;
	[tilespmem:$0x1E480] =	vst v63  }
0x1ae: {  	_ =	swait.ge [sflag:s10], $0x4000  }
0x1af: {  	[sflag:s10] =	ssyncset.done $0x0  }
0x1b0: {  	[sflag:s10] =	ssyncadd.s32 $0xFFFFC000  }
0x1b1: {  	[spmem:s2] =	stream.indirect.scatter.add.f32 [tilespmem:s31], [sflag:$0x5], $0x80, s25, s28, $0xb8;
	[tilespmem:$0x1E480] =	vst v63  }
0x1b2: {  	_ =	swait.ge [sflag:s11], $0x4000  }
0x1b3: {  	[sflag:s11] =	ssyncset.done $0x0  }
0x1b4: {  	[sflag:s11] =	ssyncadd.s32 $0xFFFFC000  }
0x1b5: {  	[tilespmem:s31], [sflag:$0x1] =	stream.indirect.gather [hbm4b:s1+s28], $0x80, s3, s28, $0xb8;
	[tilespmem:$0x1E480] =	vst v63  }
0x1b6: {  	_ =	swait.ge [sflag:s13], $0x4000  }
0x1b7: {  	[sflag:s13] =	ssyncset.done $0x0  }
0x1b8: {  	[sflag:s13] =	ssyncadd.s32 $0xFFFFC000  }
0x1b9: {  	[spmem:s2] =	stream.indirect.scatter.add.f32 [tilespmem:s9], [sflag:$0x5], $0x80, s12, s28, $0xb8;
	[tilespmem:$0x1E480] =	vst v63  }
0x1ba: {  	_ =	swait.ge [sflag:s11], $0x4000  }
0x1bb: {  	[sflag:s11] =	ssyncset.done $0x0  }
0x1bc: {  	[sflag:s11] =	ssyncadd.s32 $0xFFFFC000  }
0x1bd: {  	[tilespmem:s9], [sflag:$0x2] =	stream.indirect.gather [hbm4b:s1+s28], $0x80, s18, s28, $0xb8;
	[tilespmem:$0x1E480] =	vst v63  }
0x1be: {  	_ =	swait.ge [sflag:s10], $0x4000  }
0x1bf: {  	[sflag:s10] =	ssyncset.done $0x0  }
0x1c0: {  	[sflag:s10] =	ssyncadd.s32 $0xFFFFC000  }
0x1c1: {  	[spmem:s2] =	stream.indirect.scatter.add.f32 [tilespmem:s31], [sflag:$0x5], $0x80, s20, s28, $0xb8;
	[tilespmem:$0x1E480] =	vst v63  }
0x1c2: {  	_ =	swait.ge [sflag:s11], $0x4000  }
0x1c3: {  	[sflag:s11] =	ssyncset.done $0x0  }
0x1c4: {  	[sflag:s11] =	ssyncadd.s32 $0xFFFFC000  }
0x1c5: {  	[tilespmem:s31], [sflag:$0x1] =	stream.indirect.gather [hbm4b:s1+s28], $0x80, s21, s28, $0xb8;
	[tilespmem:$0x1E480] =	vst v63  }
0x1c6: {  	_ =	swait.ge [sflag:s13], $0x4000  }
0x1c7: {  	[sflag:s13] =	ssyncset.done $0x0  }
0x1c8: {  	[sflag:s13] =	ssyncadd.s32 $0xFFFFC000  }
0x1c9: {  	[spmem:s2] =	stream.indirect.scatter.add.f32 [tilespmem:s9], [sflag:$0x5], $0x80, s14, s28, $0xb8;
	[tilespmem:$0x1E480] =	vst v63  }
0x1ca: {  	_ =	swait.ge [sflag:s11], $0x4000  }
0x1cb: {  	[sflag:s11] =	ssyncset.done $0x0  }
0x1cc: {  	[sflag:s11] =	ssyncadd.s32 $0xFFFFC000  }
0x1cd: {  	[tilespmem:s9], [sflag:$0x2] =	stream.indirect.gather [hbm4b:s1+s28], $0x80, s15, s28, $0xb8;
	[tilespmem:$0x1E480] =	vst v63  }
0x1ce: {  	_ =	swait.ge [sflag:s10], $0x4000  }
0x1cf: {  	[sflag:s10] =	ssyncset.done $0x0  }
0x1d0: {  	[sflag:s10] =	ssyncadd.s32 $0xFFFFC000  }
0x1d1: {  	[spmem:s2] =	stream.indirect.scatter.add.f32 [tilespmem:s31], [sflag:$0x5], $0x80, s16, s28, $0xb8;
	[tilespmem:$0x1E480] =	vst v63  }
0x1d2: {  	_ =	swait.ge [sflag:s11], $0x4000  }
0x1d3: {  	[sflag:s11] =	ssyncset.done $0x0  }
0x1d4: {  	[sflag:s11] =	ssyncadd.s32 $0xFFFFC000  }
0x1d5: {  	[tilespmem:s31], [sflag:$0x1] =	stream.indirect.gather [hbm4b:s1+s28], $0x80, s5, s28, $0xb8;
	[tilespmem:$0x1E480] =	vst v63  }
0x1d6: {  	_ =	swait.ge [sflag:s13], $0x4000  }
0x1d7: {  	[sflag:s13] =	ssyncset.done $0x0  }
0x1d8: {  	[sflag:s13] =	ssyncadd.s32 $0xFFFFC000  }
0x1d9: {  	[spmem:s2] =	stream.indirect.scatter.add.f32 [tilespmem:s9], [sflag:$0x5], $0x80, s26, s28, $0xb8;
	[tilespmem:$0x1E480] =	vst v63  }
0x1da: {  	_ =	swait.ge [sflag:s11], $0x4000  }
0x1db: {  	[sflag:s11] =	ssyncset.done $0x0  }
0x1dc: {  	s23 =	simm.s32 $0x15B80;
	[sflag:s11] =	ssyncadd.s32 $0xFFFFC000  }
0x1dd: {  	[tilespmem:s9], [sflag:$0x2] =	stream.indirect.gather [hbm4b:s1+s28], $0x80, s23, s28, $0xb8;
	[tilespmem:$0x1E480] =	vst v63  }
0x1de: {  	_ =	swait.ge [sflag:s10], $0x4000  }
0x1df: {  	[sflag:s10] =	ssyncset.done $0x0  }
0x1e0: {  	s23 =	simm.s32 $0x15B00;
	[sflag:s10] =	ssyncadd.s32 $0xFFFFC000  }
0x1e1: {  	[spmem:s2] =	stream.indirect.scatter.add.f32 [tilespmem:s31], [sflag:$0x5], $0x80, s23, s28, $0xb8;
	[tilespmem:$0x1E480] =	vst v63  }
0x1e2: {  	_ =	swait.ge [sflag:s11], $0x4000  }
0x1e3: {  	[sflag:s11] =	ssyncset.done $0x0  }
0x1e4: {  	s23 =	simm.s32 $0x15C80;
	[sflag:s11] =	ssyncadd.s32 $0xFFFFC000  }
0x1e5: {  	[tilespmem:s31], [sflag:$0x1] =	stream.indirect.gather [hbm4b:s1+s28], $0x80, s23, s28, $0xb8;
	[tilespmem:$0x1E480] =	vst v63  }
0x1e6: {  	_ =	swait.ge [sflag:s13], $0x4000  }
0x1e7: {  	[sflag:s13] =	ssyncset.done $0x0  }
0x1e8: {  	s23 =	simm.s32 $0x15C00;
	[sflag:s13] =	ssyncadd.s32 $0xFFFFC000  }
0x1e9: {  	[spmem:s2] =	stream.indirect.scatter.add.f32 [tilespmem:s9], [sflag:$0x5], $0x80, s23, s28, $0xb8;
	[tilespmem:$0x1E480] =	vst v63  }
0x1ea: {  	_ =	swait.ge [sflag:s11], $0x4000  }
0x1eb: {  	[sflag:s11] =	ssyncset.done $0x0  }
0x1ec: {  	s23 =	simm.s32 $0x15D80;
	[sflag:s11] =	ssyncadd.s32 $0xFFFFC000  }
0x1ed: {  	[tilespmem:s9], [sflag:$0x2] =	stream.indirect.gather [hbm4b:s1+s28], $0x80, s23, s28, $0xb8;
	[tilespmem:$0x1E480] =	vst v63  }
0x1ee: {  	_ =	swait.ge [sflag:s10], $0x4000  }
0x1ef: {  	[sflag:s10] =	ssyncset.done $0x0  }
0x1f0: {  	s23 =	simm.s32 $0x15D00;
	[sflag:s10] =	ssyncadd.s32 $0xFFFFC000  }
0x1f1: {  	[spmem:s2] =	stream.indirect.scatter.add.f32 [tilespmem:s31], [sflag:$0x5], $0x80, s23, s28, $0xb8;
	[tilespmem:$0x1E480] =	vst v63  }
0x1f2: {  	_ =	swait.ge [sflag:s11], $0x4000  }
0x1f3: {  	[sflag:s11] =	ssyncset.done $0x0  }
0x1f4: {  	s23 =	simm.s32 $0x15E80;
	[sflag:s11] =	ssyncadd.s32 $0xFFFFC000  }
0x1f5: {  	[tilespmem:s31], [sflag:$0x1] =	stream.indirect.gather [hbm4b:s1+s28], $0x80, s23, s28, $0xb8;
	[tilespmem:$0x1E480] =	vst v63  }
0x1f6: {  	_ =	swait.ge [sflag:s13], $0x4000  }
0x1f7: {  	[sflag:s13] =	ssyncset.done $0x0  }
0x1f8: {  	s23 =	simm.s32 $0x15E00;
	[sflag:s13] =	ssyncadd.s32 $0xFFFFC000  }
0x1f9: {  	[spmem:s2] =	stream.indirect.scatter.add.f32 [tilespmem:s9], [sflag:$0x5], $0x80, s23, s28, $0xb8;
	[tilespmem:$0x1E480] =	vst v63  }
0x1fa: {  	_ =	swait.ge [sflag:s11], $0x4000  }
0x1fb: {  	[sflag:s11] =	ssyncset.done $0x0  }
0x1fc: {  	s23 =	simm.s32 $0x15F80;
	[sflag:s11] =	ssyncadd.s32 $0xFFFFC000  }
0x1fd: {  	[tilespmem:s9], [sflag:$0x2] =	stream.indirect.gather [hbm4b:s1+s28], $0x80, s23, s28, $0xb8;
	[tilespmem:$0x1E480] =	vst v63  }
0x1fe: {  	_ =	swait.ge [sflag:s10], $0x4000  }
0x1ff: {  	[sflag:s10] =	ssyncset.done $0x0  }
0x200: {  	s23 =	simm.s32 $0x15F00;
	[sflag:s10] =	ssyncadd.s32 $0xFFFFC000  }
0x201: {  	[spmem:s2] =	stream.indirect.scatter.add.f32 [tilespmem:s31], [sflag:$0x5], $0x80, s23, s28, $0xb8;
	[tilespmem:$0x1E480] =	vst v63  }
0x202: {  	_ =	swait.ge [sflag:s11], $0x4000  }
0x203: {  	[sflag:s11] =	ssyncset.done $0x0  }
0x204: {  	s23 =	simm.s32 $0x16080;
	[sflag:s11] =	ssyncadd.s32 $0xFFFFC000  }
0x205: {  	[tilespmem:s31], [sflag:$0x1] =	stream.indirect.gather [hbm4b:s1+s28], $0x80, s23, s28, $0xb8;
	[tilespmem:$0x1E480] =	vst v63  }
0x206: {  	_ =	swait.ge [sflag:s13], $0x4000  }
0x207: {  	[sflag:s13] =	ssyncset.done $0x0  }
0x208: {  	s23 =	simm.s32 $0x16000;
	[sflag:s13] =	ssyncadd.s32 $0xFFFFC000  }
0x209: {  	[spmem:s2] =	stream.indirect.scatter.add.f32 [tilespmem:s9], [sflag:$0x5], $0x80, s23, s28, $0xb8;
	[tilespmem:$0x1E480] =	vst v63  }
0x20a: {  	_ =	swait.ge [sflag:s11], $0x4000  }
0x20b: {  	[sflag:s11] =	ssyncset.done $0x0  }
0x20c: {  	s23 =	simm.s32 $0x16180;
	[sflag:s11] =	ssyncadd.s32 $0xFFFFC000  }
0x20d: {  	[tilespmem:s9], [sflag:$0x2] =	stream.indirect.gather [hbm4b:s1+s28], $0x80, s23, s28, $0xb8;
	[tilespmem:$0x1E480] =	vst v63  }
0x20e: {  	_ =	swait.ge [sflag:s10], $0x4000  }
0x20f: {  	[sflag:s10] =	ssyncset.done $0x0  }
0x210: {  	s23 =	simm.s32 $0x16100;
	[sflag:s10] =	ssyncadd.s32 $0xFFFFC000  }
0x211: {  	[spmem:s2] =	stream.indirect.scatter.add.f32 [tilespmem:s31], [sflag:$0x5], $0x80, s23, s28, $0xb8;
	[tilespmem:$0x1E480] =	vst v63  }
0x212: {  	_ =	swait.ge [sflag:s11], $0x4000  }
0x213: {  	[sflag:s11] =	ssyncset.done $0x0  }
0x214: {  	s23 =	simm.s32 $0x16280;
	[sflag:s11] =	ssyncadd.s32 $0xFFFFC000  }
0x215: {  	[tilespmem:s31], [sflag:$0x1] =	stream.indirect.gather [hbm4b:s1+s28], $0x80, s23, s28, $0xb8;
	[tilespmem:$0x1E480] =	vst v63  }
0x216: {  	_ =	swait.ge [sflag:s13], $0x4000  }
0x217: {  	[sflag:s13] =	ssyncset.done $0x0  }
0x218: {  	s23 =	simm.s32 $0x16200;
	[sflag:s13] =	ssyncadd.s32 $0xFFFFC000  }
0x219: {  	[spmem:s2] =	stream.indirect.scatter.add.f32 [tilespmem:s9], [sflag:$0x5], $0x80, s23, s28, $0xb8;
	[tilespmem:$0x1E480] =	vst v63  }
0x21a: {  	_ =	swait.ge [sflag:s11], $0x4000  }
0x21b: {  	[sflag:s11] =	ssyncset.done $0x0  }
0x21c: {  	s23 =	simm.s32 $0x16380;
	[sflag:s11] =	ssyncadd.s32 $0xFFFFC000  }
0x21d: {  	[tilespmem:s9], [sflag:$0x2] =	stream.indirect.gather [hbm4b:s1+s28], $0x80, s23, s28, $0xb8;
	[tilespmem:$0x1E480] =	vst v63  }
0x21e: {  	_ =	swait.ge [sflag:s10], $0x4000  }
0x21f: {  	[sflag:s10] =	ssyncset.done $0x0  }
0x220: {  	s23 =	simm.s32 $0x16300;
	[sflag:s10] =	ssyncadd.s32 $0xFFFFC000  }
0x221: {  	[spmem:s2] =	stream.indirect.scatter.add.f32 [tilespmem:s31], [sflag:$0x5], $0x80, s23, s28, $0xb8;
	[tilespmem:$0x1E480] =	vst v63  }
0x222: {  	_ =	swait.ge [sflag:s11], $0x4000  }
0x223: {  	[sflag:s11] =	ssyncset.done $0x0  }
0x224: {  	[sflag:s11] =	ssyncadd.s32 $0xFFFFC000  }
0x225: {  	_ =	swait.ge [sflag:s13], $0x4000  }
0x226: {  	p3 =	por p2, p2;
	[sflag:s13] =	ssyncset.done $0x0  }
.Ltmp2:
0x227: {  	s23 =	simm.s32 $0x16400;
	[sflag:s13] =	ssyncadd.s32 $0xFFFFC000;
	(pc) =	sbr.rel @p3 .LBB2_5-.Ltmp2, $4  }
0x228: {  	[spmem:s2] =	stream.indirect.scatter.add.f32 [tilespmem:s9], [sflag:$0x5], $0x80, s23, s28, $0xb8;
	[tilespmem:$0x1E480] =	vst v63  }
0x229: {  	_ =	swait.ge [sflag:s11], $0x4000  }
0x22a: {  	[sflag:s11] =	ssyncset.done $0x0  }
0x22b: {  	s17 =	simm.s32 $0x2800;
	p2 =	por $0x0, $0x0;
	[sflag:s11] =	ssyncadd.s32 $0xFFFFC000  }
0x22c: {  	[bflag:$0x0] =	sbarrier.arrive $0xFFFF  }
0x22d: {  	s3 =	sld [smem:$0x7F9];
	_ =	sdelay $0x1  }
0x22e: {  	s17 =	simm.s32 @p1 $0x16480;
	s23 =	simm.s32 @p1 $0x5  }
0x22f: {  	[tilespmem:s17], [sflag:$0x5] =	stream.linear.gather @p1 [spmem:s3], $0x4000, $0x38;
	[tilespmem:$0x1E480] =	vst v63  }
0x230: {  	_ =	swait.ge @p1 [sflag:s23], $0x4000  }
0x231: {  	s3 =	sld [smem:$0x7F2]  }
0x232: {  	[sflag:s23] =	ssyncset.done @p1 $0x0  }
0x233: {  	s29 =	simm.s32 @p1 $0x0;
	[sflag:s23] =	ssyncadd.s32 @p1 $0xFFFFC000  }
0x234: {  	[hbm4b:s3+s29] =	stream.linear.scatter @p1 [tilespmem:s17], [sflag:$0x5], $0x4000, $0x38;
	[tilespmem:$0x1E480] =	vst v63  }
0x235: {  	_ =	swait.ge @p1 [sflag:s23], $0x4000  }
0x236: {  	s3 =	sld [smem:$0x7FB]  }
0x237: {  	[sflag:s23] =	ssyncset.done @p1 $0x0  }
0x238: {  	[sflag:s23] =	ssyncadd.s32 @p1 $0xFFFFC000  }
0x239: {  	[tilespmem:s17], [sflag:$0x5] =	stream.linear.gather @p1 [spmem:s3], $0x4000, $0x38;
	[tilespmem:$0x1E480] =	vst v63  }
0x23a: {  	_ =	swait.ge @p1 [sflag:s23], $0x4000  }
0x23b: {  	s3 =	sld [smem:$0x7F3]  }
0x23c: {  	[sflag:s23] =	ssyncset.done @p1 $0x0  }
0x23d: {  	[sflag:s23] =	ssyncadd.s32 @p1 $0xFFFFC000  }
0x23e: {  	[hbm4b:s3+s29] =	stream.linear.scatter @p1 [tilespmem:s17], [sflag:$0x5], $0x4000, $0x38;
	[tilespmem:$0x1E480] =	vst v63  }
0x23f: {  	_ =	swait.ge @p1 [sflag:s23], $0x4000  }
0x240: {  	s3 =	sld [smem:$0x7FD]  }
0x241: {  	[sflag:s23] =	ssyncset.done @p1 $0x0  }
0x242: {  	[sflag:s23] =	ssyncadd.s32 @p1 $0xFFFFC000  }
0x243: {  	[tilespmem:s17], [sflag:$0x5] =	stream.linear.gather @p1 [spmem:s3], $0x4000, $0x38;
	[tilespmem:$0x1E480] =	vst v63  }
0x244: {  	_ =	swait.ge @p1 [sflag:s23], $0x4000  }
0x245: {  	s3 =	sld [smem:$0x7F4]  }
0x246: {  	[sflag:s23] =	ssyncset.done @p1 $0x0  }
0x247: {  	[sflag:s23] =	ssyncadd.s32 @p1 $0xFFFFC000  }
0x248: {  	[hbm4b:s3+s29] =	stream.linear.scatter @p1 [tilespmem:s17], [sflag:$0x5], $0x4000, $0x38;
	[tilespmem:$0x1E480] =	vst v63  }
0x249: {  	_ =	swait.ge @p1 [sflag:s23], $0x4000  }
0x24a: {  	s3 =	sld [smem:$0x7F6]  }
0x24b: {  	[sflag:s23] =	ssyncset.done @p1 $0x0  }
0x24c: {  	[sflag:s23] =	ssyncadd.s32 @p1 $0xFFFFC000  }
0x24d: {  	[tilespmem:s17], [sflag:$0x5] =	stream.linear.gather @p1 [spmem:s3], $0x800, $0x38;
	[tilespmem:$0x1E480] =	vst v63  }
0x24e: {  	_ =	swait.ge @p1 [sflag:s23], $0x800  }
0x24f: {  	[sflag:s23] =	ssyncset.done @p1 $0x0  }
0x250: {  	s3 =	rddreg [dreg:$0x1f];
	[sflag:s23] =	ssyncadd.s32 @p1 $0xFFFFF800  }
0x251: {  	[hbm4b:s3+s29] =	stream.linear.scatter @p1 [tilespmem:s17], [sflag:$0x5], $0x800, $0x38;
	[tilespmem:$0x1E480] =	vst v63  }
0x252: {  	_ =	swait.ge @p1 [sflag:s23], $0x800  }
0x253: {  	s17 =	simm.s32 @!p1 $0x16480;
	[sflag:s23] =	ssyncset.done @p1 $0x0  }
0x254: {  	s3 =	rddreg [dreg:$0xc];
	[sflag:s23] =	ssyncadd.s32 @p1 $0xFFFFF800;
	s23 =	simm.s32 @!p1 $0x5  }
0x255: {  	[tilespmem:s17], [sflag:$0x5] =	stream.linear.gather @!p1 [spmem:s3], $0x4000, $0x38;
	[tilespmem:$0x1E480] =	vst v63  }
0x256: {  	_ =	swait.ge @!p1 [sflag:s23], $0x4000  }
0x257: {  	[sflag:s23] =	ssyncset.done @!p1 $0x0  }
0x258: {  	s29 =	simm.s32 @!p1 $0x0;
	s3 =	rddreg [dreg:$0x7];
	[sflag:s23] =	ssyncadd.s32 @!p1 $0xFFFFC000  }
0x259: {  	[hbm4b:s3+s29] =	stream.linear.scatter @!p1 [tilespmem:s17], [sflag:$0x5], $0x4000, $0x38;
	[tilespmem:$0x1E480] =	vst v63  }
0x25a: {  	_ =	swait.ge @!p1 [sflag:s23], $0x4000  }
0x25b: {  	[sflag:s23] =	ssyncset.done @!p1 $0x0  }
0x25c: {  	s3 =	rddreg [dreg:$0xd];
	[sflag:s23] =	ssyncadd.s32 @!p1 $0xFFFFC000  }
0x25d: {  	[tilespmem:s17], [sflag:$0x5] =	stream.linear.gather @!p1 [spmem:s3], $0x4000, $0x38;
	[tilespmem:$0x1E480] =	vst v63  }
0x25e: {  	_ =	swait.ge @!p1 [sflag:s23], $0x4000  }
0x25f: {  	[sflag:s23] =	ssyncset.done @!p1 $0x0  }
0x260: {  	s3 =	rddreg [dreg:$0x8];
	[sflag:s23] =	ssyncadd.s32 @!p1 $0xFFFFC000  }
0x261: {  	[hbm4b:s3+s29] =	stream.linear.scatter @!p1 [tilespmem:s17], [sflag:$0x5], $0x4000, $0x38;
	[tilespmem:$0x1E480] =	vst v63  }
0x262: {  	_ =	swait.ge @!p1 [sflag:s23], $0x4000  }
0x263: {  	[sflag:s23] =	ssyncset.done @!p1 $0x0  }
0x264: {  	s3 =	rddreg [dreg:$0xe];
	[sflag:s23] =	ssyncadd.s32 @!p1 $0xFFFFC000  }
0x265: {  	[tilespmem:s17], [sflag:$0x5] =	stream.linear.gather @!p1 [spmem:s3], $0x4000, $0x38;
	[tilespmem:$0x1E480] =	vst v63  }
0x266: {  	_ =	swait.ge @!p1 [sflag:s23], $0x4000  }
0x267: {  	[sflag:s23] =	ssyncset.done @!p1 $0x0  }
0x268: {  	s3 =	rddreg [dreg:$0x9];
	[sflag:s23] =	ssyncadd.s32 @!p1 $0xFFFFC000  }
0x269: {  	[hbm4b:s3+s29] =	stream.linear.scatter @!p1 [tilespmem:s17], [sflag:$0x5], $0x4000, $0x38;
	[tilespmem:$0x1E480] =	vst v63  }
0x26a: {  	_ =	swait.ge @!p1 [sflag:s23], $0x4000  }
0x26b: {  	[sflag:s23] =	ssyncset.done @!p1 $0x0  }
0x26c: {  	s3 =	rddreg [dreg:$0xf];
	[sflag:s23] =	ssyncadd.s32 @!p1 $0xFFFFC000  }
0x26d: {  	[tilespmem:s17], [sflag:$0x5] =	stream.linear.gather @!p1 [spmem:s3], $0x4000, $0x38;
	[tilespmem:$0x1E480] =	vst v63  }
0x26e: {  	_ =	swait.ge @!p1 [sflag:s23], $0x4000  }
0x26f: {  	[sflag:s23] =	ssyncset.done @!p1 $0x0  }
0x270: {  	s3 =	rddreg [dreg:$0xa];
	[sflag:s23] =	ssyncadd.s32 @!p1 $0xFFFFC000  }
0x271: {  	[hbm4b:s3+s29] =	stream.linear.scatter @!p1 [tilespmem:s17], [sflag:$0x5], $0x4000, $0x38;
	[tilespmem:$0x1E480] =	vst v63  }
0x272: {  	_ =	swait.ge @!p1 [sflag:s23], $0x4000  }
0x273: {  	[sflag:s23] =	ssyncset.done @!p1 $0x0  }
0x274: {  	s3 =	rddreg [dreg:$0x1a];
	[sflag:s23] =	ssyncadd.s32 @!p1 $0xFFFFC000  }
0x275: {  	[tilespmem:s17], [sflag:$0x5] =	stream.linear.gather @!p1 [spmem:s3], $0x4000, $0x38;
	[tilespmem:$0x1E480] =	vst v63  }
0x276: {  	_ =	swait.ge @!p1 [sflag:s23], $0x4000  }
0x277: {  	[sflag:s23] =	ssyncset.done @!p1 $0x0  }
0x278: {  	s3 =	rddreg [dreg:$0xb];
	[sflag:s23] =	ssyncadd.s32 @!p1 $0xFFFFC000  }
0x279: {  	[hbm4b:s3+s29] =	stream.linear.scatter @!p1 [tilespmem:s17], [sflag:$0x5], $0x4000, $0x38;
	[tilespmem:$0x1E480] =	vst v63  }
0x27a: {  	_ =	swait.ge @!p1 [sflag:s23], $0x4000  }
0x27b: {  	s0 =	sld [smem:$0x7EF];
	_ =	sdelay $0x2  }
0x27c: {  	s29 =	rddreg [dreg:$0x6];
	s0 =	sadd.s32 $0x1, s0  }
0x27d: {  	p2 =	sne.s32 s0, s29  }
.Ltmp3:
0x27e: {  	_ = 	snop;
	(pc) =	sbr.rel @p2 .LBB2_1-.Ltmp3, $3  }
0x27f: {  	_ =	sdelay $0x1  }
0x280: {  	[sflag:s23] =	ssyncset.done @!p1 $0x0  }
0x281: {  	[sflag:s23] =	ssyncadd.s32 @!p1 $0xFFFFC000  }
0x282: {  	_ =	sfence.sel $0x180000  }
0x283: {  	[bflag:$0x0] =	sbarrier.arrive $0xFFFF  }
0x284: {  	_ =	strace $0x90000047  }
0x285: {  	s0 =	stileid.u32;
	[bflag:$0x2] =	sbarrier.arrive $0xFFFF  }
0x286: {  	p0 =	sne.s32 s0, $0x0;
	s0 =	rddreg [dreg:$0x4]  }
0x287: {  	s0 =	sadd.s32 @!p0 $0x100000, s0  }
0x288: {  	[sflag:s0] =	ssyncadd.tile.s32 @!p0 $0x1;
	_ =	shalt  }
.Lfunc_end2:
_tile_overlayer_lowered:
.L_overlay_start_2:
0x289: {  	(tag) =	ssettag $0x2  }
0x28a: {  	s0 =	rddreg [dreg:$0x0];
	s2 =	stileid.u32  }
0x28b: {  	s1 =	rddreg [dreg:$0x1];
	p0 =	sne.s32 s2, $0x0  }
0x28c: {  	s3 =	rddreg [dreg:$0x2];
	[bflag:$0x3] =	sbarrier.arrive $0xFFFF;
	s2 =	simm.s32 @!p0 $0x1C05  }
0x28d: {  	[timem:s3], [sflag:s2] =	dma.local @!p0 [hbm:s0], s1  }
0x28e: {  	s0 =	simm.s32 @!p0 $0x5  }
0x28f: {  	_ =	swait.ge @!p0 [sflag:s0], s1  }
0x290: {  	s1 =	ssub.s32 @!p0 $0x0, s1;
	[sflag:s0] =	ssyncset.done @!p0 $0x0  }
0x291: {  	[sflag:s0] =	ssyncadd.s32 @!p0 s1  }
0x292: {  	[bflag:$0x3] =	sbarrier.arrive $0xFFFF  }
0x293: {  	_ =	shalt  }

</sc_bundles>
